<compile_context>
chip_gen: v7x
topology: tpu7x:2x2x1
jax: 0.10.2.dev20260603
libtpu: 0.0.44.dev20260713+nightly
codegen_flags: <defaults>
</compile_context>

<pallas_src>
import functools

import jax
import jax.numpy as jnp
from jax import lax
from jax.experimental import pallas as pl
from jax.experimental.pallas import tpu as pltpu
from jax.experimental.pallas import tpu_sc as plsc

T_STEPS = 1000
EMB = 128
HALF = EMB // 2

NC = 2
NS = 16
NW = NC * NS

CHUNK = 128
INFLIGHT = 3
RING = 5
ARING = 3


def _prep_body(t_ref, emb_ref, alpha_ref, sigma_ref):
    B = t_ref.shape[0]
    tf = t_ref[...].astype(jnp.float32)

    coli = lax.broadcasted_iota(jnp.int32, (B, EMB), 1)
    col = coli.astype(jnp.float32)
    fidx = jnp.where(col < HALF, col, col - HALF)
    freqs = jnp.exp(-jnp.log(10000.0) * fidx / HALF)
    args = tf * freqs
    emb_ref[...] = jnp.where(col < HALF, jnp.sin(args), jnp.cos(args))

    j = lax.broadcasted_iota(jnp.int32, (B, T_STEPS), 1).astype(jnp.float32)
    beta = 1e-4 + (0.02 - 1e-4) * j / (T_STEPS - 1)
    logs = jnp.where(j <= tf, jnp.log1p(-beta), 0.0)
    ac_t = jnp.exp(jnp.sum(logs, axis=1))
    alpha_ref[...] = jnp.sqrt(ac_t)
    sigma_ref[...] = jnp.sqrt(1.0 - ac_t)


def _mean_body(n_rows, n_blocks, epsT_ref, mean_ref):
    i = pl.program_id(0)
    blk = epsT_ref.shape[1]

    @pl.when(i == 0)
    def _():
        mean_ref[0, 0] = 0.0
        mean_ref[0, 1] = 0.0
        mean_ref[0, 2] = 0.0

    col = i * blk + lax.broadcasted_iota(jnp.int32, epsT_ref.shape, 1)
    x = jnp.where(col < n_rows, epsT_ref[...], 0.0)
    s = jnp.sum(x, axis=1)
    mean_ref[0, 0] += s[0]
    mean_ref[0, 1] += s[1]
    mean_ref[0, 2] += s[2]

    @pl.when(i == n_blocks - 1)
    def _():
        inv = 1.0 / n_rows
        mean_ref[0, 0] *= inv
        mean_ref[0, 1] *= inv
        mean_ref[0, 2] *= inv


def _sc_gather_body(n_rows, emb_hbm, alpha_hbm, sigma_hbm, batch_hbm,
                    cond_hbm, aa_hbm, sa_hbm, *scratch):
    per_w = (n_rows + NW - 1) // NW
    per_w = ((per_w + CHUNK - 1) // CHUNK) * CHUNK
    nch = per_w // CHUNK

    emb_sh = scratch[-1]
    idx_all = scratch[0]
    rows = scratch[1:1 + RING]
    ab = scratch[1 + RING:1 + RING + ARING]
    sb = scratch[1 + RING + ARING:1 + RING + 2 * ARING]
    alpha_v = scratch[1 + RING + 2 * ARING]
    sigma_v = scratch[2 + RING + 2 * ARING]
    sems = scratch[3 + RING + 2 * ARING:-1]
    gsem = sems[:RING]
    orsem = sems[RING:2 * RING]
    oasem = sems[2 * RING:2 * RING + ARING]
    ossem = sems[2 * RING + ARING:2 * RING + 2 * ARING]

    wid = lax.axis_index("s") * NC + lax.axis_index("c")
    base = jnp.minimum(wid * per_w, n_rows - per_w)

    @pl.when(lax.axis_index("s") == 0)
    def _():
        pltpu.sync_copy(emb_hbm, emb_sh)

    pltpu.sync_copy(alpha_hbm, alpha_v)
    pltpu.sync_copy(sigma_hbm, sigma_v)
    pltpu.sync_copy(batch_hbm.at[pl.ds(base, per_w)], idx_all)
    plsc.subcore_barrier()

    lane = lax.broadcasted_iota(jnp.int32, (16,), 0)

    def start_gather(c):
        s = c % RING
        return pltpu.async_copy(
            emb_sh.at[idx_all.at[pl.ds(c * CHUNK, CHUNK)]], rows[s], gsem[s])

    def build_as(c):
        s = c % ARING

        def k_body(k, carry):
            g = plsc.load_gather(idx_all, [c * CHUNK + k * 16 + lane])
            ab[s][pl.ds(k * 16, 16)] = plsc.load_gather(alpha_v, [g])
            sb[s][pl.ds(k * 16, 16)] = plsc.load_gather(sigma_v, [g])
            return carry

        lax.fori_loop(0, CHUNK // 16, k_body, 0)

    pend = {}
    aspend = {}

    for p in range(min(INFLIGHT, nch)):
        pend[p] = [start_gather(p)]

    for c in range(nch):
        s = c % RING
        sa = c % ARING
        start = base + c * CHUNK
        cps = pend.pop(c)
        cps[0].wait()
        if c - ARING in aspend:
            for cp in aspend.pop(c - ARING):
                cp.wait()
        build_as(c)
        pend[c] = [
            pltpu.async_copy(rows[s], cond_hbm.at[pl.ds(start, CHUNK)], orsem[s]),
        ]
        aspend[c] = [
            pltpu.async_copy(ab[sa], aa_hbm.at[pl.ds(start, CHUNK)], oasem[sa]),
            pltpu.async_copy(sb[sa], sa_hbm.at[pl.ds(start, CHUNK)], ossem[sa]),
        ]
        nxt = c + INFLIGHT
        if nxt < nch:
            prev = nxt - RING
            if prev >= 0 and prev in pend:
                for cp in pend.pop(prev):
                    cp.wait()
            pend[nxt] = [start_gather(nxt)]

    for c in sorted(pend):
        for cp in pend[c]:
            cp.wait()
    for c in sorted(aspend):
        for cp in aspend[c]:
            cp.wait()


def _epsc_body(epsT_ref, mean_ref, epscT_ref):
    rowi = lax.broadcasted_iota(jnp.int32, (3, 1), 0)
    m0 = mean_ref[0, 0]
    m1 = mean_ref[0, 1]
    m2 = mean_ref[0, 2]
    meanv = jnp.where(rowi == 0, m0, jnp.where(rowi == 1, m1, m2))
    epscT_ref[...] = epsT_ref[...] - meanv


def _noised_body(posT_ref, epscT_ref, aa_ref, sa_ref, noisedT_ref):
    blk = posT_ref.shape[1]
    a = aa_ref[...].reshape(1, blk)
    s = sa_ref[...].reshape(1, blk)
    noisedT_ref[...] = a * posT_ref[...] + s * epscT_ref[...]


def kernel(pos, eps, batch, t):
    n, _ = pos.shape
    b = t.shape[0]

    posT = pos.T
    epsT = eps.T

    emb_table, alpha_t, sigma_t = pl.pallas_call(
        _prep_body,
        out_shape=(
            jax.ShapeDtypeStruct((b, EMB), jnp.float32),
            jax.ShapeDtypeStruct((b,), jnp.float32),
            jax.ShapeDtypeStruct((b,), jnp.float32),
        ),
    )(t)

    blk = 25600
    n_blocks = (n + blk - 1) // blk
    mean = pl.pallas_call(
        functools.partial(_mean_body, n, n_blocks),
        grid=(n_blocks,),
        in_specs=[pl.BlockSpec((3, blk), lambda i: (0, i))],
        out_specs=pl.BlockSpec(memory_space=pltpu.SMEM),
        out_shape=jax.ShapeDtypeStruct((1, 3), jnp.float32),
    )(epsT)

    mesh = plsc.VectorSubcoreMesh(
        core_axis_name="c", subcore_axis_name="s", num_cores=NC, num_subcores=NS
    )
    per_w = ((n + NW * CHUNK - 1) // (NW * CHUNK)) * CHUNK
    conditioning, alpha_atoms, sigma_atoms = pl.kernel(
        functools.partial(_sc_gather_body, n),
        out_type=(
            jax.ShapeDtypeStruct((n, EMB), jnp.float32),
            jax.ShapeDtypeStruct((n,), jnp.float32),
            jax.ShapeDtypeStruct((n,), jnp.float32),
        ),
        mesh=mesh,
        scratch_types=(
            [pltpu.VMEM((per_w,), jnp.int32)]
            + [pltpu.VMEM((CHUNK, EMB), jnp.float32) for _ in range(RING)]
            + [pltpu.VMEM((CHUNK,), jnp.float32) for _ in range(2 * ARING)]
            + [pltpu.VMEM((b,), jnp.float32), pltpu.VMEM((b,), jnp.float32)]
            + [pltpu.SemaphoreType.DMA for _ in range(2 * RING + 2 * ARING)]
            + [pltpu.VMEM_SHARED((b, EMB), jnp.float32)]
        ),
        compiler_params=pltpu.CompilerParams(needs_layout_passes=False),
    )(emb_table, alpha_t, sigma_t, batch)

    epscT = pl.pallas_call(
        _epsc_body,
        grid=(n_blocks,),
        in_specs=[
            pl.BlockSpec((3, blk), lambda i: (0, i)),
            pl.BlockSpec(memory_space=pltpu.SMEM),
        ],
        out_specs=pl.BlockSpec((3, blk), lambda i: (0, i)),
        out_shape=jax.ShapeDtypeStruct((3, n), jnp.float32),
    )(epsT, mean)

    noisedT = pl.pallas_call(
        _noised_body,
        grid=(n_blocks,),
        in_specs=[
            pl.BlockSpec((3, blk), lambda i: (0, i)),
            pl.BlockSpec((3, blk), lambda i: (0, i)),
            pl.BlockSpec((blk,), lambda i: (i,)),
            pl.BlockSpec((blk,), lambda i: (i,)),
        ],
        out_specs=pl.BlockSpec((3, blk), lambda i: (0, i)),
        out_shape=jax.ShapeDtypeStruct((3, n), jnp.float32),
    )(posT, epscT, alpha_atoms, sigma_atoms)

    return noisedT.T, epscT.T, conditioning, t

# --- scband reference (transcript-rebuilt; emitter-appended) ---
"""Pipeline reference for scband-forward-diffusion-module-54657753809213 (READ-ONLY COPY).

The authoritative reference and input builder live on the scoring server;
editing this copy changes nothing except your own understanding.
"""

import jax, jax.numpy as jnp
import numpy as np

T = 1000
EMB_DIM = 128
N = 100000
B = 1024


def _schedule_tables():
    betas = jnp.linspace(1e-4, 0.02, T, dtype=jnp.float32)
    ac = jnp.cumprod(1.0 - betas)
    return ac


def _t_embed(t):
    # Sinusoidal position embedding of diffusion timestep t: [B,1] -> [B, EMB_DIM]
    half = EMB_DIM // 2
    freqs = jnp.exp(-jnp.log(10000.0) * jnp.arange(half, dtype=jnp.float32) / half)
    args = t.astype(jnp.float32) * freqs[None, :]
    return jnp.concatenate([jnp.sin(args), jnp.cos(args)], axis=-1)


def setup_inputs(seed: int = 0) -> dict:
    key = jax.random.key(seed)
    k1, k2, k3, k4 = jax.random.split(key, 4)
    pos = jax.random.normal(k1, (N, 3), dtype=jnp.float32)
    eps = jax.random.normal(k2, (N, 3), dtype=jnp.float32)
    batch = jnp.sort(jax.random.randint(k3, (N,), 0, B, dtype=jnp.int32))
    t = jax.random.randint(k4, (B, 1), 0, T, dtype=jnp.int32)
    return {"pos": pos, "eps": eps, "batch": batch, "t": t}


def reference(pos, eps, batch, t):
    # center_pos: remove center of mass of the noise
    eps_c = eps - jnp.mean(eps, axis=0, keepdims=True)
    # noise scheduler: alpha = sqrt(alphas_cumprod[t]), sigma = sqrt(1 - alphas_cumprod[t])
    ac = _schedule_tables()
    ac_t = jnp.take(ac, t[:, 0])[:, None]  # [B,1]
    alpha = jnp.sqrt(ac_t)
    sigma = jnp.sqrt(1.0 - ac_t)
    # gather per-graph alpha/sigma to atoms via batch index (embedding lookup)
    noised_pos = jnp.take(alpha, batch, axis=0) * pos + jnp.take(sigma, batch, axis=0) * eps_c
    # conditioning: per-graph sinusoidal time embedding gathered to atoms
    conditioning = jnp.take(_t_embed(t), batch, axis=0)  # [N, EMB_DIM]
    return noised_pos, eps_c, conditioning, t

if __name__ == "__main__":
    import jax
    _d = setup_inputs()
    print(jax.jit(kernel)(*tuple(_d.values())))

</pallas_src>

<mosaic_0001>
#map = affine_map<(d0, d1) -> (0, 0)>
#map1 = affine_map<(d0, d1) -> (0)>
module attributes {stable_mosaic.version = 14 : i64} {
  func.func @_sc_gather_body(%arg0: i32, %arg1: i32, %arg2: memref<1024x128xf32, #tpu.memory_space<hbm>>, %arg3: memref<1024xf32, #tpu.memory_space<hbm>>, %arg4: memref<1024xf32, #tpu.memory_space<hbm>>, %arg5: memref<100000xi32, #tpu.memory_space<hbm>>, %arg6: memref<100000x128xf32, #tpu.memory_space<hbm>>, %arg7: memref<100000xf32, #tpu.memory_space<hbm>>, %arg8: memref<100000xf32, #tpu.memory_space<hbm>>, %arg9: memref<3200xi32, #tpu.memory_space<vmem>>, %arg10: memref<128x128xf32, #tpu.memory_space<vmem>>, %arg11: memref<128x128xf32, #tpu.memory_space<vmem>>, %arg12: memref<128x128xf32, #tpu.memory_space<vmem>>, %arg13: memref<128x128xf32, #tpu.memory_space<vmem>>, %arg14: memref<128x128xf32, #tpu.memory_space<vmem>>, %arg15: memref<128xf32, #tpu.memory_space<vmem>>, %arg16: memref<128xf32, #tpu.memory_space<vmem>>, %arg17: memref<128xf32, #tpu.memory_space<vmem>>, %arg18: memref<128xf32, #tpu.memory_space<vmem>>, %arg19: memref<128xf32, #tpu.memory_space<vmem>>, %arg20: memref<128xf32, #tpu.memory_space<vmem>>, %arg21: memref<1024xf32, #tpu.memory_space<vmem>>, %arg22: memref<1024xf32, #tpu.memory_space<vmem>>, %arg23: memref<!tpu.dma_semaphore, #tpu.memory_space<semaphore_mem>>, %arg24: memref<!tpu.dma_semaphore, #tpu.memory_space<semaphore_mem>>, %arg25: memref<!tpu.dma_semaphore, #tpu.memory_space<semaphore_mem>>, %arg26: memref<!tpu.dma_semaphore, #tpu.memory_space<semaphore_mem>>, %arg27: memref<!tpu.dma_semaphore, #tpu.memory_space<semaphore_mem>>, %arg28: memref<!tpu.dma_semaphore, #tpu.memory_space<semaphore_mem>>, %arg29: memref<!tpu.dma_semaphore, #tpu.memory_space<semaphore_mem>>, %arg30: memref<!tpu.dma_semaphore, #tpu.memory_space<semaphore_mem>>, %arg31: memref<!tpu.dma_semaphore, #tpu.memory_space<semaphore_mem>>, %arg32: memref<!tpu.dma_semaphore, #tpu.memory_space<semaphore_mem>>, %arg33: memref<!tpu.dma_semaphore, #tpu.memory_space<semaphore_mem>>, %arg34: memref<!tpu.dma_semaphore, #tpu.memory_space<semaphore_mem>>, %arg35: memref<!tpu.dma_semaphore, #tpu.memory_space<semaphore_mem>>, %arg36: memref<!tpu.dma_semaphore, #tpu.memory_space<semaphore_mem>>, %arg37: memref<!tpu.dma_semaphore, #tpu.memory_space<semaphore_mem>>, %arg38: memref<!tpu.dma_semaphore, #tpu.memory_space<semaphore_mem>>, %arg39: memref<1024x128xf32, #tpu.memory_space<vmem_shared>>) attributes {dimension_semantics = [#tpu.dimension_semantics<core_parallel>, #tpu.dimension_semantics<subcore_parallel>], iteration_bounds = array<i64: 2, 16>, scalar_prefetch = 0 : i64, scratch_operands = 31 : i64, tpu.core_type = #tpu.core_type<sc_vector_subcore>, window_params = [{transform_indices = #map}, {transform_indices = #map1}, {transform_indices = #map1}, {transform_indices = #map1}, {transform_indices = #map}, {transform_indices = #map1}, {transform_indices = #map1}]} {
    %mul3A = arith.constant 2 : i32
    %mul3A_0 = arith.muli %arg1, %mul3A : i32
    %add3A = arith.addi %mul3A_0, %arg0 : i32
    %mul3A_1 = arith.constant 3200 : i32
    %mul3A_2 = arith.muli %add3A, %mul3A_1 : i32
    %min3A = arith.constant 96800 : i32
    %min3A_3 = arith.minsi %mul3A_2, %min3A : i32
    %eq3A = arith.constant 0 : i32
    %eq3A_4 = arith.cmpi eq, %arg1, %eq3A : i32
    %convert_element_type3A = arith.extui %eq3A_4 : i1 to i32
    %cond3A = arith.constant 0 : i32
    %cond3A_5 = arith.cmpi ne, %convert_element_type3A, %cond3A : i32
    scf.if %cond3A_5 {
      "tpu.region"() ({
        %run_scoped3A = tpu.sem_alloc : memref<!tpu.dma_semaphore, #tpu.memory_space<semaphore_mem>>
        tpu.enqueue_dma source(%arg2 : memref<1024x128xf32, #tpu.memory_space<hbm>>) target(%arg39 : memref<1024x128xf32, #tpu.memory_space<vmem_shared>>) target_semaphore(%run_scoped3A : memref<!tpu.dma_semaphore, #tpu.memory_space<semaphore_mem>>)
        tpu.wait_dma2 semaphore(%run_scoped3A : memref<!tpu.dma_semaphore, #tpu.memory_space<semaphore_mem>>) src(%arg2 : memref<1024x128xf32, #tpu.memory_space<hbm>>) dst(%arg39 : memref<1024x128xf32, #tpu.memory_space<vmem_shared>>)
        tpu.yield
      }) : () -> ()
    } else {
    }
    "tpu.region"() ({
      %run_scoped3A = tpu.sem_alloc : memref<!tpu.dma_semaphore, #tpu.memory_space<semaphore_mem>>
      tpu.enqueue_dma source(%arg3 : memref<1024xf32, #tpu.memory_space<hbm>>) target(%arg21 : memref<1024xf32, #tpu.memory_space<vmem>>) target_semaphore(%run_scoped3A : memref<!tpu.dma_semaphore, #tpu.memory_space<semaphore_mem>>)
      tpu.wait_dma2 semaphore(%run_scoped3A : memref<!tpu.dma_semaphore, #tpu.memory_space<semaphore_mem>>) src(%arg3 : memref<1024xf32, #tpu.memory_space<hbm>>) dst(%arg21 : memref<1024xf32, #tpu.memory_space<vmem>>)
      tpu.yield
    }) : () -> ()
    "tpu.region"() ({
      %run_scoped3A = tpu.sem_alloc : memref<!tpu.dma_semaphore, #tpu.memory_space<semaphore_mem>>
      tpu.enqueue_dma source(%arg4 : memref<1024xf32, #tpu.memory_space<hbm>>) target(%arg22 : memref<1024xf32, #tpu.memory_space<vmem>>) target_semaphore(%run_scoped3A : memref<!tpu.dma_semaphore, #tpu.memory_space<semaphore_mem>>)
      tpu.wait_dma2 semaphore(%run_scoped3A : memref<!tpu.dma_semaphore, #tpu.memory_space<semaphore_mem>>) src(%arg4 : memref<1024xf32, #tpu.memory_space<hbm>>) dst(%arg22 : memref<1024xf32, #tpu.memory_space<vmem>>)
      tpu.yield
    }) : () -> ()
    "tpu.region"() ({
      %run_scoped3A = tpu.sem_alloc : memref<!tpu.dma_semaphore, #tpu.memory_space<semaphore_mem>>
      %dma_start3A_853 = tpu.memref_slice %arg5[%min3A_3] : memref<100000xi32, #tpu.memory_space<hbm>> -> memref<3200xi32, #tpu.memory_space<hbm>>
      %dma_start3A_854 = tpu.memref_slice %arg5[%min3A_3] : memref<100000xi32, #tpu.memory_space<hbm>> -> memref<3200xi32, #tpu.memory_space<hbm>>
      tpu.enqueue_dma source(%dma_start3A_854 : memref<3200xi32, #tpu.memory_space<hbm>>) target(%arg9 : memref<3200xi32, #tpu.memory_space<vmem>>) target_semaphore(%run_scoped3A : memref<!tpu.dma_semaphore, #tpu.memory_space<semaphore_mem>>)
      %dma_wait3A_855 = tpu.memref_slice %arg5[%min3A_3] : memref<100000xi32, #tpu.memory_space<hbm>> -> memref<3200xi32, #tpu.memory_space<hbm>>
      %dma_wait3A_856 = tpu.memref_slice %arg5[%min3A_3] : memref<100000xi32, #tpu.memory_space<hbm>> -> memref<3200xi32, #tpu.memory_space<hbm>>
      tpu.wait_dma2 semaphore(%run_scoped3A : memref<!tpu.dma_semaphore, #tpu.memory_space<semaphore_mem>>) src(%dma_wait3A_856 : memref<3200xi32, #tpu.memory_space<hbm>>) dst(%arg9 : memref<3200xi32, #tpu.memory_space<vmem>>)
      tpu.yield
    }) : () -> ()
    %barrier3A = arith.constant 0 : index
    tpu.barrier barrier_id(%barrier3A)
    %iota3A = tpu.iota {dimensions = array<i32: 0>} : vector<16xi32>
    %dma_start3A = arith.constant 0 : i32
    %dma_start3A_6 = tpu.memref_slice %arg9[%dma_start3A] : memref<3200xi32, #tpu.memory_space<vmem>> -> memref<128xi32, #tpu.memory_space<vmem>>
    %dma_start3A_7 = arith.constant 0 : i32
    %dma_start3A_8 = arith.constant 0 : i32
    %dma_start3A_9 = tpu.memref_slice %arg39[%dma_start3A_7, %dma_start3A_8] : memref<1024x128xf32, #tpu.memory_space<vmem_shared>> -> memref<1024x128xf32, #tpu.memory_space<vmem_shared>>
    tpu.enqueue_indirect_dma source(%dma_start3A_9 : memref<1024x128xf32, #tpu.memory_space<vmem_shared>>) target(%arg10 : memref<128x128xf32, #tpu.memory_space<vmem>>) offsets(%dma_start3A_6 : memref<128xi32, #tpu.memory_space<vmem>>) semaphore(%arg23 : memref<!tpu.dma_semaphore, #tpu.memory_space<semaphore_mem>>)
    %dma_start3A_10 = arith.constant 128 : i32
    %dma_start3A_11 = tpu.memref_slice %arg9[%dma_start3A_10] : memref<3200xi32, #tpu.memory_space<vmem>> -> memref<128xi32, #tpu.memory_space<vmem>>
    %dma_start3A_12 = arith.constant 0 : i32
    %dma_start3A_13 = arith.constant 0 : i32
    %dma_start3A_14 = tpu.memref_slice %arg39[%dma_start3A_12, %dma_start3A_13] : memref<1024x128xf32, #tpu.memory_space<vmem_shared>> -> memref<1024x128xf32, #tpu.memory_space<vmem_shared>>
    tpu.enqueue_indirect_dma source(%dma_start3A_14 : memref<1024x128xf32, #tpu.memory_space<vmem_shared>>) target(%arg11 : memref<128x128xf32, #tpu.memory_space<vmem>>) offsets(%dma_start3A_11 : memref<128xi32, #tpu.memory_space<vmem>>) semaphore(%arg24 : memref<!tpu.dma_semaphore, #tpu.memory_space<semaphore_mem>>)
    %dma_start3A_15 = arith.constant 256 : i32
    %dma_start3A_16 = tpu.memref_slice %arg9[%dma_start3A_15] : memref<3200xi32, #tpu.memory_space<vmem>> -> memref<128xi32, #tpu.memory_space<vmem>>
    %dma_start3A_17 = arith.constant 0 : i32
    %dma_start3A_18 = arith.constant 0 : i32
    %dma_start3A_19 = tpu.memref_slice %arg39[%dma_start3A_17, %dma_start3A_18] : memref<1024x128xf32, #tpu.memory_space<vmem_shared>> -> memref<1024x128xf32, #tpu.memory_space<vmem_shared>>
    tpu.enqueue_indirect_dma source(%dma_start3A_19 : memref<1024x128xf32, #tpu.memory_space<vmem_shared>>) target(%arg12 : memref<128x128xf32, #tpu.memory_space<vmem>>) offsets(%dma_start3A_16 : memref<128xi32, #tpu.memory_space<vmem>>) semaphore(%arg25 : memref<!tpu.dma_semaphore, #tpu.memory_space<semaphore_mem>>)
    %add3A_20 = arith.constant 0 : i32
    %add3A_21 = arith.addi %min3A_3, %add3A_20 : i32
    %dma_wait3A = arith.constant 0 : i32
    %dma_wait3A_22 = tpu.memref_slice %arg9[%dma_wait3A] : memref<3200xi32, #tpu.memory_space<vmem>> -> memref<128xi32, #tpu.memory_space<vmem>>
    %dma_wait3A_23 = arith.constant 0 : i32
    %dma_wait3A_24 = arith.constant 0 : i32
    %dma_wait3A_25 = tpu.memref_slice %arg39[%dma_wait3A_23, %dma_wait3A_24] : memref<1024x128xf32, #tpu.memory_space<vmem_shared>> -> memref<1024x128xf32, #tpu.memory_space<vmem_shared>>
    tpu.wait_indirect_dma semaphore(%arg23 : memref<!tpu.dma_semaphore, #tpu.memory_space<semaphore_mem>>) src(%dma_wait3A_25 : memref<1024x128xf32, #tpu.memory_space<vmem_shared>>) dst(%arg10 : memref<128x128xf32, #tpu.memory_space<vmem>>)
    %scan3A = arith.constant 0 : i32
    %scan3A_26 = arith.constant 0 : i32
    %scan3A_27 = arith.constant 8 : i32
    %scan3A_28 = arith.addi %scan3A_26, %scan3A_27 : i32
    %scan3A_29 = arith.constant 1 : i32
    scf.for %scan3A_853 = %scan3A_26 to %scan3A_28 step %scan3A_29  : i32 {
      %mul3A_854 = arith.constant 16 : i32
      %mul3A_855 = arith.muli %scan3A_853, %mul3A_854 : i32
      %add3A_856 = arith.constant 0 : i32
      %add3A_857 = arith.addi %add3A_856, %mul3A_855 : i32
      %add3A_858 = vector.broadcast %add3A_857 : i32 to vector<16xi32>
      %add3A_859 = arith.addi %add3A_858, %iota3A : vector<16xi32>
      %gather3A = tpu.vector_load_idx %arg9[%add3A_859] : memref<3200xi32, #tpu.memory_space<vmem>>[vector<16xi32>], vector<16xi32>,
      %gather3A_860 = tpu.vector_load_idx %arg21[%gather3A] : memref<1024xf32, #tpu.memory_space<vmem>>[vector<16xi32>], vector<16xf32>,
      %mul3A_861 = arith.constant 16 : i32
      %mul3A_862 = arith.muli %scan3A_853, %mul3A_861 : i32
      %swap3A = arith.index_cast %mul3A_862 : i32 to index
      %swap3A_863 = tpu.vector_load %arg15[%swap3A] {strides = array<i32>} : memref<128xf32, #tpu.memory_space<vmem>>, vector<16xf32>,
      tpu.vector_store %arg15[%swap3A], %gather3A_860 {strides = array<i32>} : memref<128xf32, #tpu.memory_space<vmem>>, vector<16xf32>,
      %gather3A_864 = tpu.vector_load_idx %arg22[%gather3A] : memref<1024xf32, #tpu.memory_space<vmem>>[vector<16xi32>], vector<16xf32>,
      %mul3A_865 = arith.constant 16 : i32
      %mul3A_866 = arith.muli %scan3A_853, %mul3A_865 : i32
      %swap3A_867 = arith.index_cast %mul3A_866 : i32 to index
      %swap3A_868 = tpu.vector_load %arg18[%swap3A_867] {strides = array<i32>} : memref<128xf32, #tpu.memory_space<vmem>>, vector<16xf32>,
      tpu.vector_store %arg18[%swap3A_867], %gather3A_864 {strides = array<i32>} : memref<128xf32, #tpu.memory_space<vmem>>, vector<16xf32>,
    }
    %scan3A_30 = arith.constant 8 : i32
    %dma_start3A_31 = arith.constant 0 : i32
    %dma_start3A_32 = tpu.memref_slice %arg6[%add3A_21, %dma_start3A_31] : memref<100000x128xf32, #tpu.memory_space<hbm>> -> memref<128x128xf32, #tpu.memory_space<hbm>>
    %dma_start3A_33 = arith.constant 0 : i32
    %dma_start3A_34 = tpu.memref_slice %arg6[%add3A_21, %dma_start3A_33] : memref<100000x128xf32, #tpu.memory_space<hbm>> -> memref<128x128xf32, #tpu.memory_space<hbm>>
    tpu.enqueue_dma source(%arg10 : memref<128x128xf32, #tpu.memory_space<vmem>>) target(%dma_start3A_34 : memref<128x128xf32, #tpu.memory_space<hbm>>) target_semaphore(%arg28 : memref<!tpu.dma_semaphore, #tpu.memory_space<semaphore_mem>>)
    %dma_start3A_35 = tpu.memref_slice %arg7[%add3A_21] : memref<100000xf32, #tpu.memory_space<hbm>> -> memref<128xf32, #tpu.memory_space<hbm>>
    %dma_start3A_36 = tpu.memref_slice %arg7[%add3A_21] : memref<100000xf32, #tpu.memory_space<hbm>> -> memref<128xf32, #tpu.memory_space<hbm>>
    tpu.enqueue_dma source(%arg15 : memref<128xf32, #tpu.memory_space<vmem>>) target(%dma_start3A_36 : memref<128xf32, #tpu.memory_space<hbm>>) target_semaphore(%arg33 : memref<!tpu.dma_semaphore, #tpu.memory_space<semaphore_mem>>)
    %dma_start3A_37 = tpu.memref_slice %arg8[%add3A_21] : memref<100000xf32, #tpu.memory_space<hbm>> -> memref<128xf32, #tpu.memory_space<hbm>>
    %dma_start3A_38 = tpu.memref_slice %arg8[%add3A_21] : memref<100000xf32, #tpu.memory_space<hbm>> -> memref<128xf32, #tpu.memory_space<hbm>>
    tpu.enqueue_dma source(%arg18 : memref<128xf32, #tpu.memory_space<vmem>>) target(%dma_start3A_38 : memref<128xf32, #tpu.memory_space<hbm>>) target_semaphore(%arg36 : memref<!tpu.dma_semaphore, #tpu.memory_space<semaphore_mem>>)
    %dma_start3A_39 = arith.constant 384 : i32
    %dma_start3A_40 = tpu.memref_slice %arg9[%dma_start3A_39] : memref<3200xi32, #tpu.memory_space<vmem>> -> memref<128xi32, #tpu.memory_space<vmem>>
    %dma_start3A_41 = arith.constant 0 : i32
    %dma_start3A_42 = arith.constant 0 : i32
    %dma_start3A_43 = tpu.memref_slice %arg39[%dma_start3A_41, %dma_start3A_42] : memref<1024x128xf32, #tpu.memory_space<vmem_shared>> -> memref<1024x128xf32, #tpu.memory_space<vmem_shared>>
    tpu.enqueue_indirect_dma source(%dma_start3A_43 : memref<1024x128xf32, #tpu.memory_space<vmem_shared>>) target(%arg13 : memref<128x128xf32, #tpu.memory_space<vmem>>) offsets(%dma_start3A_40 : memref<128xi32, #tpu.memory_space<vmem>>) semaphore(%arg26 : memref<!tpu.dma_semaphore, #tpu.memory_space<semaphore_mem>>)
    %add3A_44 = arith.constant 128 : i32
    %add3A_45 = arith.addi %min3A_3, %add3A_44 : i32
    %dma_wait3A_46 = arith.constant 128 : i32
    %dma_wait3A_47 = tpu.memref_slice %arg9[%dma_wait3A_46] : memref<3200xi32, #tpu.memory_space<vmem>> -> memref<128xi32, #tpu.memory_space<vmem>>
    %dma_wait3A_48 = arith.constant 0 : i32
    %dma_wait3A_49 = arith.constant 0 : i32
    %dma_wait3A_50 = tpu.memref_slice %arg39[%dma_wait3A_48, %dma_wait3A_49] : memref<1024x128xf32, #tpu.memory_space<vmem_shared>> -> memref<1024x128xf32, #tpu.memory_space<vmem_shared>>
    tpu.wait_indirect_dma semaphore(%arg24 : memref<!tpu.dma_semaphore, #tpu.memory_space<semaphore_mem>>) src(%dma_wait3A_50 : memref<1024x128xf32, #tpu.memory_space<vmem_shared>>) dst(%arg11 : memref<128x128xf32, #tpu.memory_space<vmem>>)
    %scan3A_51 = arith.constant 0 : i32
    %scan3A_52 = arith.constant 0 : i32
    %scan3A_53 = arith.constant 8 : i32
    %scan3A_54 = arith.addi %scan3A_52, %scan3A_53 : i32
    %scan3A_55 = arith.constant 1 : i32
    scf.for %scan3A_853 = %scan3A_52 to %scan3A_54 step %scan3A_55  : i32 {
      %mul3A_854 = arith.constant 16 : i32
      %mul3A_855 = arith.muli %scan3A_853, %mul3A_854 : i32
      %add3A_856 = arith.constant 128 : i32
      %add3A_857 = arith.addi %add3A_856, %mul3A_855 : i32
      %add3A_858 = vector.broadcast %add3A_857 : i32 to vector<16xi32>
      %add3A_859 = arith.addi %add3A_858, %iota3A : vector<16xi32>
      %gather3A = tpu.vector_load_idx %arg9[%add3A_859] : memref<3200xi32, #tpu.memory_space<vmem>>[vector<16xi32>], vector<16xi32>,
      %gather3A_860 = tpu.vector_load_idx %arg21[%gather3A] : memref<1024xf32, #tpu.memory_space<vmem>>[vector<16xi32>], vector<16xf32>,
      %mul3A_861 = arith.constant 16 : i32
      %mul3A_862 = arith.muli %scan3A_853, %mul3A_861 : i32
      %swap3A = arith.index_cast %mul3A_862 : i32 to index
      %swap3A_863 = tpu.vector_load %arg16[%swap3A] {strides = array<i32>} : memref<128xf32, #tpu.memory_space<vmem>>, vector<16xf32>,
      tpu.vector_store %arg16[%swap3A], %gather3A_860 {strides = array<i32>} : memref<128xf32, #tpu.memory_space<vmem>>, vector<16xf32>,
      %gather3A_864 = tpu.vector_load_idx %arg22[%gather3A] : memref<1024xf32, #tpu.memory_space<vmem>>[vector<16xi32>], vector<16xf32>,
      %mul3A_865 = arith.constant 16 : i32
      %mul3A_866 = arith.muli %scan3A_853, %mul3A_865 : i32
      %swap3A_867 = arith.index_cast %mul3A_866 : i32 to index
      %swap3A_868 = tpu.vector_load %arg19[%swap3A_867] {strides = array<i32>} : memref<128xf32, #tpu.memory_space<vmem>>, vector<16xf32>,
      tpu.vector_store %arg19[%swap3A_867], %gather3A_864 {strides = array<i32>} : memref<128xf32, #tpu.memory_space<vmem>>, vector<16xf32>,
    }
    %scan3A_56 = arith.constant 8 : i32
    %dma_start3A_57 = arith.constant 0 : i32
    %dma_start3A_58 = tpu.memref_slice %arg6[%add3A_45, %dma_start3A_57] : memref<100000x128xf32, #tpu.memory_space<hbm>> -> memref<128x128xf32, #tpu.memory_space<hbm>>
    %dma_start3A_59 = arith.constant 0 : i32
    %dma_start3A_60 = tpu.memref_slice %arg6[%add3A_45, %dma_start3A_59] : memref<100000x128xf32, #tpu.memory_space<hbm>> -> memref<128x128xf32, #tpu.memory_space<hbm>>
    tpu.enqueue_dma source(%arg11 : memref<128x128xf32, #tpu.memory_space<vmem>>) target(%dma_start3A_60 : memref<128x128xf32, #tpu.memory_space<hbm>>) target_semaphore(%arg29 : memref<!tpu.dma_semaphore, #tpu.memory_space<semaphore_mem>>)
    %dma_start3A_61 = tpu.memref_slice %arg7[%add3A_45] : memref<100000xf32, #tpu.memory_space<hbm>> -> memref<128xf32, #tpu.memory_space<hbm>>
    %dma_start3A_62 = tpu.memref_slice %arg7[%add3A_45] : memref<100000xf32, #tpu.memory_space<hbm>> -> memref<128xf32, #tpu.memory_space<hbm>>
    tpu.enqueue_dma source(%arg16 : memref<128xf32, #tpu.memory_space<vmem>>) target(%dma_start3A_62 : memref<128xf32, #tpu.memory_space<hbm>>) target_semaphore(%arg34 : memref<!tpu.dma_semaphore, #tpu.memory_space<semaphore_mem>>)
    %dma_start3A_63 = tpu.memref_slice %arg8[%add3A_45] : memref<100000xf32, #tpu.memory_space<hbm>> -> memref<128xf32, #tpu.memory_space<hbm>>
    %dma_start3A_64 = tpu.memref_slice %arg8[%add3A_45] : memref<100000xf32, #tpu.memory_space<hbm>> -> memref<128xf32, #tpu.memory_space<hbm>>
    tpu.enqueue_dma source(%arg19 : memref<128xf32, #tpu.memory_space<vmem>>) target(%dma_start3A_64 : memref<128xf32, #tpu.memory_space<hbm>>) target_semaphore(%arg37 : memref<!tpu.dma_semaphore, #tpu.memory_space<semaphore_mem>>)
    %dma_start3A_65 = arith.constant 512 : i32
    %dma_start3A_66 = tpu.memref_slice %arg9[%dma_start3A_65] : memref<3200xi32, #tpu.memory_space<vmem>> -> memref<128xi32, #tpu.memory_space<vmem>>
    %dma_start3A_67 = arith.constant 0 : i32
    %dma_start3A_68 = arith.constant 0 : i32
    %dma_start3A_69 = tpu.memref_slice %arg39[%dma_start3A_67, %dma_start3A_68] : memref<1024x128xf32, #tpu.memory_space<vmem_shared>> -> memref<1024x128xf32, #tpu.memory_space<vmem_shared>>
    tpu.enqueue_indirect_dma source(%dma_start3A_69 : memref<1024x128xf32, #tpu.memory_space<vmem_shared>>) target(%arg14 : memref<128x128xf32, #tpu.memory_space<vmem>>) offsets(%dma_start3A_66 : memref<128xi32, #tpu.memory_space<vmem>>) semaphore(%arg27 : memref<!tpu.dma_semaphore, #tpu.memory_space<semaphore_mem>>)
    %add3A_70 = arith.constant 256 : i32
    %add3A_71 = arith.addi %min3A_3, %add3A_70 : i32
    %dma_wait3A_72 = arith.constant 256 : i32
    %dma_wait3A_73 = tpu.memref_slice %arg9[%dma_wait3A_72] : memref<3200xi32, #tpu.memory_space<vmem>> -> memref<128xi32, #tpu.memory_space<vmem>>
    %dma_wait3A_74 = arith.constant 0 : i32
    %dma_wait3A_75 = arith.constant 0 : i32
    %dma_wait3A_76 = tpu.memref_slice %arg39[%dma_wait3A_74, %dma_wait3A_75] : memref<1024x128xf32, #tpu.memory_space<vmem_shared>> -> memref<1024x128xf32, #tpu.memory_space<vmem_shared>>
    tpu.wait_indirect_dma semaphore(%arg25 : memref<!tpu.dma_semaphore, #tpu.memory_space<semaphore_mem>>) src(%dma_wait3A_76 : memref<1024x128xf32, #tpu.memory_space<vmem_shared>>) dst(%arg12 : memref<128x128xf32, #tpu.memory_space<vmem>>)
    %scan3A_77 = arith.constant 0 : i32
    %scan3A_78 = arith.constant 0 : i32
    %scan3A_79 = arith.constant 8 : i32
    %scan3A_80 = arith.addi %scan3A_78, %scan3A_79 : i32
    %scan3A_81 = arith.constant 1 : i32
    scf.for %scan3A_853 = %scan3A_78 to %scan3A_80 step %scan3A_81  : i32 {
      %mul3A_854 = arith.constant 16 : i32
      %mul3A_855 = arith.muli %scan3A_853, %mul3A_854 : i32
      %add3A_856 = arith.constant 256 : i32
      %add3A_857 = arith.addi %add3A_856, %mul3A_855 : i32
      %add3A_858 = vector.broadcast %add3A_857 : i32 to vector<16xi32>
      %add3A_859 = arith.addi %add3A_858, %iota3A : vector<16xi32>
      %gather3A = tpu.vector_load_idx %arg9[%add3A_859] : memref<3200xi32, #tpu.memory_space<vmem>>[vector<16xi32>], vector<16xi32>,
      %gather3A_860 = tpu.vector_load_idx %arg21[%gather3A] : memref<1024xf32, #tpu.memory_space<vmem>>[vector<16xi32>], vector<16xf32>,
      %mul3A_861 = arith.constant 16 : i32
      %mul3A_862 = arith.muli %scan3A_853, %mul3A_861 : i32
      %swap3A = arith.index_cast %mul3A_862 : i32 to index
      %swap3A_863 = tpu.vector_load %arg17[%swap3A] {strides = array<i32>} : memref<128xf32, #tpu.memory_space<vmem>>, vector<16xf32>,
      tpu.vector_store %arg17[%swap3A], %gather3A_860 {strides = array<i32>} : memref<128xf32, #tpu.memory_space<vmem>>, vector<16xf32>,
      %gather3A_864 = tpu.vector_load_idx %arg22[%gather3A] : memref<1024xf32, #tpu.memory_space<vmem>>[vector<16xi32>], vector<16xf32>,
      %mul3A_865 = arith.constant 16 : i32
      %mul3A_866 = arith.muli %scan3A_853, %mul3A_865 : i32
      %swap3A_867 = arith.index_cast %mul3A_866 : i32 to index
      %swap3A_868 = tpu.vector_load %arg20[%swap3A_867] {strides = array<i32>} : memref<128xf32, #tpu.memory_space<vmem>>, vector<16xf32>,
      tpu.vector_store %arg20[%swap3A_867], %gather3A_864 {strides = array<i32>} : memref<128xf32, #tpu.memory_space<vmem>>, vector<16xf32>,
    }
    %scan3A_82 = arith.constant 8 : i32
    %dma_start3A_83 = arith.constant 0 : i32
    %dma_start3A_84 = tpu.memref_slice %arg6[%add3A_71, %dma_start3A_83] : memref<100000x128xf32, #tpu.memory_space<hbm>> -> memref<128x128xf32, #tpu.memory_space<hbm>>
    %dma_start3A_85 = arith.constant 0 : i32
    %dma_start3A_86 = tpu.memref_slice %arg6[%add3A_71, %dma_start3A_85] : memref<100000x128xf32, #tpu.memory_space<hbm>> -> memref<128x128xf32, #tpu.memory_space<hbm>>
    tpu.enqueue_dma source(%arg12 : memref<128x128xf32, #tpu.memory_space<vmem>>) target(%dma_start3A_86 : memref<128x128xf32, #tpu.memory_space<hbm>>) target_semaphore(%arg30 : memref<!tpu.dma_semaphore, #tpu.memory_space<semaphore_mem>>)
    %dma_start3A_87 = tpu.memref_slice %arg7[%add3A_71] : memref<100000xf32, #tpu.memory_space<hbm>> -> memref<128xf32, #tpu.memory_space<hbm>>
    %dma_start3A_88 = tpu.memref_slice %arg7[%add3A_71] : memref<100000xf32, #tpu.memory_space<hbm>> -> memref<128xf32, #tpu.memory_space<hbm>>
    tpu.enqueue_dma source(%arg17 : memref<128xf32, #tpu.memory_space<vmem>>) target(%dma_start3A_88 : memref<128xf32, #tpu.memory_space<hbm>>) target_semaphore(%arg35 : memref<!tpu.dma_semaphore, #tpu.memory_space<semaphore_mem>>)
    %dma_start3A_89 = tpu.memref_slice %arg8[%add3A_71] : memref<100000xf32, #tpu.memory_space<hbm>> -> memref<128xf32, #tpu.memory_space<hbm>>
    %dma_start3A_90 = tpu.memref_slice %arg8[%add3A_71] : memref<100000xf32, #tpu.memory_space<hbm>> -> memref<128xf32, #tpu.memory_space<hbm>>
    tpu.enqueue_dma source(%arg20 : memref<128xf32, #tpu.memory_space<vmem>>) target(%dma_start3A_90 : memref<128xf32, #tpu.memory_space<hbm>>) target_semaphore(%arg38 : memref<!tpu.dma_semaphore, #tpu.memory_space<semaphore_mem>>)
    %dma_wait3A_91 = arith.constant 0 : i32
    %dma_wait3A_92 = tpu.memref_slice %arg6[%add3A_21, %dma_wait3A_91] : memref<100000x128xf32, #tpu.memory_space<hbm>> -> memref<128x128xf32, #tpu.memory_space<hbm>>
    %dma_wait3A_93 = arith.constant 0 : i32
    %dma_wait3A_94 = tpu.memref_slice %arg6[%add3A_21, %dma_wait3A_93] : memref<100000x128xf32, #tpu.memory_space<hbm>> -> memref<128x128xf32, #tpu.memory_space<hbm>>
    tpu.wait_dma2 semaphore(%arg28 : memref<!tpu.dma_semaphore, #tpu.memory_space<semaphore_mem>>) src(%arg10 : memref<128x128xf32, #tpu.memory_space<vmem>>) dst(%dma_wait3A_94 : memref<128x128xf32, #tpu.memory_space<hbm>>)
    %dma_start3A_95 = arith.constant 640 : i32
    %dma_start3A_96 = tpu.memref_slice %arg9[%dma_start3A_95] : memref<3200xi32, #tpu.memory_space<vmem>> -> memref<128xi32, #tpu.memory_space<vmem>>
    %dma_start3A_97 = arith.constant 0 : i32
    %dma_start3A_98 = arith.constant 0 : i32
    %dma_start3A_99 = tpu.memref_slice %arg39[%dma_start3A_97, %dma_start3A_98] : memref<1024x128xf32, #tpu.memory_space<vmem_shared>> -> memref<1024x128xf32, #tpu.memory_space<vmem_shared>>
    tpu.enqueue_indirect_dma source(%dma_start3A_99 : memref<1024x128xf32, #tpu.memory_space<vmem_shared>>) target(%arg10 : memref<128x128xf32, #tpu.memory_space<vmem>>) offsets(%dma_start3A_96 : memref<128xi32, #tpu.memory_space<vmem>>) semaphore(%arg23 : memref<!tpu.dma_semaphore, #tpu.memory_space<semaphore_mem>>)
    %add3A_100 = arith.constant 384 : i32
    %add3A_101 = arith.addi %min3A_3, %add3A_100 : i32
    %dma_wait3A_102 = arith.constant 384 : i32
    %dma_wait3A_103 = tpu.memref_slice %arg9[%dma_wait3A_102] : memref<3200xi32, #tpu.memory_space<vmem>> -> memref<128xi32, #tpu.memory_space<vmem>>
    %dma_wait3A_104 = arith.constant 0 : i32
    %dma_wait3A_105 = arith.constant 0 : i32
    %dma_wait3A_106 = tpu.memref_slice %arg39[%dma_wait3A_104, %dma_wait3A_105] : memref<1024x128xf32, #tpu.memory_space<vmem_shared>> -> memref<1024x128xf32, #tpu.memory_space<vmem_shared>>
    tpu.wait_indirect_dma semaphore(%arg26 : memref<!tpu.dma_semaphore, #tpu.memory_space<semaphore_mem>>) src(%dma_wait3A_106 : memref<1024x128xf32, #tpu.memory_space<vmem_shared>>) dst(%arg13 : memref<128x128xf32, #tpu.memory_space<vmem>>)
    %dma_wait3A_107 = tpu.memref_slice %arg7[%add3A_21] : memref<100000xf32, #tpu.memory_space<hbm>> -> memref<128xf32, #tpu.memory_space<hbm>>
    %dma_wait3A_108 = tpu.memref_slice %arg7[%add3A_21] : memref<100000xf32, #tpu.memory_space<hbm>> -> memref<128xf32, #tpu.memory_space<hbm>>
    tpu.wait_dma2 semaphore(%arg33 : memref<!tpu.dma_semaphore, #tpu.memory_space<semaphore_mem>>) src(%arg15 : memref<128xf32, #tpu.memory_space<vmem>>) dst(%dma_wait3A_108 : memref<128xf32, #tpu.memory_space<hbm>>)
    %dma_wait3A_109 = tpu.memref_slice %arg8[%add3A_21] : memref<100000xf32, #tpu.memory_space<hbm>> -> memref<128xf32, #tpu.memory_space<hbm>>
    %dma_wait3A_110 = tpu.memref_slice %arg8[%add3A_21] : memref<100000xf32, #tpu.memory_space<hbm>> -> memref<128xf32, #tpu.memory_space<hbm>>
    tpu.wait_dma2 semaphore(%arg36 : memref<!tpu.dma_semaphore, #tpu.memory_space<semaphore_mem>>) src(%arg18 : memref<128xf32, #tpu.memory_space<vmem>>) dst(%dma_wait3A_110 : memref<128xf32, #tpu.memory_space<hbm>>)
    %scan3A_111 = arith.constant 0 : i32
    %scan3A_112 = arith.constant 0 : i32
    %scan3A_113 = arith.constant 8 : i32
    %scan3A_114 = arith.addi %scan3A_112, %scan3A_113 : i32
    %scan3A_115 = arith.constant 1 : i32
    scf.for %scan3A_853 = %scan3A_112 to %scan3A_114 step %scan3A_115  : i32 {
      %mul3A_854 = arith.constant 16 : i32
      %mul3A_855 = arith.muli %scan3A_853, %mul3A_854 : i32
      %add3A_856 = arith.constant 384 : i32
      %add3A_857 = arith.addi %add3A_856, %mul3A_855 : i32
      %add3A_858 = vector.broadcast %add3A_857 : i32 to vector<16xi32>
      %add3A_859 = arith.addi %add3A_858, %iota3A : vector<16xi32>
      %gather3A = tpu.vector_load_idx %arg9[%add3A_859] : memref<3200xi32, #tpu.memory_space<vmem>>[vector<16xi32>], vector<16xi32>,
      %gather3A_860 = tpu.vector_load_idx %arg21[%gather3A] : memref<1024xf32, #tpu.memory_space<vmem>>[vector<16xi32>], vector<16xf32>,
      %mul3A_861 = arith.constant 16 : i32
      %mul3A_862 = arith.muli %scan3A_853, %mul3A_861 : i32
      %swap3A = arith.index_cast %mul3A_862 : i32 to index
      %swap3A_863 = tpu.vector_load %arg15[%swap3A] {strides = array<i32>} : memref<128xf32, #tpu.memory_space<vmem>>, vector<16xf32>,
      tpu.vector_store %arg15[%swap3A], %gather3A_860 {strides = array<i32>} : memref<128xf32, #tpu.memory_space<vmem>>, vector<16xf32>,
      %gather3A_864 = tpu.vector_load_idx %arg22[%gather3A] : memref<1024xf32, #tpu.memory_space<vmem>>[vector<16xi32>], vector<16xf32>,
      %mul3A_865 = arith.constant 16 : i32
      %mul3A_866 = arith.muli %scan3A_853, %mul3A_865 : i32
      %swap3A_867 = arith.index_cast %mul3A_866 : i32 to index
      %swap3A_868 = tpu.vector_load %arg18[%swap3A_867] {strides = array<i32>} : memref<128xf32, #tpu.memory_space<vmem>>, vector<16xf32>,
      tpu.vector_store %arg18[%swap3A_867], %gather3A_864 {strides = array<i32>} : memref<128xf32, #tpu.memory_space<vmem>>, vector<16xf32>,
    }
    %scan3A_116 = arith.constant 8 : i32
    %dma_start3A_117 = arith.constant 0 : i32
    %dma_start3A_118 = tpu.memref_slice %arg6[%add3A_101, %dma_start3A_117] : memref<100000x128xf32, #tpu.memory_space<hbm>> -> memref<128x128xf32, #tpu.memory_space<hbm>>
    %dma_start3A_119 = arith.constant 0 : i32
    %dma_start3A_120 = tpu.memref_slice %arg6[%add3A_101, %dma_start3A_119] : memref<100000x128xf32, #tpu.memory_space<hbm>> -> memref<128x128xf32, #tpu.memory_space<hbm>>
    tpu.enqueue_dma source(%arg13 : memref<128x128xf32, #tpu.memory_space<vmem>>) target(%dma_start3A_120 : memref<128x128xf32, #tpu.memory_space<hbm>>) target_semaphore(%arg31 : memref<!tpu.dma_semaphore, #tpu.memory_space<semaphore_mem>>)
    %dma_start3A_121 = tpu.memref_slice %arg7[%add3A_101] : memref<100000xf32, #tpu.memory_space<hbm>> -> memref<128xf32, #tpu.memory_space<hbm>>
    %dma_start3A_122 = tpu.memref_slice %arg7[%add3A_101] : memref<100000xf32, #tpu.memory_space<hbm>> -> memref<128xf32, #tpu.memory_space<hbm>>
    tpu.enqueue_dma source(%arg15 : memref<128xf32, #tpu.memory_space<vmem>>) target(%dma_start3A_122 : memref<128xf32, #tpu.memory_space<hbm>>) target_semaphore(%arg33 : memref<!tpu.dma_semaphore, #tpu.memory_space<semaphore_mem>>)
    %dma_start3A_123 = tpu.memref_slice %arg8[%add3A_101] : memref<100000xf32, #tpu.memory_space<hbm>> -> memref<128xf32, #tpu.memory_space<hbm>>
    %dma_start3A_124 = tpu.memref_slice %arg8[%add3A_101] : memref<100000xf32, #tpu.memory_space<hbm>> -> memref<128xf32, #tpu.memory_space<hbm>>
    tpu.enqueue_dma source(%arg18 : memref<128xf32, #tpu.memory_space<vmem>>) target(%dma_start3A_124 : memref<128xf32, #tpu.memory_space<hbm>>) target_semaphore(%arg36 : memref<!tpu.dma_semaphore, #tpu.memory_space<semaphore_mem>>)
    %dma_wait3A_125 = arith.constant 0 : i32
    %dma_wait3A_126 = tpu.memref_slice %arg6[%add3A_45, %dma_wait3A_125] : memref<100000x128xf32, #tpu.memory_space<hbm>> -> memref<128x128xf32, #tpu.memory_space<hbm>>
    %dma_wait3A_127 = arith.constant 0 : i32
    %dma_wait3A_128 = tpu.memref_slice %arg6[%add3A_45, %dma_wait3A_127] : memref<100000x128xf32, #tpu.memory_space<hbm>> -> memref<128x128xf32, #tpu.memory_space<hbm>>
    tpu.wait_dma2 semaphore(%arg29 : memref<!tpu.dma_semaphore, #tpu.memory_space<semaphore_mem>>) src(%arg11 : memref<128x128xf32, #tpu.memory_space<vmem>>) dst(%dma_wait3A_128 : memref<128x128xf32, #tpu.memory_space<hbm>>)
    %dma_start3A_129 = arith.constant 768 : i32
    %dma_start3A_130 = tpu.memref_slice %arg9[%dma_start3A_129] : memref<3200xi32, #tpu.memory_space<vmem>> -> memref<128xi32, #tpu.memory_space<vmem>>
    %dma_start3A_131 = arith.constant 0 : i32
    %dma_start3A_132 = arith.constant 0 : i32
    %dma_start3A_133 = tpu.memref_slice %arg39[%dma_start3A_131, %dma_start3A_132] : memref<1024x128xf32, #tpu.memory_space<vmem_shared>> -> memref<1024x128xf32, #tpu.memory_space<vmem_shared>>
    tpu.enqueue_indirect_dma source(%dma_start3A_133 : memref<1024x128xf32, #tpu.memory_space<vmem_shared>>) target(%arg11 : memref<128x128xf32, #tpu.memory_space<vmem>>) offsets(%dma_start3A_130 : memref<128xi32, #tpu.memory_space<vmem>>) semaphore(%arg24 : memref<!tpu.dma_semaphore, #tpu.memory_space<semaphore_mem>>)
    %add3A_134 = arith.constant 512 : i32
    %add3A_135 = arith.addi %min3A_3, %add3A_134 : i32
    %dma_wait3A_136 = arith.constant 512 : i32
    %dma_wait3A_137 = tpu.memref_slice %arg9[%dma_wait3A_136] : memref<3200xi32, #tpu.memory_space<vmem>> -> memref<128xi32, #tpu.memory_space<vmem>>
    %dma_wait3A_138 = arith.constant 0 : i32
    %dma_wait3A_139 = arith.constant 0 : i32
    %dma_wait3A_140 = tpu.memref_slice %arg39[%dma_wait3A_138, %dma_wait3A_139] : memref<1024x128xf32, #tpu.memory_space<vmem_shared>> -> memref<1024x128xf32, #tpu.memory_space<vmem_shared>>
    tpu.wait_indirect_dma semaphore(%arg27 : memref<!tpu.dma_semaphore, #tpu.memory_space<semaphore_mem>>) src(%dma_wait3A_140 : memref<1024x128xf32, #tpu.memory_space<vmem_shared>>) dst(%arg14 : memref<128x128xf32, #tpu.memory_space<vmem>>)
    %dma_wait3A_141 = tpu.memref_slice %arg7[%add3A_45] : memref<100000xf32, #tpu.memory_space<hbm>> -> memref<128xf32, #tpu.memory_space<hbm>>
    %dma_wait3A_142 = tpu.memref_slice %arg7[%add3A_45] : memref<100000xf32, #tpu.memory_space<hbm>> -> memref<128xf32, #tpu.memory_space<hbm>>
    tpu.wait_dma2 semaphore(%arg34 : memref<!tpu.dma_semaphore, #tpu.memory_space<semaphore_mem>>) src(%arg16 : memref<128xf32, #tpu.memory_space<vmem>>) dst(%dma_wait3A_142 : memref<128xf32, #tpu.memory_space<hbm>>)
    %dma_wait3A_143 = tpu.memref_slice %arg8[%add3A_45] : memref<100000xf32, #tpu.memory_space<hbm>> -> memref<128xf32, #tpu.memory_space<hbm>>
    %dma_wait3A_144 = tpu.memref_slice %arg8[%add3A_45] : memref<100000xf32, #tpu.memory_space<hbm>> -> memref<128xf32, #tpu.memory_space<hbm>>
    tpu.wait_dma2 semaphore(%arg37 : memref<!tpu.dma_semaphore, #tpu.memory_space<semaphore_mem>>) src(%arg19 : memref<128xf32, #tpu.memory_space<vmem>>) dst(%dma_wait3A_144 : memref<128xf32, #tpu.memory_space<hbm>>)
    %scan3A_145 = arith.constant 0 : i32
    %scan3A_146 = arith.constant 0 : i32
    %scan3A_147 = arith.constant 8 : i32
    %scan3A_148 = arith.addi %scan3A_146, %scan3A_147 : i32
    %scan3A_149 = arith.constant 1 : i32
    scf.for %scan3A_853 = %scan3A_146 to %scan3A_148 step %scan3A_149  : i32 {
      %mul3A_854 = arith.constant 16 : i32
      %mul3A_855 = arith.muli %scan3A_853, %mul3A_854 : i32
      %add3A_856 = arith.constant 512 : i32
      %add3A_857 = arith.addi %add3A_856, %mul3A_855 : i32
      %add3A_858 = vector.broadcast %add3A_857 : i32 to vector<16xi32>
      %add3A_859 = arith.addi %add3A_858, %iota3A : vector<16xi32>
      %gather3A = tpu.vector_load_idx %arg9[%add3A_859] : memref<3200xi32, #tpu.memory_space<vmem>>[vector<16xi32>], vector<16xi32>,
      %gather3A_860 = tpu.vector_load_idx %arg21[%gather3A] : memref<1024xf32, #tpu.memory_space<vmem>>[vector<16xi32>], vector<16xf32>,
      %mul3A_861 = arith.constant 16 : i32
      %mul3A_862 = arith.muli %scan3A_853, %mul3A_861 : i32
      %swap3A = arith.index_cast %mul3A_862 : i32 to index
      %swap3A_863 = tpu.vector_load %arg16[%swap3A] {strides = array<i32>} : memref<128xf32, #tpu.memory_space<vmem>>, vector<16xf32>,
      tpu.vector_store %arg16[%swap3A], %gather3A_860 {strides = array<i32>} : memref<128xf32, #tpu.memory_space<vmem>>, vector<16xf32>,
      %gather3A_864 = tpu.vector_load_idx %arg22[%gather3A] : memref<1024xf32, #tpu.memory_space<vmem>>[vector<16xi32>], vector<16xf32>,
      %mul3A_865 = arith.constant 16 : i32
      %mul3A_866 = arith.muli %scan3A_853, %mul3A_865 : i32
      %swap3A_867 = arith.index_cast %mul3A_866 : i32 to index
      %swap3A_868 = tpu.vector_load %arg19[%swap3A_867] {strides = array<i32>} : memref<128xf32, #tpu.memory_space<vmem>>, vector<16xf32>,
      tpu.vector_store %arg19[%swap3A_867], %gather3A_864 {strides = array<i32>} : memref<128xf32, #tpu.memory_space<vmem>>, vector<16xf32>,
    }
    %scan3A_150 = arith.constant 8 : i32
    %dma_start3A_151 = arith.constant 0 : i32
    %dma_start3A_152 = tpu.memref_slice %arg6[%add3A_135, %dma_start3A_151] : memref<100000x128xf32, #tpu.memory_space<hbm>> -> memref<128x128xf32, #tpu.memory_space<hbm>>
    %dma_start3A_153 = arith.constant 0 : i32
    %dma_start3A_154 = tpu.memref_slice %arg6[%add3A_135, %dma_start3A_153] : memref<100000x128xf32, #tpu.memory_space<hbm>> -> memref<128x128xf32, #tpu.memory_space<hbm>>
    tpu.enqueue_dma source(%arg14 : memref<128x128xf32, #tpu.memory_space<vmem>>) target(%dma_start3A_154 : memref<128x128xf32, #tpu.memory_space<hbm>>) target_semaphore(%arg32 : memref<!tpu.dma_semaphore, #tpu.memory_space<semaphore_mem>>)
    %dma_start3A_155 = tpu.memref_slice %arg7[%add3A_135] : memref<100000xf32, #tpu.memory_space<hbm>> -> memref<128xf32, #tpu.memory_space<hbm>>
    %dma_start3A_156 = tpu.memref_slice %arg7[%add3A_135] : memref<100000xf32, #tpu.memory_space<hbm>> -> memref<128xf32, #tpu.memory_space<hbm>>
    tpu.enqueue_dma source(%arg16 : memref<128xf32, #tpu.memory_space<vmem>>) target(%dma_start3A_156 : memref<128xf32, #tpu.memory_space<hbm>>) target_semaphore(%arg34 : memref<!tpu.dma_semaphore, #tpu.memory_space<semaphore_mem>>)
    %dma_start3A_157 = tpu.memref_slice %arg8[%add3A_135] : memref<100000xf32, #tpu.memory_space<hbm>> -> memref<128xf32, #tpu.memory_space<hbm>>
    %dma_start3A_158 = tpu.memref_slice %arg8[%add3A_135] : memref<100000xf32, #tpu.memory_space<hbm>> -> memref<128xf32, #tpu.memory_space<hbm>>
    tpu.enqueue_dma source(%arg19 : memref<128xf32, #tpu.memory_space<vmem>>) target(%dma_start3A_158 : memref<128xf32, #tpu.memory_space<hbm>>) target_semaphore(%arg37 : memref<!tpu.dma_semaphore, #tpu.memory_space<semaphore_mem>>)
    %dma_wait3A_159 = arith.constant 0 : i32
    %dma_wait3A_160 = tpu.memref_slice %arg6[%add3A_71, %dma_wait3A_159] : memref<100000x128xf32, #tpu.memory_space<hbm>> -> memref<128x128xf32, #tpu.memory_space<hbm>>
    %dma_wait3A_161 = arith.constant 0 : i32
    %dma_wait3A_162 = tpu.memref_slice %arg6[%add3A_71, %dma_wait3A_161] : memref<100000x128xf32, #tpu.memory_space<hbm>> -> memref<128x128xf32, #tpu.memory_space<hbm>>
    tpu.wait_dma2 semaphore(%arg30 : memref<!tpu.dma_semaphore, #tpu.memory_space<semaphore_mem>>) src(%arg12 : memref<128x128xf32, #tpu.memory_space<vmem>>) dst(%dma_wait3A_162 : memref<128x128xf32, #tpu.memory_space<hbm>>)
    %dma_start3A_163 = arith.constant 896 : i32
    %dma_start3A_164 = tpu.memref_slice %arg9[%dma_start3A_163] : memref<3200xi32, #tpu.memory_space<vmem>> -> memref<128xi32, #tpu.memory_space<vmem>>
    %dma_start3A_165 = arith.constant 0 : i32
    %dma_start3A_166 = arith.constant 0 : i32
    %dma_start3A_167 = tpu.memref_slice %arg39[%dma_start3A_165, %dma_start3A_166] : memref<1024x128xf32, #tpu.memory_space<vmem_shared>> -> memref<1024x128xf32, #tpu.memory_space<vmem_shared>>
    tpu.enqueue_indirect_dma source(%dma_start3A_167 : memref<1024x128xf32, #tpu.memory_space<vmem_shared>>) target(%arg12 : memref<128x128xf32, #tpu.memory_space<vmem>>) offsets(%dma_start3A_164 : memref<128xi32, #tpu.memory_space<vmem>>) semaphore(%arg25 : memref<!tpu.dma_semaphore, #tpu.memory_space<semaphore_mem>>)
    %add3A_168 = arith.constant 640 : i32
    %add3A_169 = arith.addi %min3A_3, %add3A_168 : i32
    %dma_wait3A_170 = arith.constant 640 : i32
    %dma_wait3A_171 = tpu.memref_slice %arg9[%dma_wait3A_170] : memref<3200xi32, #tpu.memory_space<vmem>> -> memref<128xi32, #tpu.memory_space<vmem>>
    %dma_wait3A_172 = arith.constant 0 : i32
    %dma_wait3A_173 = arith.constant 0 : i32
    %dma_wait3A_174 = tpu.memref_slice %arg39[%dma_wait3A_172, %dma_wait3A_173] : memref<1024x128xf32, #tpu.memory_space<vmem_shared>> -> memref<1024x128xf32, #tpu.memory_space<vmem_shared>>
    tpu.wait_indirect_dma semaphore(%arg23 : memref<!tpu.dma_semaphore, #tpu.memory_space<semaphore_mem>>) src(%dma_wait3A_174 : memref<1024x128xf32, #tpu.memory_space<vmem_shared>>) dst(%arg10 : memref<128x128xf32, #tpu.memory_space<vmem>>)
    %dma_wait3A_175 = tpu.memref_slice %arg7[%add3A_71] : memref<100000xf32, #tpu.memory_space<hbm>> -> memref<128xf32, #tpu.memory_space<hbm>>
    %dma_wait3A_176 = tpu.memref_slice %arg7[%add3A_71] : memref<100000xf32, #tpu.memory_space<hbm>> -> memref<128xf32, #tpu.memory_space<hbm>>
    tpu.wait_dma2 semaphore(%arg35 : memref<!tpu.dma_semaphore, #tpu.memory_space<semaphore_mem>>) src(%arg17 : memref<128xf32, #tpu.memory_space<vmem>>) dst(%dma_wait3A_176 : memref<128xf32, #tpu.memory_space<hbm>>)
    %dma_wait3A_177 = tpu.memref_slice %arg8[%add3A_71] : memref<100000xf32, #tpu.memory_space<hbm>> -> memref<128xf32, #tpu.memory_space<hbm>>
    %dma_wait3A_178 = tpu.memref_slice %arg8[%add3A_71] : memref<100000xf32, #tpu.memory_space<hbm>> -> memref<128xf32, #tpu.memory_space<hbm>>
    tpu.wait_dma2 semaphore(%arg38 : memref<!tpu.dma_semaphore, #tpu.memory_space<semaphore_mem>>) src(%arg20 : memref<128xf32, #tpu.memory_space<vmem>>) dst(%dma_wait3A_178 : memref<128xf32, #tpu.memory_space<hbm>>)
    %scan3A_179 = arith.constant 0 : i32
    %scan3A_180 = arith.constant 0 : i32
    %scan3A_181 = arith.constant 8 : i32
    %scan3A_182 = arith.addi %scan3A_180, %scan3A_181 : i32
    %scan3A_183 = arith.constant 1 : i32
    scf.for %scan3A_853 = %scan3A_180 to %scan3A_182 step %scan3A_183  : i32 {
      %mul3A_854 = arith.constant 16 : i32
      %mul3A_855 = arith.muli %scan3A_853, %mul3A_854 : i32
      %add3A_856 = arith.constant 640 : i32
      %add3A_857 = arith.addi %add3A_856, %mul3A_855 : i32
      %add3A_858 = vector.broadcast %add3A_857 : i32 to vector<16xi32>
      %add3A_859 = arith.addi %add3A_858, %iota3A : vector<16xi32>
      %gather3A = tpu.vector_load_idx %arg9[%add3A_859] : memref<3200xi32, #tpu.memory_space<vmem>>[vector<16xi32>], vector<16xi32>,
      %gather3A_860 = tpu.vector_load_idx %arg21[%gather3A] : memref<1024xf32, #tpu.memory_space<vmem>>[vector<16xi32>], vector<16xf32>,
      %mul3A_861 = arith.constant 16 : i32
      %mul3A_862 = arith.muli %scan3A_853, %mul3A_861 : i32
      %swap3A = arith.index_cast %mul3A_862 : i32 to index
      %swap3A_863 = tpu.vector_load %arg17[%swap3A] {strides = array<i32>} : memref<128xf32, #tpu.memory_space<vmem>>, vector<16xf32>,
      tpu.vector_store %arg17[%swap3A], %gather3A_860 {strides = array<i32>} : memref<128xf32, #tpu.memory_space<vmem>>, vector<16xf32>,
      %gather3A_864 = tpu.vector_load_idx %arg22[%gather3A] : memref<1024xf32, #tpu.memory_space<vmem>>[vector<16xi32>], vector<16xf32>,
      %mul3A_865 = arith.constant 16 : i32
      %mul3A_866 = arith.muli %scan3A_853, %mul3A_865 : i32
      %swap3A_867 = arith.index_cast %mul3A_866 : i32 to index
      %swap3A_868 = tpu.vector_load %arg20[%swap3A_867] {strides = array<i32>} : memref<128xf32, #tpu.memory_space<vmem>>, vector<16xf32>,
      tpu.vector_store %arg20[%swap3A_867], %gather3A_864 {strides = array<i32>} : memref<128xf32, #tpu.memory_space<vmem>>, vector<16xf32>,
    }
    %scan3A_184 = arith.constant 8 : i32
    %dma_start3A_185 = arith.constant 0 : i32
    %dma_start3A_186 = tpu.memref_slice %arg6[%add3A_169, %dma_start3A_185] : memref<100000x128xf32, #tpu.memory_space<hbm>> -> memref<128x128xf32, #tpu.memory_space<hbm>>
    %dma_start3A_187 = arith.constant 0 : i32
    %dma_start3A_188 = tpu.memref_slice %arg6[%add3A_169, %dma_start3A_187] : memref<100000x128xf32, #tpu.memory_space<hbm>> -> memref<128x128xf32, #tpu.memory_space<hbm>>
    tpu.enqueue_dma source(%arg10 : memref<128x128xf32, #tpu.memory_space<vmem>>) target(%dma_start3A_188 : memref<128x128xf32, #tpu.memory_space<hbm>>) target_semaphore(%arg28 : memref<!tpu.dma_semaphore, #tpu.memory_space<semaphore_mem>>)
    %dma_start3A_189 = tpu.memref_slice %arg7[%add3A_169] : memref<100000xf32, #tpu.memory_space<hbm>> -> memref<128xf32, #tpu.memory_space<hbm>>
    %dma_start3A_190 = tpu.memref_slice %arg7[%add3A_169] : memref<100000xf32, #tpu.memory_space<hbm>> -> memref<128xf32, #tpu.memory_space<hbm>>
    tpu.enqueue_dma source(%arg17 : memref<128xf32, #tpu.memory_space<vmem>>) target(%dma_start3A_190 : memref<128xf32, #tpu.memory_space<hbm>>) target_semaphore(%arg35 : memref<!tpu.dma_semaphore, #tpu.memory_space<semaphore_mem>>)
    %dma_start3A_191 = tpu.memref_slice %arg8[%add3A_169] : memref<100000xf32, #tpu.memory_space<hbm>> -> memref<128xf32, #tpu.memory_space<hbm>>
    %dma_start3A_192 = tpu.memref_slice %arg8[%add3A_169] : memref<100000xf32, #tpu.memory_space<hbm>> -> memref<128xf32, #tpu.memory_space<hbm>>
    tpu.enqueue_dma source(%arg20 : memref<128xf32, #tpu.memory_space<vmem>>) target(%dma_start3A_192 : memref<128xf32, #tpu.memory_space<hbm>>) target_semaphore(%arg38 : memref<!tpu.dma_semaphore, #tpu.memory_space<semaphore_mem>>)
    %dma_wait3A_193 = arith.constant 0 : i32
    %dma_wait3A_194 = tpu.memref_slice %arg6[%add3A_101, %dma_wait3A_193] : memref<100000x128xf32, #tpu.memory_space<hbm>> -> memref<128x128xf32, #tpu.memory_space<hbm>>
    %dma_wait3A_195 = arith.constant 0 : i32
    %dma_wait3A_196 = tpu.memref_slice %arg6[%add3A_101, %dma_wait3A_195] : memref<100000x128xf32, #tpu.memory_space<hbm>> -> memref<128x128xf32, #tpu.memory_space<hbm>>
    tpu.wait_dma2 semaphore(%arg31 : memref<!tpu.dma_semaphore, #tpu.memory_space<semaphore_mem>>) src(%arg13 : memref<128x128xf32, #tpu.memory_space<vmem>>) dst(%dma_wait3A_196 : memref<128x128xf32, #tpu.memory_space<hbm>>)
    %dma_start3A_197 = arith.constant 1024 : i32
    %dma_start3A_198 = tpu.memref_slice %arg9[%dma_start3A_197] : memref<3200xi32, #tpu.memory_space<vmem>> -> memref<128xi32, #tpu.memory_space<vmem>>
    %dma_start3A_199 = arith.constant 0 : i32
    %dma_start3A_200 = arith.constant 0 : i32
    %dma_start3A_201 = tpu.memref_slice %arg39[%dma_start3A_199, %dma_start3A_200] : memref<1024x128xf32, #tpu.memory_space<vmem_shared>> -> memref<1024x128xf32, #tpu.memory_space<vmem_shared>>
    tpu.enqueue_indirect_dma source(%dma_start3A_201 : memref<1024x128xf32, #tpu.memory_space<vmem_shared>>) target(%arg13 : memref<128x128xf32, #tpu.memory_space<vmem>>) offsets(%dma_start3A_198 : memref<128xi32, #tpu.memory_space<vmem>>) semaphore(%arg26 : memref<!tpu.dma_semaphore, #tpu.memory_space<semaphore_mem>>)
    %add3A_202 = arith.constant 768 : i32
    %add3A_203 = arith.addi %min3A_3, %add3A_202 : i32
    %dma_wait3A_204 = arith.constant 768 : i32
    %dma_wait3A_205 = tpu.memref_slice %arg9[%dma_wait3A_204] : memref<3200xi32, #tpu.memory_space<vmem>> -> memref<128xi32, #tpu.memory_space<vmem>>
    %dma_wait3A_206 = arith.constant 0 : i32
    %dma_wait3A_207 = arith.constant 0 : i32
    %dma_wait3A_208 = tpu.memref_slice %arg39[%dma_wait3A_206, %dma_wait3A_207] : memref<1024x128xf32, #tpu.memory_space<vmem_shared>> -> memref<1024x128xf32, #tpu.memory_space<vmem_shared>>
    tpu.wait_indirect_dma semaphore(%arg24 : memref<!tpu.dma_semaphore, #tpu.memory_space<semaphore_mem>>) src(%dma_wait3A_208 : memref<1024x128xf32, #tpu.memory_space<vmem_shared>>) dst(%arg11 : memref<128x128xf32, #tpu.memory_space<vmem>>)
    %dma_wait3A_209 = tpu.memref_slice %arg7[%add3A_101] : memref<100000xf32, #tpu.memory_space<hbm>> -> memref<128xf32, #tpu.memory_space<hbm>>
    %dma_wait3A_210 = tpu.memref_slice %arg7[%add3A_101] : memref<100000xf32, #tpu.memory_space<hbm>> -> memref<128xf32, #tpu.memory_space<hbm>>
    tpu.wait_dma2 semaphore(%arg33 : memref<!tpu.dma_semaphore, #tpu.memory_space<semaphore_mem>>) src(%arg15 : memref<128xf32, #tpu.memory_space<vmem>>) dst(%dma_wait3A_210 : memref<128xf32, #tpu.memory_space<hbm>>)
    %dma_wait3A_211 = tpu.memref_slice %arg8[%add3A_101] : memref<100000xf32, #tpu.memory_space<hbm>> -> memref<128xf32, #tpu.memory_space<hbm>>
    %dma_wait3A_212 = tpu.memref_slice %arg8[%add3A_101] : memref<100000xf32, #tpu.memory_space<hbm>> -> memref<128xf32, #tpu.memory_space<hbm>>
    tpu.wait_dma2 semaphore(%arg36 : memref<!tpu.dma_semaphore, #tpu.memory_space<semaphore_mem>>) src(%arg18 : memref<128xf32, #tpu.memory_space<vmem>>) dst(%dma_wait3A_212 : memref<128xf32, #tpu.memory_space<hbm>>)
    %scan3A_213 = arith.constant 0 : i32
    %scan3A_214 = arith.constant 0 : i32
    %scan3A_215 = arith.constant 8 : i32
    %scan3A_216 = arith.addi %scan3A_214, %scan3A_215 : i32
    %scan3A_217 = arith.constant 1 : i32
    scf.for %scan3A_853 = %scan3A_214 to %scan3A_216 step %scan3A_217  : i32 {
      %mul3A_854 = arith.constant 16 : i32
      %mul3A_855 = arith.muli %scan3A_853, %mul3A_854 : i32
      %add3A_856 = arith.constant 768 : i32
      %add3A_857 = arith.addi %add3A_856, %mul3A_855 : i32
      %add3A_858 = vector.broadcast %add3A_857 : i32 to vector<16xi32>
      %add3A_859 = arith.addi %add3A_858, %iota3A : vector<16xi32>
      %gather3A = tpu.vector_load_idx %arg9[%add3A_859] : memref<3200xi32, #tpu.memory_space<vmem>>[vector<16xi32>], vector<16xi32>,
      %gather3A_860 = tpu.vector_load_idx %arg21[%gather3A] : memref<1024xf32, #tpu.memory_space<vmem>>[vector<16xi32>], vector<16xf32>,
      %mul3A_861 = arith.constant 16 : i32
      %mul3A_862 = arith.muli %scan3A_853, %mul3A_861 : i32
      %swap3A = arith.index_cast %mul3A_862 : i32 to index
      %swap3A_863 = tpu.vector_load %arg15[%swap3A] {strides = array<i32>} : memref<128xf32, #tpu.memory_space<vmem>>, vector<16xf32>,
      tpu.vector_store %arg15[%swap3A], %gather3A_860 {strides = array<i32>} : memref<128xf32, #tpu.memory_space<vmem>>, vector<16xf32>,
      %gather3A_864 = tpu.vector_load_idx %arg22[%gather3A] : memref<1024xf32, #tpu.memory_space<vmem>>[vector<16xi32>], vector<16xf32>,
      %mul3A_865 = arith.constant 16 : i32
      %mul3A_866 = arith.muli %scan3A_853, %mul3A_865 : i32
      %swap3A_867 = arith.index_cast %mul3A_866 : i32 to index
      %swap3A_868 = tpu.vector_load %arg18[%swap3A_867] {strides = array<i32>} : memref<128xf32, #tpu.memory_space<vmem>>, vector<16xf32>,
      tpu.vector_store %arg18[%swap3A_867], %gather3A_864 {strides = array<i32>} : memref<128xf32, #tpu.memory_space<vmem>>, vector<16xf32>,
    }
    %scan3A_218 = arith.constant 8 : i32
    %dma_start3A_219 = arith.constant 0 : i32
    %dma_start3A_220 = tpu.memref_slice %arg6[%add3A_203, %dma_start3A_219] : memref<100000x128xf32, #tpu.memory_space<hbm>> -> memref<128x128xf32, #tpu.memory_space<hbm>>
    %dma_start3A_221 = arith.constant 0 : i32
    %dma_start3A_222 = tpu.memref_slice %arg6[%add3A_203, %dma_start3A_221] : memref<100000x128xf32, #tpu.memory_space<hbm>> -> memref<128x128xf32, #tpu.memory_space<hbm>>
    tpu.enqueue_dma source(%arg11 : memref<128x128xf32, #tpu.memory_space<vmem>>) target(%dma_start3A_222 : memref<128x128xf32, #tpu.memory_space<hbm>>) target_semaphore(%arg29 : memref<!tpu.dma_semaphore, #tpu.memory_space<semaphore_mem>>)
    %dma_start3A_223 = tpu.memref_slice %arg7[%add3A_203] : memref<100000xf32, #tpu.memory_space<hbm>> -> memref<128xf32, #tpu.memory_space<hbm>>
    %dma_start3A_224 = tpu.memref_slice %arg7[%add3A_203] : memref<100000xf32, #tpu.memory_space<hbm>> -> memref<128xf32, #tpu.memory_space<hbm>>
    tpu.enqueue_dma source(%arg15 : memref<128xf32, #tpu.memory_space<vmem>>) target(%dma_start3A_224 : memref<128xf32, #tpu.memory_space<hbm>>) target_semaphore(%arg33 : memref<!tpu.dma_semaphore, #tpu.memory_space<semaphore_mem>>)
    %dma_start3A_225 = tpu.memref_slice %arg8[%add3A_203] : memref<100000xf32, #tpu.memory_space<hbm>> -> memref<128xf32, #tpu.memory_space<hbm>>
    %dma_start3A_226 = tpu.memref_slice %arg8[%add3A_203] : memref<100000xf32, #tpu.memory_space<hbm>> -> memref<128xf32, #tpu.memory_space<hbm>>
    tpu.enqueue_dma source(%arg18 : memref<128xf32, #tpu.memory_space<vmem>>) target(%dma_start3A_226 : memref<128xf32, #tpu.memory_space<hbm>>) target_semaphore(%arg36 : memref<!tpu.dma_semaphore, #tpu.memory_space<semaphore_mem>>)
    %dma_wait3A_227 = arith.constant 0 : i32
    %dma_wait3A_228 = tpu.memref_slice %arg6[%add3A_135, %dma_wait3A_227] : memref<100000x128xf32, #tpu.memory_space<hbm>> -> memref<128x128xf32, #tpu.memory_space<hbm>>
    %dma_wait3A_229 = arith.constant 0 : i32
    %dma_wait3A_230 = tpu.memref_slice %arg6[%add3A_135, %dma_wait3A_229] : memref<100000x128xf32, #tpu.memory_space<hbm>> -> memref<128x128xf32, #tpu.memory_space<hbm>>
    tpu.wait_dma2 semaphore(%arg32 : memref<!tpu.dma_semaphore, #tpu.memory_space<semaphore_mem>>) src(%arg14 : memref<128x128xf32, #tpu.memory_space<vmem>>) dst(%dma_wait3A_230 : memref<128x128xf32, #tpu.memory_space<hbm>>)
    %dma_start3A_231 = arith.constant 1152 : i32
    %dma_start3A_232 = tpu.memref_slice %arg9[%dma_start3A_231] : memref<3200xi32, #tpu.memory_space<vmem>> -> memref<128xi32, #tpu.memory_space<vmem>>
    %dma_start3A_233 = arith.constant 0 : i32
    %dma_start3A_234 = arith.constant 0 : i32
    %dma_start3A_235 = tpu.memref_slice %arg39[%dma_start3A_233, %dma_start3A_234] : memref<1024x128xf32, #tpu.memory_space<vmem_shared>> -> memref<1024x128xf32, #tpu.memory_space<vmem_shared>>
    tpu.enqueue_indirect_dma source(%dma_start3A_235 : memref<1024x128xf32, #tpu.memory_space<vmem_shared>>) target(%arg14 : memref<128x128xf32, #tpu.memory_space<vmem>>) offsets(%dma_start3A_232 : memref<128xi32, #tpu.memory_space<vmem>>) semaphore(%arg27 : memref<!tpu.dma_semaphore, #tpu.memory_space<semaphore_mem>>)
    %add3A_236 = arith.constant 896 : i32
    %add3A_237 = arith.addi %min3A_3, %add3A_236 : i32
    %dma_wait3A_238 = arith.constant 896 : i32
    %dma_wait3A_239 = tpu.memref_slice %arg9[%dma_wait3A_238] : memref<3200xi32, #tpu.memory_space<vmem>> -> memref<128xi32, #tpu.memory_space<vmem>>
    %dma_wait3A_240 = arith.constant 0 : i32
    %dma_wait3A_241 = arith.constant 0 : i32
    %dma_wait3A_242 = tpu.memref_slice %arg39[%dma_wait3A_240, %dma_wait3A_241] : memref<1024x128xf32, #tpu.memory_space<vmem_shared>> -> memref<1024x128xf32, #tpu.memory_space<vmem_shared>>
    tpu.wait_indirect_dma semaphore(%arg25 : memref<!tpu.dma_semaphore, #tpu.memory_space<semaphore_mem>>) src(%dma_wait3A_242 : memref<1024x128xf32, #tpu.memory_space<vmem_shared>>) dst(%arg12 : memref<128x128xf32, #tpu.memory_space<vmem>>)
    %dma_wait3A_243 = tpu.memref_slice %arg7[%add3A_135] : memref<100000xf32, #tpu.memory_space<hbm>> -> memref<128xf32, #tpu.memory_space<hbm>>
    %dma_wait3A_244 = tpu.memref_slice %arg7[%add3A_135] : memref<100000xf32, #tpu.memory_space<hbm>> -> memref<128xf32, #tpu.memory_space<hbm>>
    tpu.wait_dma2 semaphore(%arg34 : memref<!tpu.dma_semaphore, #tpu.memory_space<semaphore_mem>>) src(%arg16 : memref<128xf32, #tpu.memory_space<vmem>>) dst(%dma_wait3A_244 : memref<128xf32, #tpu.memory_space<hbm>>)
    %dma_wait3A_245 = tpu.memref_slice %arg8[%add3A_135] : memref<100000xf32, #tpu.memory_space<hbm>> -> memref<128xf32, #tpu.memory_space<hbm>>
    %dma_wait3A_246 = tpu.memref_slice %arg8[%add3A_135] : memref<100000xf32, #tpu.memory_space<hbm>> -> memref<128xf32, #tpu.memory_space<hbm>>
    tpu.wait_dma2 semaphore(%arg37 : memref<!tpu.dma_semaphore, #tpu.memory_space<semaphore_mem>>) src(%arg19 : memref<128xf32, #tpu.memory_space<vmem>>) dst(%dma_wait3A_246 : memref<128xf32, #tpu.memory_space<hbm>>)
    %scan3A_247 = arith.constant 0 : i32
    %scan3A_248 = arith.constant 0 : i32
    %scan3A_249 = arith.constant 8 : i32
    %scan3A_250 = arith.addi %scan3A_248, %scan3A_249 : i32
    %scan3A_251 = arith.constant 1 : i32
    scf.for %scan3A_853 = %scan3A_248 to %scan3A_250 step %scan3A_251  : i32 {
      %mul3A_854 = arith.constant 16 : i32
      %mul3A_855 = arith.muli %scan3A_853, %mul3A_854 : i32
      %add3A_856 = arith.constant 896 : i32
      %add3A_857 = arith.addi %add3A_856, %mul3A_855 : i32
      %add3A_858 = vector.broadcast %add3A_857 : i32 to vector<16xi32>
      %add3A_859 = arith.addi %add3A_858, %iota3A : vector<16xi32>
      %gather3A = tpu.vector_load_idx %arg9[%add3A_859] : memref<3200xi32, #tpu.memory_space<vmem>>[vector<16xi32>], vector<16xi32>,
      %gather3A_860 = tpu.vector_load_idx %arg21[%gather3A] : memref<1024xf32, #tpu.memory_space<vmem>>[vector<16xi32>], vector<16xf32>,
      %mul3A_861 = arith.constant 16 : i32
      %mul3A_862 = arith.muli %scan3A_853, %mul3A_861 : i32
      %swap3A = arith.index_cast %mul3A_862 : i32 to index
      %swap3A_863 = tpu.vector_load %arg16[%swap3A] {strides = array<i32>} : memref<128xf32, #tpu.memory_space<vmem>>, vector<16xf32>,
      tpu.vector_store %arg16[%swap3A], %gather3A_860 {strides = array<i32>} : memref<128xf32, #tpu.memory_space<vmem>>, vector<16xf32>,
      %gather3A_864 = tpu.vector_load_idx %arg22[%gather3A] : memref<1024xf32, #tpu.memory_space<vmem>>[vector<16xi32>], vector<16xf32>,
      %mul3A_865 = arith.constant 16 : i32
      %mul3A_866 = arith.muli %scan3A_853, %mul3A_865 : i32
      %swap3A_867 = arith.index_cast %mul3A_866 : i32 to index
      %swap3A_868 = tpu.vector_load %arg19[%swap3A_867] {strides = array<i32>} : memref<128xf32, #tpu.memory_space<vmem>>, vector<16xf32>,
      tpu.vector_store %arg19[%swap3A_867], %gather3A_864 {strides = array<i32>} : memref<128xf32, #tpu.memory_space<vmem>>, vector<16xf32>,
    }
    %scan3A_252 = arith.constant 8 : i32
    %dma_start3A_253 = arith.constant 0 : i32
    %dma_start3A_254 = tpu.memref_slice %arg6[%add3A_237, %dma_start3A_253] : memref<100000x128xf32, #tpu.memory_space<hbm>> -> memref<128x128xf32, #tpu.memory_space<hbm>>
    %dma_start3A_255 = arith.constant 0 : i32
    %dma_start3A_256 = tpu.memref_slice %arg6[%add3A_237, %dma_start3A_255] : memref<100000x128xf32, #tpu.memory_space<hbm>> -> memref<128x128xf32, #tpu.memory_space<hbm>>
    tpu.enqueue_dma source(%arg12 : memref<128x128xf32, #tpu.memory_space<vmem>>) target(%dma_start3A_256 : memref<128x128xf32, #tpu.memory_space<hbm>>) target_semaphore(%arg30 : memref<!tpu.dma_semaphore, #tpu.memory_space<semaphore_mem>>)
    %dma_start3A_257 = tpu.memref_slice %arg7[%add3A_237] : memref<100000xf32, #tpu.memory_space<hbm>> -> memref<128xf32, #tpu.memory_space<hbm>>
    %dma_start3A_258 = tpu.memref_slice %arg7[%add3A_237] : memref<100000xf32, #tpu.memory_space<hbm>> -> memref<128xf32, #tpu.memory_space<hbm>>
    tpu.enqueue_dma source(%arg16 : memref<128xf32, #tpu.memory_space<vmem>>) target(%dma_start3A_258 : memref<128xf32, #tpu.memory_space<hbm>>) target_semaphore(%arg34 : memref<!tpu.dma_semaphore, #tpu.memory_space<semaphore_mem>>)
    %dma_start3A_259 = tpu.memref_slice %arg8[%add3A_237] : memref<100000xf32, #tpu.memory_space<hbm>> -> memref<128xf32, #tpu.memory_space<hbm>>
    %dma_start3A_260 = tpu.memref_slice %arg8[%add3A_237] : memref<100000xf32, #tpu.memory_space<hbm>> -> memref<128xf32, #tpu.memory_space<hbm>>
    tpu.enqueue_dma source(%arg19 : memref<128xf32, #tpu.memory_space<vmem>>) target(%dma_start3A_260 : memref<128xf32, #tpu.memory_space<hbm>>) target_semaphore(%arg37 : memref<!tpu.dma_semaphore, #tpu.memory_space<semaphore_mem>>)
    %dma_wait3A_261 = arith.constant 0 : i32
    %dma_wait3A_262 = tpu.memref_slice %arg6[%add3A_169, %dma_wait3A_261] : memref<100000x128xf32, #tpu.memory_space<hbm>> -> memref<128x128xf32, #tpu.memory_space<hbm>>
    %dma_wait3A_263 = arith.constant 0 : i32
    %dma_wait3A_264 = tpu.memref_slice %arg6[%add3A_169, %dma_wait3A_263] : memref<100000x128xf32, #tpu.memory_space<hbm>> -> memref<128x128xf32, #tpu.memory_space<hbm>>
    tpu.wait_dma2 semaphore(%arg28 : memref<!tpu.dma_semaphore, #tpu.memory_space<semaphore_mem>>) src(%arg10 : memref<128x128xf32, #tpu.memory_space<vmem>>) dst(%dma_wait3A_264 : memref<128x128xf32, #tpu.memory_space<hbm>>)
    %dma_start3A_265 = arith.constant 1280 : i32
    %dma_start3A_266 = tpu.memref_slice %arg9[%dma_start3A_265] : memref<3200xi32, #tpu.memory_space<vmem>> -> memref<128xi32, #tpu.memory_space<vmem>>
    %dma_start3A_267 = arith.constant 0 : i32
    %dma_start3A_268 = arith.constant 0 : i32
    %dma_start3A_269 = tpu.memref_slice %arg39[%dma_start3A_267, %dma_start3A_268] : memref<1024x128xf32, #tpu.memory_space<vmem_shared>> -> memref<1024x128xf32, #tpu.memory_space<vmem_shared>>
    tpu.enqueue_indirect_dma source(%dma_start3A_269 : memref<1024x128xf32, #tpu.memory_space<vmem_shared>>) target(%arg10 : memref<128x128xf32, #tpu.memory_space<vmem>>) offsets(%dma_start3A_266 : memref<128xi32, #tpu.memory_space<vmem>>) semaphore(%arg23 : memref<!tpu.dma_semaphore, #tpu.memory_space<semaphore_mem>>)
    %add3A_270 = arith.constant 1024 : i32
    %add3A_271 = arith.addi %min3A_3, %add3A_270 : i32
    %dma_wait3A_272 = arith.constant 1024 : i32
    %dma_wait3A_273 = tpu.memref_slice %arg9[%dma_wait3A_272] : memref<3200xi32, #tpu.memory_space<vmem>> -> memref<128xi32, #tpu.memory_space<vmem>>
    %dma_wait3A_274 = arith.constant 0 : i32
    %dma_wait3A_275 = arith.constant 0 : i32
    %dma_wait3A_276 = tpu.memref_slice %arg39[%dma_wait3A_274, %dma_wait3A_275] : memref<1024x128xf32, #tpu.memory_space<vmem_shared>> -> memref<1024x128xf32, #tpu.memory_space<vmem_shared>>
    tpu.wait_indirect_dma semaphore(%arg26 : memref<!tpu.dma_semaphore, #tpu.memory_space<semaphore_mem>>) src(%dma_wait3A_276 : memref<1024x128xf32, #tpu.memory_space<vmem_shared>>) dst(%arg13 : memref<128x128xf32, #tpu.memory_space<vmem>>)
    %dma_wait3A_277 = tpu.memref_slice %arg7[%add3A_169] : memref<100000xf32, #tpu.memory_space<hbm>> -> memref<128xf32, #tpu.memory_space<hbm>>
    %dma_wait3A_278 = tpu.memref_slice %arg7[%add3A_169] : memref<100000xf32, #tpu.memory_space<hbm>> -> memref<128xf32, #tpu.memory_space<hbm>>
    tpu.wait_dma2 semaphore(%arg35 : memref<!tpu.dma_semaphore, #tpu.memory_space<semaphore_mem>>) src(%arg17 : memref<128xf32, #tpu.memory_space<vmem>>) dst(%dma_wait3A_278 : memref<128xf32, #tpu.memory_space<hbm>>)
    %dma_wait3A_279 = tpu.memref_slice %arg8[%add3A_169] : memref<100000xf32, #tpu.memory_space<hbm>> -> memref<128xf32, #tpu.memory_space<hbm>>
    %dma_wait3A_280 = tpu.memref_slice %arg8[%add3A_169] : memref<100000xf32, #tpu.memory_space<hbm>> -> memref<128xf32, #tpu.memory_space<hbm>>
    tpu.wait_dma2 semaphore(%arg38 : memref<!tpu.dma_semaphore, #tpu.memory_space<semaphore_mem>>) src(%arg20 : memref<128xf32, #tpu.memory_space<vmem>>) dst(%dma_wait3A_280 : memref<128xf32, #tpu.memory_space<hbm>>)
    %scan3A_281 = arith.constant 0 : i32
    %scan3A_282 = arith.constant 0 : i32
    %scan3A_283 = arith.constant 8 : i32
    %scan3A_284 = arith.addi %scan3A_282, %scan3A_283 : i32
    %scan3A_285 = arith.constant 1 : i32
    scf.for %scan3A_853 = %scan3A_282 to %scan3A_284 step %scan3A_285  : i32 {
      %mul3A_854 = arith.constant 16 : i32
      %mul3A_855 = arith.muli %scan3A_853, %mul3A_854 : i32
      %add3A_856 = arith.constant 1024 : i32
      %add3A_857 = arith.addi %add3A_856, %mul3A_855 : i32
      %add3A_858 = vector.broadcast %add3A_857 : i32 to vector<16xi32>
      %add3A_859 = arith.addi %add3A_858, %iota3A : vector<16xi32>
      %gather3A = tpu.vector_load_idx %arg9[%add3A_859] : memref<3200xi32, #tpu.memory_space<vmem>>[vector<16xi32>], vector<16xi32>,
      %gather3A_860 = tpu.vector_load_idx %arg21[%gather3A] : memref<1024xf32, #tpu.memory_space<vmem>>[vector<16xi32>], vector<16xf32>,
      %mul3A_861 = arith.constant 16 : i32
      %mul3A_862 = arith.muli %scan3A_853, %mul3A_861 : i32
      %swap3A = arith.index_cast %mul3A_862 : i32 to index
      %swap3A_863 = tpu.vector_load %arg17[%swap3A] {strides = array<i32>} : memref<128xf32, #tpu.memory_space<vmem>>, vector<16xf32>,
      tpu.vector_store %arg17[%swap3A], %gather3A_860 {strides = array<i32>} : memref<128xf32, #tpu.memory_space<vmem>>, vector<16xf32>,
      %gather3A_864 = tpu.vector_load_idx %arg22[%gather3A] : memref<1024xf32, #tpu.memory_space<vmem>>[vector<16xi32>], vector<16xf32>,
      %mul3A_865 = arith.constant 16 : i32
      %mul3A_866 = arith.muli %scan3A_853, %mul3A_865 : i32
      %swap3A_867 = arith.index_cast %mul3A_866 : i32 to index
      %swap3A_868 = tpu.vector_load %arg20[%swap3A_867] {strides = array<i32>} : memref<128xf32, #tpu.memory_space<vmem>>, vector<16xf32>,
      tpu.vector_store %arg20[%swap3A_867], %gather3A_864 {strides = array<i32>} : memref<128xf32, #tpu.memory_space<vmem>>, vector<16xf32>,
    }
    %scan3A_286 = arith.constant 8 : i32
    %dma_start3A_287 = arith.constant 0 : i32
    %dma_start3A_288 = tpu.memref_slice %arg6[%add3A_271, %dma_start3A_287] : memref<100000x128xf32, #tpu.memory_space<hbm>> -> memref<128x128xf32, #tpu.memory_space<hbm>>
    %dma_start3A_289 = arith.constant 0 : i32
    %dma_start3A_290 = tpu.memref_slice %arg6[%add3A_271, %dma_start3A_289] : memref<100000x128xf32, #tpu.memory_space<hbm>> -> memref<128x128xf32, #tpu.memory_space<hbm>>
    tpu.enqueue_dma source(%arg13 : memref<128x128xf32, #tpu.memory_space<vmem>>) target(%dma_start3A_290 : memref<128x128xf32, #tpu.memory_space<hbm>>) target_semaphore(%arg31 : memref<!tpu.dma_semaphore, #tpu.memory_space<semaphore_mem>>)
    %dma_start3A_291 = tpu.memref_slice %arg7[%add3A_271] : memref<100000xf32, #tpu.memory_space<hbm>> -> memref<128xf32, #tpu.memory_space<hbm>>
    %dma_start3A_292 = tpu.memref_slice %arg7[%add3A_271] : memref<100000xf32, #tpu.memory_space<hbm>> -> memref<128xf32, #tpu.memory_space<hbm>>
    tpu.enqueue_dma source(%arg17 : memref<128xf32, #tpu.memory_space<vmem>>) target(%dma_start3A_292 : memref<128xf32, #tpu.memory_space<hbm>>) target_semaphore(%arg35 : memref<!tpu.dma_semaphore, #tpu.memory_space<semaphore_mem>>)
    %dma_start3A_293 = tpu.memref_slice %arg8[%add3A_271] : memref<100000xf32, #tpu.memory_space<hbm>> -> memref<128xf32, #tpu.memory_space<hbm>>
    %dma_start3A_294 = tpu.memref_slice %arg8[%add3A_271] : memref<100000xf32, #tpu.memory_space<hbm>> -> memref<128xf32, #tpu.memory_space<hbm>>
    tpu.enqueue_dma source(%arg20 : memref<128xf32, #tpu.memory_space<vmem>>) target(%dma_start3A_294 : memref<128xf32, #tpu.memory_space<hbm>>) target_semaphore(%arg38 : memref<!tpu.dma_semaphore, #tpu.memory_space<semaphore_mem>>)
    %dma_wait3A_295 = arith.constant 0 : i32
    %dma_wait3A_296 = tpu.memref_slice %arg6[%add3A_203, %dma_wait3A_295] : memref<100000x128xf32, #tpu.memory_space<hbm>> -> memref<128x128xf32, #tpu.memory_space<hbm>>
    %dma_wait3A_297 = arith.constant 0 : i32
    %dma_wait3A_298 = tpu.memref_slice %arg6[%add3A_203, %dma_wait3A_297] : memref<100000x128xf32, #tpu.memory_space<hbm>> -> memref<128x128xf32, #tpu.memory_space<hbm>>
    tpu.wait_dma2 semaphore(%arg29 : memref<!tpu.dma_semaphore, #tpu.memory_space<semaphore_mem>>) src(%arg11 : memref<128x128xf32, #tpu.memory_space<vmem>>) dst(%dma_wait3A_298 : memref<128x128xf32, #tpu.memory_space<hbm>>)
    %dma_start3A_299 = arith.constant 1408 : i32
    %dma_start3A_300 = tpu.memref_slice %arg9[%dma_start3A_299] : memref<3200xi32, #tpu.memory_space<vmem>> -> memref<128xi32, #tpu.memory_space<vmem>>
    %dma_start3A_301 = arith.constant 0 : i32
    %dma_start3A_302 = arith.constant 0 : i32
    %dma_start3A_303 = tpu.memref_slice %arg39[%dma_start3A_301, %dma_start3A_302] : memref<1024x128xf32, #tpu.memory_space<vmem_shared>> -> memref<1024x128xf32, #tpu.memory_space<vmem_shared>>
    tpu.enqueue_indirect_dma source(%dma_start3A_303 : memref<1024x128xf32, #tpu.memory_space<vmem_shared>>) target(%arg11 : memref<128x128xf32, #tpu.memory_space<vmem>>) offsets(%dma_start3A_300 : memref<128xi32, #tpu.memory_space<vmem>>) semaphore(%arg24 : memref<!tpu.dma_semaphore, #tpu.memory_space<semaphore_mem>>)
    %add3A_304 = arith.constant 1152 : i32
    %add3A_305 = arith.addi %min3A_3, %add3A_304 : i32
    %dma_wait3A_306 = arith.constant 1152 : i32
    %dma_wait3A_307 = tpu.memref_slice %arg9[%dma_wait3A_306] : memref<3200xi32, #tpu.memory_space<vmem>> -> memref<128xi32, #tpu.memory_space<vmem>>
    %dma_wait3A_308 = arith.constant 0 : i32
    %dma_wait3A_309 = arith.constant 0 : i32
    %dma_wait3A_310 = tpu.memref_slice %arg39[%dma_wait3A_308, %dma_wait3A_309] : memref<1024x128xf32, #tpu.memory_space<vmem_shared>> -> memref<1024x128xf32, #tpu.memory_space<vmem_shared>>
    tpu.wait_indirect_dma semaphore(%arg27 : memref<!tpu.dma_semaphore, #tpu.memory_space<semaphore_mem>>) src(%dma_wait3A_310 : memref<1024x128xf32, #tpu.memory_space<vmem_shared>>) dst(%arg14 : memref<128x128xf32, #tpu.memory_space<vmem>>)
    %dma_wait3A_311 = tpu.memref_slice %arg7[%add3A_203] : memref<100000xf32, #tpu.memory_space<hbm>> -> memref<128xf32, #tpu.memory_space<hbm>>
    %dma_wait3A_312 = tpu.memref_slice %arg7[%add3A_203] : memref<100000xf32, #tpu.memory_space<hbm>> -> memref<128xf32, #tpu.memory_space<hbm>>
    tpu.wait_dma2 semaphore(%arg33 : memref<!tpu.dma_semaphore, #tpu.memory_space<semaphore_mem>>) src(%arg15 : memref<128xf32, #tpu.memory_space<vmem>>) dst(%dma_wait3A_312 : memref<128xf32, #tpu.memory_space<hbm>>)
    %dma_wait3A_313 = tpu.memref_slice %arg8[%add3A_203] : memref<100000xf32, #tpu.memory_space<hbm>> -> memref<128xf32, #tpu.memory_space<hbm>>
    %dma_wait3A_314 = tpu.memref_slice %arg8[%add3A_203] : memref<100000xf32, #tpu.memory_space<hbm>> -> memref<128xf32, #tpu.memory_space<hbm>>
    tpu.wait_dma2 semaphore(%arg36 : memref<!tpu.dma_semaphore, #tpu.memory_space<semaphore_mem>>) src(%arg18 : memref<128xf32, #tpu.memory_space<vmem>>) dst(%dma_wait3A_314 : memref<128xf32, #tpu.memory_space<hbm>>)
    %scan3A_315 = arith.constant 0 : i32
    %scan3A_316 = arith.constant 0 : i32
    %scan3A_317 = arith.constant 8 : i32
    %scan3A_318 = arith.addi %scan3A_316, %scan3A_317 : i32
    %scan3A_319 = arith.constant 1 : i32
    scf.for %scan3A_853 = %scan3A_316 to %scan3A_318 step %scan3A_319  : i32 {
      %mul3A_854 = arith.constant 16 : i32
      %mul3A_855 = arith.muli %scan3A_853, %mul3A_854 : i32
      %add3A_856 = arith.constant 1152 : i32
      %add3A_857 = arith.addi %add3A_856, %mul3A_855 : i32
      %add3A_858 = vector.broadcast %add3A_857 : i32 to vector<16xi32>
      %add3A_859 = arith.addi %add3A_858, %iota3A : vector<16xi32>
      %gather3A = tpu.vector_load_idx %arg9[%add3A_859] : memref<3200xi32, #tpu.memory_space<vmem>>[vector<16xi32>], vector<16xi32>,
      %gather3A_860 = tpu.vector_load_idx %arg21[%gather3A] : memref<1024xf32, #tpu.memory_space<vmem>>[vector<16xi32>], vector<16xf32>,
      %mul3A_861 = arith.constant 16 : i32
      %mul3A_862 = arith.muli %scan3A_853, %mul3A_861 : i32
      %swap3A = arith.index_cast %mul3A_862 : i32 to index
      %swap3A_863 = tpu.vector_load %arg15[%swap3A] {strides = array<i32>} : memref<128xf32, #tpu.memory_space<vmem>>, vector<16xf32>,
      tpu.vector_store %arg15[%swap3A], %gather3A_860 {strides = array<i32>} : memref<128xf32, #tpu.memory_space<vmem>>, vector<16xf32>,
      %gather3A_864 = tpu.vector_load_idx %arg22[%gather3A] : memref<1024xf32, #tpu.memory_space<vmem>>[vector<16xi32>], vector<16xf32>,
      %mul3A_865 = arith.constant 16 : i32
      %mul3A_866 = arith.muli %scan3A_853, %mul3A_865 : i32
      %swap3A_867 = arith.index_cast %mul3A_866 : i32 to index
      %swap3A_868 = tpu.vector_load %arg18[%swap3A_867] {strides = array<i32>} : memref<128xf32, #tpu.memory_space<vmem>>, vector<16xf32>,
      tpu.vector_store %arg18[%swap3A_867], %gather3A_864 {strides = array<i32>} : memref<128xf32, #tpu.memory_space<vmem>>, vector<16xf32>,
    }
    %scan3A_320 = arith.constant 8 : i32
    %dma_start3A_321 = arith.constant 0 : i32
    %dma_start3A_322 = tpu.memref_slice %arg6[%add3A_305, %dma_start3A_321] : memref<100000x128xf32, #tpu.memory_space<hbm>> -> memref<128x128xf32, #tpu.memory_space<hbm>>
    %dma_start3A_323 = arith.constant 0 : i32
    %dma_start3A_324 = tpu.memref_slice %arg6[%add3A_305, %dma_start3A_323] : memref<100000x128xf32, #tpu.memory_space<hbm>> -> memref<128x128xf32, #tpu.memory_space<hbm>>
    tpu.enqueue_dma source(%arg14 : memref<128x128xf32, #tpu.memory_space<vmem>>) target(%dma_start3A_324 : memref<128x128xf32, #tpu.memory_space<hbm>>) target_semaphore(%arg32 : memref<!tpu.dma_semaphore, #tpu.memory_space<semaphore_mem>>)
    %dma_start3A_325 = tpu.memref_slice %arg7[%add3A_305] : memref<100000xf32, #tpu.memory_space<hbm>> -> memref<128xf32, #tpu.memory_space<hbm>>
    %dma_start3A_326 = tpu.memref_slice %arg7[%add3A_305] : memref<100000xf32, #tpu.memory_space<hbm>> -> memref<128xf32, #tpu.memory_space<hbm>>
    tpu.enqueue_dma source(%arg15 : memref<128xf32, #tpu.memory_space<vmem>>) target(%dma_start3A_326 : memref<128xf32, #tpu.memory_space<hbm>>) target_semaphore(%arg33 : memref<!tpu.dma_semaphore, #tpu.memory_space<semaphore_mem>>)
    %dma_start3A_327 = tpu.memref_slice %arg8[%add3A_305] : memref<100000xf32, #tpu.memory_space<hbm>> -> memref<128xf32, #tpu.memory_space<hbm>>
    %dma_start3A_328 = tpu.memref_slice %arg8[%add3A_305] : memref<100000xf32, #tpu.memory_space<hbm>> -> memref<128xf32, #tpu.memory_space<hbm>>
    tpu.enqueue_dma source(%arg18 : memref<128xf32, #tpu.memory_space<vmem>>) target(%dma_start3A_328 : memref<128xf32, #tpu.memory_space<hbm>>) target_semaphore(%arg36 : memref<!tpu.dma_semaphore, #tpu.memory_space<semaphore_mem>>)
    %dma_wait3A_329 = arith.constant 0 : i32
    %dma_wait3A_330 = tpu.memref_slice %arg6[%add3A_237, %dma_wait3A_329] : memref<100000x128xf32, #tpu.memory_space<hbm>> -> memref<128x128xf32, #tpu.memory_space<hbm>>
    %dma_wait3A_331 = arith.constant 0 : i32
    %dma_wait3A_332 = tpu.memref_slice %arg6[%add3A_237, %dma_wait3A_331] : memref<100000x128xf32, #tpu.memory_space<hbm>> -> memref<128x128xf32, #tpu.memory_space<hbm>>
    tpu.wait_dma2 semaphore(%arg30 : memref<!tpu.dma_semaphore, #tpu.memory_space<semaphore_mem>>) src(%arg12 : memref<128x128xf32, #tpu.memory_space<vmem>>) dst(%dma_wait3A_332 : memref<128x128xf32, #tpu.memory_space<hbm>>)
    %dma_start3A_333 = arith.constant 1536 : i32
    %dma_start3A_334 = tpu.memref_slice %arg9[%dma_start3A_333] : memref<3200xi32, #tpu.memory_space<vmem>> -> memref<128xi32, #tpu.memory_space<vmem>>
    %dma_start3A_335 = arith.constant 0 : i32
    %dma_start3A_336 = arith.constant 0 : i32
    %dma_start3A_337 = tpu.memref_slice %arg39[%dma_start3A_335, %dma_start3A_336] : memref<1024x128xf32, #tpu.memory_space<vmem_shared>> -> memref<1024x128xf32, #tpu.memory_space<vmem_shared>>
    tpu.enqueue_indirect_dma source(%dma_start3A_337 : memref<1024x128xf32, #tpu.memory_space<vmem_shared>>) target(%arg12 : memref<128x128xf32, #tpu.memory_space<vmem>>) offsets(%dma_start3A_334 : memref<128xi32, #tpu.memory_space<vmem>>) semaphore(%arg25 : memref<!tpu.dma_semaphore, #tpu.memory_space<semaphore_mem>>)
    %add3A_338 = arith.constant 1280 : i32
    %add3A_339 = arith.addi %min3A_3, %add3A_338 : i32
    %dma_wait3A_340 = arith.constant 1280 : i32
    %dma_wait3A_341 = tpu.memref_slice %arg9[%dma_wait3A_340] : memref<3200xi32, #tpu.memory_space<vmem>> -> memref<128xi32, #tpu.memory_space<vmem>>
    %dma_wait3A_342 = arith.constant 0 : i32
    %dma_wait3A_343 = arith.constant 0 : i32
    %dma_wait3A_344 = tpu.memref_slice %arg39[%dma_wait3A_342, %dma_wait3A_343] : memref<1024x128xf32, #tpu.memory_space<vmem_shared>> -> memref<1024x128xf32, #tpu.memory_space<vmem_shared>>
    tpu.wait_indirect_dma semaphore(%arg23 : memref<!tpu.dma_semaphore, #tpu.memory_space<semaphore_mem>>) src(%dma_wait3A_344 : memref<1024x128xf32, #tpu.memory_space<vmem_shared>>) dst(%arg10 : memref<128x128xf32, #tpu.memory_space<vmem>>)
    %dma_wait3A_345 = tpu.memref_slice %arg7[%add3A_237] : memref<100000xf32, #tpu.memory_space<hbm>> -> memref<128xf32, #tpu.memory_space<hbm>>
    %dma_wait3A_346 = tpu.memref_slice %arg7[%add3A_237] : memref<100000xf32, #tpu.memory_space<hbm>> -> memref<128xf32, #tpu.memory_space<hbm>>
    tpu.wait_dma2 semaphore(%arg34 : memref<!tpu.dma_semaphore, #tpu.memory_space<semaphore_mem>>) src(%arg16 : memref<128xf32, #tpu.memory_space<vmem>>) dst(%dma_wait3A_346 : memref<128xf32, #tpu.memory_space<hbm>>)
    %dma_wait3A_347 = tpu.memref_slice %arg8[%add3A_237] : memref<100000xf32, #tpu.memory_space<hbm>> -> memref<128xf32, #tpu.memory_space<hbm>>
    %dma_wait3A_348 = tpu.memref_slice %arg8[%add3A_237] : memref<100000xf32, #tpu.memory_space<hbm>> -> memref<128xf32, #tpu.memory_space<hbm>>
    tpu.wait_dma2 semaphore(%arg37 : memref<!tpu.dma_semaphore, #tpu.memory_space<semaphore_mem>>) src(%arg19 : memref<128xf32, #tpu.memory_space<vmem>>) dst(%dma_wait3A_348 : memref<128xf32, #tpu.memory_space<hbm>>)
    %scan3A_349 = arith.constant 0 : i32
    %scan3A_350 = arith.constant 0 : i32
    %scan3A_351 = arith.constant 8 : i32
    %scan3A_352 = arith.addi %scan3A_350, %scan3A_351 : i32
    %scan3A_353 = arith.constant 1 : i32
    scf.for %scan3A_853 = %scan3A_350 to %scan3A_352 step %scan3A_353  : i32 {
      %mul3A_854 = arith.constant 16 : i32
      %mul3A_855 = arith.muli %scan3A_853, %mul3A_854 : i32
      %add3A_856 = arith.constant 1280 : i32
      %add3A_857 = arith.addi %add3A_856, %mul3A_855 : i32
      %add3A_858 = vector.broadcast %add3A_857 : i32 to vector<16xi32>
      %add3A_859 = arith.addi %add3A_858, %iota3A : vector<16xi32>
      %gather3A = tpu.vector_load_idx %arg9[%add3A_859] : memref<3200xi32, #tpu.memory_space<vmem>>[vector<16xi32>], vector<16xi32>,
      %gather3A_860 = tpu.vector_load_idx %arg21[%gather3A] : memref<1024xf32, #tpu.memory_space<vmem>>[vector<16xi32>], vector<16xf32>,
      %mul3A_861 = arith.constant 16 : i32
      %mul3A_862 = arith.muli %scan3A_853, %mul3A_861 : i32
      %swap3A = arith.index_cast %mul3A_862 : i32 to index
      %swap3A_863 = tpu.vector_load %arg16[%swap3A] {strides = array<i32>} : memref<128xf32, #tpu.memory_space<vmem>>, vector<16xf32>,
      tpu.vector_store %arg16[%swap3A], %gather3A_860 {strides = array<i32>} : memref<128xf32, #tpu.memory_space<vmem>>, vector<16xf32>,
      %gather3A_864 = tpu.vector_load_idx %arg22[%gather3A] : memref<1024xf32, #tpu.memory_space<vmem>>[vector<16xi32>], vector<16xf32>,
      %mul3A_865 = arith.constant 16 : i32
      %mul3A_866 = arith.muli %scan3A_853, %mul3A_865 : i32
      %swap3A_867 = arith.index_cast %mul3A_866 : i32 to index
      %swap3A_868 = tpu.vector_load %arg19[%swap3A_867] {strides = array<i32>} : memref<128xf32, #tpu.memory_space<vmem>>, vector<16xf32>,
      tpu.vector_store %arg19[%swap3A_867], %gather3A_864 {strides = array<i32>} : memref<128xf32, #tpu.memory_space<vmem>>, vector<16xf32>,
    }
    %scan3A_354 = arith.constant 8 : i32
    %dma_start3A_355 = arith.constant 0 : i32
    %dma_start3A_356 = tpu.memref_slice %arg6[%add3A_339, %dma_start3A_355] : memref<100000x128xf32, #tpu.memory_space<hbm>> -> memref<128x128xf32, #tpu.memory_space<hbm>>
    %dma_start3A_357 = arith.constant 0 : i32
    %dma_start3A_358 = tpu.memref_slice %arg6[%add3A_339, %dma_start3A_357] : memref<100000x128xf32, #tpu.memory_space<hbm>> -> memref<128x128xf32, #tpu.memory_space<hbm>>
    tpu.enqueue_dma source(%arg10 : memref<128x128xf32, #tpu.memory_space<vmem>>) target(%dma_start3A_358 : memref<128x128xf32, #tpu.memory_space<hbm>>) target_semaphore(%arg28 : memref<!tpu.dma_semaphore, #tpu.memory_space<semaphore_mem>>)
    %dma_start3A_359 = tpu.memref_slice %arg7[%add3A_339] : memref<100000xf32, #tpu.memory_space<hbm>> -> memref<128xf32, #tpu.memory_space<hbm>>
    %dma_start3A_360 = tpu.memref_slice %arg7[%add3A_339] : memref<100000xf32, #tpu.memory_space<hbm>> -> memref<128xf32, #tpu.memory_space<hbm>>
    tpu.enqueue_dma source(%arg16 : memref<128xf32, #tpu.memory_space<vmem>>) target(%dma_start3A_360 : memref<128xf32, #tpu.memory_space<hbm>>) target_semaphore(%arg34 : memref<!tpu.dma_semaphore, #tpu.memory_space<semaphore_mem>>)
    %dma_start3A_361 = tpu.memref_slice %arg8[%add3A_339] : memref<100000xf32, #tpu.memory_space<hbm>> -> memref<128xf32, #tpu.memory_space<hbm>>
    %dma_start3A_362 = tpu.memref_slice %arg8[%add3A_339] : memref<100000xf32, #tpu.memory_space<hbm>> -> memref<128xf32, #tpu.memory_space<hbm>>
    tpu.enqueue_dma source(%arg19 : memref<128xf32, #tpu.memory_space<vmem>>) target(%dma_start3A_362 : memref<128xf32, #tpu.memory_space<hbm>>) target_semaphore(%arg37 : memref<!tpu.dma_semaphore, #tpu.memory_space<semaphore_mem>>)
    %dma_wait3A_363 = arith.constant 0 : i32
    %dma_wait3A_364 = tpu.memref_slice %arg6[%add3A_271, %dma_wait3A_363] : memref<100000x128xf32, #tpu.memory_space<hbm>> -> memref<128x128xf32, #tpu.memory_space<hbm>>
    %dma_wait3A_365 = arith.constant 0 : i32
    %dma_wait3A_366 = tpu.memref_slice %arg6[%add3A_271, %dma_wait3A_365] : memref<100000x128xf32, #tpu.memory_space<hbm>> -> memref<128x128xf32, #tpu.memory_space<hbm>>
    tpu.wait_dma2 semaphore(%arg31 : memref<!tpu.dma_semaphore, #tpu.memory_space<semaphore_mem>>) src(%arg13 : memref<128x128xf32, #tpu.memory_space<vmem>>) dst(%dma_wait3A_366 : memref<128x128xf32, #tpu.memory_space<hbm>>)
    %dma_start3A_367 = arith.constant 1664 : i32
    %dma_start3A_368 = tpu.memref_slice %arg9[%dma_start3A_367] : memref<3200xi32, #tpu.memory_space<vmem>> -> memref<128xi32, #tpu.memory_space<vmem>>
    %dma_start3A_369 = arith.constant 0 : i32
    %dma_start3A_370 = arith.constant 0 : i32
    %dma_start3A_371 = tpu.memref_slice %arg39[%dma_start3A_369, %dma_start3A_370] : memref<1024x128xf32, #tpu.memory_space<vmem_shared>> -> memref<1024x128xf32, #tpu.memory_space<vmem_shared>>
    tpu.enqueue_indirect_dma source(%dma_start3A_371 : memref<1024x128xf32, #tpu.memory_space<vmem_shared>>) target(%arg13 : memref<128x128xf32, #tpu.memory_space<vmem>>) offsets(%dma_start3A_368 : memref<128xi32, #tpu.memory_space<vmem>>) semaphore(%arg26 : memref<!tpu.dma_semaphore, #tpu.memory_space<semaphore_mem>>)
    %add3A_372 = arith.constant 1408 : i32
    %add3A_373 = arith.addi %min3A_3, %add3A_372 : i32
    %dma_wait3A_374 = arith.constant 1408 : i32
    %dma_wait3A_375 = tpu.memref_slice %arg9[%dma_wait3A_374] : memref<3200xi32, #tpu.memory_space<vmem>> -> memref<128xi32, #tpu.memory_space<vmem>>
    %dma_wait3A_376 = arith.constant 0 : i32
    %dma_wait3A_377 = arith.constant 0 : i32
    %dma_wait3A_378 = tpu.memref_slice %arg39[%dma_wait3A_376, %dma_wait3A_377] : memref<1024x128xf32, #tpu.memory_space<vmem_shared>> -> memref<1024x128xf32, #tpu.memory_space<vmem_shared>>
    tpu.wait_indirect_dma semaphore(%arg24 : memref<!tpu.dma_semaphore, #tpu.memory_space<semaphore_mem>>) src(%dma_wait3A_378 : memref<1024x128xf32, #tpu.memory_space<vmem_shared>>) dst(%arg11 : memref<128x128xf32, #tpu.memory_space<vmem>>)
    %dma_wait3A_379 = tpu.memref_slice %arg7[%add3A_271] : memref<100000xf32, #tpu.memory_space<hbm>> -> memref<128xf32, #tpu.memory_space<hbm>>
    %dma_wait3A_380 = tpu.memref_slice %arg7[%add3A_271] : memref<100000xf32, #tpu.memory_space<hbm>> -> memref<128xf32, #tpu.memory_space<hbm>>
    tpu.wait_dma2 semaphore(%arg35 : memref<!tpu.dma_semaphore, #tpu.memory_space<semaphore_mem>>) src(%arg17 : memref<128xf32, #tpu.memory_space<vmem>>) dst(%dma_wait3A_380 : memref<128xf32, #tpu.memory_space<hbm>>)
    %dma_wait3A_381 = tpu.memref_slice %arg8[%add3A_271] : memref<100000xf32, #tpu.memory_space<hbm>> -> memref<128xf32, #tpu.memory_space<hbm>>
    %dma_wait3A_382 = tpu.memref_slice %arg8[%add3A_271] : memref<100000xf32, #tpu.memory_space<hbm>> -> memref<128xf32, #tpu.memory_space<hbm>>
    tpu.wait_dma2 semaphore(%arg38 : memref<!tpu.dma_semaphore, #tpu.memory_space<semaphore_mem>>) src(%arg20 : memref<128xf32, #tpu.memory_space<vmem>>) dst(%dma_wait3A_382 : memref<128xf32, #tpu.memory_space<hbm>>)
    %scan3A_383 = arith.constant 0 : i32
    %scan3A_384 = arith.constant 0 : i32
    %scan3A_385 = arith.constant 8 : i32
    %scan3A_386 = arith.addi %scan3A_384, %scan3A_385 : i32
    %scan3A_387 = arith.constant 1 : i32
    scf.for %scan3A_853 = %scan3A_384 to %scan3A_386 step %scan3A_387  : i32 {
      %mul3A_854 = arith.constant 16 : i32
      %mul3A_855 = arith.muli %scan3A_853, %mul3A_854 : i32
      %add3A_856 = arith.constant 1408 : i32
      %add3A_857 = arith.addi %add3A_856, %mul3A_855 : i32
      %add3A_858 = vector.broadcast %add3A_857 : i32 to vector<16xi32>
      %add3A_859 = arith.addi %add3A_858, %iota3A : vector<16xi32>
      %gather3A = tpu.vector_load_idx %arg9[%add3A_859] : memref<3200xi32, #tpu.memory_space<vmem>>[vector<16xi32>], vector<16xi32>,
      %gather3A_860 = tpu.vector_load_idx %arg21[%gather3A] : memref<1024xf32, #tpu.memory_space<vmem>>[vector<16xi32>], vector<16xf32>,
      %mul3A_861 = arith.constant 16 : i32
      %mul3A_862 = arith.muli %scan3A_853, %mul3A_861 : i32
      %swap3A = arith.index_cast %mul3A_862 : i32 to index
      %swap3A_863 = tpu.vector_load %arg17[%swap3A] {strides = array<i32>} : memref<128xf32, #tpu.memory_space<vmem>>, vector<16xf32>,
      tpu.vector_store %arg17[%swap3A], %gather3A_860 {strides = array<i32>} : memref<128xf32, #tpu.memory_space<vmem>>, vector<16xf32>,
      %gather3A_864 = tpu.vector_load_idx %arg22[%gather3A] : memref<1024xf32, #tpu.memory_space<vmem>>[vector<16xi32>], vector<16xf32>,
      %mul3A_865 = arith.constant 16 : i32
      %mul3A_866 = arith.muli %scan3A_853, %mul3A_865 : i32
      %swap3A_867 = arith.index_cast %mul3A_866 : i32 to index
      %swap3A_868 = tpu.vector_load %arg20[%swap3A_867] {strides = array<i32>} : memref<128xf32, #tpu.memory_space<vmem>>, vector<16xf32>,
      tpu.vector_store %arg20[%swap3A_867], %gather3A_864 {strides = array<i32>} : memref<128xf32, #tpu.memory_space<vmem>>, vector<16xf32>,
    }
    %scan3A_388 = arith.constant 8 : i32
    %dma_start3A_389 = arith.constant 0 : i32
    %dma_start3A_390 = tpu.memref_slice %arg6[%add3A_373, %dma_start3A_389] : memref<100000x128xf32, #tpu.memory_space<hbm>> -> memref<128x128xf32, #tpu.memory_space<hbm>>
    %dma_start3A_391 = arith.constant 0 : i32
    %dma_start3A_392 = tpu.memref_slice %arg6[%add3A_373, %dma_start3A_391] : memref<100000x128xf32, #tpu.memory_space<hbm>> -> memref<128x128xf32, #tpu.memory_space<hbm>>
    tpu.enqueue_dma source(%arg11 : memref<128x128xf32, #tpu.memory_space<vmem>>) target(%dma_start3A_392 : memref<128x128xf32, #tpu.memory_space<hbm>>) target_semaphore(%arg29 : memref<!tpu.dma_semaphore, #tpu.memory_space<semaphore_mem>>)
    %dma_start3A_393 = tpu.memref_slice %arg7[%add3A_373] : memref<100000xf32, #tpu.memory_space<hbm>> -> memref<128xf32, #tpu.memory_space<hbm>>
    %dma_start3A_394 = tpu.memref_slice %arg7[%add3A_373] : memref<100000xf32, #tpu.memory_space<hbm>> -> memref<128xf32, #tpu.memory_space<hbm>>
    tpu.enqueue_dma source(%arg17 : memref<128xf32, #tpu.memory_space<vmem>>) target(%dma_start3A_394 : memref<128xf32, #tpu.memory_space<hbm>>) target_semaphore(%arg35 : memref<!tpu.dma_semaphore, #tpu.memory_space<semaphore_mem>>)
    %dma_start3A_395 = tpu.memref_slice %arg8[%add3A_373] : memref<100000xf32, #tpu.memory_space<hbm>> -> memref<128xf32, #tpu.memory_space<hbm>>
    %dma_start3A_396 = tpu.memref_slice %arg8[%add3A_373] : memref<100000xf32, #tpu.memory_space<hbm>> -> memref<128xf32, #tpu.memory_space<hbm>>
    tpu.enqueue_dma source(%arg20 : memref<128xf32, #tpu.memory_space<vmem>>) target(%dma_start3A_396 : memref<128xf32, #tpu.memory_space<hbm>>) target_semaphore(%arg38 : memref<!tpu.dma_semaphore, #tpu.memory_space<semaphore_mem>>)
    %dma_wait3A_397 = arith.constant 0 : i32
    %dma_wait3A_398 = tpu.memref_slice %arg6[%add3A_305, %dma_wait3A_397] : memref<100000x128xf32, #tpu.memory_space<hbm>> -> memref<128x128xf32, #tpu.memory_space<hbm>>
    %dma_wait3A_399 = arith.constant 0 : i32
    %dma_wait3A_400 = tpu.memref_slice %arg6[%add3A_305, %dma_wait3A_399] : memref<100000x128xf32, #tpu.memory_space<hbm>> -> memref<128x128xf32, #tpu.memory_space<hbm>>
    tpu.wait_dma2 semaphore(%arg32 : memref<!tpu.dma_semaphore, #tpu.memory_space<semaphore_mem>>) src(%arg14 : memref<128x128xf32, #tpu.memory_space<vmem>>) dst(%dma_wait3A_400 : memref<128x128xf32, #tpu.memory_space<hbm>>)
    %dma_start3A_401 = arith.constant 1792 : i32
    %dma_start3A_402 = tpu.memref_slice %arg9[%dma_start3A_401] : memref<3200xi32, #tpu.memory_space<vmem>> -> memref<128xi32, #tpu.memory_space<vmem>>
    %dma_start3A_403 = arith.constant 0 : i32
    %dma_start3A_404 = arith.constant 0 : i32
    %dma_start3A_405 = tpu.memref_slice %arg39[%dma_start3A_403, %dma_start3A_404] : memref<1024x128xf32, #tpu.memory_space<vmem_shared>> -> memref<1024x128xf32, #tpu.memory_space<vmem_shared>>
    tpu.enqueue_indirect_dma source(%dma_start3A_405 : memref<1024x128xf32, #tpu.memory_space<vmem_shared>>) target(%arg14 : memref<128x128xf32, #tpu.memory_space<vmem>>) offsets(%dma_start3A_402 : memref<128xi32, #tpu.memory_space<vmem>>) semaphore(%arg27 : memref<!tpu.dma_semaphore, #tpu.memory_space<semaphore_mem>>)
    %add3A_406 = arith.constant 1536 : i32
    %add3A_407 = arith.addi %min3A_3, %add3A_406 : i32
    %dma_wait3A_408 = arith.constant 1536 : i32
    %dma_wait3A_409 = tpu.memref_slice %arg9[%dma_wait3A_408] : memref<3200xi32, #tpu.memory_space<vmem>> -> memref<128xi32, #tpu.memory_space<vmem>>
    %dma_wait3A_410 = arith.constant 0 : i32
    %dma_wait3A_411 = arith.constant 0 : i32
    %dma_wait3A_412 = tpu.memref_slice %arg39[%dma_wait3A_410, %dma_wait3A_411] : memref<1024x128xf32, #tpu.memory_space<vmem_shared>> -> memref<1024x128xf32, #tpu.memory_space<vmem_shared>>
    tpu.wait_indirect_dma semaphore(%arg25 : memref<!tpu.dma_semaphore, #tpu.memory_space<semaphore_mem>>) src(%dma_wait3A_412 : memref<1024x128xf32, #tpu.memory_space<vmem_shared>>) dst(%arg12 : memref<128x128xf32, #tpu.memory_space<vmem>>)
    %dma_wait3A_413 = tpu.memref_slice %arg7[%add3A_305] : memref<100000xf32, #tpu.memory_space<hbm>> -> memref<128xf32, #tpu.memory_space<hbm>>
    %dma_wait3A_414 = tpu.memref_slice %arg7[%add3A_305] : memref<100000xf32, #tpu.memory_space<hbm>> -> memref<128xf32, #tpu.memory_space<hbm>>
    tpu.wait_dma2 semaphore(%arg33 : memref<!tpu.dma_semaphore, #tpu.memory_space<semaphore_mem>>) src(%arg15 : memref<128xf32, #tpu.memory_space<vmem>>) dst(%dma_wait3A_414 : memref<128xf32, #tpu.memory_space<hbm>>)
    %dma_wait3A_415 = tpu.memref_slice %arg8[%add3A_305] : memref<100000xf32, #tpu.memory_space<hbm>> -> memref<128xf32, #tpu.memory_space<hbm>>
    %dma_wait3A_416 = tpu.memref_slice %arg8[%add3A_305] : memref<100000xf32, #tpu.memory_space<hbm>> -> memref<128xf32, #tpu.memory_space<hbm>>
    tpu.wait_dma2 semaphore(%arg36 : memref<!tpu.dma_semaphore, #tpu.memory_space<semaphore_mem>>) src(%arg18 : memref<128xf32, #tpu.memory_space<vmem>>) dst(%dma_wait3A_416 : memref<128xf32, #tpu.memory_space<hbm>>)
    %scan3A_417 = arith.constant 0 : i32
    %scan3A_418 = arith.constant 0 : i32
    %scan3A_419 = arith.constant 8 : i32
    %scan3A_420 = arith.addi %scan3A_418, %scan3A_419 : i32
    %scan3A_421 = arith.constant 1 : i32
    scf.for %scan3A_853 = %scan3A_418 to %scan3A_420 step %scan3A_421  : i32 {
      %mul3A_854 = arith.constant 16 : i32
      %mul3A_855 = arith.muli %scan3A_853, %mul3A_854 : i32
      %add3A_856 = arith.constant 1536 : i32
      %add3A_857 = arith.addi %add3A_856, %mul3A_855 : i32
      %add3A_858 = vector.broadcast %add3A_857 : i32 to vector<16xi32>
      %add3A_859 = arith.addi %add3A_858, %iota3A : vector<16xi32>
      %gather3A = tpu.vector_load_idx %arg9[%add3A_859] : memref<3200xi32, #tpu.memory_space<vmem>>[vector<16xi32>], vector<16xi32>,
      %gather3A_860 = tpu.vector_load_idx %arg21[%gather3A] : memref<1024xf32, #tpu.memory_space<vmem>>[vector<16xi32>], vector<16xf32>,
      %mul3A_861 = arith.constant 16 : i32
      %mul3A_862 = arith.muli %scan3A_853, %mul3A_861 : i32
      %swap3A = arith.index_cast %mul3A_862 : i32 to index
      %swap3A_863 = tpu.vector_load %arg15[%swap3A] {strides = array<i32>} : memref<128xf32, #tpu.memory_space<vmem>>, vector<16xf32>,
      tpu.vector_store %arg15[%swap3A], %gather3A_860 {strides = array<i32>} : memref<128xf32, #tpu.memory_space<vmem>>, vector<16xf32>,
      %gather3A_864 = tpu.vector_load_idx %arg22[%gather3A] : memref<1024xf32, #tpu.memory_space<vmem>>[vector<16xi32>], vector<16xf32>,
      %mul3A_865 = arith.constant 16 : i32
      %mul3A_866 = arith.muli %scan3A_853, %mul3A_865 : i32
      %swap3A_867 = arith.index_cast %mul3A_866 : i32 to index
      %swap3A_868 = tpu.vector_load %arg18[%swap3A_867] {strides = array<i32>} : memref<128xf32, #tpu.memory_space<vmem>>, vector<16xf32>,
      tpu.vector_store %arg18[%swap3A_867], %gather3A_864 {strides = array<i32>} : memref<128xf32, #tpu.memory_space<vmem>>, vector<16xf32>,
    }
    %scan3A_422 = arith.constant 8 : i32
    %dma_start3A_423 = arith.constant 0 : i32
    %dma_start3A_424 = tpu.memref_slice %arg6[%add3A_407, %dma_start3A_423] : memref<100000x128xf32, #tpu.memory_space<hbm>> -> memref<128x128xf32, #tpu.memory_space<hbm>>
    %dma_start3A_425 = arith.constant 0 : i32
    %dma_start3A_426 = tpu.memref_slice %arg6[%add3A_407, %dma_start3A_425] : memref<100000x128xf32, #tpu.memory_space<hbm>> -> memref<128x128xf32, #tpu.memory_space<hbm>>
    tpu.enqueue_dma source(%arg12 : memref<128x128xf32, #tpu.memory_space<vmem>>) target(%dma_start3A_426 : memref<128x128xf32, #tpu.memory_space<hbm>>) target_semaphore(%arg30 : memref<!tpu.dma_semaphore, #tpu.memory_space<semaphore_mem>>)
    %dma_start3A_427 = tpu.memref_slice %arg7[%add3A_407] : memref<100000xf32, #tpu.memory_space<hbm>> -> memref<128xf32, #tpu.memory_space<hbm>>
    %dma_start3A_428 = tpu.memref_slice %arg7[%add3A_407] : memref<100000xf32, #tpu.memory_space<hbm>> -> memref<128xf32, #tpu.memory_space<hbm>>
    tpu.enqueue_dma source(%arg15 : memref<128xf32, #tpu.memory_space<vmem>>) target(%dma_start3A_428 : memref<128xf32, #tpu.memory_space<hbm>>) target_semaphore(%arg33 : memref<!tpu.dma_semaphore, #tpu.memory_space<semaphore_mem>>)
    %dma_start3A_429 = tpu.memref_slice %arg8[%add3A_407] : memref<100000xf32, #tpu.memory_space<hbm>> -> memref<128xf32, #tpu.memory_space<hbm>>
    %dma_start3A_430 = tpu.memref_slice %arg8[%add3A_407] : memref<100000xf32, #tpu.memory_space<hbm>> -> memref<128xf32, #tpu.memory_space<hbm>>
    tpu.enqueue_dma source(%arg18 : memref<128xf32, #tpu.memory_space<vmem>>) target(%dma_start3A_430 : memref<128xf32, #tpu.memory_space<hbm>>) target_semaphore(%arg36 : memref<!tpu.dma_semaphore, #tpu.memory_space<semaphore_mem>>)
    %dma_wait3A_431 = arith.constant 0 : i32
    %dma_wait3A_432 = tpu.memref_slice %arg6[%add3A_339, %dma_wait3A_431] : memref<100000x128xf32, #tpu.memory_space<hbm>> -> memref<128x128xf32, #tpu.memory_space<hbm>>
    %dma_wait3A_433 = arith.constant 0 : i32
    %dma_wait3A_434 = tpu.memref_slice %arg6[%add3A_339, %dma_wait3A_433] : memref<100000x128xf32, #tpu.memory_space<hbm>> -> memref<128x128xf32, #tpu.memory_space<hbm>>
    tpu.wait_dma2 semaphore(%arg28 : memref<!tpu.dma_semaphore, #tpu.memory_space<semaphore_mem>>) src(%arg10 : memref<128x128xf32, #tpu.memory_space<vmem>>) dst(%dma_wait3A_434 : memref<128x128xf32, #tpu.memory_space<hbm>>)
    %dma_start3A_435 = arith.constant 1920 : i32
    %dma_start3A_436 = tpu.memref_slice %arg9[%dma_start3A_435] : memref<3200xi32, #tpu.memory_space<vmem>> -> memref<128xi32, #tpu.memory_space<vmem>>
    %dma_start3A_437 = arith.constant 0 : i32
    %dma_start3A_438 = arith.constant 0 : i32
    %dma_start3A_439 = tpu.memref_slice %arg39[%dma_start3A_437, %dma_start3A_438] : memref<1024x128xf32, #tpu.memory_space<vmem_shared>> -> memref<1024x128xf32, #tpu.memory_space<vmem_shared>>
    tpu.enqueue_indirect_dma source(%dma_start3A_439 : memref<1024x128xf32, #tpu.memory_space<vmem_shared>>) target(%arg10 : memref<128x128xf32, #tpu.memory_space<vmem>>) offsets(%dma_start3A_436 : memref<128xi32, #tpu.memory_space<vmem>>) semaphore(%arg23 : memref<!tpu.dma_semaphore, #tpu.memory_space<semaphore_mem>>)
    %add3A_440 = arith.constant 1664 : i32
    %add3A_441 = arith.addi %min3A_3, %add3A_440 : i32
    %dma_wait3A_442 = arith.constant 1664 : i32
    %dma_wait3A_443 = tpu.memref_slice %arg9[%dma_wait3A_442] : memref<3200xi32, #tpu.memory_space<vmem>> -> memref<128xi32, #tpu.memory_space<vmem>>
    %dma_wait3A_444 = arith.constant 0 : i32
    %dma_wait3A_445 = arith.constant 0 : i32
    %dma_wait3A_446 = tpu.memref_slice %arg39[%dma_wait3A_444, %dma_wait3A_445] : memref<1024x128xf32, #tpu.memory_space<vmem_shared>> -> memref<1024x128xf32, #tpu.memory_space<vmem_shared>>
    tpu.wait_indirect_dma semaphore(%arg26 : memref<!tpu.dma_semaphore, #tpu.memory_space<semaphore_mem>>) src(%dma_wait3A_446 : memref<1024x128xf32, #tpu.memory_space<vmem_shared>>) dst(%arg13 : memref<128x128xf32, #tpu.memory_space<vmem>>)
    %dma_wait3A_447 = tpu.memref_slice %arg7[%add3A_339] : memref<100000xf32, #tpu.memory_space<hbm>> -> memref<128xf32, #tpu.memory_space<hbm>>
    %dma_wait3A_448 = tpu.memref_slice %arg7[%add3A_339] : memref<100000xf32, #tpu.memory_space<hbm>> -> memref<128xf32, #tpu.memory_space<hbm>>
    tpu.wait_dma2 semaphore(%arg34 : memref<!tpu.dma_semaphore, #tpu.memory_space<semaphore_mem>>) src(%arg16 : memref<128xf32, #tpu.memory_space<vmem>>) dst(%dma_wait3A_448 : memref<128xf32, #tpu.memory_space<hbm>>)
    %dma_wait3A_449 = tpu.memref_slice %arg8[%add3A_339] : memref<100000xf32, #tpu.memory_space<hbm>> -> memref<128xf32, #tpu.memory_space<hbm>>
    %dma_wait3A_450 = tpu.memref_slice %arg8[%add3A_339] : memref<100000xf32, #tpu.memory_space<hbm>> -> memref<128xf32, #tpu.memory_space<hbm>>
    tpu.wait_dma2 semaphore(%arg37 : memref<!tpu.dma_semaphore, #tpu.memory_space<semaphore_mem>>) src(%arg19 : memref<128xf32, #tpu.memory_space<vmem>>) dst(%dma_wait3A_450 : memref<128xf32, #tpu.memory_space<hbm>>)
    %scan3A_451 = arith.constant 0 : i32
    %scan3A_452 = arith.constant 0 : i32
    %scan3A_453 = arith.constant 8 : i32
    %scan3A_454 = arith.addi %scan3A_452, %scan3A_453 : i32
    %scan3A_455 = arith.constant 1 : i32
    scf.for %scan3A_853 = %scan3A_452 to %scan3A_454 step %scan3A_455  : i32 {
      %mul3A_854 = arith.constant 16 : i32
      %mul3A_855 = arith.muli %scan3A_853, %mul3A_854 : i32
      %add3A_856 = arith.constant 1664 : i32
      %add3A_857 = arith.addi %add3A_856, %mul3A_855 : i32
      %add3A_858 = vector.broadcast %add3A_857 : i32 to vector<16xi32>
      %add3A_859 = arith.addi %add3A_858, %iota3A : vector<16xi32>
      %gather3A = tpu.vector_load_idx %arg9[%add3A_859] : memref<3200xi32, #tpu.memory_space<vmem>>[vector<16xi32>], vector<16xi32>,
      %gather3A_860 = tpu.vector_load_idx %arg21[%gather3A] : memref<1024xf32, #tpu.memory_space<vmem>>[vector<16xi32>], vector<16xf32>,
      %mul3A_861 = arith.constant 16 : i32
      %mul3A_862 = arith.muli %scan3A_853, %mul3A_861 : i32
      %swap3A = arith.index_cast %mul3A_862 : i32 to index
      %swap3A_863 = tpu.vector_load %arg16[%swap3A] {strides = array<i32>} : memref<128xf32, #tpu.memory_space<vmem>>, vector<16xf32>,
      tpu.vector_store %arg16[%swap3A], %gather3A_860 {strides = array<i32>} : memref<128xf32, #tpu.memory_space<vmem>>, vector<16xf32>,
      %gather3A_864 = tpu.vector_load_idx %arg22[%gather3A] : memref<1024xf32, #tpu.memory_space<vmem>>[vector<16xi32>], vector<16xf32>,
      %mul3A_865 = arith.constant 16 : i32
      %mul3A_866 = arith.muli %scan3A_853, %mul3A_865 : i32
      %swap3A_867 = arith.index_cast %mul3A_866 : i32 to index
      %swap3A_868 = tpu.vector_load %arg19[%swap3A_867] {strides = array<i32>} : memref<128xf32, #tpu.memory_space<vmem>>, vector<16xf32>,
      tpu.vector_store %arg19[%swap3A_867], %gather3A_864 {strides = array<i32>} : memref<128xf32, #tpu.memory_space<vmem>>, vector<16xf32>,
    }
    %scan3A_456 = arith.constant 8 : i32
    %dma_start3A_457 = arith.constant 0 : i32
    %dma_start3A_458 = tpu.memref_slice %arg6[%add3A_441, %dma_start3A_457] : memref<100000x128xf32, #tpu.memory_space<hbm>> -> memref<128x128xf32, #tpu.memory_space<hbm>>
    %dma_start3A_459 = arith.constant 0 : i32
    %dma_start3A_460 = tpu.memref_slice %arg6[%add3A_441, %dma_start3A_459] : memref<100000x128xf32, #tpu.memory_space<hbm>> -> memref<128x128xf32, #tpu.memory_space<hbm>>
    tpu.enqueue_dma source(%arg13 : memref<128x128xf32, #tpu.memory_space<vmem>>) target(%dma_start3A_460 : memref<128x128xf32, #tpu.memory_space<hbm>>) target_semaphore(%arg31 : memref<!tpu.dma_semaphore, #tpu.memory_space<semaphore_mem>>)
    %dma_start3A_461 = tpu.memref_slice %arg7[%add3A_441] : memref<100000xf32, #tpu.memory_space<hbm>> -> memref<128xf32, #tpu.memory_space<hbm>>
    %dma_start3A_462 = tpu.memref_slice %arg7[%add3A_441] : memref<100000xf32, #tpu.memory_space<hbm>> -> memref<128xf32, #tpu.memory_space<hbm>>
    tpu.enqueue_dma source(%arg16 : memref<128xf32, #tpu.memory_space<vmem>>) target(%dma_start3A_462 : memref<128xf32, #tpu.memory_space<hbm>>) target_semaphore(%arg34 : memref<!tpu.dma_semaphore, #tpu.memory_space<semaphore_mem>>)
    %dma_start3A_463 = tpu.memref_slice %arg8[%add3A_441] : memref<100000xf32, #tpu.memory_space<hbm>> -> memref<128xf32, #tpu.memory_space<hbm>>
    %dma_start3A_464 = tpu.memref_slice %arg8[%add3A_441] : memref<100000xf32, #tpu.memory_space<hbm>> -> memref<128xf32, #tpu.memory_space<hbm>>
    tpu.enqueue_dma source(%arg19 : memref<128xf32, #tpu.memory_space<vmem>>) target(%dma_start3A_464 : memref<128xf32, #tpu.memory_space<hbm>>) target_semaphore(%arg37 : memref<!tpu.dma_semaphore, #tpu.memory_space<semaphore_mem>>)
    %dma_wait3A_465 = arith.constant 0 : i32
    %dma_wait3A_466 = tpu.memref_slice %arg6[%add3A_373, %dma_wait3A_465] : memref<100000x128xf32, #tpu.memory_space<hbm>> -> memref<128x128xf32, #tpu.memory_space<hbm>>
    %dma_wait3A_467 = arith.constant 0 : i32
    %dma_wait3A_468 = tpu.memref_slice %arg6[%add3A_373, %dma_wait3A_467] : memref<100000x128xf32, #tpu.memory_space<hbm>> -> memref<128x128xf32, #tpu.memory_space<hbm>>
    tpu.wait_dma2 semaphore(%arg29 : memref<!tpu.dma_semaphore, #tpu.memory_space<semaphore_mem>>) src(%arg11 : memref<128x128xf32, #tpu.memory_space<vmem>>) dst(%dma_wait3A_468 : memref<128x128xf32, #tpu.memory_space<hbm>>)
    %dma_start3A_469 = arith.constant 2048 : i32
    %dma_start3A_470 = tpu.memref_slice %arg9[%dma_start3A_469] : memref<3200xi32, #tpu.memory_space<vmem>> -> memref<128xi32, #tpu.memory_space<vmem>>
    %dma_start3A_471 = arith.constant 0 : i32
    %dma_start3A_472 = arith.constant 0 : i32
    %dma_start3A_473 = tpu.memref_slice %arg39[%dma_start3A_471, %dma_start3A_472] : memref<1024x128xf32, #tpu.memory_space<vmem_shared>> -> memref<1024x128xf32, #tpu.memory_space<vmem_shared>>
    tpu.enqueue_indirect_dma source(%dma_start3A_473 : memref<1024x128xf32, #tpu.memory_space<vmem_shared>>) target(%arg11 : memref<128x128xf32, #tpu.memory_space<vmem>>) offsets(%dma_start3A_470 : memref<128xi32, #tpu.memory_space<vmem>>) semaphore(%arg24 : memref<!tpu.dma_semaphore, #tpu.memory_space<semaphore_mem>>)
    %add3A_474 = arith.constant 1792 : i32
    %add3A_475 = arith.addi %min3A_3, %add3A_474 : i32
    %dma_wait3A_476 = arith.constant 1792 : i32
    %dma_wait3A_477 = tpu.memref_slice %arg9[%dma_wait3A_476] : memref<3200xi32, #tpu.memory_space<vmem>> -> memref<128xi32, #tpu.memory_space<vmem>>
    %dma_wait3A_478 = arith.constant 0 : i32
    %dma_wait3A_479 = arith.constant 0 : i32
    %dma_wait3A_480 = tpu.memref_slice %arg39[%dma_wait3A_478, %dma_wait3A_479] : memref<1024x128xf32, #tpu.memory_space<vmem_shared>> -> memref<1024x128xf32, #tpu.memory_space<vmem_shared>>
    tpu.wait_indirect_dma semaphore(%arg27 : memref<!tpu.dma_semaphore, #tpu.memory_space<semaphore_mem>>) src(%dma_wait3A_480 : memref<1024x128xf32, #tpu.memory_space<vmem_shared>>) dst(%arg14 : memref<128x128xf32, #tpu.memory_space<vmem>>)
    %dma_wait3A_481 = tpu.memref_slice %arg7[%add3A_373] : memref<100000xf32, #tpu.memory_space<hbm>> -> memref<128xf32, #tpu.memory_space<hbm>>
    %dma_wait3A_482 = tpu.memref_slice %arg7[%add3A_373] : memref<100000xf32, #tpu.memory_space<hbm>> -> memref<128xf32, #tpu.memory_space<hbm>>
    tpu.wait_dma2 semaphore(%arg35 : memref<!tpu.dma_semaphore, #tpu.memory_space<semaphore_mem>>) src(%arg17 : memref<128xf32, #tpu.memory_space<vmem>>) dst(%dma_wait3A_482 : memref<128xf32, #tpu.memory_space<hbm>>)
    %dma_wait3A_483 = tpu.memref_slice %arg8[%add3A_373] : memref<100000xf32, #tpu.memory_space<hbm>> -> memref<128xf32, #tpu.memory_space<hbm>>
    %dma_wait3A_484 = tpu.memref_slice %arg8[%add3A_373] : memref<100000xf32, #tpu.memory_space<hbm>> -> memref<128xf32, #tpu.memory_space<hbm>>
    tpu.wait_dma2 semaphore(%arg38 : memref<!tpu.dma_semaphore, #tpu.memory_space<semaphore_mem>>) src(%arg20 : memref<128xf32, #tpu.memory_space<vmem>>) dst(%dma_wait3A_484 : memref<128xf32, #tpu.memory_space<hbm>>)
    %scan3A_485 = arith.constant 0 : i32
    %scan3A_486 = arith.constant 0 : i32
    %scan3A_487 = arith.constant 8 : i32
    %scan3A_488 = arith.addi %scan3A_486, %scan3A_487 : i32
    %scan3A_489 = arith.constant 1 : i32
    scf.for %scan3A_853 = %scan3A_486 to %scan3A_488 step %scan3A_489  : i32 {
      %mul3A_854 = arith.constant 16 : i32
      %mul3A_855 = arith.muli %scan3A_853, %mul3A_854 : i32
      %add3A_856 = arith.constant 1792 : i32
      %add3A_857 = arith.addi %add3A_856, %mul3A_855 : i32
      %add3A_858 = vector.broadcast %add3A_857 : i32 to vector<16xi32>
      %add3A_859 = arith.addi %add3A_858, %iota3A : vector<16xi32>
      %gather3A = tpu.vector_load_idx %arg9[%add3A_859] : memref<3200xi32, #tpu.memory_space<vmem>>[vector<16xi32>], vector<16xi32>,
      %gather3A_860 = tpu.vector_load_idx %arg21[%gather3A] : memref<1024xf32, #tpu.memory_space<vmem>>[vector<16xi32>], vector<16xf32>,
      %mul3A_861 = arith.constant 16 : i32
      %mul3A_862 = arith.muli %scan3A_853, %mul3A_861 : i32
      %swap3A = arith.index_cast %mul3A_862 : i32 to index
      %swap3A_863 = tpu.vector_load %arg17[%swap3A] {strides = array<i32>} : memref<128xf32, #tpu.memory_space<vmem>>, vector<16xf32>,
      tpu.vector_store %arg17[%swap3A], %gather3A_860 {strides = array<i32>} : memref<128xf32, #tpu.memory_space<vmem>>, vector<16xf32>,
      %gather3A_864 = tpu.vector_load_idx %arg22[%gather3A] : memref<1024xf32, #tpu.memory_space<vmem>>[vector<16xi32>], vector<16xf32>,
      %mul3A_865 = arith.constant 16 : i32
      %mul3A_866 = arith.muli %scan3A_853, %mul3A_865 : i32
      %swap3A_867 = arith.index_cast %mul3A_866 : i32 to index
      %swap3A_868 = tpu.vector_load %arg20[%swap3A_867] {strides = array<i32>} : memref<128xf32, #tpu.memory_space<vmem>>, vector<16xf32>,
      tpu.vector_store %arg20[%swap3A_867], %gather3A_864 {strides = array<i32>} : memref<128xf32, #tpu.memory_space<vmem>>, vector<16xf32>,
    }
    %scan3A_490 = arith.constant 8 : i32
    %dma_start3A_491 = arith.constant 0 : i32
    %dma_start3A_492 = tpu.memref_slice %arg6[%add3A_475, %dma_start3A_491] : memref<100000x128xf32, #tpu.memory_space<hbm>> -> memref<128x128xf32, #tpu.memory_space<hbm>>
    %dma_start3A_493 = arith.constant 0 : i32
    %dma_start3A_494 = tpu.memref_slice %arg6[%add3A_475, %dma_start3A_493] : memref<100000x128xf32, #tpu.memory_space<hbm>> -> memref<128x128xf32, #tpu.memory_space<hbm>>
    tpu.enqueue_dma source(%arg14 : memref<128x128xf32, #tpu.memory_space<vmem>>) target(%dma_start3A_494 : memref<128x128xf32, #tpu.memory_space<hbm>>) target_semaphore(%arg32 : memref<!tpu.dma_semaphore, #tpu.memory_space<semaphore_mem>>)
    %dma_start3A_495 = tpu.memref_slice %arg7[%add3A_475] : memref<100000xf32, #tpu.memory_space<hbm>> -> memref<128xf32, #tpu.memory_space<hbm>>
    %dma_start3A_496 = tpu.memref_slice %arg7[%add3A_475] : memref<100000xf32, #tpu.memory_space<hbm>> -> memref<128xf32, #tpu.memory_space<hbm>>
    tpu.enqueue_dma source(%arg17 : memref<128xf32, #tpu.memory_space<vmem>>) target(%dma_start3A_496 : memref<128xf32, #tpu.memory_space<hbm>>) target_semaphore(%arg35 : memref<!tpu.dma_semaphore, #tpu.memory_space<semaphore_mem>>)
    %dma_start3A_497 = tpu.memref_slice %arg8[%add3A_475] : memref<100000xf32, #tpu.memory_space<hbm>> -> memref<128xf32, #tpu.memory_space<hbm>>
    %dma_start3A_498 = tpu.memref_slice %arg8[%add3A_475] : memref<100000xf32, #tpu.memory_space<hbm>> -> memref<128xf32, #tpu.memory_space<hbm>>
    tpu.enqueue_dma source(%arg20 : memref<128xf32, #tpu.memory_space<vmem>>) target(%dma_start3A_498 : memref<128xf32, #tpu.memory_space<hbm>>) target_semaphore(%arg38 : memref<!tpu.dma_semaphore, #tpu.memory_space<semaphore_mem>>)
    %dma_wait3A_499 = arith.constant 0 : i32
    %dma_wait3A_500 = tpu.memref_slice %arg6[%add3A_407, %dma_wait3A_499] : memref<100000x128xf32, #tpu.memory_space<hbm>> -> memref<128x128xf32, #tpu.memory_space<hbm>>
    %dma_wait3A_501 = arith.constant 0 : i32
    %dma_wait3A_502 = tpu.memref_slice %arg6[%add3A_407, %dma_wait3A_501] : memref<100000x128xf32, #tpu.memory_space<hbm>> -> memref<128x128xf32, #tpu.memory_space<hbm>>
    tpu.wait_dma2 semaphore(%arg30 : memref<!tpu.dma_semaphore, #tpu.memory_space<semaphore_mem>>) src(%arg12 : memref<128x128xf32, #tpu.memory_space<vmem>>) dst(%dma_wait3A_502 : memref<128x128xf32, #tpu.memory_space<hbm>>)
    %dma_start3A_503 = arith.constant 2176 : i32
    %dma_start3A_504 = tpu.memref_slice %arg9[%dma_start3A_503] : memref<3200xi32, #tpu.memory_space<vmem>> -> memref<128xi32, #tpu.memory_space<vmem>>
    %dma_start3A_505 = arith.constant 0 : i32
    %dma_start3A_506 = arith.constant 0 : i32
    %dma_start3A_507 = tpu.memref_slice %arg39[%dma_start3A_505, %dma_start3A_506] : memref<1024x128xf32, #tpu.memory_space<vmem_shared>> -> memref<1024x128xf32, #tpu.memory_space<vmem_shared>>
    tpu.enqueue_indirect_dma source(%dma_start3A_507 : memref<1024x128xf32, #tpu.memory_space<vmem_shared>>) target(%arg12 : memref<128x128xf32, #tpu.memory_space<vmem>>) offsets(%dma_start3A_504 : memref<128xi32, #tpu.memory_space<vmem>>) semaphore(%arg25 : memref<!tpu.dma_semaphore, #tpu.memory_space<semaphore_mem>>)
    %add3A_508 = arith.constant 1920 : i32
    %add3A_509 = arith.addi %min3A_3, %add3A_508 : i32
    %dma_wait3A_510 = arith.constant 1920 : i32
    %dma_wait3A_511 = tpu.memref_slice %arg9[%dma_wait3A_510] : memref<3200xi32, #tpu.memory_space<vmem>> -> memref<128xi32, #tpu.memory_space<vmem>>
    %dma_wait3A_512 = arith.constant 0 : i32
    %dma_wait3A_513 = arith.constant 0 : i32
    %dma_wait3A_514 = tpu.memref_slice %arg39[%dma_wait3A_512, %dma_wait3A_513] : memref<1024x128xf32, #tpu.memory_space<vmem_shared>> -> memref<1024x128xf32, #tpu.memory_space<vmem_shared>>
    tpu.wait_indirect_dma semaphore(%arg23 : memref<!tpu.dma_semaphore, #tpu.memory_space<semaphore_mem>>) src(%dma_wait3A_514 : memref<1024x128xf32, #tpu.memory_space<vmem_shared>>) dst(%arg10 : memref<128x128xf32, #tpu.memory_space<vmem>>)
    %dma_wait3A_515 = tpu.memref_slice %arg7[%add3A_407] : memref<100000xf32, #tpu.memory_space<hbm>> -> memref<128xf32, #tpu.memory_space<hbm>>
    %dma_wait3A_516 = tpu.memref_slice %arg7[%add3A_407] : memref<100000xf32, #tpu.memory_space<hbm>> -> memref<128xf32, #tpu.memory_space<hbm>>
    tpu.wait_dma2 semaphore(%arg33 : memref<!tpu.dma_semaphore, #tpu.memory_space<semaphore_mem>>) src(%arg15 : memref<128xf32, #tpu.memory_space<vmem>>) dst(%dma_wait3A_516 : memref<128xf32, #tpu.memory_space<hbm>>)
    %dma_wait3A_517 = tpu.memref_slice %arg8[%add3A_407] : memref<100000xf32, #tpu.memory_space<hbm>> -> memref<128xf32, #tpu.memory_space<hbm>>
    %dma_wait3A_518 = tpu.memref_slice %arg8[%add3A_407] : memref<100000xf32, #tpu.memory_space<hbm>> -> memref<128xf32, #tpu.memory_space<hbm>>
    tpu.wait_dma2 semaphore(%arg36 : memref<!tpu.dma_semaphore, #tpu.memory_space<semaphore_mem>>) src(%arg18 : memref<128xf32, #tpu.memory_space<vmem>>) dst(%dma_wait3A_518 : memref<128xf32, #tpu.memory_space<hbm>>)
    %scan3A_519 = arith.constant 0 : i32
    %scan3A_520 = arith.constant 0 : i32
    %scan3A_521 = arith.constant 8 : i32
    %scan3A_522 = arith.addi %scan3A_520, %scan3A_521 : i32
    %scan3A_523 = arith.constant 1 : i32
    scf.for %scan3A_853 = %scan3A_520 to %scan3A_522 step %scan3A_523  : i32 {
      %mul3A_854 = arith.constant 16 : i32
      %mul3A_855 = arith.muli %scan3A_853, %mul3A_854 : i32
      %add3A_856 = arith.constant 1920 : i32
      %add3A_857 = arith.addi %add3A_856, %mul3A_855 : i32
      %add3A_858 = vector.broadcast %add3A_857 : i32 to vector<16xi32>
      %add3A_859 = arith.addi %add3A_858, %iota3A : vector<16xi32>
      %gather3A = tpu.vector_load_idx %arg9[%add3A_859] : memref<3200xi32, #tpu.memory_space<vmem>>[vector<16xi32>], vector<16xi32>,
      %gather3A_860 = tpu.vector_load_idx %arg21[%gather3A] : memref<1024xf32, #tpu.memory_space<vmem>>[vector<16xi32>], vector<16xf32>,
      %mul3A_861 = arith.constant 16 : i32
      %mul3A_862 = arith.muli %scan3A_853, %mul3A_861 : i32
      %swap3A = arith.index_cast %mul3A_862 : i32 to index
      %swap3A_863 = tpu.vector_load %arg15[%swap3A] {strides = array<i32>} : memref<128xf32, #tpu.memory_space<vmem>>, vector<16xf32>,
      tpu.vector_store %arg15[%swap3A], %gather3A_860 {strides = array<i32>} : memref<128xf32, #tpu.memory_space<vmem>>, vector<16xf32>,
      %gather3A_864 = tpu.vector_load_idx %arg22[%gather3A] : memref<1024xf32, #tpu.memory_space<vmem>>[vector<16xi32>], vector<16xf32>,
      %mul3A_865 = arith.constant 16 : i32
      %mul3A_866 = arith.muli %scan3A_853, %mul3A_865 : i32
      %swap3A_867 = arith.index_cast %mul3A_866 : i32 to index
      %swap3A_868 = tpu.vector_load %arg18[%swap3A_867] {strides = array<i32>} : memref<128xf32, #tpu.memory_space<vmem>>, vector<16xf32>,
      tpu.vector_store %arg18[%swap3A_867], %gather3A_864 {strides = array<i32>} : memref<128xf32, #tpu.memory_space<vmem>>, vector<16xf32>,
    }
    %scan3A_524 = arith.constant 8 : i32
    %dma_start3A_525 = arith.constant 0 : i32
    %dma_start3A_526 = tpu.memref_slice %arg6[%add3A_509, %dma_start3A_525] : memref<100000x128xf32, #tpu.memory_space<hbm>> -> memref<128x128xf32, #tpu.memory_space<hbm>>
    %dma_start3A_527 = arith.constant 0 : i32
    %dma_start3A_528 = tpu.memref_slice %arg6[%add3A_509, %dma_start3A_527] : memref<100000x128xf32, #tpu.memory_space<hbm>> -> memref<128x128xf32, #tpu.memory_space<hbm>>
    tpu.enqueue_dma source(%arg10 : memref<128x128xf32, #tpu.memory_space<vmem>>) target(%dma_start3A_528 : memref<128x128xf32, #tpu.memory_space<hbm>>) target_semaphore(%arg28 : memref<!tpu.dma_semaphore, #tpu.memory_space<semaphore_mem>>)
    %dma_start3A_529 = tpu.memref_slice %arg7[%add3A_509] : memref<100000xf32, #tpu.memory_space<hbm>> -> memref<128xf32, #tpu.memory_space<hbm>>
    %dma_start3A_530 = tpu.memref_slice %arg7[%add3A_509] : memref<100000xf32, #tpu.memory_space<hbm>> -> memref<128xf32, #tpu.memory_space<hbm>>
    tpu.enqueue_dma source(%arg15 : memref<128xf32, #tpu.memory_space<vmem>>) target(%dma_start3A_530 : memref<128xf32, #tpu.memory_space<hbm>>) target_semaphore(%arg33 : memref<!tpu.dma_semaphore, #tpu.memory_space<semaphore_mem>>)
    %dma_start3A_531 = tpu.memref_slice %arg8[%add3A_509] : memref<100000xf32, #tpu.memory_space<hbm>> -> memref<128xf32, #tpu.memory_space<hbm>>
    %dma_start3A_532 = tpu.memref_slice %arg8[%add3A_509] : memref<100000xf32, #tpu.memory_space<hbm>> -> memref<128xf32, #tpu.memory_space<hbm>>
    tpu.enqueue_dma source(%arg18 : memref<128xf32, #tpu.memory_space<vmem>>) target(%dma_start3A_532 : memref<128xf32, #tpu.memory_space<hbm>>) target_semaphore(%arg36 : memref<!tpu.dma_semaphore, #tpu.memory_space<semaphore_mem>>)
    %dma_wait3A_533 = arith.constant 0 : i32
    %dma_wait3A_534 = tpu.memref_slice %arg6[%add3A_441, %dma_wait3A_533] : memref<100000x128xf32, #tpu.memory_space<hbm>> -> memref<128x128xf32, #tpu.memory_space<hbm>>
    %dma_wait3A_535 = arith.constant 0 : i32
    %dma_wait3A_536 = tpu.memref_slice %arg6[%add3A_441, %dma_wait3A_535] : memref<100000x128xf32, #tpu.memory_space<hbm>> -> memref<128x128xf32, #tpu.memory_space<hbm>>
    tpu.wait_dma2 semaphore(%arg31 : memref<!tpu.dma_semaphore, #tpu.memory_space<semaphore_mem>>) src(%arg13 : memref<128x128xf32, #tpu.memory_space<vmem>>) dst(%dma_wait3A_536 : memref<128x128xf32, #tpu.memory_space<hbm>>)
    %dma_start3A_537 = arith.constant 2304 : i32
    %dma_start3A_538 = tpu.memref_slice %arg9[%dma_start3A_537] : memref<3200xi32, #tpu.memory_space<vmem>> -> memref<128xi32, #tpu.memory_space<vmem>>
    %dma_start3A_539 = arith.constant 0 : i32
    %dma_start3A_540 = arith.constant 0 : i32
    %dma_start3A_541 = tpu.memref_slice %arg39[%dma_start3A_539, %dma_start3A_540] : memref<1024x128xf32, #tpu.memory_space<vmem_shared>> -> memref<1024x128xf32, #tpu.memory_space<vmem_shared>>
    tpu.enqueue_indirect_dma source(%dma_start3A_541 : memref<1024x128xf32, #tpu.memory_space<vmem_shared>>) target(%arg13 : memref<128x128xf32, #tpu.memory_space<vmem>>) offsets(%dma_start3A_538 : memref<128xi32, #tpu.memory_space<vmem>>) semaphore(%arg26 : memref<!tpu.dma_semaphore, #tpu.memory_space<semaphore_mem>>)
    %add3A_542 = arith.constant 2048 : i32
    %add3A_543 = arith.addi %min3A_3, %add3A_542 : i32
    %dma_wait3A_544 = arith.constant 2048 : i32
    %dma_wait3A_545 = tpu.memref_slice %arg9[%dma_wait3A_544] : memref<3200xi32, #tpu.memory_space<vmem>> -> memref<128xi32, #tpu.memory_space<vmem>>
    %dma_wait3A_546 = arith.constant 0 : i32
    %dma_wait3A_547 = arith.constant 0 : i32
    %dma_wait3A_548 = tpu.memref_slice %arg39[%dma_wait3A_546, %dma_wait3A_547] : memref<1024x128xf32, #tpu.memory_space<vmem_shared>> -> memref<1024x128xf32, #tpu.memory_space<vmem_shared>>
    tpu.wait_indirect_dma semaphore(%arg24 : memref<!tpu.dma_semaphore, #tpu.memory_space<semaphore_mem>>) src(%dma_wait3A_548 : memref<1024x128xf32, #tpu.memory_space<vmem_shared>>) dst(%arg11 : memref<128x128xf32, #tpu.memory_space<vmem>>)
    %dma_wait3A_549 = tpu.memref_slice %arg7[%add3A_441] : memref<100000xf32, #tpu.memory_space<hbm>> -> memref<128xf32, #tpu.memory_space<hbm>>
    %dma_wait3A_550 = tpu.memref_slice %arg7[%add3A_441] : memref<100000xf32, #tpu.memory_space<hbm>> -> memref<128xf32, #tpu.memory_space<hbm>>
    tpu.wait_dma2 semaphore(%arg34 : memref<!tpu.dma_semaphore, #tpu.memory_space<semaphore_mem>>) src(%arg16 : memref<128xf32, #tpu.memory_space<vmem>>) dst(%dma_wait3A_550 : memref<128xf32, #tpu.memory_space<hbm>>)
    %dma_wait3A_551 = tpu.memref_slice %arg8[%add3A_441] : memref<100000xf32, #tpu.memory_space<hbm>> -> memref<128xf32, #tpu.memory_space<hbm>>
    %dma_wait3A_552 = tpu.memref_slice %arg8[%add3A_441] : memref<100000xf32, #tpu.memory_space<hbm>> -> memref<128xf32, #tpu.memory_space<hbm>>
    tpu.wait_dma2 semaphore(%arg37 : memref<!tpu.dma_semaphore, #tpu.memory_space<semaphore_mem>>) src(%arg19 : memref<128xf32, #tpu.memory_space<vmem>>) dst(%dma_wait3A_552 : memref<128xf32, #tpu.memory_space<hbm>>)
    %scan3A_553 = arith.constant 0 : i32
    %scan3A_554 = arith.constant 0 : i32
    %scan3A_555 = arith.constant 8 : i32
    %scan3A_556 = arith.addi %scan3A_554, %scan3A_555 : i32
    %scan3A_557 = arith.constant 1 : i32
    scf.for %scan3A_853 = %scan3A_554 to %scan3A_556 step %scan3A_557  : i32 {
      %mul3A_854 = arith.constant 16 : i32
      %mul3A_855 = arith.muli %scan3A_853, %mul3A_854 : i32
      %add3A_856 = arith.constant 2048 : i32
      %add3A_857 = arith.addi %add3A_856, %mul3A_855 : i32
      %add3A_858 = vector.broadcast %add3A_857 : i32 to vector<16xi32>
      %add3A_859 = arith.addi %add3A_858, %iota3A : vector<16xi32>
      %gather3A = tpu.vector_load_idx %arg9[%add3A_859] : memref<3200xi32, #tpu.memory_space<vmem>>[vector<16xi32>], vector<16xi32>,
      %gather3A_860 = tpu.vector_load_idx %arg21[%gather3A] : memref<1024xf32, #tpu.memory_space<vmem>>[vector<16xi32>], vector<16xf32>,
      %mul3A_861 = arith.constant 16 : i32
      %mul3A_862 = arith.muli %scan3A_853, %mul3A_861 : i32
      %swap3A = arith.index_cast %mul3A_862 : i32 to index
      %swap3A_863 = tpu.vector_load %arg16[%swap3A] {strides = array<i32>} : memref<128xf32, #tpu.memory_space<vmem>>, vector<16xf32>,
      tpu.vector_store %arg16[%swap3A], %gather3A_860 {strides = array<i32>} : memref<128xf32, #tpu.memory_space<vmem>>, vector<16xf32>,
      %gather3A_864 = tpu.vector_load_idx %arg22[%gather3A] : memref<1024xf32, #tpu.memory_space<vmem>>[vector<16xi32>], vector<16xf32>,
      %mul3A_865 = arith.constant 16 : i32
      %mul3A_866 = arith.muli %scan3A_853, %mul3A_865 : i32
      %swap3A_867 = arith.index_cast %mul3A_866 : i32 to index
      %swap3A_868 = tpu.vector_load %arg19[%swap3A_867] {strides = array<i32>} : memref<128xf32, #tpu.memory_space<vmem>>, vector<16xf32>,
      tpu.vector_store %arg19[%swap3A_867], %gather3A_864 {strides = array<i32>} : memref<128xf32, #tpu.memory_space<vmem>>, vector<16xf32>,
    }
    %scan3A_558 = arith.constant 8 : i32
    %dma_start3A_559 = arith.constant 0 : i32
    %dma_start3A_560 = tpu.memref_slice %arg6[%add3A_543, %dma_start3A_559] : memref<100000x128xf32, #tpu.memory_space<hbm>> -> memref<128x128xf32, #tpu.memory_space<hbm>>
    %dma_start3A_561 = arith.constant 0 : i32
    %dma_start3A_562 = tpu.memref_slice %arg6[%add3A_543, %dma_start3A_561] : memref<100000x128xf32, #tpu.memory_space<hbm>> -> memref<128x128xf32, #tpu.memory_space<hbm>>
    tpu.enqueue_dma source(%arg11 : memref<128x128xf32, #tpu.memory_space<vmem>>) target(%dma_start3A_562 : memref<128x128xf32, #tpu.memory_space<hbm>>) target_semaphore(%arg29 : memref<!tpu.dma_semaphore, #tpu.memory_space<semaphore_mem>>)
    %dma_start3A_563 = tpu.memref_slice %arg7[%add3A_543] : memref<100000xf32, #tpu.memory_space<hbm>> -> memref<128xf32, #tpu.memory_space<hbm>>
    %dma_start3A_564 = tpu.memref_slice %arg7[%add3A_543] : memref<100000xf32, #tpu.memory_space<hbm>> -> memref<128xf32, #tpu.memory_space<hbm>>
    tpu.enqueue_dma source(%arg16 : memref<128xf32, #tpu.memory_space<vmem>>) target(%dma_start3A_564 : memref<128xf32, #tpu.memory_space<hbm>>) target_semaphore(%arg34 : memref<!tpu.dma_semaphore, #tpu.memory_space<semaphore_mem>>)
    %dma_start3A_565 = tpu.memref_slice %arg8[%add3A_543] : memref<100000xf32, #tpu.memory_space<hbm>> -> memref<128xf32, #tpu.memory_space<hbm>>
    %dma_start3A_566 = tpu.memref_slice %arg8[%add3A_543] : memref<100000xf32, #tpu.memory_space<hbm>> -> memref<128xf32, #tpu.memory_space<hbm>>
    tpu.enqueue_dma source(%arg19 : memref<128xf32, #tpu.memory_space<vmem>>) target(%dma_start3A_566 : memref<128xf32, #tpu.memory_space<hbm>>) target_semaphore(%arg37 : memref<!tpu.dma_semaphore, #tpu.memory_space<semaphore_mem>>)
    %dma_wait3A_567 = arith.constant 0 : i32
    %dma_wait3A_568 = tpu.memref_slice %arg6[%add3A_475, %dma_wait3A_567] : memref<100000x128xf32, #tpu.memory_space<hbm>> -> memref<128x128xf32, #tpu.memory_space<hbm>>
    %dma_wait3A_569 = arith.constant 0 : i32
    %dma_wait3A_570 = tpu.memref_slice %arg6[%add3A_475, %dma_wait3A_569] : memref<100000x128xf32, #tpu.memory_space<hbm>> -> memref<128x128xf32, #tpu.memory_space<hbm>>
    tpu.wait_dma2 semaphore(%arg32 : memref<!tpu.dma_semaphore, #tpu.memory_space<semaphore_mem>>) src(%arg14 : memref<128x128xf32, #tpu.memory_space<vmem>>) dst(%dma_wait3A_570 : memref<128x128xf32, #tpu.memory_space<hbm>>)
    %dma_start3A_571 = arith.constant 2432 : i32
    %dma_start3A_572 = tpu.memref_slice %arg9[%dma_start3A_571] : memref<3200xi32, #tpu.memory_space<vmem>> -> memref<128xi32, #tpu.memory_space<vmem>>
    %dma_start3A_573 = arith.constant 0 : i32
    %dma_start3A_574 = arith.constant 0 : i32
    %dma_start3A_575 = tpu.memref_slice %arg39[%dma_start3A_573, %dma_start3A_574] : memref<1024x128xf32, #tpu.memory_space<vmem_shared>> -> memref<1024x128xf32, #tpu.memory_space<vmem_shared>>
    tpu.enqueue_indirect_dma source(%dma_start3A_575 : memref<1024x128xf32, #tpu.memory_space<vmem_shared>>) target(%arg14 : memref<128x128xf32, #tpu.memory_space<vmem>>) offsets(%dma_start3A_572 : memref<128xi32, #tpu.memory_space<vmem>>) semaphore(%arg27 : memref<!tpu.dma_semaphore, #tpu.memory_space<semaphore_mem>>)
    %add3A_576 = arith.constant 2176 : i32
    %add3A_577 = arith.addi %min3A_3, %add3A_576 : i32
    %dma_wait3A_578 = arith.constant 2176 : i32
    %dma_wait3A_579 = tpu.memref_slice %arg9[%dma_wait3A_578] : memref<3200xi32, #tpu.memory_space<vmem>> -> memref<128xi32, #tpu.memory_space<vmem>>
    %dma_wait3A_580 = arith.constant 0 : i32
    %dma_wait3A_581 = arith.constant 0 : i32
    %dma_wait3A_582 = tpu.memref_slice %arg39[%dma_wait3A_580, %dma_wait3A_581] : memref<1024x128xf32, #tpu.memory_space<vmem_shared>> -> memref<1024x128xf32, #tpu.memory_space<vmem_shared>>
    tpu.wait_indirect_dma semaphore(%arg25 : memref<!tpu.dma_semaphore, #tpu.memory_space<semaphore_mem>>) src(%dma_wait3A_582 : memref<1024x128xf32, #tpu.memory_space<vmem_shared>>) dst(%arg12 : memref<128x128xf32, #tpu.memory_space<vmem>>)
    %dma_wait3A_583 = tpu.memref_slice %arg7[%add3A_475] : memref<100000xf32, #tpu.memory_space<hbm>> -> memref<128xf32, #tpu.memory_space<hbm>>
    %dma_wait3A_584 = tpu.memref_slice %arg7[%add3A_475] : memref<100000xf32, #tpu.memory_space<hbm>> -> memref<128xf32, #tpu.memory_space<hbm>>
    tpu.wait_dma2 semaphore(%arg35 : memref<!tpu.dma_semaphore, #tpu.memory_space<semaphore_mem>>) src(%arg17 : memref<128xf32, #tpu.memory_space<vmem>>) dst(%dma_wait3A_584 : memref<128xf32, #tpu.memory_space<hbm>>)
    %dma_wait3A_585 = tpu.memref_slice %arg8[%add3A_475] : memref<100000xf32, #tpu.memory_space<hbm>> -> memref<128xf32, #tpu.memory_space<hbm>>
    %dma_wait3A_586 = tpu.memref_slice %arg8[%add3A_475] : memref<100000xf32, #tpu.memory_space<hbm>> -> memref<128xf32, #tpu.memory_space<hbm>>
    tpu.wait_dma2 semaphore(%arg38 : memref<!tpu.dma_semaphore, #tpu.memory_space<semaphore_mem>>) src(%arg20 : memref<128xf32, #tpu.memory_space<vmem>>) dst(%dma_wait3A_586 : memref<128xf32, #tpu.memory_space<hbm>>)
    %scan3A_587 = arith.constant 0 : i32
    %scan3A_588 = arith.constant 0 : i32
    %scan3A_589 = arith.constant 8 : i32
    %scan3A_590 = arith.addi %scan3A_588, %scan3A_589 : i32
    %scan3A_591 = arith.constant 1 : i32
    scf.for %scan3A_853 = %scan3A_588 to %scan3A_590 step %scan3A_591  : i32 {
      %mul3A_854 = arith.constant 16 : i32
      %mul3A_855 = arith.muli %scan3A_853, %mul3A_854 : i32
      %add3A_856 = arith.constant 2176 : i32
      %add3A_857 = arith.addi %add3A_856, %mul3A_855 : i32
      %add3A_858 = vector.broadcast %add3A_857 : i32 to vector<16xi32>
      %add3A_859 = arith.addi %add3A_858, %iota3A : vector<16xi32>
      %gather3A = tpu.vector_load_idx %arg9[%add3A_859] : memref<3200xi32, #tpu.memory_space<vmem>>[vector<16xi32>], vector<16xi32>,
      %gather3A_860 = tpu.vector_load_idx %arg21[%gather3A] : memref<1024xf32, #tpu.memory_space<vmem>>[vector<16xi32>], vector<16xf32>,
      %mul3A_861 = arith.constant 16 : i32
      %mul3A_862 = arith.muli %scan3A_853, %mul3A_861 : i32
      %swap3A = arith.index_cast %mul3A_862 : i32 to index
      %swap3A_863 = tpu.vector_load %arg17[%swap3A] {strides = array<i32>} : memref<128xf32, #tpu.memory_space<vmem>>, vector<16xf32>,
      tpu.vector_store %arg17[%swap3A], %gather3A_860 {strides = array<i32>} : memref<128xf32, #tpu.memory_space<vmem>>, vector<16xf32>,
      %gather3A_864 = tpu.vector_load_idx %arg22[%gather3A] : memref<1024xf32, #tpu.memory_space<vmem>>[vector<16xi32>], vector<16xf32>,
      %mul3A_865 = arith.constant 16 : i32
      %mul3A_866 = arith.muli %scan3A_853, %mul3A_865 : i32
      %swap3A_867 = arith.index_cast %mul3A_866 : i32 to index
      %swap3A_868 = tpu.vector_load %arg20[%swap3A_867] {strides = array<i32>} : memref<128xf32, #tpu.memory_space<vmem>>, vector<16xf32>,
      tpu.vector_store %arg20[%swap3A_867], %gather3A_864 {strides = array<i32>} : memref<128xf32, #tpu.memory_space<vmem>>, vector<16xf32>,
    }
    %scan3A_592 = arith.constant 8 : i32
    %dma_start3A_593 = arith.constant 0 : i32
    %dma_start3A_594 = tpu.memref_slice %arg6[%add3A_577, %dma_start3A_593] : memref<100000x128xf32, #tpu.memory_space<hbm>> -> memref<128x128xf32, #tpu.memory_space<hbm>>
    %dma_start3A_595 = arith.constant 0 : i32
    %dma_start3A_596 = tpu.memref_slice %arg6[%add3A_577, %dma_start3A_595] : memref<100000x128xf32, #tpu.memory_space<hbm>> -> memref<128x128xf32, #tpu.memory_space<hbm>>
    tpu.enqueue_dma source(%arg12 : memref<128x128xf32, #tpu.memory_space<vmem>>) target(%dma_start3A_596 : memref<128x128xf32, #tpu.memory_space<hbm>>) target_semaphore(%arg30 : memref<!tpu.dma_semaphore, #tpu.memory_space<semaphore_mem>>)
    %dma_start3A_597 = tpu.memref_slice %arg7[%add3A_577] : memref<100000xf32, #tpu.memory_space<hbm>> -> memref<128xf32, #tpu.memory_space<hbm>>
    %dma_start3A_598 = tpu.memref_slice %arg7[%add3A_577] : memref<100000xf32, #tpu.memory_space<hbm>> -> memref<128xf32, #tpu.memory_space<hbm>>
    tpu.enqueue_dma source(%arg17 : memref<128xf32, #tpu.memory_space<vmem>>) target(%dma_start3A_598 : memref<128xf32, #tpu.memory_space<hbm>>) target_semaphore(%arg35 : memref<!tpu.dma_semaphore, #tpu.memory_space<semaphore_mem>>)
    %dma_start3A_599 = tpu.memref_slice %arg8[%add3A_577] : memref<100000xf32, #tpu.memory_space<hbm>> -> memref<128xf32, #tpu.memory_space<hbm>>
    %dma_start3A_600 = tpu.memref_slice %arg8[%add3A_577] : memref<100000xf32, #tpu.memory_space<hbm>> -> memref<128xf32, #tpu.memory_space<hbm>>
    tpu.enqueue_dma source(%arg20 : memref<128xf32, #tpu.memory_space<vmem>>) target(%dma_start3A_600 : memref<128xf32, #tpu.memory_space<hbm>>) target_semaphore(%arg38 : memref<!tpu.dma_semaphore, #tpu.memory_space<semaphore_mem>>)
    %dma_wait3A_601 = arith.constant 0 : i32
    %dma_wait3A_602 = tpu.memref_slice %arg6[%add3A_509, %dma_wait3A_601] : memref<100000x128xf32, #tpu.memory_space<hbm>> -> memref<128x128xf32, #tpu.memory_space<hbm>>
    %dma_wait3A_603 = arith.constant 0 : i32
    %dma_wait3A_604 = tpu.memref_slice %arg6[%add3A_509, %dma_wait3A_603] : memref<100000x128xf32, #tpu.memory_space<hbm>> -> memref<128x128xf32, #tpu.memory_space<hbm>>
    tpu.wait_dma2 semaphore(%arg28 : memref<!tpu.dma_semaphore, #tpu.memory_space<semaphore_mem>>) src(%arg10 : memref<128x128xf32, #tpu.memory_space<vmem>>) dst(%dma_wait3A_604 : memref<128x128xf32, #tpu.memory_space<hbm>>)
    %dma_start3A_605 = arith.constant 2560 : i32
    %dma_start3A_606 = tpu.memref_slice %arg9[%dma_start3A_605] : memref<3200xi32, #tpu.memory_space<vmem>> -> memref<128xi32, #tpu.memory_space<vmem>>
    %dma_start3A_607 = arith.constant 0 : i32
    %dma_start3A_608 = arith.constant 0 : i32
    %dma_start3A_609 = tpu.memref_slice %arg39[%dma_start3A_607, %dma_start3A_608] : memref<1024x128xf32, #tpu.memory_space<vmem_shared>> -> memref<1024x128xf32, #tpu.memory_space<vmem_shared>>
    tpu.enqueue_indirect_dma source(%dma_start3A_609 : memref<1024x128xf32, #tpu.memory_space<vmem_shared>>) target(%arg10 : memref<128x128xf32, #tpu.memory_space<vmem>>) offsets(%dma_start3A_606 : memref<128xi32, #tpu.memory_space<vmem>>) semaphore(%arg23 : memref<!tpu.dma_semaphore, #tpu.memory_space<semaphore_mem>>)
    %add3A_610 = arith.constant 2304 : i32
    %add3A_611 = arith.addi %min3A_3, %add3A_610 : i32
    %dma_wait3A_612 = arith.constant 2304 : i32
    %dma_wait3A_613 = tpu.memref_slice %arg9[%dma_wait3A_612] : memref<3200xi32, #tpu.memory_space<vmem>> -> memref<128xi32, #tpu.memory_space<vmem>>
    %dma_wait3A_614 = arith.constant 0 : i32
    %dma_wait3A_615 = arith.constant 0 : i32
    %dma_wait3A_616 = tpu.memref_slice %arg39[%dma_wait3A_614, %dma_wait3A_615] : memref<1024x128xf32, #tpu.memory_space<vmem_shared>> -> memref<1024x128xf32, #tpu.memory_space<vmem_shared>>
    tpu.wait_indirect_dma semaphore(%arg26 : memref<!tpu.dma_semaphore, #tpu.memory_space<semaphore_mem>>) src(%dma_wait3A_616 : memref<1024x128xf32, #tpu.memory_space<vmem_shared>>) dst(%arg13 : memref<128x128xf32, #tpu.memory_space<vmem>>)
    %dma_wait3A_617 = tpu.memref_slice %arg7[%add3A_509] : memref<100000xf32, #tpu.memory_space<hbm>> -> memref<128xf32, #tpu.memory_space<hbm>>
    %dma_wait3A_618 = tpu.memref_slice %arg7[%add3A_509] : memref<100000xf32, #tpu.memory_space<hbm>> -> memref<128xf32, #tpu.memory_space<hbm>>
    tpu.wait_dma2 semaphore(%arg33 : memref<!tpu.dma_semaphore, #tpu.memory_space<semaphore_mem>>) src(%arg15 : memref<128xf32, #tpu.memory_space<vmem>>) dst(%dma_wait3A_618 : memref<128xf32, #tpu.memory_space<hbm>>)
    %dma_wait3A_619 = tpu.memref_slice %arg8[%add3A_509] : memref<100000xf32, #tpu.memory_space<hbm>> -> memref<128xf32, #tpu.memory_space<hbm>>
    %dma_wait3A_620 = tpu.memref_slice %arg8[%add3A_509] : memref<100000xf32, #tpu.memory_space<hbm>> -> memref<128xf32, #tpu.memory_space<hbm>>
    tpu.wait_dma2 semaphore(%arg36 : memref<!tpu.dma_semaphore, #tpu.memory_space<semaphore_mem>>) src(%arg18 : memref<128xf32, #tpu.memory_space<vmem>>) dst(%dma_wait3A_620 : memref<128xf32, #tpu.memory_space<hbm>>)
    %scan3A_621 = arith.constant 0 : i32
    %scan3A_622 = arith.constant 0 : i32
    %scan3A_623 = arith.constant 8 : i32
    %scan3A_624 = arith.addi %scan3A_622, %scan3A_623 : i32
    %scan3A_625 = arith.constant 1 : i32
    scf.for %scan3A_853 = %scan3A_622 to %scan3A_624 step %scan3A_625  : i32 {
      %mul3A_854 = arith.constant 16 : i32
      %mul3A_855 = arith.muli %scan3A_853, %mul3A_854 : i32
      %add3A_856 = arith.constant 2304 : i32
      %add3A_857 = arith.addi %add3A_856, %mul3A_855 : i32
      %add3A_858 = vector.broadcast %add3A_857 : i32 to vector<16xi32>
      %add3A_859 = arith.addi %add3A_858, %iota3A : vector<16xi32>
      %gather3A = tpu.vector_load_idx %arg9[%add3A_859] : memref<3200xi32, #tpu.memory_space<vmem>>[vector<16xi32>], vector<16xi32>,
      %gather3A_860 = tpu.vector_load_idx %arg21[%gather3A] : memref<1024xf32, #tpu.memory_space<vmem>>[vector<16xi32>], vector<16xf32>,
      %mul3A_861 = arith.constant 16 : i32
      %mul3A_862 = arith.muli %scan3A_853, %mul3A_861 : i32
      %swap3A = arith.index_cast %mul3A_862 : i32 to index
      %swap3A_863 = tpu.vector_load %arg15[%swap3A] {strides = array<i32>} : memref<128xf32, #tpu.memory_space<vmem>>, vector<16xf32>,
      tpu.vector_store %arg15[%swap3A], %gather3A_860 {strides = array<i32>} : memref<128xf32, #tpu.memory_space<vmem>>, vector<16xf32>,
      %gather3A_864 = tpu.vector_load_idx %arg22[%gather3A] : memref<1024xf32, #tpu.memory_space<vmem>>[vector<16xi32>], vector<16xf32>,
      %mul3A_865 = arith.constant 16 : i32
      %mul3A_866 = arith.muli %scan3A_853, %mul3A_865 : i32
      %swap3A_867 = arith.index_cast %mul3A_866 : i32 to index
      %swap3A_868 = tpu.vector_load %arg18[%swap3A_867] {strides = array<i32>} : memref<128xf32, #tpu.memory_space<vmem>>, vector<16xf32>,
      tpu.vector_store %arg18[%swap3A_867], %gather3A_864 {strides = array<i32>} : memref<128xf32, #tpu.memory_space<vmem>>, vector<16xf32>,
    }
    %scan3A_626 = arith.constant 8 : i32
    %dma_start3A_627 = arith.constant 0 : i32
    %dma_start3A_628 = tpu.memref_slice %arg6[%add3A_611, %dma_start3A_627] : memref<100000x128xf32, #tpu.memory_space<hbm>> -> memref<128x128xf32, #tpu.memory_space<hbm>>
    %dma_start3A_629 = arith.constant 0 : i32
    %dma_start3A_630 = tpu.memref_slice %arg6[%add3A_611, %dma_start3A_629] : memref<100000x128xf32, #tpu.memory_space<hbm>> -> memref<128x128xf32, #tpu.memory_space<hbm>>
    tpu.enqueue_dma source(%arg13 : memref<128x128xf32, #tpu.memory_space<vmem>>) target(%dma_start3A_630 : memref<128x128xf32, #tpu.memory_space<hbm>>) target_semaphore(%arg31 : memref<!tpu.dma_semaphore, #tpu.memory_space<semaphore_mem>>)
    %dma_start3A_631 = tpu.memref_slice %arg7[%add3A_611] : memref<100000xf32, #tpu.memory_space<hbm>> -> memref<128xf32, #tpu.memory_space<hbm>>
    %dma_start3A_632 = tpu.memref_slice %arg7[%add3A_611] : memref<100000xf32, #tpu.memory_space<hbm>> -> memref<128xf32, #tpu.memory_space<hbm>>
    tpu.enqueue_dma source(%arg15 : memref<128xf32, #tpu.memory_space<vmem>>) target(%dma_start3A_632 : memref<128xf32, #tpu.memory_space<hbm>>) target_semaphore(%arg33 : memref<!tpu.dma_semaphore, #tpu.memory_space<semaphore_mem>>)
    %dma_start3A_633 = tpu.memref_slice %arg8[%add3A_611] : memref<100000xf32, #tpu.memory_space<hbm>> -> memref<128xf32, #tpu.memory_space<hbm>>
    %dma_start3A_634 = tpu.memref_slice %arg8[%add3A_611] : memref<100000xf32, #tpu.memory_space<hbm>> -> memref<128xf32, #tpu.memory_space<hbm>>
    tpu.enqueue_dma source(%arg18 : memref<128xf32, #tpu.memory_space<vmem>>) target(%dma_start3A_634 : memref<128xf32, #tpu.memory_space<hbm>>) target_semaphore(%arg36 : memref<!tpu.dma_semaphore, #tpu.memory_space<semaphore_mem>>)
    %dma_wait3A_635 = arith.constant 0 : i32
    %dma_wait3A_636 = tpu.memref_slice %arg6[%add3A_543, %dma_wait3A_635] : memref<100000x128xf32, #tpu.memory_space<hbm>> -> memref<128x128xf32, #tpu.memory_space<hbm>>
    %dma_wait3A_637 = arith.constant 0 : i32
    %dma_wait3A_638 = tpu.memref_slice %arg6[%add3A_543, %dma_wait3A_637] : memref<100000x128xf32, #tpu.memory_space<hbm>> -> memref<128x128xf32, #tpu.memory_space<hbm>>
    tpu.wait_dma2 semaphore(%arg29 : memref<!tpu.dma_semaphore, #tpu.memory_space<semaphore_mem>>) src(%arg11 : memref<128x128xf32, #tpu.memory_space<vmem>>) dst(%dma_wait3A_638 : memref<128x128xf32, #tpu.memory_space<hbm>>)
    %dma_start3A_639 = arith.constant 2688 : i32
    %dma_start3A_640 = tpu.memref_slice %arg9[%dma_start3A_639] : memref<3200xi32, #tpu.memory_space<vmem>> -> memref<128xi32, #tpu.memory_space<vmem>>
    %dma_start3A_641 = arith.constant 0 : i32
    %dma_start3A_642 = arith.constant 0 : i32
    %dma_start3A_643 = tpu.memref_slice %arg39[%dma_start3A_641, %dma_start3A_642] : memref<1024x128xf32, #tpu.memory_space<vmem_shared>> -> memref<1024x128xf32, #tpu.memory_space<vmem_shared>>
    tpu.enqueue_indirect_dma source(%dma_start3A_643 : memref<1024x128xf32, #tpu.memory_space<vmem_shared>>) target(%arg11 : memref<128x128xf32, #tpu.memory_space<vmem>>) offsets(%dma_start3A_640 : memref<128xi32, #tpu.memory_space<vmem>>) semaphore(%arg24 : memref<!tpu.dma_semaphore, #tpu.memory_space<semaphore_mem>>)
    %add3A_644 = arith.constant 2432 : i32
    %add3A_645 = arith.addi %min3A_3, %add3A_644 : i32
    %dma_wait3A_646 = arith.constant 2432 : i32
    %dma_wait3A_647 = tpu.memref_slice %arg9[%dma_wait3A_646] : memref<3200xi32, #tpu.memory_space<vmem>> -> memref<128xi32, #tpu.memory_space<vmem>>
    %dma_wait3A_648 = arith.constant 0 : i32
    %dma_wait3A_649 = arith.constant 0 : i32
    %dma_wait3A_650 = tpu.memref_slice %arg39[%dma_wait3A_648, %dma_wait3A_649] : memref<1024x128xf32, #tpu.memory_space<vmem_shared>> -> memref<1024x128xf32, #tpu.memory_space<vmem_shared>>
    tpu.wait_indirect_dma semaphore(%arg27 : memref<!tpu.dma_semaphore, #tpu.memory_space<semaphore_mem>>) src(%dma_wait3A_650 : memref<1024x128xf32, #tpu.memory_space<vmem_shared>>) dst(%arg14 : memref<128x128xf32, #tpu.memory_space<vmem>>)
    %dma_wait3A_651 = tpu.memref_slice %arg7[%add3A_543] : memref<100000xf32, #tpu.memory_space<hbm>> -> memref<128xf32, #tpu.memory_space<hbm>>
    %dma_wait3A_652 = tpu.memref_slice %arg7[%add3A_543] : memref<100000xf32, #tpu.memory_space<hbm>> -> memref<128xf32, #tpu.memory_space<hbm>>
    tpu.wait_dma2 semaphore(%arg34 : memref<!tpu.dma_semaphore, #tpu.memory_space<semaphore_mem>>) src(%arg16 : memref<128xf32, #tpu.memory_space<vmem>>) dst(%dma_wait3A_652 : memref<128xf32, #tpu.memory_space<hbm>>)
    %dma_wait3A_653 = tpu.memref_slice %arg8[%add3A_543] : memref<100000xf32, #tpu.memory_space<hbm>> -> memref<128xf32, #tpu.memory_space<hbm>>
    %dma_wait3A_654 = tpu.memref_slice %arg8[%add3A_543] : memref<100000xf32, #tpu.memory_space<hbm>> -> memref<128xf32, #tpu.memory_space<hbm>>
    tpu.wait_dma2 semaphore(%arg37 : memref<!tpu.dma_semaphore, #tpu.memory_space<semaphore_mem>>) src(%arg19 : memref<128xf32, #tpu.memory_space<vmem>>) dst(%dma_wait3A_654 : memref<128xf32, #tpu.memory_space<hbm>>)
    %scan3A_655 = arith.constant 0 : i32
    %scan3A_656 = arith.constant 0 : i32
    %scan3A_657 = arith.constant 8 : i32
    %scan3A_658 = arith.addi %scan3A_656, %scan3A_657 : i32
    %scan3A_659 = arith.constant 1 : i32
    scf.for %scan3A_853 = %scan3A_656 to %scan3A_658 step %scan3A_659  : i32 {
      %mul3A_854 = arith.constant 16 : i32
      %mul3A_855 = arith.muli %scan3A_853, %mul3A_854 : i32
      %add3A_856 = arith.constant 2432 : i32
      %add3A_857 = arith.addi %add3A_856, %mul3A_855 : i32
      %add3A_858 = vector.broadcast %add3A_857 : i32 to vector<16xi32>
      %add3A_859 = arith.addi %add3A_858, %iota3A : vector<16xi32>
      %gather3A = tpu.vector_load_idx %arg9[%add3A_859] : memref<3200xi32, #tpu.memory_space<vmem>>[vector<16xi32>], vector<16xi32>,
      %gather3A_860 = tpu.vector_load_idx %arg21[%gather3A] : memref<1024xf32, #tpu.memory_space<vmem>>[vector<16xi32>], vector<16xf32>,
      %mul3A_861 = arith.constant 16 : i32
      %mul3A_862 = arith.muli %scan3A_853, %mul3A_861 : i32
      %swap3A = arith.index_cast %mul3A_862 : i32 to index
      %swap3A_863 = tpu.vector_load %arg16[%swap3A] {strides = array<i32>} : memref<128xf32, #tpu.memory_space<vmem>>, vector<16xf32>,
      tpu.vector_store %arg16[%swap3A], %gather3A_860 {strides = array<i32>} : memref<128xf32, #tpu.memory_space<vmem>>, vector<16xf32>,
      %gather3A_864 = tpu.vector_load_idx %arg22[%gather3A] : memref<1024xf32, #tpu.memory_space<vmem>>[vector<16xi32>], vector<16xf32>,
      %mul3A_865 = arith.constant 16 : i32
      %mul3A_866 = arith.muli %scan3A_853, %mul3A_865 : i32
      %swap3A_867 = arith.index_cast %mul3A_866 : i32 to index
      %swap3A_868 = tpu.vector_load %arg19[%swap3A_867] {strides = array<i32>} : memref<128xf32, #tpu.memory_space<vmem>>, vector<16xf32>,
      tpu.vector_store %arg19[%swap3A_867], %gather3A_864 {strides = array<i32>} : memref<128xf32, #tpu.memory_space<vmem>>, vector<16xf32>,
    }
    %scan3A_660 = arith.constant 8 : i32
    %dma_start3A_661 = arith.constant 0 : i32
    %dma_start3A_662 = tpu.memref_slice %arg6[%add3A_645, %dma_start3A_661] : memref<100000x128xf32, #tpu.memory_space<hbm>> -> memref<128x128xf32, #tpu.memory_space<hbm>>
    %dma_start3A_663 = arith.constant 0 : i32
    %dma_start3A_664 = tpu.memref_slice %arg6[%add3A_645, %dma_start3A_663] : memref<100000x128xf32, #tpu.memory_space<hbm>> -> memref<128x128xf32, #tpu.memory_space<hbm>>
    tpu.enqueue_dma source(%arg14 : memref<128x128xf32, #tpu.memory_space<vmem>>) target(%dma_start3A_664 : memref<128x128xf32, #tpu.memory_space<hbm>>) target_semaphore(%arg32 : memref<!tpu.dma_semaphore, #tpu.memory_space<semaphore_mem>>)
    %dma_start3A_665 = tpu.memref_slice %arg7[%add3A_645] : memref<100000xf32, #tpu.memory_space<hbm>> -> memref<128xf32, #tpu.memory_space<hbm>>
    %dma_start3A_666 = tpu.memref_slice %arg7[%add3A_645] : memref<100000xf32, #tpu.memory_space<hbm>> -> memref<128xf32, #tpu.memory_space<hbm>>
    tpu.enqueue_dma source(%arg16 : memref<128xf32, #tpu.memory_space<vmem>>) target(%dma_start3A_666 : memref<128xf32, #tpu.memory_space<hbm>>) target_semaphore(%arg34 : memref<!tpu.dma_semaphore, #tpu.memory_space<semaphore_mem>>)
    %dma_start3A_667 = tpu.memref_slice %arg8[%add3A_645] : memref<100000xf32, #tpu.memory_space<hbm>> -> memref<128xf32, #tpu.memory_space<hbm>>
    %dma_start3A_668 = tpu.memref_slice %arg8[%add3A_645] : memref<100000xf32, #tpu.memory_space<hbm>> -> memref<128xf32, #tpu.memory_space<hbm>>
    tpu.enqueue_dma source(%arg19 : memref<128xf32, #tpu.memory_space<vmem>>) target(%dma_start3A_668 : memref<128xf32, #tpu.memory_space<hbm>>) target_semaphore(%arg37 : memref<!tpu.dma_semaphore, #tpu.memory_space<semaphore_mem>>)
    %dma_wait3A_669 = arith.constant 0 : i32
    %dma_wait3A_670 = tpu.memref_slice %arg6[%add3A_577, %dma_wait3A_669] : memref<100000x128xf32, #tpu.memory_space<hbm>> -> memref<128x128xf32, #tpu.memory_space<hbm>>
    %dma_wait3A_671 = arith.constant 0 : i32
    %dma_wait3A_672 = tpu.memref_slice %arg6[%add3A_577, %dma_wait3A_671] : memref<100000x128xf32, #tpu.memory_space<hbm>> -> memref<128x128xf32, #tpu.memory_space<hbm>>
    tpu.wait_dma2 semaphore(%arg30 : memref<!tpu.dma_semaphore, #tpu.memory_space<semaphore_mem>>) src(%arg12 : memref<128x128xf32, #tpu.memory_space<vmem>>) dst(%dma_wait3A_672 : memref<128x128xf32, #tpu.memory_space<hbm>>)
    %dma_start3A_673 = arith.constant 2816 : i32
    %dma_start3A_674 = tpu.memref_slice %arg9[%dma_start3A_673] : memref<3200xi32, #tpu.memory_space<vmem>> -> memref<128xi32, #tpu.memory_space<vmem>>
    %dma_start3A_675 = arith.constant 0 : i32
    %dma_start3A_676 = arith.constant 0 : i32
    %dma_start3A_677 = tpu.memref_slice %arg39[%dma_start3A_675, %dma_start3A_676] : memref<1024x128xf32, #tpu.memory_space<vmem_shared>> -> memref<1024x128xf32, #tpu.memory_space<vmem_shared>>
    tpu.enqueue_indirect_dma source(%dma_start3A_677 : memref<1024x128xf32, #tpu.memory_space<vmem_shared>>) target(%arg12 : memref<128x128xf32, #tpu.memory_space<vmem>>) offsets(%dma_start3A_674 : memref<128xi32, #tpu.memory_space<vmem>>) semaphore(%arg25 : memref<!tpu.dma_semaphore, #tpu.memory_space<semaphore_mem>>)
    %add3A_678 = arith.constant 2560 : i32
    %add3A_679 = arith.addi %min3A_3, %add3A_678 : i32
    %dma_wait3A_680 = arith.constant 2560 : i32
    %dma_wait3A_681 = tpu.memref_slice %arg9[%dma_wait3A_680] : memref<3200xi32, #tpu.memory_space<vmem>> -> memref<128xi32, #tpu.memory_space<vmem>>
    %dma_wait3A_682 = arith.constant 0 : i32
    %dma_wait3A_683 = arith.constant 0 : i32
    %dma_wait3A_684 = tpu.memref_slice %arg39[%dma_wait3A_682, %dma_wait3A_683] : memref<1024x128xf32, #tpu.memory_space<vmem_shared>> -> memref<1024x128xf32, #tpu.memory_space<vmem_shared>>
    tpu.wait_indirect_dma semaphore(%arg23 : memref<!tpu.dma_semaphore, #tpu.memory_space<semaphore_mem>>) src(%dma_wait3A_684 : memref<1024x128xf32, #tpu.memory_space<vmem_shared>>) dst(%arg10 : memref<128x128xf32, #tpu.memory_space<vmem>>)
    %dma_wait3A_685 = tpu.memref_slice %arg7[%add3A_577] : memref<100000xf32, #tpu.memory_space<hbm>> -> memref<128xf32, #tpu.memory_space<hbm>>
    %dma_wait3A_686 = tpu.memref_slice %arg7[%add3A_577] : memref<100000xf32, #tpu.memory_space<hbm>> -> memref<128xf32, #tpu.memory_space<hbm>>
    tpu.wait_dma2 semaphore(%arg35 : memref<!tpu.dma_semaphore, #tpu.memory_space<semaphore_mem>>) src(%arg17 : memref<128xf32, #tpu.memory_space<vmem>>) dst(%dma_wait3A_686 : memref<128xf32, #tpu.memory_space<hbm>>)
    %dma_wait3A_687 = tpu.memref_slice %arg8[%add3A_577] : memref<100000xf32, #tpu.memory_space<hbm>> -> memref<128xf32, #tpu.memory_space<hbm>>
    %dma_wait3A_688 = tpu.memref_slice %arg8[%add3A_577] : memref<100000xf32, #tpu.memory_space<hbm>> -> memref<128xf32, #tpu.memory_space<hbm>>
    tpu.wait_dma2 semaphore(%arg38 : memref<!tpu.dma_semaphore, #tpu.memory_space<semaphore_mem>>) src(%arg20 : memref<128xf32, #tpu.memory_space<vmem>>) dst(%dma_wait3A_688 : memref<128xf32, #tpu.memory_space<hbm>>)
    %scan3A_689 = arith.constant 0 : i32
    %scan3A_690 = arith.constant 0 : i32
    %scan3A_691 = arith.constant 8 : i32
    %scan3A_692 = arith.addi %scan3A_690, %scan3A_691 : i32
    %scan3A_693 = arith.constant 1 : i32
    scf.for %scan3A_853 = %scan3A_690 to %scan3A_692 step %scan3A_693  : i32 {
      %mul3A_854 = arith.constant 16 : i32
      %mul3A_855 = arith.muli %scan3A_853, %mul3A_854 : i32
      %add3A_856 = arith.constant 2560 : i32
      %add3A_857 = arith.addi %add3A_856, %mul3A_855 : i32
      %add3A_858 = vector.broadcast %add3A_857 : i32 to vector<16xi32>
      %add3A_859 = arith.addi %add3A_858, %iota3A : vector<16xi32>
      %gather3A = tpu.vector_load_idx %arg9[%add3A_859] : memref<3200xi32, #tpu.memory_space<vmem>>[vector<16xi32>], vector<16xi32>,
      %gather3A_860 = tpu.vector_load_idx %arg21[%gather3A] : memref<1024xf32, #tpu.memory_space<vmem>>[vector<16xi32>], vector<16xf32>,
      %mul3A_861 = arith.constant 16 : i32
      %mul3A_862 = arith.muli %scan3A_853, %mul3A_861 : i32
      %swap3A = arith.index_cast %mul3A_862 : i32 to index
      %swap3A_863 = tpu.vector_load %arg17[%swap3A] {strides = array<i32>} : memref<128xf32, #tpu.memory_space<vmem>>, vector<16xf32>,
      tpu.vector_store %arg17[%swap3A], %gather3A_860 {strides = array<i32>} : memref<128xf32, #tpu.memory_space<vmem>>, vector<16xf32>,
      %gather3A_864 = tpu.vector_load_idx %arg22[%gather3A] : memref<1024xf32, #tpu.memory_space<vmem>>[vector<16xi32>], vector<16xf32>,
      %mul3A_865 = arith.constant 16 : i32
      %mul3A_866 = arith.muli %scan3A_853, %mul3A_865 : i32
      %swap3A_867 = arith.index_cast %mul3A_866 : i32 to index
      %swap3A_868 = tpu.vector_load %arg20[%swap3A_867] {strides = array<i32>} : memref<128xf32, #tpu.memory_space<vmem>>, vector<16xf32>,
      tpu.vector_store %arg20[%swap3A_867], %gather3A_864 {strides = array<i32>} : memref<128xf32, #tpu.memory_space<vmem>>, vector<16xf32>,
    }
    %scan3A_694 = arith.constant 8 : i32
    %dma_start3A_695 = arith.constant 0 : i32
    %dma_start3A_696 = tpu.memref_slice %arg6[%add3A_679, %dma_start3A_695] : memref<100000x128xf32, #tpu.memory_space<hbm>> -> memref<128x128xf32, #tpu.memory_space<hbm>>
    %dma_start3A_697 = arith.constant 0 : i32
    %dma_start3A_698 = tpu.memref_slice %arg6[%add3A_679, %dma_start3A_697] : memref<100000x128xf32, #tpu.memory_space<hbm>> -> memref<128x128xf32, #tpu.memory_space<hbm>>
    tpu.enqueue_dma source(%arg10 : memref<128x128xf32, #tpu.memory_space<vmem>>) target(%dma_start3A_698 : memref<128x128xf32, #tpu.memory_space<hbm>>) target_semaphore(%arg28 : memref<!tpu.dma_semaphore, #tpu.memory_space<semaphore_mem>>)
    %dma_start3A_699 = tpu.memref_slice %arg7[%add3A_679] : memref<100000xf32, #tpu.memory_space<hbm>> -> memref<128xf32, #tpu.memory_space<hbm>>
    %dma_start3A_700 = tpu.memref_slice %arg7[%add3A_679] : memref<100000xf32, #tpu.memory_space<hbm>> -> memref<128xf32, #tpu.memory_space<hbm>>
    tpu.enqueue_dma source(%arg17 : memref<128xf32, #tpu.memory_space<vmem>>) target(%dma_start3A_700 : memref<128xf32, #tpu.memory_space<hbm>>) target_semaphore(%arg35 : memref<!tpu.dma_semaphore, #tpu.memory_space<semaphore_mem>>)
    %dma_start3A_701 = tpu.memref_slice %arg8[%add3A_679] : memref<100000xf32, #tpu.memory_space<hbm>> -> memref<128xf32, #tpu.memory_space<hbm>>
    %dma_start3A_702 = tpu.memref_slice %arg8[%add3A_679] : memref<100000xf32, #tpu.memory_space<hbm>> -> memref<128xf32, #tpu.memory_space<hbm>>
    tpu.enqueue_dma source(%arg20 : memref<128xf32, #tpu.memory_space<vmem>>) target(%dma_start3A_702 : memref<128xf32, #tpu.memory_space<hbm>>) target_semaphore(%arg38 : memref<!tpu.dma_semaphore, #tpu.memory_space<semaphore_mem>>)
    %dma_wait3A_703 = arith.constant 0 : i32
    %dma_wait3A_704 = tpu.memref_slice %arg6[%add3A_611, %dma_wait3A_703] : memref<100000x128xf32, #tpu.memory_space<hbm>> -> memref<128x128xf32, #tpu.memory_space<hbm>>
    %dma_wait3A_705 = arith.constant 0 : i32
    %dma_wait3A_706 = tpu.memref_slice %arg6[%add3A_611, %dma_wait3A_705] : memref<100000x128xf32, #tpu.memory_space<hbm>> -> memref<128x128xf32, #tpu.memory_space<hbm>>
    tpu.wait_dma2 semaphore(%arg31 : memref<!tpu.dma_semaphore, #tpu.memory_space<semaphore_mem>>) src(%arg13 : memref<128x128xf32, #tpu.memory_space<vmem>>) dst(%dma_wait3A_706 : memref<128x128xf32, #tpu.memory_space<hbm>>)
    %dma_start3A_707 = arith.constant 2944 : i32
    %dma_start3A_708 = tpu.memref_slice %arg9[%dma_start3A_707] : memref<3200xi32, #tpu.memory_space<vmem>> -> memref<128xi32, #tpu.memory_space<vmem>>
    %dma_start3A_709 = arith.constant 0 : i32
    %dma_start3A_710 = arith.constant 0 : i32
    %dma_start3A_711 = tpu.memref_slice %arg39[%dma_start3A_709, %dma_start3A_710] : memref<1024x128xf32, #tpu.memory_space<vmem_shared>> -> memref<1024x128xf32, #tpu.memory_space<vmem_shared>>
    tpu.enqueue_indirect_dma source(%dma_start3A_711 : memref<1024x128xf32, #tpu.memory_space<vmem_shared>>) target(%arg13 : memref<128x128xf32, #tpu.memory_space<vmem>>) offsets(%dma_start3A_708 : memref<128xi32, #tpu.memory_space<vmem>>) semaphore(%arg26 : memref<!tpu.dma_semaphore, #tpu.memory_space<semaphore_mem>>)
    %add3A_712 = arith.constant 2688 : i32
    %add3A_713 = arith.addi %min3A_3, %add3A_712 : i32
    %dma_wait3A_714 = arith.constant 2688 : i32
    %dma_wait3A_715 = tpu.memref_slice %arg9[%dma_wait3A_714] : memref<3200xi32, #tpu.memory_space<vmem>> -> memref<128xi32, #tpu.memory_space<vmem>>
    %dma_wait3A_716 = arith.constant 0 : i32
    %dma_wait3A_717 = arith.constant 0 : i32
    %dma_wait3A_718 = tpu.memref_slice %arg39[%dma_wait3A_716, %dma_wait3A_717] : memref<1024x128xf32, #tpu.memory_space<vmem_shared>> -> memref<1024x128xf32, #tpu.memory_space<vmem_shared>>
    tpu.wait_indirect_dma semaphore(%arg24 : memref<!tpu.dma_semaphore, #tpu.memory_space<semaphore_mem>>) src(%dma_wait3A_718 : memref<1024x128xf32, #tpu.memory_space<vmem_shared>>) dst(%arg11 : memref<128x128xf32, #tpu.memory_space<vmem>>)
    %dma_wait3A_719 = tpu.memref_slice %arg7[%add3A_611] : memref<100000xf32, #tpu.memory_space<hbm>> -> memref<128xf32, #tpu.memory_space<hbm>>
    %dma_wait3A_720 = tpu.memref_slice %arg7[%add3A_611] : memref<100000xf32, #tpu.memory_space<hbm>> -> memref<128xf32, #tpu.memory_space<hbm>>
    tpu.wait_dma2 semaphore(%arg33 : memref<!tpu.dma_semaphore, #tpu.memory_space<semaphore_mem>>) src(%arg15 : memref<128xf32, #tpu.memory_space<vmem>>) dst(%dma_wait3A_720 : memref<128xf32, #tpu.memory_space<hbm>>)
    %dma_wait3A_721 = tpu.memref_slice %arg8[%add3A_611] : memref<100000xf32, #tpu.memory_space<hbm>> -> memref<128xf32, #tpu.memory_space<hbm>>
    %dma_wait3A_722 = tpu.memref_slice %arg8[%add3A_611] : memref<100000xf32, #tpu.memory_space<hbm>> -> memref<128xf32, #tpu.memory_space<hbm>>
    tpu.wait_dma2 semaphore(%arg36 : memref<!tpu.dma_semaphore, #tpu.memory_space<semaphore_mem>>) src(%arg18 : memref<128xf32, #tpu.memory_space<vmem>>) dst(%dma_wait3A_722 : memref<128xf32, #tpu.memory_space<hbm>>)
    %scan3A_723 = arith.constant 0 : i32
    %scan3A_724 = arith.constant 0 : i32
    %scan3A_725 = arith.constant 8 : i32
    %scan3A_726 = arith.addi %scan3A_724, %scan3A_725 : i32
    %scan3A_727 = arith.constant 1 : i32
    scf.for %scan3A_853 = %scan3A_724 to %scan3A_726 step %scan3A_727  : i32 {
      %mul3A_854 = arith.constant 16 : i32
      %mul3A_855 = arith.muli %scan3A_853, %mul3A_854 : i32
      %add3A_856 = arith.constant 2688 : i32
      %add3A_857 = arith.addi %add3A_856, %mul3A_855 : i32
      %add3A_858 = vector.broadcast %add3A_857 : i32 to vector<16xi32>
      %add3A_859 = arith.addi %add3A_858, %iota3A : vector<16xi32>
      %gather3A = tpu.vector_load_idx %arg9[%add3A_859] : memref<3200xi32, #tpu.memory_space<vmem>>[vector<16xi32>], vector<16xi32>,
      %gather3A_860 = tpu.vector_load_idx %arg21[%gather3A] : memref<1024xf32, #tpu.memory_space<vmem>>[vector<16xi32>], vector<16xf32>,
      %mul3A_861 = arith.constant 16 : i32
      %mul3A_862 = arith.muli %scan3A_853, %mul3A_861 : i32
      %swap3A = arith.index_cast %mul3A_862 : i32 to index
      %swap3A_863 = tpu.vector_load %arg15[%swap3A] {strides = array<i32>} : memref<128xf32, #tpu.memory_space<vmem>>, vector<16xf32>,
      tpu.vector_store %arg15[%swap3A], %gather3A_860 {strides = array<i32>} : memref<128xf32, #tpu.memory_space<vmem>>, vector<16xf32>,
      %gather3A_864 = tpu.vector_load_idx %arg22[%gather3A] : memref<1024xf32, #tpu.memory_space<vmem>>[vector<16xi32>], vector<16xf32>,
      %mul3A_865 = arith.constant 16 : i32
      %mul3A_866 = arith.muli %scan3A_853, %mul3A_865 : i32
      %swap3A_867 = arith.index_cast %mul3A_866 : i32 to index
      %swap3A_868 = tpu.vector_load %arg18[%swap3A_867] {strides = array<i32>} : memref<128xf32, #tpu.memory_space<vmem>>, vector<16xf32>,
      tpu.vector_store %arg18[%swap3A_867], %gather3A_864 {strides = array<i32>} : memref<128xf32, #tpu.memory_space<vmem>>, vector<16xf32>,
    }
    %scan3A_728 = arith.constant 8 : i32
    %dma_start3A_729 = arith.constant 0 : i32
    %dma_start3A_730 = tpu.memref_slice %arg6[%add3A_713, %dma_start3A_729] : memref<100000x128xf32, #tpu.memory_space<hbm>> -> memref<128x128xf32, #tpu.memory_space<hbm>>
    %dma_start3A_731 = arith.constant 0 : i32
    %dma_start3A_732 = tpu.memref_slice %arg6[%add3A_713, %dma_start3A_731] : memref<100000x128xf32, #tpu.memory_space<hbm>> -> memref<128x128xf32, #tpu.memory_space<hbm>>
    tpu.enqueue_dma source(%arg11 : memref<128x128xf32, #tpu.memory_space<vmem>>) target(%dma_start3A_732 : memref<128x128xf32, #tpu.memory_space<hbm>>) target_semaphore(%arg29 : memref<!tpu.dma_semaphore, #tpu.memory_space<semaphore_mem>>)
    %dma_start3A_733 = tpu.memref_slice %arg7[%add3A_713] : memref<100000xf32, #tpu.memory_space<hbm>> -> memref<128xf32, #tpu.memory_space<hbm>>
    %dma_start3A_734 = tpu.memref_slice %arg7[%add3A_713] : memref<100000xf32, #tpu.memory_space<hbm>> -> memref<128xf32, #tpu.memory_space<hbm>>
    tpu.enqueue_dma source(%arg15 : memref<128xf32, #tpu.memory_space<vmem>>) target(%dma_start3A_734 : memref<128xf32, #tpu.memory_space<hbm>>) target_semaphore(%arg33 : memref<!tpu.dma_semaphore, #tpu.memory_space<semaphore_mem>>)
    %dma_start3A_735 = tpu.memref_slice %arg8[%add3A_713] : memref<100000xf32, #tpu.memory_space<hbm>> -> memref<128xf32, #tpu.memory_space<hbm>>
    %dma_start3A_736 = tpu.memref_slice %arg8[%add3A_713] : memref<100000xf32, #tpu.memory_space<hbm>> -> memref<128xf32, #tpu.memory_space<hbm>>
    tpu.enqueue_dma source(%arg18 : memref<128xf32, #tpu.memory_space<vmem>>) target(%dma_start3A_736 : memref<128xf32, #tpu.memory_space<hbm>>) target_semaphore(%arg36 : memref<!tpu.dma_semaphore, #tpu.memory_space<semaphore_mem>>)
    %dma_wait3A_737 = arith.constant 0 : i32
    %dma_wait3A_738 = tpu.memref_slice %arg6[%add3A_645, %dma_wait3A_737] : memref<100000x128xf32, #tpu.memory_space<hbm>> -> memref<128x128xf32, #tpu.memory_space<hbm>>
    %dma_wait3A_739 = arith.constant 0 : i32
    %dma_wait3A_740 = tpu.memref_slice %arg6[%add3A_645, %dma_wait3A_739] : memref<100000x128xf32, #tpu.memory_space<hbm>> -> memref<128x128xf32, #tpu.memory_space<hbm>>
    tpu.wait_dma2 semaphore(%arg32 : memref<!tpu.dma_semaphore, #tpu.memory_space<semaphore_mem>>) src(%arg14 : memref<128x128xf32, #tpu.memory_space<vmem>>) dst(%dma_wait3A_740 : memref<128x128xf32, #tpu.memory_space<hbm>>)
    %dma_start3A_741 = arith.constant 3072 : i32
    %dma_start3A_742 = tpu.memref_slice %arg9[%dma_start3A_741] : memref<3200xi32, #tpu.memory_space<vmem>> -> memref<128xi32, #tpu.memory_space<vmem>>
    %dma_start3A_743 = arith.constant 0 : i32
    %dma_start3A_744 = arith.constant 0 : i32
    %dma_start3A_745 = tpu.memref_slice %arg39[%dma_start3A_743, %dma_start3A_744] : memref<1024x128xf32, #tpu.memory_space<vmem_shared>> -> memref<1024x128xf32, #tpu.memory_space<vmem_shared>>
    tpu.enqueue_indirect_dma source(%dma_start3A_745 : memref<1024x128xf32, #tpu.memory_space<vmem_shared>>) target(%arg14 : memref<128x128xf32, #tpu.memory_space<vmem>>) offsets(%dma_start3A_742 : memref<128xi32, #tpu.memory_space<vmem>>) semaphore(%arg27 : memref<!tpu.dma_semaphore, #tpu.memory_space<semaphore_mem>>)
    %add3A_746 = arith.constant 2816 : i32
    %add3A_747 = arith.addi %min3A_3, %add3A_746 : i32
    %dma_wait3A_748 = arith.constant 2816 : i32
    %dma_wait3A_749 = tpu.memref_slice %arg9[%dma_wait3A_748] : memref<3200xi32, #tpu.memory_space<vmem>> -> memref<128xi32, #tpu.memory_space<vmem>>
    %dma_wait3A_750 = arith.constant 0 : i32
    %dma_wait3A_751 = arith.constant 0 : i32
    %dma_wait3A_752 = tpu.memref_slice %arg39[%dma_wait3A_750, %dma_wait3A_751] : memref<1024x128xf32, #tpu.memory_space<vmem_shared>> -> memref<1024x128xf32, #tpu.memory_space<vmem_shared>>
    tpu.wait_indirect_dma semaphore(%arg25 : memref<!tpu.dma_semaphore, #tpu.memory_space<semaphore_mem>>) src(%dma_wait3A_752 : memref<1024x128xf32, #tpu.memory_space<vmem_shared>>) dst(%arg12 : memref<128x128xf32, #tpu.memory_space<vmem>>)
    %dma_wait3A_753 = tpu.memref_slice %arg7[%add3A_645] : memref<100000xf32, #tpu.memory_space<hbm>> -> memref<128xf32, #tpu.memory_space<hbm>>
    %dma_wait3A_754 = tpu.memref_slice %arg7[%add3A_645] : memref<100000xf32, #tpu.memory_space<hbm>> -> memref<128xf32, #tpu.memory_space<hbm>>
    tpu.wait_dma2 semaphore(%arg34 : memref<!tpu.dma_semaphore, #tpu.memory_space<semaphore_mem>>) src(%arg16 : memref<128xf32, #tpu.memory_space<vmem>>) dst(%dma_wait3A_754 : memref<128xf32, #tpu.memory_space<hbm>>)
    %dma_wait3A_755 = tpu.memref_slice %arg8[%add3A_645] : memref<100000xf32, #tpu.memory_space<hbm>> -> memref<128xf32, #tpu.memory_space<hbm>>
    %dma_wait3A_756 = tpu.memref_slice %arg8[%add3A_645] : memref<100000xf32, #tpu.memory_space<hbm>> -> memref<128xf32, #tpu.memory_space<hbm>>
    tpu.wait_dma2 semaphore(%arg37 : memref<!tpu.dma_semaphore, #tpu.memory_space<semaphore_mem>>) src(%arg19 : memref<128xf32, #tpu.memory_space<vmem>>) dst(%dma_wait3A_756 : memref<128xf32, #tpu.memory_space<hbm>>)
    %scan3A_757 = arith.constant 0 : i32
    %scan3A_758 = arith.constant 0 : i32
    %scan3A_759 = arith.constant 8 : i32
    %scan3A_760 = arith.addi %scan3A_758, %scan3A_759 : i32
    %scan3A_761 = arith.constant 1 : i32
    scf.for %scan3A_853 = %scan3A_758 to %scan3A_760 step %scan3A_761  : i32 {
      %mul3A_854 = arith.constant 16 : i32
      %mul3A_855 = arith.muli %scan3A_853, %mul3A_854 : i32
      %add3A_856 = arith.constant 2816 : i32
      %add3A_857 = arith.addi %add3A_856, %mul3A_855 : i32
      %add3A_858 = vector.broadcast %add3A_857 : i32 to vector<16xi32>
      %add3A_859 = arith.addi %add3A_858, %iota3A : vector<16xi32>
      %gather3A = tpu.vector_load_idx %arg9[%add3A_859] : memref<3200xi32, #tpu.memory_space<vmem>>[vector<16xi32>], vector<16xi32>,
      %gather3A_860 = tpu.vector_load_idx %arg21[%gather3A] : memref<1024xf32, #tpu.memory_space<vmem>>[vector<16xi32>], vector<16xf32>,
      %mul3A_861 = arith.constant 16 : i32
      %mul3A_862 = arith.muli %scan3A_853, %mul3A_861 : i32
      %swap3A = arith.index_cast %mul3A_862 : i32 to index
      %swap3A_863 = tpu.vector_load %arg16[%swap3A] {strides = array<i32>} : memref<128xf32, #tpu.memory_space<vmem>>, vector<16xf32>,
      tpu.vector_store %arg16[%swap3A], %gather3A_860 {strides = array<i32>} : memref<128xf32, #tpu.memory_space<vmem>>, vector<16xf32>,
      %gather3A_864 = tpu.vector_load_idx %arg22[%gather3A] : memref<1024xf32, #tpu.memory_space<vmem>>[vector<16xi32>], vector<16xf32>,
      %mul3A_865 = arith.constant 16 : i32
      %mul3A_866 = arith.muli %scan3A_853, %mul3A_865 : i32
      %swap3A_867 = arith.index_cast %mul3A_866 : i32 to index
      %swap3A_868 = tpu.vector_load %arg19[%swap3A_867] {strides = array<i32>} : memref<128xf32, #tpu.memory_space<vmem>>, vector<16xf32>,
      tpu.vector_store %arg19[%swap3A_867], %gather3A_864 {strides = array<i32>} : memref<128xf32, #tpu.memory_space<vmem>>, vector<16xf32>,
    }
    %scan3A_762 = arith.constant 8 : i32
    %dma_start3A_763 = arith.constant 0 : i32
    %dma_start3A_764 = tpu.memref_slice %arg6[%add3A_747, %dma_start3A_763] : memref<100000x128xf32, #tpu.memory_space<hbm>> -> memref<128x128xf32, #tpu.memory_space<hbm>>
    %dma_start3A_765 = arith.constant 0 : i32
    %dma_start3A_766 = tpu.memref_slice %arg6[%add3A_747, %dma_start3A_765] : memref<100000x128xf32, #tpu.memory_space<hbm>> -> memref<128x128xf32, #tpu.memory_space<hbm>>
    tpu.enqueue_dma source(%arg12 : memref<128x128xf32, #tpu.memory_space<vmem>>) target(%dma_start3A_766 : memref<128x128xf32, #tpu.memory_space<hbm>>) target_semaphore(%arg30 : memref<!tpu.dma_semaphore, #tpu.memory_space<semaphore_mem>>)
    %dma_start3A_767 = tpu.memref_slice %arg7[%add3A_747] : memref<100000xf32, #tpu.memory_space<hbm>> -> memref<128xf32, #tpu.memory_space<hbm>>
    %dma_start3A_768 = tpu.memref_slice %arg7[%add3A_747] : memref<100000xf32, #tpu.memory_space<hbm>> -> memref<128xf32, #tpu.memory_space<hbm>>
    tpu.enqueue_dma source(%arg16 : memref<128xf32, #tpu.memory_space<vmem>>) target(%dma_start3A_768 : memref<128xf32, #tpu.memory_space<hbm>>) target_semaphore(%arg34 : memref<!tpu.dma_semaphore, #tpu.memory_space<semaphore_mem>>)
    %dma_start3A_769 = tpu.memref_slice %arg8[%add3A_747] : memref<100000xf32, #tpu.memory_space<hbm>> -> memref<128xf32, #tpu.memory_space<hbm>>
    %dma_start3A_770 = tpu.memref_slice %arg8[%add3A_747] : memref<100000xf32, #tpu.memory_space<hbm>> -> memref<128xf32, #tpu.memory_space<hbm>>
    tpu.enqueue_dma source(%arg19 : memref<128xf32, #tpu.memory_space<vmem>>) target(%dma_start3A_770 : memref<128xf32, #tpu.memory_space<hbm>>) target_semaphore(%arg37 : memref<!tpu.dma_semaphore, #tpu.memory_space<semaphore_mem>>)
    %add3A_771 = arith.constant 2944 : i32
    %add3A_772 = arith.addi %min3A_3, %add3A_771 : i32
    %dma_wait3A_773 = arith.constant 2944 : i32
    %dma_wait3A_774 = tpu.memref_slice %arg9[%dma_wait3A_773] : memref<3200xi32, #tpu.memory_space<vmem>> -> memref<128xi32, #tpu.memory_space<vmem>>
    %dma_wait3A_775 = arith.constant 0 : i32
    %dma_wait3A_776 = arith.constant 0 : i32
    %dma_wait3A_777 = tpu.memref_slice %arg39[%dma_wait3A_775, %dma_wait3A_776] : memref<1024x128xf32, #tpu.memory_space<vmem_shared>> -> memref<1024x128xf32, #tpu.memory_space<vmem_shared>>
    tpu.wait_indirect_dma semaphore(%arg26 : memref<!tpu.dma_semaphore, #tpu.memory_space<semaphore_mem>>) src(%dma_wait3A_777 : memref<1024x128xf32, #tpu.memory_space<vmem_shared>>) dst(%arg13 : memref<128x128xf32, #tpu.memory_space<vmem>>)
    %dma_wait3A_778 = tpu.memref_slice %arg7[%add3A_679] : memref<100000xf32, #tpu.memory_space<hbm>> -> memref<128xf32, #tpu.memory_space<hbm>>
    %dma_wait3A_779 = tpu.memref_slice %arg7[%add3A_679] : memref<100000xf32, #tpu.memory_space<hbm>> -> memref<128xf32, #tpu.memory_space<hbm>>
    tpu.wait_dma2 semaphore(%arg35 : memref<!tpu.dma_semaphore, #tpu.memory_space<semaphore_mem>>) src(%arg17 : memref<128xf32, #tpu.memory_space<vmem>>) dst(%dma_wait3A_779 : memref<128xf32, #tpu.memory_space<hbm>>)
    %dma_wait3A_780 = tpu.memref_slice %arg8[%add3A_679] : memref<100000xf32, #tpu.memory_space<hbm>> -> memref<128xf32, #tpu.memory_space<hbm>>
    %dma_wait3A_781 = tpu.memref_slice %arg8[%add3A_679] : memref<100000xf32, #tpu.memory_space<hbm>> -> memref<128xf32, #tpu.memory_space<hbm>>
    tpu.wait_dma2 semaphore(%arg38 : memref<!tpu.dma_semaphore, #tpu.memory_space<semaphore_mem>>) src(%arg20 : memref<128xf32, #tpu.memory_space<vmem>>) dst(%dma_wait3A_781 : memref<128xf32, #tpu.memory_space<hbm>>)
    %scan3A_782 = arith.constant 0 : i32
    %scan3A_783 = arith.constant 0 : i32
    %scan3A_784 = arith.constant 8 : i32
    %scan3A_785 = arith.addi %scan3A_783, %scan3A_784 : i32
    %scan3A_786 = arith.constant 1 : i32
    scf.for %scan3A_853 = %scan3A_783 to %scan3A_785 step %scan3A_786  : i32 {
      %mul3A_854 = arith.constant 16 : i32
      %mul3A_855 = arith.muli %scan3A_853, %mul3A_854 : i32
      %add3A_856 = arith.constant 2944 : i32
      %add3A_857 = arith.addi %add3A_856, %mul3A_855 : i32
      %add3A_858 = vector.broadcast %add3A_857 : i32 to vector<16xi32>
      %add3A_859 = arith.addi %add3A_858, %iota3A : vector<16xi32>
      %gather3A = tpu.vector_load_idx %arg9[%add3A_859] : memref<3200xi32, #tpu.memory_space<vmem>>[vector<16xi32>], vector<16xi32>,
      %gather3A_860 = tpu.vector_load_idx %arg21[%gather3A] : memref<1024xf32, #tpu.memory_space<vmem>>[vector<16xi32>], vector<16xf32>,
      %mul3A_861 = arith.constant 16 : i32
      %mul3A_862 = arith.muli %scan3A_853, %mul3A_861 : i32
      %swap3A = arith.index_cast %mul3A_862 : i32 to index
      %swap3A_863 = tpu.vector_load %arg17[%swap3A] {strides = array<i32>} : memref<128xf32, #tpu.memory_space<vmem>>, vector<16xf32>,
      tpu.vector_store %arg17[%swap3A], %gather3A_860 {strides = array<i32>} : memref<128xf32, #tpu.memory_space<vmem>>, vector<16xf32>,
      %gather3A_864 = tpu.vector_load_idx %arg22[%gather3A] : memref<1024xf32, #tpu.memory_space<vmem>>[vector<16xi32>], vector<16xf32>,
      %mul3A_865 = arith.constant 16 : i32
      %mul3A_866 = arith.muli %scan3A_853, %mul3A_865 : i32
      %swap3A_867 = arith.index_cast %mul3A_866 : i32 to index
      %swap3A_868 = tpu.vector_load %arg20[%swap3A_867] {strides = array<i32>} : memref<128xf32, #tpu.memory_space<vmem>>, vector<16xf32>,
      tpu.vector_store %arg20[%swap3A_867], %gather3A_864 {strides = array<i32>} : memref<128xf32, #tpu.memory_space<vmem>>, vector<16xf32>,
    }
    %scan3A_787 = arith.constant 8 : i32
    %dma_start3A_788 = arith.constant 0 : i32
    %dma_start3A_789 = tpu.memref_slice %arg6[%add3A_772, %dma_start3A_788] : memref<100000x128xf32, #tpu.memory_space<hbm>> -> memref<128x128xf32, #tpu.memory_space<hbm>>
    %dma_start3A_790 = arith.constant 0 : i32
    %dma_start3A_791 = tpu.memref_slice %arg6[%add3A_772, %dma_start3A_790] : memref<100000x128xf32, #tpu.memory_space<hbm>> -> memref<128x128xf32, #tpu.memory_space<hbm>>
    tpu.enqueue_dma source(%arg13 : memref<128x128xf32, #tpu.memory_space<vmem>>) target(%dma_start3A_791 : memref<128x128xf32, #tpu.memory_space<hbm>>) target_semaphore(%arg31 : memref<!tpu.dma_semaphore, #tpu.memory_space<semaphore_mem>>)
    %dma_start3A_792 = tpu.memref_slice %arg7[%add3A_772] : memref<100000xf32, #tpu.memory_space<hbm>> -> memref<128xf32, #tpu.memory_space<hbm>>
    %dma_start3A_793 = tpu.memref_slice %arg7[%add3A_772] : memref<100000xf32, #tpu.memory_space<hbm>> -> memref<128xf32, #tpu.memory_space<hbm>>
    tpu.enqueue_dma source(%arg17 : memref<128xf32, #tpu.memory_space<vmem>>) target(%dma_start3A_793 : memref<128xf32, #tpu.memory_space<hbm>>) target_semaphore(%arg35 : memref<!tpu.dma_semaphore, #tpu.memory_space<semaphore_mem>>)
    %dma_start3A_794 = tpu.memref_slice %arg8[%add3A_772] : memref<100000xf32, #tpu.memory_space<hbm>> -> memref<128xf32, #tpu.memory_space<hbm>>
    %dma_start3A_795 = tpu.memref_slice %arg8[%add3A_772] : memref<100000xf32, #tpu.memory_space<hbm>> -> memref<128xf32, #tpu.memory_space<hbm>>
    tpu.enqueue_dma source(%arg20 : memref<128xf32, #tpu.memory_space<vmem>>) target(%dma_start3A_795 : memref<128xf32, #tpu.memory_space<hbm>>) target_semaphore(%arg38 : memref<!tpu.dma_semaphore, #tpu.memory_space<semaphore_mem>>)
    %add3A_796 = arith.constant 3072 : i32
    %add3A_797 = arith.addi %min3A_3, %add3A_796 : i32
    %dma_wait3A_798 = arith.constant 3072 : i32
    %dma_wait3A_799 = tpu.memref_slice %arg9[%dma_wait3A_798] : memref<3200xi32, #tpu.memory_space<vmem>> -> memref<128xi32, #tpu.memory_space<vmem>>
    %dma_wait3A_800 = arith.constant 0 : i32
    %dma_wait3A_801 = arith.constant 0 : i32
    %dma_wait3A_802 = tpu.memref_slice %arg39[%dma_wait3A_800, %dma_wait3A_801] : memref<1024x128xf32, #tpu.memory_space<vmem_shared>> -> memref<1024x128xf32, #tpu.memory_space<vmem_shared>>
    tpu.wait_indirect_dma semaphore(%arg27 : memref<!tpu.dma_semaphore, #tpu.memory_space<semaphore_mem>>) src(%dma_wait3A_802 : memref<1024x128xf32, #tpu.memory_space<vmem_shared>>) dst(%arg14 : memref<128x128xf32, #tpu.memory_space<vmem>>)
    %dma_wait3A_803 = tpu.memref_slice %arg7[%add3A_713] : memref<100000xf32, #tpu.memory_space<hbm>> -> memref<128xf32, #tpu.memory_space<hbm>>
    %dma_wait3A_804 = tpu.memref_slice %arg7[%add3A_713] : memref<100000xf32, #tpu.memory_space<hbm>> -> memref<128xf32, #tpu.memory_space<hbm>>
    tpu.wait_dma2 semaphore(%arg33 : memref<!tpu.dma_semaphore, #tpu.memory_space<semaphore_mem>>) src(%arg15 : memref<128xf32, #tpu.memory_space<vmem>>) dst(%dma_wait3A_804 : memref<128xf32, #tpu.memory_space<hbm>>)
    %dma_wait3A_805 = tpu.memref_slice %arg8[%add3A_713] : memref<100000xf32, #tpu.memory_space<hbm>> -> memref<128xf32, #tpu.memory_space<hbm>>
    %dma_wait3A_806 = tpu.memref_slice %arg8[%add3A_713] : memref<100000xf32, #tpu.memory_space<hbm>> -> memref<128xf32, #tpu.memory_space<hbm>>
    tpu.wait_dma2 semaphore(%arg36 : memref<!tpu.dma_semaphore, #tpu.memory_space<semaphore_mem>>) src(%arg18 : memref<128xf32, #tpu.memory_space<vmem>>) dst(%dma_wait3A_806 : memref<128xf32, #tpu.memory_space<hbm>>)
    %scan3A_807 = arith.constant 0 : i32
    %scan3A_808 = arith.constant 0 : i32
    %scan3A_809 = arith.constant 8 : i32
    %scan3A_810 = arith.addi %scan3A_808, %scan3A_809 : i32
    %scan3A_811 = arith.constant 1 : i32
    scf.for %scan3A_853 = %scan3A_808 to %scan3A_810 step %scan3A_811  : i32 {
      %mul3A_854 = arith.constant 16 : i32
      %mul3A_855 = arith.muli %scan3A_853, %mul3A_854 : i32
      %add3A_856 = arith.constant 3072 : i32
      %add3A_857 = arith.addi %add3A_856, %mul3A_855 : i32
      %add3A_858 = vector.broadcast %add3A_857 : i32 to vector<16xi32>
      %add3A_859 = arith.addi %add3A_858, %iota3A : vector<16xi32>
      %gather3A = tpu.vector_load_idx %arg9[%add3A_859] : memref<3200xi32, #tpu.memory_space<vmem>>[vector<16xi32>], vector<16xi32>,
      %gather3A_860 = tpu.vector_load_idx %arg21[%gather3A] : memref<1024xf32, #tpu.memory_space<vmem>>[vector<16xi32>], vector<16xf32>,
      %mul3A_861 = arith.constant 16 : i32
      %mul3A_862 = arith.muli %scan3A_853, %mul3A_861 : i32
      %swap3A = arith.index_cast %mul3A_862 : i32 to index
      %swap3A_863 = tpu.vector_load %arg15[%swap3A] {strides = array<i32>} : memref<128xf32, #tpu.memory_space<vmem>>, vector<16xf32>,
      tpu.vector_store %arg15[%swap3A], %gather3A_860 {strides = array<i32>} : memref<128xf32, #tpu.memory_space<vmem>>, vector<16xf32>,
      %gather3A_864 = tpu.vector_load_idx %arg22[%gather3A] : memref<1024xf32, #tpu.memory_space<vmem>>[vector<16xi32>], vector<16xf32>,
      %mul3A_865 = arith.constant 16 : i32
      %mul3A_866 = arith.muli %scan3A_853, %mul3A_865 : i32
      %swap3A_867 = arith.index_cast %mul3A_866 : i32 to index
      %swap3A_868 = tpu.vector_load %arg18[%swap3A_867] {strides = array<i32>} : memref<128xf32, #tpu.memory_space<vmem>>, vector<16xf32>,
      tpu.vector_store %arg18[%swap3A_867], %gather3A_864 {strides = array<i32>} : memref<128xf32, #tpu.memory_space<vmem>>, vector<16xf32>,
    }
    %scan3A_812 = arith.constant 8 : i32
    %dma_start3A_813 = arith.constant 0 : i32
    %dma_start3A_814 = tpu.memref_slice %arg6[%add3A_797, %dma_start3A_813] : memref<100000x128xf32, #tpu.memory_space<hbm>> -> memref<128x128xf32, #tpu.memory_space<hbm>>
    %dma_start3A_815 = arith.constant 0 : i32
    %dma_start3A_816 = tpu.memref_slice %arg6[%add3A_797, %dma_start3A_815] : memref<100000x128xf32, #tpu.memory_space<hbm>> -> memref<128x128xf32, #tpu.memory_space<hbm>>
    tpu.enqueue_dma source(%arg14 : memref<128x128xf32, #tpu.memory_space<vmem>>) target(%dma_start3A_816 : memref<128x128xf32, #tpu.memory_space<hbm>>) target_semaphore(%arg32 : memref<!tpu.dma_semaphore, #tpu.memory_space<semaphore_mem>>)
    %dma_start3A_817 = tpu.memref_slice %arg7[%add3A_797] : memref<100000xf32, #tpu.memory_space<hbm>> -> memref<128xf32, #tpu.memory_space<hbm>>
    %dma_start3A_818 = tpu.memref_slice %arg7[%add3A_797] : memref<100000xf32, #tpu.memory_space<hbm>> -> memref<128xf32, #tpu.memory_space<hbm>>
    tpu.enqueue_dma source(%arg15 : memref<128xf32, #tpu.memory_space<vmem>>) target(%dma_start3A_818 : memref<128xf32, #tpu.memory_space<hbm>>) target_semaphore(%arg33 : memref<!tpu.dma_semaphore, #tpu.memory_space<semaphore_mem>>)
    %dma_start3A_819 = tpu.memref_slice %arg8[%add3A_797] : memref<100000xf32, #tpu.memory_space<hbm>> -> memref<128xf32, #tpu.memory_space<hbm>>
    %dma_start3A_820 = tpu.memref_slice %arg8[%add3A_797] : memref<100000xf32, #tpu.memory_space<hbm>> -> memref<128xf32, #tpu.memory_space<hbm>>
    tpu.enqueue_dma source(%arg18 : memref<128xf32, #tpu.memory_space<vmem>>) target(%dma_start3A_820 : memref<128xf32, #tpu.memory_space<hbm>>) target_semaphore(%arg36 : memref<!tpu.dma_semaphore, #tpu.memory_space<semaphore_mem>>)
    %dma_wait3A_821 = arith.constant 0 : i32
    %dma_wait3A_822 = tpu.memref_slice %arg6[%add3A_679, %dma_wait3A_821] : memref<100000x128xf32, #tpu.memory_space<hbm>> -> memref<128x128xf32, #tpu.memory_space<hbm>>
    %dma_wait3A_823 = arith.constant 0 : i32
    %dma_wait3A_824 = tpu.memref_slice %arg6[%add3A_679, %dma_wait3A_823] : memref<100000x128xf32, #tpu.memory_space<hbm>> -> memref<128x128xf32, #tpu.memory_space<hbm>>
    tpu.wait_dma2 semaphore(%arg28 : memref<!tpu.dma_semaphore, #tpu.memory_space<semaphore_mem>>) src(%arg10 : memref<128x128xf32, #tpu.memory_space<vmem>>) dst(%dma_wait3A_824 : memref<128x128xf32, #tpu.memory_space<hbm>>)
    %dma_wait3A_825 = arith.constant 0 : i32
    %dma_wait3A_826 = tpu.memref_slice %arg6[%add3A_713, %dma_wait3A_825] : memref<100000x128xf32, #tpu.memory_space<hbm>> -> memref<128x128xf32, #tpu.memory_space<hbm>>
    %dma_wait3A_827 = arith.constant 0 : i32
    %dma_wait3A_828 = tpu.memref_slice %arg6[%add3A_713, %dma_wait3A_827] : memref<100000x128xf32, #tpu.memory_space<hbm>> -> memref<128x128xf32, #tpu.memory_space<hbm>>
    tpu.wait_dma2 semaphore(%arg29 : memref<!tpu.dma_semaphore, #tpu.memory_space<semaphore_mem>>) src(%arg11 : memref<128x128xf32, #tpu.memory_space<vmem>>) dst(%dma_wait3A_828 : memref<128x128xf32, #tpu.memory_space<hbm>>)
    %dma_wait3A_829 = arith.constant 0 : i32
    %dma_wait3A_830 = tpu.memref_slice %arg6[%add3A_747, %dma_wait3A_829] : memref<100000x128xf32, #tpu.memory_space<hbm>> -> memref<128x128xf32, #tpu.memory_space<hbm>>
    %dma_wait3A_831 = arith.constant 0 : i32
    %dma_wait3A_832 = tpu.memref_slice %arg6[%add3A_747, %dma_wait3A_831] : memref<100000x128xf32, #tpu.memory_space<hbm>> -> memref<128x128xf32, #tpu.memory_space<hbm>>
    tpu.wait_dma2 semaphore(%arg30 : memref<!tpu.dma_semaphore, #tpu.memory_space<semaphore_mem>>) src(%arg12 : memref<128x128xf32, #tpu.memory_space<vmem>>) dst(%dma_wait3A_832 : memref<128x128xf32, #tpu.memory_space<hbm>>)
    %dma_wait3A_833 = arith.constant 0 : i32
    %dma_wait3A_834 = tpu.memref_slice %arg6[%add3A_772, %dma_wait3A_833] : memref<100000x128xf32, #tpu.memory_space<hbm>> -> memref<128x128xf32, #tpu.memory_space<hbm>>
    %dma_wait3A_835 = arith.constant 0 : i32
    %dma_wait3A_836 = tpu.memref_slice %arg6[%add3A_772, %dma_wait3A_835] : memref<100000x128xf32, #tpu.memory_space<hbm>> -> memref<128x128xf32, #tpu.memory_space<hbm>>
    tpu.wait_dma2 semaphore(%arg31 : memref<!tpu.dma_semaphore, #tpu.memory_space<semaphore_mem>>) src(%arg13 : memref<128x128xf32, #tpu.memory_space<vmem>>) dst(%dma_wait3A_836 : memref<128x128xf32, #tpu.memory_space<hbm>>)
    %dma_wait3A_837 = arith.constant 0 : i32
    %dma_wait3A_838 = tpu.memref_slice %arg6[%add3A_797, %dma_wait3A_837] : memref<100000x128xf32, #tpu.memory_space<hbm>> -> memref<128x128xf32, #tpu.memory_space<hbm>>
    %dma_wait3A_839 = arith.constant 0 : i32
    %dma_wait3A_840 = tpu.memref_slice %arg6[%add3A_797, %dma_wait3A_839] : memref<100000x128xf32, #tpu.memory_space<hbm>> -> memref<128x128xf32, #tpu.memory_space<hbm>>
    tpu.wait_dma2 semaphore(%arg32 : memref<!tpu.dma_semaphore, #tpu.memory_space<semaphore_mem>>) src(%arg14 : memref<128x128xf32, #tpu.memory_space<vmem>>) dst(%dma_wait3A_840 : memref<128x128xf32, #tpu.memory_space<hbm>>)
    %dma_wait3A_841 = tpu.memref_slice %arg7[%add3A_747] : memref<100000xf32, #tpu.memory_space<hbm>> -> memref<128xf32, #tpu.memory_space<hbm>>
    %dma_wait3A_842 = tpu.memref_slice %arg7[%add3A_747] : memref<100000xf32, #tpu.memory_space<hbm>> -> memref<128xf32, #tpu.memory_space<hbm>>
    tpu.wait_dma2 semaphore(%arg34 : memref<!tpu.dma_semaphore, #tpu.memory_space<semaphore_mem>>) src(%arg16 : memref<128xf32, #tpu.memory_space<vmem>>) dst(%dma_wait3A_842 : memref<128xf32, #tpu.memory_space<hbm>>)
    %dma_wait3A_843 = tpu.memref_slice %arg8[%add3A_747] : memref<100000xf32, #tpu.memory_space<hbm>> -> memref<128xf32, #tpu.memory_space<hbm>>
    %dma_wait3A_844 = tpu.memref_slice %arg8[%add3A_747] : memref<100000xf32, #tpu.memory_space<hbm>> -> memref<128xf32, #tpu.memory_space<hbm>>
    tpu.wait_dma2 semaphore(%arg37 : memref<!tpu.dma_semaphore, #tpu.memory_space<semaphore_mem>>) src(%arg19 : memref<128xf32, #tpu.memory_space<vmem>>) dst(%dma_wait3A_844 : memref<128xf32, #tpu.memory_space<hbm>>)
    %dma_wait3A_845 = tpu.memref_slice %arg7[%add3A_772] : memref<100000xf32, #tpu.memory_space<hbm>> -> memref<128xf32, #tpu.memory_space<hbm>>
    %dma_wait3A_846 = tpu.memref_slice %arg7[%add3A_772] : memref<100000xf32, #tpu.memory_space<hbm>> -> memref<128xf32, #tpu.memory_space<hbm>>
    tpu.wait_dma2 semaphore(%arg35 : memref<!tpu.dma_semaphore, #tpu.memory_space<semaphore_mem>>) src(%arg17 : memref<128xf32, #tpu.memory_space<vmem>>) dst(%dma_wait3A_846 : memref<128xf32, #tpu.memory_space<hbm>>)
    %dma_wait3A_847 = tpu.memref_slice %arg8[%add3A_772] : memref<100000xf32, #tpu.memory_space<hbm>> -> memref<128xf32, #tpu.memory_space<hbm>>
    %dma_wait3A_848 = tpu.memref_slice %arg8[%add3A_772] : memref<100000xf32, #tpu.memory_space<hbm>> -> memref<128xf32, #tpu.memory_space<hbm>>
    tpu.wait_dma2 semaphore(%arg38 : memref<!tpu.dma_semaphore, #tpu.memory_space<semaphore_mem>>) src(%arg20 : memref<128xf32, #tpu.memory_space<vmem>>) dst(%dma_wait3A_848 : memref<128xf32, #tpu.memory_space<hbm>>)
    %dma_wait3A_849 = tpu.memref_slice %arg7[%add3A_797] : memref<100000xf32, #tpu.memory_space<hbm>> -> memref<128xf32, #tpu.memory_space<hbm>>
    %dma_wait3A_850 = tpu.memref_slice %arg7[%add3A_797] : memref<100000xf32, #tpu.memory_space<hbm>> -> memref<128xf32, #tpu.memory_space<hbm>>
    tpu.wait_dma2 semaphore(%arg33 : memref<!tpu.dma_semaphore, #tpu.memory_space<semaphore_mem>>) src(%arg15 : memref<128xf32, #tpu.memory_space<vmem>>) dst(%dma_wait3A_850 : memref<128xf32, #tpu.memory_space<hbm>>)
    %dma_wait3A_851 = tpu.memref_slice %arg8[%add3A_797] : memref<100000xf32, #tpu.memory_space<hbm>> -> memref<128xf32, #tpu.memory_space<hbm>>
    %dma_wait3A_852 = tpu.memref_slice %arg8[%add3A_797] : memref<100000xf32, #tpu.memory_space<hbm>> -> memref<128xf32, #tpu.memory_space<hbm>>
    tpu.wait_dma2 semaphore(%arg36 : memref<!tpu.dma_semaphore, #tpu.memory_space<semaphore_mem>>) src(%arg18 : memref<128xf32, #tpu.memory_space<vmem>>) dst(%dma_wait3A_852 : memref<128xf32, #tpu.memory_space<hbm>>)
    return
  }
}

module attributes {stable_mosaic.version = 14 : i64} {
  func.func @_epsc_body(%arg0: i32, %arg1: memref<3x25600xf32, #tpu.memory_space<vmem>>, %arg2: memref<1x3xf32, #tpu.memory_space<smem>>, %arg3: memref<3x25600xf32, #tpu.memory_space<vmem>>) attributes {dimension_semantics = [#tpu.dimension_semantics<arbitrary>], iteration_bounds = array<i64: 4>, scalar_prefetch = 0 : i64, scratch_operands = 0 : i64, tpu.core_type = #tpu.core_type<tc>, window_params = [{transform_indices = @transform_0, window_bounds = array<i64: 3, 25600>}, {transform_indices = @transform_1, window_bounds = array<i64: 1, 3>}, {transform_indices = @transform_2, window_bounds = array<i64: 3, 25600>}]} {
    %iota3A = tpu.iota {dimensions = array<i32: 0>} : vector<3x1xi32>
    %get3A = arith.constant 0 : index
    %get3A_0 = arith.constant 0 : index
    %get3A_1 = memref.load %arg2[%get3A, %get3A_0] : memref<1x3xf32, #tpu.memory_space<smem>>
    %get3A_2 = arith.constant 0 : index
    %get3A_3 = arith.constant 1 : index
    %get3A_4 = memref.load %arg2[%get3A_2, %get3A_3] : memref<1x3xf32, #tpu.memory_space<smem>>
    %get3A_5 = arith.constant 0 : index
    %get3A_6 = arith.constant 2 : index
    %get3A_7 = memref.load %arg2[%get3A_5, %get3A_6] : memref<1x3xf32, #tpu.memory_space<smem>>
    %eq3A = arith.constant 0 : i32
    %eq3A_8 = vector.broadcast %eq3A : i32 to vector<3x1xi32>
    %eq3A_9 = arith.cmpi eq, %iota3A, %eq3A_8 : vector<3x1xi32>
    %eq3A_10 = arith.constant 1 : i32
    %eq3A_11 = vector.broadcast %eq3A_10 : i32 to vector<3x1xi32>
    %eq3A_12 = arith.cmpi eq, %iota3A, %eq3A_11 : vector<3x1xi32>
    %broadcast_in_dim3A = vector.broadcast %get3A_4 : f32 to vector<3x1xf32>
    %broadcast_in_dim3A_13 = vector.broadcast %get3A_7 : f32 to vector<3x1xf32>
    %select_n3A = arith.select %eq3A_12, %broadcast_in_dim3A, %broadcast_in_dim3A_13 : vector<3x1xi1>, vector<3x1xf32>
    %broadcast_in_dim3A_14 = vector.broadcast %get3A_1 : f32 to vector<3x1xf32>
    %select_n3A_15 = arith.select %eq3A_9, %broadcast_in_dim3A_14, %select_n3A : vector<3x1xi1>, vector<3x1xf32>
    %get3A_16 = arith.constant 0 : index
    %get3A_17 = arith.constant 0 : index
    %get3A_18 = vector.load %arg1[%get3A_16, %get3A_17] : memref<3x25600xf32, #tpu.memory_space<vmem>>, vector<3x25600xf32>
    %sub3A = vector.broadcast %select_n3A_15 : vector<3x1xf32> to vector<3x25600xf32>
    %sub3A_19 = arith.subf %get3A_18, %sub3A : vector<3x25600xf32>
    %swap3A = arith.constant 0 : index
    %swap3A_20 = arith.constant 0 : index
    %swap3A_21 = vector.load %arg3[%swap3A, %swap3A_20] : memref<3x25600xf32, #tpu.memory_space<vmem>>, vector<3x25600xf32>
    tpu.vector_store %arg3[%swap3A, %swap3A_20], %sub3A_19 {strides = array<i32>} : memref<3x25600xf32, #tpu.memory_space<vmem>>, vector<3x25600xf32>,
    return
  }
  func.func @transform_0(%arg0: i32) -> (i32, i32) {
    %c0_i32 = arith.constant 0 : i32
    %c0_i32_0 = arith.constant 0 : i32
    return %c0_i32, %arg0 : i32, i32
  }
  func.func @transform_1(%arg0: i32) -> (i32, i32) {
    %c0_i32 = arith.constant 0 : i32
    %c0_i32_0 = arith.constant 0 : i32
    %c0_i32_1 = arith.constant 0 : i32
    return %c0_i32, %c0_i32_0 : i32, i32
  }
  func.func @transform_2(%arg0: i32) -> (i32, i32) {
    %c0_i32 = arith.constant 0 : i32
    %c0_i32_0 = arith.constant 0 : i32
    return %c0_i32, %arg0 : i32, i32
  }
}

module attributes {stable_mosaic.version = 14 : i64} {
  func.func @_mean_body(%arg0: i32, %arg1: memref<3x25600xf32, #tpu.memory_space<vmem>>, %arg2: memref<1x3xf32, #tpu.memory_space<smem>>) attributes {dimension_semantics = [#tpu.dimension_semantics<arbitrary>], iteration_bounds = array<i64: 4>, scalar_prefetch = 0 : i64, scratch_operands = 0 : i64, tpu.core_type = #tpu.core_type<tc>, window_params = [{transform_indices = @transform_0, window_bounds = array<i64: 3, 25600>}, {transform_indices = @transform_1, window_bounds = array<i64: 1, 3>}]} {
    %eq3A = arith.constant 0 : i32
    %eq3A_0 = arith.cmpi eq, %arg0, %eq3A : i32
    %convert_element_type3A = arith.extui %eq3A_0 : i1 to i32
    %cond3A = arith.constant 0 : i32
    %cond3A_1 = arith.cmpi ne, %convert_element_type3A, %cond3A : i32
    scf.if %cond3A_1 {
      %swap3A_38 = arith.constant 0.000000e+00 : f32
      %swap3A_39 = arith.constant 0 : index
      %swap3A_40 = arith.constant 0 : index
      %swap3A_41 = memref.load %arg2[%swap3A_39, %swap3A_40] : memref<1x3xf32, #tpu.memory_space<smem>>
      memref.store %swap3A_38, %arg2[%swap3A_39, %swap3A_40] : memref<1x3xf32, #tpu.memory_space<smem>>
      %swap3A_42 = arith.constant 0.000000e+00 : f32
      %swap3A_43 = arith.constant 0 : index
      %swap3A_44 = arith.constant 1 : index
      %swap3A_45 = memref.load %arg2[%swap3A_43, %swap3A_44] : memref<1x3xf32, #tpu.memory_space<smem>>
      memref.store %swap3A_42, %arg2[%swap3A_43, %swap3A_44] : memref<1x3xf32, #tpu.memory_space<smem>>
      %swap3A_46 = arith.constant 0.000000e+00 : f32
      %swap3A_47 = arith.constant 0 : index
      %swap3A_48 = arith.constant 2 : index
      %swap3A_49 = memref.load %arg2[%swap3A_47, %swap3A_48] : memref<1x3xf32, #tpu.memory_space<smem>>
      memref.store %swap3A_46, %arg2[%swap3A_47, %swap3A_48] : memref<1x3xf32, #tpu.memory_space<smem>>
    } else {
    }
    %mul3A = arith.constant 25600 : i32
    %mul3A_2 = arith.muli %arg0, %mul3A : i32
    %iota3A = tpu.iota {dimensions = array<i32: 1>} : vector<3x25600xi32>
    %add3A = vector.broadcast %mul3A_2 : i32 to vector<3x25600xi32>
    %add3A_3 = arith.addi %add3A, %iota3A : vector<3x25600xi32>
    %lt3A = arith.constant 100000 : i32
    %lt3A_4 = vector.broadcast %lt3A : i32 to vector<3x25600xi32>
    %lt3A_5 = arith.cmpi slt, %add3A_3, %lt3A_4 : vector<3x25600xi32>
    %get3A = arith.constant 0 : index
    %get3A_6 = arith.constant 0 : index
    %get3A_7 = vector.load %arg1[%get3A, %get3A_6] : memref<3x25600xf32, #tpu.memory_space<vmem>>, vector<3x25600xf32>
    %jit3A = arith.constant 0.000000e+00 : f32
    %broadcast_in_dim3A = vector.broadcast %jit3A : f32 to vector<3x25600xf32>
    %select_n3A = arith.select %lt3A_5, %get3A_7, %broadcast_in_dim3A : vector<3x25600xi1>, vector<3x25600xf32>
    %reduce_sum3A = arith.constant dense<0.000000e+00> : vector<3xf32>
    %reduce_sum3A_8 = vector.multi_reduction <add>, %select_n3A, %reduce_sum3A [1] : vector<3x25600xf32> to vector<3xf32>
    %get3A_9 = arith.constant 0 : index
    %get3A_10 = arith.constant 0 : index
    %get3A_11 = memref.load %arg2[%get3A_9, %get3A_10] : memref<1x3xf32, #tpu.memory_space<smem>>
    %slice3A = vector.extract_strided_slice %reduce_sum3A_8 {offsets = [0], sizes = [1], strides = [1]} : vector<3xf32> to vector<1xf32>
    %squeeze3A = vector.extract %slice3A[0] : f32 from vector<1xf32>
    %add3A_12 = arith.addf %get3A_11, %squeeze3A : f32
    %swap3A = arith.constant 0 : index
    %swap3A_13 = arith.constant 0 : index
    %swap3A_14 = memref.load %arg2[%swap3A, %swap3A_13] : memref<1x3xf32, #tpu.memory_space<smem>>
    memref.store %add3A_12, %arg2[%swap3A, %swap3A_13] : memref<1x3xf32, #tpu.memory_space<smem>>
    %get3A_15 = arith.constant 0 : index
    %get3A_16 = arith.constant 1 : index
    %get3A_17 = memref.load %arg2[%get3A_15, %get3A_16] : memref<1x3xf32, #tpu.memory_space<smem>>
    %slice3A_18 = vector.extract_strided_slice %reduce_sum3A_8 {offsets = [1], sizes = [1], strides = [1]} : vector<3xf32> to vector<1xf32>
    %squeeze3A_19 = vector.extract %slice3A_18[0] : f32 from vector<1xf32>
    %add3A_20 = arith.addf %get3A_17, %squeeze3A_19 : f32
    %swap3A_21 = arith.constant 0 : index
    %swap3A_22 = arith.constant 1 : index
    %swap3A_23 = memref.load %arg2[%swap3A_21, %swap3A_22] : memref<1x3xf32, #tpu.memory_space<smem>>
    memref.store %add3A_20, %arg2[%swap3A_21, %swap3A_22] : memref<1x3xf32, #tpu.memory_space<smem>>
    %get3A_24 = arith.constant 0 : index
    %get3A_25 = arith.constant 2 : index
    %get3A_26 = memref.load %arg2[%get3A_24, %get3A_25] : memref<1x3xf32, #tpu.memory_space<smem>>
    %slice3A_27 = vector.extract_strided_slice %reduce_sum3A_8 {offsets = [2], sizes = [1], strides = [1]} : vector<3xf32> to vector<1xf32>
    %squeeze3A_28 = vector.extract %slice3A_27[0] : f32 from vector<1xf32>
    %add3A_29 = arith.addf %get3A_26, %squeeze3A_28 : f32
    %swap3A_30 = arith.constant 0 : index
    %swap3A_31 = arith.constant 2 : index
    %swap3A_32 = memref.load %arg2[%swap3A_30, %swap3A_31] : memref<1x3xf32, #tpu.memory_space<smem>>
    memref.store %add3A_29, %arg2[%swap3A_30, %swap3A_31] : memref<1x3xf32, #tpu.memory_space<smem>>
    %eq3A_33 = arith.constant 3 : i32
    %eq3A_34 = arith.cmpi eq, %arg0, %eq3A_33 : i32
    %convert_element_type3A_35 = arith.extui %eq3A_34 : i1 to i32
    %cond3A_36 = arith.constant 0 : i32
    %cond3A_37 = arith.cmpi ne, %convert_element_type3A_35, %cond3A_36 : i32
    scf.if %cond3A_37 {
      %get3A_38 = arith.constant 0 : index
      %get3A_39 = arith.constant 0 : index
      %get3A_40 = memref.load %arg2[%get3A_38, %get3A_39] : memref<1x3xf32, #tpu.memory_space<smem>>
      %mul3A_41 = arith.constant 9.99999974E-6 : f32
      %mul3A_42 = arith.mulf %get3A_40, %mul3A_41 : f32
      %swap3A_43 = arith.constant 0 : index
      %swap3A_44 = arith.constant 0 : index
      %swap3A_45 = memref.load %arg2[%swap3A_43, %swap3A_44] : memref<1x3xf32, #tpu.memory_space<smem>>
      memref.store %mul3A_42, %arg2[%swap3A_43, %swap3A_44] : memref<1x3xf32, #tpu.memory_space<smem>>
      %get3A_46 = arith.constant 0 : index
      %get3A_47 = arith.constant 1 : index
      %get3A_48 = memref.load %arg2[%get3A_46, %get3A_47] : memref<1x3xf32, #tpu.memory_space<smem>>
      %mul3A_49 = arith.constant 9.99999974E-6 : f32
      %mul3A_50 = arith.mulf %get3A_48, %mul3A_49 : f32
      %swap3A_51 = arith.constant 0 : index
      %swap3A_52 = arith.constant 1 : index
      %swap3A_53 = memref.load %arg2[%swap3A_51, %swap3A_52] : memref<1x3xf32, #tpu.memory_space<smem>>
      memref.store %mul3A_50, %arg2[%swap3A_51, %swap3A_52] : memref<1x3xf32, #tpu.memory_space<smem>>
      %get3A_54 = arith.constant 0 : index
      %get3A_55 = arith.constant 2 : index
      %get3A_56 = memref.load %arg2[%get3A_54, %get3A_55] : memref<1x3xf32, #tpu.memory_space<smem>>
      %mul3A_57 = arith.constant 9.99999974E-6 : f32
      %mul3A_58 = arith.mulf %get3A_56, %mul3A_57 : f32
      %swap3A_59 = arith.constant 0 : index
      %swap3A_60 = arith.constant 2 : index
      %swap3A_61 = memref.load %arg2[%swap3A_59, %swap3A_60] : memref<1x3xf32, #tpu.memory_space<smem>>
      memref.store %mul3A_58, %arg2[%swap3A_59, %swap3A_60] : memref<1x3xf32, #tpu.memory_space<smem>>
    } else {
    }
    return
  }
  func.func @transform_0(%arg0: i32) -> (i32, i32) {
    %c0_i32 = arith.constant 0 : i32
    %c0_i32_0 = arith.constant 0 : i32
    return %c0_i32, %arg0 : i32, i32
  }
  func.func @transform_1(%arg0: i32) -> (i32, i32) {
    %c0_i32 = arith.constant 0 : i32
    %c0_i32_0 = arith.constant 0 : i32
    %c0_i32_1 = arith.constant 0 : i32
    return %c0_i32, %c0_i32_0 : i32, i32
  }
}

module attributes {stable_mosaic.version = 14 : i64} {
  func.func @_prep_body(%arg0: memref<1024x1xi32, #tpu.memory_space<vmem>>, %arg1: memref<1024x128xf32, #tpu.memory_space<vmem>>, %arg2: memref<1024xf32, #tpu.memory_space<vmem>>, %arg3: memref<1024xf32, #tpu.memory_space<vmem>>) attributes {dimension_semantics = [], scalar_prefetch = 0 : i64, scratch_operands = 0 : i64, tpu.core_type = #tpu.core_type<tc>} {
    %get3A = arith.constant 0 : index
    %get3A_0 = arith.constant 0 : index
    %get3A_1 = vector.load %arg0[%get3A, %get3A_0] : memref<1024x1xi32, #tpu.memory_space<vmem>>, vector<1024x1xi32>
    %convert_element_type3A = arith.sitofp %get3A_1 : vector<1024x1xi32> to vector<1024x1xf32>
    %iota3A = tpu.iota {dimensions = array<i32: 1>} : vector<1024x128xi32>
    %convert_element_type3A_2 = arith.sitofp %iota3A : vector<1024x128xi32> to vector<1024x128xf32>
    %lt3A = arith.constant 6.400000e+01 : f32
    %lt3A_3 = vector.broadcast %lt3A : f32 to vector<1024x128xf32>
    %lt3A_4 = arith.cmpf olt, %convert_element_type3A_2, %lt3A_3 : vector<1024x128xf32>
    %sub3A = arith.constant 6.400000e+01 : f32
    %sub3A_5 = vector.broadcast %sub3A : f32 to vector<1024x128xf32>
    %sub3A_6 = arith.subf %convert_element_type3A_2, %sub3A_5 : vector<1024x128xf32>
    %select_n3A = arith.select %lt3A_4, %convert_element_type3A_2, %sub3A_6 : vector<1024x128xi1>, vector<1024x128xf32>
    %log3A = arith.constant 1.000000e+04 : f32
    %log3A_7 = math.log %log3A : f32
    %neg3A = arith.constant 0.000000e+00 : f32
    %neg3A_8 = arith.subf %neg3A, %log3A_7 : f32
    %mul3A = vector.broadcast %neg3A_8 : f32 to vector<1024x128xf32>
    %mul3A_9 = arith.mulf %mul3A, %select_n3A : vector<1024x128xf32>
    %div3A = arith.constant 6.400000e+01 : f32
    %div3A_10 = vector.broadcast %div3A : f32 to vector<1024x128xf32>
    %div3A_11 = arith.divf %mul3A_9, %div3A_10 : vector<1024x128xf32>
    %exp3A = math.exp %div3A_11 : vector<1024x128xf32>
    %mul3A_12 = vector.broadcast %convert_element_type3A : vector<1024x1xf32> to vector<1024x128xf32>
    %mul3A_13 = arith.mulf %mul3A_12, %exp3A : vector<1024x128xf32>
    %lt3A_14 = arith.constant 6.400000e+01 : f32
    %lt3A_15 = vector.broadcast %lt3A_14 : f32 to vector<1024x128xf32>
    %lt3A_16 = arith.cmpf olt, %convert_element_type3A_2, %lt3A_15 : vector<1024x128xf32>
    %sin3A = math.sin %mul3A_13 : vector<1024x128xf32>
    %cos3A = math.cos %mul3A_13 : vector<1024x128xf32>
    %select_n3A_17 = arith.select %lt3A_16, %sin3A, %cos3A : vector<1024x128xi1>, vector<1024x128xf32>
    %swap3A = arith.constant 0 : index
    %swap3A_18 = arith.constant 0 : index
    %swap3A_19 = vector.load %arg1[%swap3A, %swap3A_18] : memref<1024x128xf32, #tpu.memory_space<vmem>>, vector<1024x128xf32>
    tpu.vector_store %arg1[%swap3A, %swap3A_18], %select_n3A_17 {strides = array<i32>} : memref<1024x128xf32, #tpu.memory_space<vmem>>, vector<1024x128xf32>,
    %iota3A_20 = tpu.iota {dimensions = array<i32: 1>} : vector<1024x1000xi32>
    %convert_element_type3A_21 = arith.sitofp %iota3A_20 : vector<1024x1000xi32> to vector<1024x1000xf32>
    %mul3A_22 = arith.constant 1.990000e-02 : f32
    %mul3A_23 = vector.broadcast %mul3A_22 : f32 to vector<1024x1000xf32>
    %mul3A_24 = arith.mulf %mul3A_23, %convert_element_type3A_21 : vector<1024x1000xf32>
    %div3A_25 = arith.constant 9.990000e+02 : f32
    %div3A_26 = vector.broadcast %div3A_25 : f32 to vector<1024x1000xf32>
    %div3A_27 = arith.divf %mul3A_24, %div3A_26 : vector<1024x1000xf32>
    %add3A = arith.constant 9.99999974E-5 : f32
    %add3A_28 = vector.broadcast %add3A : f32 to vector<1024x1000xf32>
    %add3A_29 = arith.addf %add3A_28, %div3A_27 : vector<1024x1000xf32>
    %le3A = vector.broadcast %convert_element_type3A : vector<1024x1xf32> to vector<1024x1000xf32>
    %le3A_30 = arith.cmpf ole, %convert_element_type3A_21, %le3A : vector<1024x1000xf32>
    %neg3A_31 = arith.constant 0.000000e+00 : f32
    %neg3A_32 = vector.broadcast %neg3A_31 : f32 to vector<1024x1000xf32>
    %neg3A_33 = arith.subf %neg3A_32, %add3A_29 : vector<1024x1000xf32>
    %log1p3A = math.log1p %neg3A_33 : vector<1024x1000xf32>
    %jit3A = arith.constant 0.000000e+00 : f32
    %broadcast_in_dim3A = vector.broadcast %jit3A : f32 to vector<1024x1000xf32>
    %select_n3A_34 = arith.select %le3A_30, %log1p3A, %broadcast_in_dim3A : vector<1024x1000xi1>, vector<1024x1000xf32>
    %reduce_sum3A = arith.constant dense<0.000000e+00> : vector<1024xf32>
    %reduce_sum3A_35 = vector.multi_reduction <add>, %select_n3A_34, %reduce_sum3A [1] : vector<1024x1000xf32> to vector<1024xf32>
    %exp3A_36 = math.exp %reduce_sum3A_35 : vector<1024xf32>
    %sqrt3A = math.sqrt %exp3A_36 : vector<1024xf32>
    %swap3A_37 = arith.constant 0 : index
    %swap3A_38 = vector.load %arg2[%swap3A_37] : memref<1024xf32, #tpu.memory_space<vmem>>, vector<1024xf32>
    tpu.vector_store %arg2[%swap3A_37], %sqrt3A {strides = array<i32>} : memref<1024xf32, #tpu.memory_space<vmem>>, vector<1024xf32>,
    %sub3A_39 = arith.constant 1.000000e+00 : f32
    %sub3A_40 = vector.broadcast %sub3A_39 : f32 to vector<1024xf32>
    %sub3A_41 = arith.subf %sub3A_40, %exp3A_36 : vector<1024xf32>
    %sqrt3A_42 = math.sqrt %sub3A_41 : vector<1024xf32>
    %swap3A_43 = arith.constant 0 : index
    %swap3A_44 = vector.load %arg3[%swap3A_43] : memref<1024xf32, #tpu.memory_space<vmem>>, vector<1024xf32>
    tpu.vector_store %arg3[%swap3A_43], %sqrt3A_42 {strides = array<i32>} : memref<1024xf32, #tpu.memory_space<vmem>>, vector<1024xf32>,
    return
  }
}

module attributes {stable_mosaic.version = 14 : i64} {
  func.func @_noised_body(%arg0: i32, %arg1: memref<3x25600xf32, #tpu.memory_space<vmem>>, %arg2: memref<3x25600xf32, #tpu.memory_space<vmem>>, %arg3: memref<25600xf32, #tpu.memory_space<vmem>>, %arg4: memref<25600xf32, #tpu.memory_space<vmem>>, %arg5: memref<3x25600xf32, #tpu.memory_space<vmem>>) attributes {dimension_semantics = [#tpu.dimension_semantics<arbitrary>], iteration_bounds = array<i64: 4>, scalar_prefetch = 0 : i64, scratch_operands = 0 : i64, tpu.core_type = #tpu.core_type<tc>, window_params = [{transform_indices = @transform_0, window_bounds = array<i64: 3, 25600>}, {transform_indices = @transform_1, window_bounds = array<i64: 3, 25600>}, {transform_indices = @transform_2, window_bounds = array<i64: 25600>}, {transform_indices = @transform_3, window_bounds = array<i64: 25600>}, {transform_indices = @transform_4, window_bounds = array<i64: 3, 25600>}]} {
    %get3A = arith.constant 0 : index
    %get3A_0 = vector.load %arg3[%get3A] : memref<25600xf32, #tpu.memory_space<vmem>>, vector<25600xf32>
    %reshape3A = vector.shape_cast %get3A_0 : vector<25600xf32> to vector<1x25600xf32>
    %get3A_1 = arith.constant 0 : index
    %get3A_2 = vector.load %arg4[%get3A_1] : memref<25600xf32, #tpu.memory_space<vmem>>, vector<25600xf32>
    %reshape3A_3 = vector.shape_cast %get3A_2 : vector<25600xf32> to vector<1x25600xf32>
    %get3A_4 = arith.constant 0 : index
    %get3A_5 = arith.constant 0 : index
    %get3A_6 = vector.load %arg1[%get3A_4, %get3A_5] : memref<3x25600xf32, #tpu.memory_space<vmem>>, vector<3x25600xf32>
    %mul3A = vector.broadcast %reshape3A : vector<1x25600xf32> to vector<3x25600xf32>
    %mul3A_7 = arith.mulf %mul3A, %get3A_6 : vector<3x25600xf32>
    %get3A_8 = arith.constant 0 : index
    %get3A_9 = arith.constant 0 : index
    %get3A_10 = vector.load %arg2[%get3A_8, %get3A_9] : memref<3x25600xf32, #tpu.memory_space<vmem>>, vector<3x25600xf32>
    %mul3A_11 = vector.broadcast %reshape3A_3 : vector<1x25600xf32> to vector<3x25600xf32>
    %mul3A_12 = arith.mulf %mul3A_11, %get3A_10 : vector<3x25600xf32>
    %add3A = arith.addf %mul3A_7, %mul3A_12 : vector<3x25600xf32>
    %swap3A = arith.constant 0 : index
    %swap3A_13 = arith.constant 0 : index
    %swap3A_14 = vector.load %arg5[%swap3A, %swap3A_13] : memref<3x25600xf32, #tpu.memory_space<vmem>>, vector<3x25600xf32>
    tpu.vector_store %arg5[%swap3A, %swap3A_13], %add3A {strides = array<i32>} : memref<3x25600xf32, #tpu.memory_space<vmem>>, vector<3x25600xf32>,
    return
  }
  func.func @transform_0(%arg0: i32) -> (i32, i32) {
    %c0_i32 = arith.constant 0 : i32
    %c0_i32_0 = arith.constant 0 : i32
    return %c0_i32, %arg0 : i32, i32
  }
  func.func @transform_1(%arg0: i32) -> (i32, i32) {
    %c0_i32 = arith.constant 0 : i32
    %c0_i32_0 = arith.constant 0 : i32
    return %c0_i32, %arg0 : i32, i32
  }
  func.func @transform_2(%arg0: i32) -> i32 {
    %c0_i32 = arith.constant 0 : i32
    return %arg0 : i32
  }
  func.func @transform_3(%arg0: i32) -> i32 {
    %c0_i32 = arith.constant 0 : i32
    return %arg0 : i32
  }
  func.func @transform_4(%arg0: i32) -> (i32, i32) {
    %c0_i32 = arith.constant 0 : i32
    %c0_i32_0 = arith.constant 0 : i32
    return %c0_i32, %arg0 : i32, i32
  }
}

</mosaic_0001>

<sc_bundles>
// kernel: kernel.7.cloned.1.call-start
scs
__scs_entry_jumppad:
0x0: {  	(pc) =	sbr.rel $0x88, $3  }
0x1: {  	(tag) =	ssettag $0x0;
	lr =	simm.s32 $0x1  }
0x2: {  	[smem:$0x3F9D] =	sst lr;
	_ =	strace $0xD0000000  }
0x3: {  	_ = 	snop  }
0x4: {  	_ = 	snop  }
0x5: {  	_ = 	snop  }
0x6: {  	_ = 	snop  }
0x7: {  	_ = 	snop  }
__scs_overlays_trampoline_lowered:
0x8: {  	[smem:$0x3FAC] =	sst s0  }
0x9: {  	[smem:$0x3FAD] =	sst s1  }
0xa: {  	[smem:$0x3FAE] =	sst s2  }
0xb: {  	[smem:$0x3FAF] =	sst s3  }
0xc: {  	[smem:$0x3FB0] =	sst s4  }
0xd: {  	[smem:$0x3FB1] =	sst s5  }
0xe: {  	[smem:$0x3FB2] =	sst s6  }
0xf: {  	[smem:$0x3FB3] =	sst s7  }
0x10: {  	[smem:$0x3FB4] =	sst s8  }
0x11: {  	[smem:$0x3FB5] =	sst s9;
	s0 =	simm.s32 @!p0 $0x0  }
0x12: {  	s1 =	sld [smem:$0x3F9B];
	s0 =	simm.s32 @p0 $0x1  }
0x13: {  	[smem:$0x3FB6] =	sst s0;
	s0 =	simm.s32 @!p1 $0x0  }
0x14: {  	s2 =	sld [smem:$0x3F9A];
	s0 =	simm.s32 @p1 $0x1  }
0x15: {  	[smem:$0x3FB7] =	sst s0;
	s0 =	simm.s32 @!p2 $0x0  }
0x16: {  	s3 =	sld [smem:$0x3FDB];
	s0 =	simm.s32 @p2 $0x1  }
0x17: {  	s4 =	simm.s32 $0x1BF5;
	[smem:$0x3FB9] =	sst s0  }
0x18: {  	s0 =	sld [smem:$0x3F9C];
	_ =	swait.ge [sflag:s4], $0x0  }
0x19: {  	s7 =	sld [smem:$0x3F9D]  }
0x1a: {  	s8 =	sadd.s32 $0xFFFFE003, lr  }
0x1b: {  	s9 =	sadd.s32 $0xFFFFFEF7, lr;
	s5 =	simm.s32 $0xFFFFFFFF;
	p2 =	slt.u32 s8, $0xFFFFF086  }
0x1c: {  	p1 =	slt.u32 s9, $0xF7A;
	s5 =	simm.s32 @!p2 $0x0  }
0x1d: {  	s5 =	simm.s32 @p1 $0x1;
	p0 =	seq.s32 s7, s2  }
0x1e: {  	s7 =	smul.u32 @!p0 $0xF7A, s2;
	p2 =	seq.s32 @!p0 s5, $0x0  }
0x1f: {  	s9 =	smul.u32 $0xF7A, s1;
	s8 =	simm.s32 @!p0 $0x1BF5;
	p2 =	por !p2, p0  }
0x20: {  	[sflag:s8] =	ssyncset.s32 @!p0 $0xFFFFF086;
	s6 =	sadd.s32 @!p0 s3, s7;
	s7 =	simm.s32 @!p0 $0x108  }
0x21: {  	s3 =	sadd.s32 s3, s9;
	s6 =	sadd.s32 @!p0 $0x88, s6;
	s7 =	simm.s32 @p2 $0x1082  }
0x22: {  	[simem:s7], [sflag:s8] =	dma.local @!p0 [hbm:s6], $0xF7A  }
0x23: {  	s9 =	sor.u32 $0xD0000000, s2;
	s6 =	simm.s32 $0x108;
	_ =	swait.ge @!p0 [sflag:s8], $0x0  }
0x24: {  	s3 =	sadd.s32 $0x88, s3;
	s6 =	simm.s32 @!p1 $0x1082;
	[sflag:s4] =	ssyncset.s32 $0xFFFFF086  }
0x25: {  	[simem:s6], [sflag:s4] =	dma.local [hbm:s3], $0xF7A  }
0x26: {  	[smem:$0x3F9D] =	sst s1;
	(tag) =	ssettag s2;
	_ =	strace s9  }
0x27: {  	s1 =	sld [smem:$0x3FAD]  }
0x28: {  	s2 =	sld [smem:$0x3FAE]  }
0x29: {  	s4 =	sld [smem:$0x3FB0]  }
0x2a: {  	p0 =	seq.s32 s5, $0x0;
	s5 =	sld [smem:$0x3FB1]  }
0x2b: {  	s6 =	sld [smem:$0x3FB2]  }
0x2c: {  	s7 =	sld [smem:$0x3FB3]  }
0x2d: {  	s3 =	simm.s32 $0x108;
	s8 =	sld [smem:$0x3FB4]  }
0x2e: {  	s3 =	simm.s32 @!p0 $0x1082;
	s9 =	sld [smem:$0x3FB5]  }
0x2f: {  	lr =	sadd.s32 s0, s3;
	s0 =	sld [smem:$0x3FAC]  }
0x30: {  	s3 =	sld [smem:$0x3FAF]  }
0x31: {  	[smem:$0x3FB8] =	sst s10  }
0x32: {  	s10 =	sld [smem:$0x3FB6];
	_ =	sdelay $0x3  }
0x33: {  	p0 =	seq.s32 s10, $0x1;
	s10 =	sld [smem:$0x3FB8];
	_ =	sdelay $0x3  }
0x34: {  	[smem:$0x3FB8] =	sst s10  }
0x35: {  	s10 =	sld [smem:$0x3FB7];
	_ =	sdelay $0x3  }
0x36: {  	p1 =	seq.s32 s10, $0x1;
	s10 =	sld [smem:$0x3FB8];
	_ =	sdelay $0x3  }
0x37: {  	[smem:$0x3FB8] =	sst s10  }
0x38: {  	s10 =	sld [smem:$0x3FB9]  }
0x39: {  	_ = 	snop;
	(pc) =	sbr.ind lr, $3  }
0x3a: {  	_ = 	snop  }
0x3b: {  	_ = 	snop  }
0x3c: {  	p2 =	seq.s32 s10, $0x1;
	s10 =	sld [smem:$0x3FB8]  }
0x3d: {  	_ =	shalt  }
0x3e: {  	_ =	shalt  }
0x3f: {  	_ =	shalt  }
0x40: {  	_ =	shalt  }
0x41: {  	_ =	shalt  }
0x42: {  	_ =	shalt  }
0x43: {  	_ =	shalt  }
0x44: {  	_ =	shalt  }
0x45: {  	_ =	shalt  }
0x46: {  	_ =	shalt  }
0x47: {  	_ =	shalt  }
0x48: {  	_ =	shalt  }
0x49: {  	_ =	shalt  }
0x4a: {  	_ =	shalt  }
0x4b: {  	_ =	shalt  }
0x4c: {  	_ =	shalt  }
0x4d: {  	_ =	shalt  }
0x4e: {  	_ =	shalt  }
0x4f: {  	_ =	shalt  }
0x50: {  	_ =	shalt  }
0x51: {  	_ =	shalt  }
0x52: {  	_ =	shalt  }
0x53: {  	_ =	shalt  }
0x54: {  	_ =	shalt  }
0x55: {  	_ =	shalt  }
0x56: {  	_ =	shalt  }
0x57: {  	_ =	shalt  }
0x58: {  	_ =	shalt  }
0x59: {  	_ =	shalt  }
0x5a: {  	_ =	shalt  }
0x5b: {  	_ =	shalt  }
0x5c: {  	_ =	shalt  }
0x5d: {  	_ =	shalt  }
0x5e: {  	_ =	shalt  }
0x5f: {  	_ =	shalt  }
0x60: {  	_ =	shalt  }
0x61: {  	_ =	shalt  }
0x62: {  	_ =	shalt  }
0x63: {  	_ =	shalt  }
0x64: {  	_ =	shalt  }
0x65: {  	_ =	shalt  }
0x66: {  	_ =	shalt  }
0x67: {  	_ =	shalt  }
0x68: {  	_ =	shalt  }
0x69: {  	_ =	shalt  }
0x6a: {  	_ =	shalt  }
0x6b: {  	_ =	shalt  }
0x6c: {  	_ =	shalt  }
0x6d: {  	_ =	shalt  }
0x6e: {  	_ =	shalt  }
0x6f: {  	_ =	shalt  }
0x70: {  	_ =	shalt  }
0x71: {  	_ =	shalt  }
0x72: {  	_ =	shalt  }
0x73: {  	_ =	shalt  }
0x74: {  	_ =	shalt  }
0x75: {  	_ =	shalt  }
0x76: {  	_ =	shalt  }
0x77: {  	_ =	shalt  }
0x78: {  	_ =	shalt  }
0x79: {  	_ =	shalt  }
0x7a: {  	_ =	shalt  }
0x7b: {  	_ =	shalt  }
0x7c: {  	_ =	shalt  }
0x7d: {  	_ =	shalt  }
0x7e: {  	_ =	shalt  }
0x7f: {  	_ =	shalt  }
0x80: {  	_ =	shalt  }
0x81: {  	_ =	shalt  }
0x82: {  	_ =	shalt  }
0x83: {  	_ =	shalt  }
0x84: {  	_ =	shalt  }
0x85: {  	_ =	shalt  }
0x86: {  	_ =	shalt  }
0x87: {  	_ =	shalt  }
.Lfunc_end0:
.L_simem_size_0:
called_computation_lowered:
.L_overlay_start_0:
0x88: {  	s2 =	sld [smem:$0x3FD9]  }
0x89: {  	s3 =	sld [smem:$0x3FFE];
	_ =	sdelay $0x1  }
0x8a: {  	s1 =	srdreg.scid  }
0x8b: {  	s0 =	sand.u32 $0x1, s1  }
0x8c: {  	s14 =	sshll.u32 s0, $0xA;
	s2 =	sadd.s32 s3, s2  }
0x8d: {  	s2 =	sadd.s32 s2, s14  }
0x8e: {  	[smem:$0x3FC4] =	sst s2  }
0x8f: {  	_ = 	snop  }
0x90: {  	s2 =	sld [smem:$0x3FD0];
	_ =	sdelay $0x2  }
0x91: {  	s4 =	simm.s32 $0xA;
	s5 =	simm.s32 $0x10;
	s15 =	sld [smem:$0x3FC7]  }
0x92: {  	[smem:s5], [sflag:s4] =	dma.local [hbm:s2], $0x1  }
0x93: {  	_ =	swait.eq [sflag:s4], $0x1  }
0x94: {  	s16 =	sld [smem:$0x10];
	[sflag:s4] =	ssyncset.done $0x0  }
0x95: {  	s17 =	sld [smem:$0x12];
	[sflag:s4] =	ssyncadd.s32 $0xFFFFFFFF  }
0x96: {  	s18 =	sld [smem:$0x13];
	(tm) =	ssettm $0x1  }
0x97: {  	s6 =	sld [smem:$0x3FFB];
	_ =	sdelay $0x3  }
0x98: {  	_ =	strace s6  }
0x99: {  	s6 =	sld [smem:$0x3FFC];
	_ =	sdelay $0x3  }
0x9a: {  	_ =	strace s6  }
0x9b: {  	s6 =	sld [smem:$0x3FFD];
	_ =	sdelay $0x3  }
0x9c: {  	_ =	strace s6  }
0x9d: {  	_ =	strace $0x8FFFFFFF  }
0x9e: {  	s19 =	sld [smem:$0x3FDB];
	_ =	sdelay $0x1  }
0x9f: {  	s7 =	simm.s32 $_scs_section_size  }
0xa0: {  	s8 =	simm.s32 $_size__tile_overlayer_lowered;
	s9 =	simm.s32 $_tile_overlayer_lowered  }
0xa1: {  	s22 =	simm.s32 $0x1BFF;
	s21 =	sshll.u32 s9, $0x1;
	s6 =	sadd.s32 s7, s19  }
0xa2: {  	s10 =	simm.s32 $0x0;
	s20 =	sshll.u32 s8, $0x1;
	s8 =	sadd.s32 s21, s6  }
0xa3: {  	[timem:s10], [sflag:s22] =	dma.local [hbm:s8], s20  }
0xa4: {  	_ =	swait.ge [sflag:s22], s20  }
0xa5: {  	s7 =	ssub.s32 $0x0, s20;
	[sflag:s22] =	ssyncset.done $0x0  }
0xa6: {  	[sflag:s22] =	ssyncadd.s32 s7;
	_ =	sdelay $0x1  }
0xa7: {  	s23 =	simm.s32 $0x1B8B  }
0xa8: {  	_ =	swait.ge [sflag:s23], $0x1  }
0xa9: {  	[sflag:s23] =	ssyncset.done $0x0  }
0xaa: {  	s25 =	simm.s32 $0x1B8E;
	s24 =	sld [smem:$0x3FFE];
	[sflag:s23] =	ssyncadd.s32 $0xFFFFFFFF  }
0xab: {  	s26 =	simm.s32 $execute0_lowered;
	[smem:$0x3FD2] =	sst s25  }
0xac: {  	s8 =	sshll.u32 s26, $0x1;
	_ =	strace $0x80000046;
	[dreg:$0x1] =	wrdreg $0xFFFFFFFF  }
0xad: {  	s28 =	simm.s32 $_size_execute0_lowered;
	s6 =	sadd.s32 s6, s8;
	[dreg:$0x0] =	wrdreg $0x0  }
0xae: {  	s8 =	sshll.u32 s28, $0x1;
	[dreg:$0x2] =	wrdreg s6  }
0xaf: {  	[dreg:$0x3] =	wrdreg s8  }
0xb0: {  	[dreg:$0x4] =	wrdreg $0xC0  }
0xb1: {  	_ =	task [dreg:s10], $0x5FFFF  }
0xb2: {  	[dreg:$0x1] =	wrdreg $0xFFFFFFFF  }
0xb3: {  	[dreg:$0x0] =	wrdreg $0x60  }
0xb4: {  	[dreg:$0x2] =	wrdreg s16  }
0xb5: {  	[dreg:$0x3] =	wrdreg s18  }
0xb6: {  	[dreg:$0x4] =	wrdreg s24  }
0xb7: {  	[dreg:$0x5] =	wrdreg s15  }
0xb8: {  	[dreg:$0x6] =	wrdreg s17  }
0xb9: {  	[dreg:$0x7] =	wrdreg $0x157800  }
0xba: {  	[dreg:$0x8] =	wrdreg $0x9  }
0xbb: {  	_ =	task.clear_ibuf [dreg:s10], $0x9FFFF;
	_ =	strace $0x90000046  }
0xbc: {  	s29 =	simm.s32 $0x9;
	_ =	strace $0x80000048  }
0xbd: {  	_ =	swait.ge [sflag:s29], $0x1  }
0xbe: {  	[sflag:s29] =	ssyncadd.s32 $0xFFFFFFFF  }
0xbf: {  	_ =	strace $0x90000048  }
0xc0: {  	_ =	sfence  }
0xc1: {  	s30 =	sld [smem:$0x0];
	_ =	sdelay $0x2  }
0xc2: {  	s31 =	sshll.u32 s1, $0xD;
	s1 =	sshrl.u32 s1, $0x2  }
0xc3: {  	s3 =	sand.u32 $0x4000, s31;
	s1 =	sadd.s32 s1, s30  }
0xc4: {  	s0 =	sor.u32 s3, s0;
	s1 =	sshll.u32 s1, $0x11  }
0xc5: {  	s0 =	sor.u32 s1, s0  }
0xc6: {  	s0 =	sadd.s32 $0x8F2B, s0  }
0xc7: {  	[sflag:s0] =	ssyncadd.remote.s32 $0x1  }
0xc8: {  	_ =	sfence.sel $0xFFFF  }
0xc9: {  	[dreg:$0x0] =	wrdreg $0xFFFFFFFF;
	(pc) =	sbr.abs _section_cstart, $3  }
0xca: {  	[dreg:$0x1] =	wrdreg $0xFFFFFFFF  }
0xcb: {  	_ =	task.clear_ibuf [dreg:s10], $0x2FFFF;
	_ =	strace $0x9FFFFFFF  }
0xcc: {  	(tm) =	ssettm $0x7FFFFFFF  }
0xcd: {  	_ =	shalt  }
tec
execute0_lowered:
.L_overlay_start_1:
0x0: {  	(tag) =	ssettag $0x1  }
0x1: {  	s1 =	srdreg.scid;
	s0 =	stileid.u32  }
0x2: {  	s1 =	sand.u32 $0x1, s1;
	s2 =	sshll.u32 s0, $0x1  }
0x3: {  	s2 =	sor.u32 s1, s2  }
0x4: {  	s2 =	smul.u32 $0xC80, s2  }
0x5: {  	s1 =	ssub.s32 $0x2, s1  }
0x6: {  	s3 =	sshrl.u32 s1, $0x1;
	s13 =	smin.u32 s2, $0x17A20  }
0x7: {  	s1 =	ssub.s32 s1, s3;
	s2 =	rddreg [dreg:$0x4];
	s4 =	sshll.u32 s13, $0x4  }
0x8: {  	s29 =	sadd.s32 $0x80, s13;
	s12 =	sadd.s32 $0x100, s13;
	s5 =	sadd.s32 $0x180, s13  }
0x9: {  	s20 =	sadd.s32 $0x200, s13;
	s14 =	sadd.s32 $0x280, s13;
	s6 =	sadd.s32 $0x300, s13  }
0xa: {  	s21 =	sadd.s32 $0x380, s13;
	s15 =	sadd.s32 $0x400, s13;
	s22 =	sadd.s32 $0x500, s13  }
0xb: {  	s28 =	sadd.s32 $0xB00, s13;
	s23 =	sadd.s32 s2, s4;
	s24 =	sshll.u32 s29, $0x4  }
0xc: {  	s25 =	sshll.u32 s12, $0x4;
	s26 =	sshll.u32 s5, $0x4;
	s0 =	sshll.u32 s20, $0x4  }
0xd: {  	s4 =	sshll.u32 s14, $0x4;
	s7 =	sshll.u32 s6, $0x4;
	s9 =	sshll.u32 s21, $0x4  }
0xe: {  	s10 =	sshll.u32 s15, $0x4;
	[dreg:$0x7] =	wrdreg s23;
	s3 =	sadd.s32 s2, s24  }
0xf: {  	s17 =	sshll.u32 s22, $0x4;
	s31 =	sadd.s32 s2, s26;
	[dreg:$0x8] =	wrdreg s3  }
0x10: {  	s8 =	sadd.s32 s2, s7;
	s7 =	sadd.s32 $0x480, s13;
	[dreg:$0xa] =	wrdreg s31  }
0x11: {  	s3 =	sadd.s32 s2, s25;
	[dreg:$0xd] =	wrdreg s8;
	s11 =	sshll.u32 s7, $0x4  }
0x12: {  	s8 =	sadd.s32 $0x600, s13;
	[dreg:$0x9] =	wrdreg s3;
	s3 =	sadd.s32 s2, s0  }
0x13: {  	s16 =	sadd.s32 s2, s11;
	s19 =	sshll.u32 s8, $0x4;
	[dreg:$0xb] =	wrdreg s3  }
0x14: {  	s3 =	sadd.s32 s2, s4;
	[dreg:$0x10] =	wrdreg s16;
	s16 =	sadd.s32 $0x580, s13  }
0x15: {  	s23 =	sadd.s32 s2, s19;
	[dreg:$0xc] =	wrdreg s3;
	s3 =	sadd.s32 s2, s9  }
0x16: {  	s18 =	sshll.u32 s16, $0x4;
	[dreg:$0x13] =	wrdreg s23;
	s23 =	sadd.s32 $0x680, s13  }
0x17: {  	s9 =	sadd.s32 $0x780, s13;
	[dreg:$0xe] =	wrdreg s3;
	s3 =	sadd.s32 s2, s10  }
0x18: {  	s24 =	sshll.u32 s23, $0x4;
	s26 =	sshll.u32 s9, $0x4;
	s10 =	sadd.s32 $0x900, s13  }
0x19: {  	[dreg:$0xf] =	wrdreg s3;
	s3 =	sadd.s32 s2, s17;
	s17 =	sadd.s32 $0x700, s13  }
0x1a: {  	s31 =	sadd.s32 s2, s26;
	s11 =	sshll.u32 s10, $0x4;
	s26 =	sadd.s32 $0x980, s13  }
0x1b: {  	[dreg:$0x11] =	wrdreg s3;
	s3 =	sadd.s32 s2, s18;
	s25 =	sshll.u32 s17, $0x4  }
0x1c: {  	[dreg:$0x16] =	wrdreg s31;
	s18 =	sadd.s32 $0x880, s13;
	s19 =	sadd.s32 s2, s11  }
0x1d: {  	s11 =	sadd.s32 $0xA80, s13;
	[dreg:$0x12] =	wrdreg s3;
	s3 =	sadd.s32 s2, s24  }
0x1e: {  	s24 =	sadd.s32 $0x800, s13;
	s4 =	sshll.u32 s18, $0x4;
	[dreg:$0x19] =	wrdreg s19  }
0x1f: {  	[dreg:$0x14] =	wrdreg s3;
	s3 =	sadd.s32 s2, s25;
	s0 =	sshll.u32 s24, $0x4  }
0x20: {  	s19 =	sadd.s32 $0xA00, s13;
	[dreg:$0x15] =	wrdreg s3;
	s3 =	sadd.s32 s2, s0  }
0x21: {  	s25 =	sshll.u32 s26, $0x4;
	[dreg:$0x17] =	wrdreg s3;
	s3 =	sadd.s32 s2, s4  }
0x22: {  	s31 =	sshll.u32 s19, $0x4;
	s0 =	sshll.u32 s11, $0x4;
	[dreg:$0x18] =	wrdreg s3  }
0x23: {  	s3 =	sadd.s32 s2, s25;
	s25 =	sadd.s32 s2, s0;
	s0 =	rddreg [dreg:$0x3]  }
0x24: {  	s4 =	sadd.s32 $0xB80, s13;
	[dreg:$0x1a] =	wrdreg s3;
	s3 =	sadd.s32 s2, s31  }
0x25: {  	[dreg:$0x1c] =	wrdreg s25;
	s25 =	sshll.u32 s28, $0x4;
	s31 =	sshll.u32 s4, $0x4  }
0x26: {  	[dreg:$0x1b] =	wrdreg s3;
	s3 =	sadd.s32 $0xC00, s13;
	s25 =	sadd.s32 s2, s25  }
0x27: {  	[dreg:$0x1d] =	wrdreg s25;
	s30 =	sshll.u32 s3, $0x4;
	s25 =	sadd.s32 s2, s31  }
0x28: {  	[dreg:$0x1e] =	wrdreg s25;
	s2 =	sadd.s32 s2, s30  }
0x29: {  	[dreg:$0x1f] =	wrdreg s2  }
0x2a: {  	s31 =	sshrl.u32 s13, $0x3;
	s25 =	simm.s32 $0x0;
	s2 =	rddreg [dreg:$0x2]  }
0x2b: {  	s13 =	sadd.s32 s0, s31;
	[smem:$0x7FF] =	sst s25;
	s30 =	sadd.s32 $0x1E00, s2  }
0x2c: {  	[smem:$0x7C9] =	sst s13;
	s13 =	sadd.s32 $0x5000, s2;
	s0 =	sadd.s32 s30, s31  }
0x2d: {  	s29 =	sshrl.u32 s29, $0x3;
	s31 =	sadd.s32 s13, s31;
	[smem:$0x7CA] =	sst s0  }
0x2e: {  	[smem:$0x7CB] =	sst s31;
	s31 =	sadd.s32 s30, s29  }
0x2f: {  	s12 =	sshrl.u32 s12, $0x3;
	[smem:$0x7CC] =	sst s31;
	s31 =	sadd.s32 s13, s29  }
0x30: {  	[smem:$0x7CD] =	sst s31;
	s31 =	sadd.s32 s30, s12  }
0x31: {  	s5 =	sshrl.u32 s5, $0x3;
	s12 =	sadd.s32 s13, s12;
	[smem:$0x7CE] =	sst s31  }
0x32: {  	[smem:$0x7CF] =	sst s12;
	s31 =	sadd.s32 s30, s5  }
0x33: {  	s20 =	sshrl.u32 s20, $0x3;
	s5 =	sadd.s32 s13, s5;
	[smem:$0x7D0] =	sst s31  }
0x34: {  	[smem:$0x7D1] =	sst s5;
	s5 =	sshrl.u32 s14, $0x3;
	s14 =	sadd.s32 s30, s20  }
0x35: {  	s20 =	sadd.s32 s13, s20;
	[smem:$0x7D2] =	sst s14  }
0x36: {  	[smem:$0x7D3] =	sst s20;
	s31 =	sadd.s32 s30, s5  }
0x37: {  	s6 =	sshrl.u32 s6, $0x3;
	s12 =	sadd.s32 s13, s5;
	[smem:$0x7D4] =	sst s31  }
0x38: {  	s20 =	sadd.s32 s30, s6;
	[smem:$0x7D5] =	sst s12  }
0x39: {  	s14 =	sshrl.u32 s21, $0x3;
	s21 =	sadd.s32 s13, s6;
	[smem:$0x7D6] =	sst s20  }
0x3a: {  	[smem:$0x7D7] =	sst s21;
	s12 =	sadd.s32 s30, s14  }
0x3b: {  	s31 =	sshrl.u32 s15, $0x3;
	s14 =	sadd.s32 s13, s14;
	[smem:$0x7D8] =	sst s12  }
0x3c: {  	[smem:$0x7D9] =	sst s14;
	s20 =	sadd.s32 s30, s31  }
0x3d: {  	s15 =	sshrl.u32 s7, $0x3;
	s21 =	sadd.s32 s13, s31;
	[smem:$0x7DA] =	sst s20  }
0x3e: {  	s31 =	sadd.s32 s30, s15;
	[smem:$0x7DB] =	sst s21  }
0x3f: {  	s22 =	sshrl.u32 s22, $0x3;
	s5 =	sadd.s32 s13, s15;
	[smem:$0x7DC] =	sst s31  }
0x40: {  	s12 =	sadd.s32 s30, s22;
	[smem:$0x7DD] =	sst s5  }
0x41: {  	s7 =	sshrl.u32 s16, $0x3;
	s14 =	sadd.s32 s13, s22;
	[smem:$0x7DE] =	sst s12  }
0x42: {  	s9 =	sshrl.u32 s9, $0x3;
	s16 =	sadd.s32 s30, s7;
	[smem:$0x7DF] =	sst s14  }
0x43: {  	s15 =	sshrl.u32 s8, $0x3;
	[smem:$0x7E0] =	sst s16;
	s20 =	sadd.s32 s13, s7  }
0x44: {  	s18 =	sshrl.u32 s18, $0x3;
	s22 =	sadd.s32 s30, s15;
	[smem:$0x7E1] =	sst s20  }
0x45: {  	s21 =	sshrl.u32 s23, $0x3;
	s23 =	sadd.s32 s13, s15;
	[smem:$0x7E2] =	sst s22  }
0x46: {  	s26 =	sshrl.u32 s26, $0x3;
	s16 =	sadd.s32 s30, s9;
	[smem:$0x7E3] =	sst s23  }
0x47: {  	s31 =	sshrl.u32 s17, $0x3;
	s17 =	sadd.s32 s13, s9;
	[smem:$0x7E8] =	sst s16  }
0x48: {  	s15 =	sshrl.u32 s24, $0x3;
	s24 =	sadd.s32 s13, s18;
	[smem:$0x7E9] =	sst s17  }
0x49: {  	s11 =	sshrl.u32 s11, $0x3;
	s9 =	sadd.s32 s30, s26;
	[smem:$0x7ED] =	sst s24  }
0x4a: {  	s4 =	sshrl.u32 s4, $0x3;
	s7 =	sadd.s32 s30, s21;
	[smem:$0x7F0] =	sst s9  }
0x4b: {  	s3 =	sshrl.u32 s3, $0x3;
	s8 =	sadd.s32 s13, s21;
	[smem:$0x7E4] =	sst s7  }
0x4c: {  	v0 =	vlaneseq.u32;
	s29 =	simm.s32 $0x14C80;
	s12 =	sadd.s32 s30, s31;
	[smem:$0x7E5] =	sst s8  }
0x4d: {  	v1 =	vor.u32 $0x80, v0;
	v3 =	vor.u32 $0xA0, v0;
	v4 =	vor.u32 $0xB0, v0;
	s14 =	sadd.s32 s13, s31;
	s20 =	sadd.s32 s30, s15;
	[smem:$0x7E6] =	sst s12  }
0x4e: {  	v5 =	vor.u32 $0xC0, v0;
	v6 =	vor.u32 $0xD0, v0;
	v7 =	vor.u32 $0xE0, v0;
	s21 =	sadd.s32 s13, s15;
	s22 =	sshrl.u32 s10, $0x3;
	[smem:$0x7E7] =	sst s14  }
0x4f: {  	v8 =	vor.u32 $0xF0, v0;
	v9 =	vor.u32 $0x100, v0;
	v10 =	vor.u32 $0x110, v0;
	s23 =	sadd.s32 s30, s18;
	s10 =	sadd.s32 s13, s26;
	[smem:$0x7EA] =	sst s20  }
0x50: {  	v11 =	vor.u32 $0x120, v0;
	v12 =	vor.u32 $0x130, v0;
	v13 =	vor.u32 $0x140, v0;
	s15 =	sshrl.u32 s28, $0x3;
	s16 =	sadd.s32 s30, s11;
	[smem:$0x7EB] =	sst s21  }
0x51: {  	v14 =	vor.u32 $0x150, v0;
	v15 =	vor.u32 $0x160, v0;
	v16 =	vor.u32 $0x170, v0;
	s17 =	sadd.s32 s13, s11;
	s24 =	stileid.u32;
	[smem:$0x7EC] =	sst s23  }
0x52: {  	v17 =	vor.u32 $0x180, v0;
	v18 =	vor.u32 $0x190, v0;
	v19 =	vor.u32 $0x1A0, v0;
	s26 =	sadd.s32 $0x1C00, s2;
	s28 =	simm.s32 $0x1;
	[smem:$0x7F1] =	sst s10  }
0x53: {  	v20 =	vor.u32 $0x1B0, v0;
	v21 =	vor.u32 $0x1C0, v0;
	v22 =	vor.u32 $0x1D0, v0;
	s9 =	simm.s32 $0xB;
	s11 =	simm.s32 $0x4;
	[smem:$0x7F4] =	sst s16  }
0x54: {  	v23 =	vor.u32 $0x1E0, v0;
	v24 =	vor.u32 $0x1F0, v0;
	v25 =	vor.u32 $0x200, v0;
	s31 =	sadd.s32 s30, s22;
	s7 =	sadd.s32 s13, s22;
	[smem:$0x7F5] =	sst s17  }
0x55: {  	v26 =	vor.u32 $0x210, v0;
	v27 =	vor.u32 $0x220, v0;
	v28 =	vor.u32 $0x230, v0;
	s8 =	sshrl.u32 s19, $0x3;
	s18 =	sadd.s32 s30, s15;
	[smem:$0x7EE] =	sst s31  }
0x56: {  	v29 =	vor.u32 $0x240, v0;
	v30 =	vor.u32 $0x250, v0;
	v31 =	vor.u32 $0x260, v0;
	s19 =	sadd.s32 s13, s15;
	s20 =	sadd.s32 s30, s4;
	[smem:$0x7EF] =	sst s7  }
0x57: {  	v32 =	vor.u32 $0x270, v0;
	v33 =	vor.u32 $0x280, v0;
	v34 =	vor.u32 $0x290, v0;
	s21 =	sadd.s32 s13, s4;
	s22 =	sadd.s32 s30, s3;
	[smem:$0x7F6] =	sst s18  }
0x58: {  	v35 =	vor.u32 $0x2A0, v0;
	v36 =	vor.u32 $0x2B0, v0;
	v37 =	vor.u32 $0x2C0, v0;
	s23 =	sadd.s32 s13, s3;
	p0 =	sne.s32 s24, $0x0;
	[smem:$0x7F7] =	sst s19  }
0x59: {  	v38 =	vor.u32 $0x2D0, v0;
	v39 =	vor.u32 $0x2E0, v0;
	v40 =	vor.u32 $0x2F0, v0;
	s10 =	simm.s32 $0xE;
	s15 =	simm.s32 $0xF;
	[smem:$0x7F8] =	sst s20  }
0x5a: {  	v41 =	vor.u32 $0x300, v0;
	v42 =	vor.u32 $0x310, v0;
	v43 =	vor.u32 $0x320, v0;
	s17 =	simm.s32 $0xD;
	s3 =	simm.s32 $0x0;
	[smem:$0x7F9] =	sst s21  }
0x5b: {  	v44 =	vor.u32 $0x330, v0;
	v45 =	vor.u32 $0x340, v0;
	v46 =	vor.u32 $0x350, v0;
	s16 =	simm.s32 $0x5;
	s12 =	sadd.s32 s30, s8;
	[smem:$0x7FA] =	sst s22  }
0x5c: {  	v47 =	vor.u32 $0x360, v0;
	v48 =	vor.u32 $0x370, v0;
	v49 =	vor.u32 $0x380, v0;
	s14 =	sadd.s32 s13, s8;
	[smem:$0x7FB] =	sst s23;
	s31 =	smax.u32 s1, $0x1  }
0x5d: {  	v50 =	vor.u32 $0x390, v0;
	v51 =	vor.u32 $0x3A0, v0;
	v52 =	vor.u32 $0x3B0, v0;
	s19 =	simm.s32 $0x14F80;
	s21 =	simm.s32 $0x15380;
	[smem:$0x7F2] =	sst s12  }
0x5e: {  	v53 =	vor.u32 $0x3C0, v0;
	v54 =	vor.u32 $0x3D0, v0;
	[tilespmem:$0x1FFE0] =	vst v1;
	v1 =	vor.u32 $0x90, v0;
	s22 =	simm.s32 $0x80;
	s30 =	simm.s32 $0x14E00;
	[smem:$0x7F3] =	sst s14  }
0x5f: {  	v55 =	vor.u32 $0x3E0, v0;
	v56 =	vor.u32 $0x3F0, v0;
	v57 =	vor.u32 $0x400, v0;
	[tilespmem:$0x1FFF0] =	vst v1;
	s18 =	simm.s32 $0x10;
	s7 =	simm.s32 $0x3;
	s12 =	rddreg [dreg:$0x5]  }
0x60: {  	v58 =	vor.u32 $0x410, v0;
	v59 =	vor.u32 $0x420, v0;
	v60 =	vor.u32 $0x430, v0;
	s13 =	simm.s32 $0x8;
	_ =	strace $0x80000047;
	[smem:$0x7FC] =	sst s26  }
0x61: {  	v61 =	vor.u32 $0x440, v0;
	v62 =	vor.u32 $0x450, v0;
	v63 =	vor.u32 $0x460, v0;
	s14 =	simm.s32 $0xC;
	[smem:$0x7FD] =	sst s31;
	s26 =	simm.s32 $0x8C80  }
.LBB2_1:
0x62: {  	[smem:$0x7C8] =	sst s3  }
0x63: {  	s6 =	sshrl.u32 @!p0 s12, $0x3;
	s20 =	simm.s32 @!p0 $0x1C11;
	s23 =	rddreg [dreg:$0x0]  }
0x64: {  	[spmem:s6], [sflag:s20] =	dma.local @!p0 [hbm:s23], $0x4000  }
0x65: {  	s6 =	simm.s32 @!p0 $0x11  }
0x66: {  	_ =	swait.ge @!p0 [sflag:s6], $0x4000  }
0x67: {  	[sflag:s6] =	ssyncset.done @!p0 $0x0  }
0x68: {  	[sflag:s6] =	ssyncadd.s32 @!p0 $0xFFFFC000  }
0x69: {  	s5 =	simm.s32 $0x11;
	s6 =	rddreg [dreg:$0x1]  }
0x6a: {  	[tilespmem:s19], [sflag:$0x11] =	stream.linear.gather [hbm4b:s6+s25], $0x400, $0x38;
	[tilespmem:$0x17780] =	vst v63  }
0x6b: {  	_ =	swait.ge [sflag:s5], $0x400  }
0x6c: {  	s8 =	sld [smem:$0x7FC]  }
0x6d: {  	[sflag:s5] =	ssyncset.done $0x0  }
0x6e: {  	[sflag:s5] =	ssyncadd.s32 $0xFFFFFC00  }
0x6f: {  	[tilespmem:s21], [sflag:$0x11] =	stream.linear.gather [hbm4b:s8+s25], $0x400, $0x38;
	[tilespmem:$0x17780] =	vst v63  }
0x70: {  	_ =	swait.ge [sflag:s5], $0x400  }
0x71: {  	s23 =	sld [smem:$0x7C9]  }
0x72: {  	[sflag:s5] =	ssyncset.done $0x0  }
0x73: {  	[sflag:s5] =	ssyncadd.s32 $0xFFFFFC00  }
0x74: {  	[tilespmem:s25], [sflag:$0x11] =	stream.linear.gather [hbm4b:s23+s25], $0xC80, $0x38;
	[tilespmem:$0x17780] =	vst v63  }
0x75: {  	_ =	swait.ge [sflag:s5], $0xC80  }
0x76: {  	[sflag:s5] =	ssyncset.done $0x0  }
0x77: {  	[sflag:s5] =	ssyncadd.s32 $0xFFFFF380  }
0x78: {  	s24 =	simm.s32 $0xC80;
	[bflag:$0x0] =	sbarrier.arrive $0xFFFF  }
0x79: {  	[tilespmem:s24], [sflag:$0x1] =	stream.indirect.gather [spmem:s12], $0x80, s25, s22, $0xb8;
	[tilespmem:$0x17780] =	vst v63  }
0x7a: {  	s3 =	simm.s32 $0x4C80  }
0x7b: {  	[tilespmem:s3], [sflag:$0x2] =	stream.indirect.gather [spmem:s12], $0x80, s22, s22, $0xb8;
	[tilespmem:$0x17780] =	vst v63  }
0x7c: {  	v1 =	vor.u32 s25, v0;
	s24 =	simm.s32 $0x100  }
0x7d: {  	[tilespmem:s26], [sflag:$0x3] =	stream.indirect.gather [spmem:s12], $0x80, s24, s22, $0xb8;
	[tilespmem:$0x17780] =	vst v63  }
0x7e: {  	_ =	swait.ge [sflag:s28], $0x4000  }
0x7f: {  	[sflag:s28] =	ssyncset.done $0x0  }
0x80: {  	[sflag:s28] =	ssyncadd.s32 $0xFFFFC000  }
0x81: {  	v1 =	vld.idx.msk [tilespmem:v1+s25+$0x0], $0xffff;
	_ =	sdelay $0x7  }
0x82: {  	v2 =	vld.idx.msk [tilespmem:v1+s19+$0x0], $0xffff;
	_ =	sdelay $0x4  }
0x83: {  	[tilespmem:s29+$0x0] =	vst v2  }
0x84: {  	s28 =	simm.s32 $0x10;
	v1 =	vld.idx.msk [tilespmem:v1+s21+$0x0], $0xffff  }
0x85: {  	v2 =	vor.u32 s28, v0;
	_ =	sdelay $0x3  }
0x86: {  	[tilespmem:s30+$0x0] =	vst v1  }
0x87: {  	v1 =	vld.idx.msk [tilespmem:v2+s25+$0x0], $0xffff;
	_ =	sdelay $0x7  }
0x88: {  	v2 =	vld.idx.msk [tilespmem:v1+s19+$0x0], $0xffff;
	_ =	sdelay $0x3  }
0x89: {  	s6 =	simm.s32 $0x14C90  }
0x8a: {  	[tilespmem:s6+$0x0] =	vst v2  }
0x8b: {  	s31 =	simm.s32 $0x20;
	v1 =	vld.idx.msk [tilespmem:v1+s21+$0x0], $0xffff  }
0x8c: {  	s20 =	simm.s32 $0x14E00;
	s23 =	simm.s32 $0x30;
	v2 =	vor.u32 s31, v0  }
.LBB2_2:
0x8d: {  	p1 =	sne.s32 s23, $0x70;
	_ =	sdelay $0x1  }
0x8e: {  	s20 =	sadd.s32 $0x10, s20  }
0x8f: {  	[tilespmem:s20+$0x0] =	vst v1  }
0x90: {  	v1 =	vld.idx.msk [tilespmem:v2+s25+$0x0], $0xffff;
	_ =	sdelay $0x7  }
0x91: {  	v2 =	vld.idx.msk [tilespmem:v1+s19+$0x0], $0xffff;
	_ =	sdelay $0x4  }
.Ltmp0:
0x92: {  	s6 =	sadd.s32 $0x10, s6;
	(pc) =	sbr.rel @p1 .LBB2_2-.Ltmp0, $3  }
0x93: {  	[tilespmem:s6+$0x0] =	vst v2  }
0x94: {  	v1 =	vld.idx.msk [tilespmem:v1+s21+$0x0], $0xffff;
	_ =	sdelay $0x1  }
0x95: {  	v2 =	vor.u32 s23, v0;
	s23 =	sadd.s32 $0x10, s23  }
0x96: {  	_ =	sdelay $0x1  }
0x97: {  	s20 =	sadd.s32 $0x10, s20  }
0x98: {  	[tilespmem:s20+$0x0] =	vst v1  }
0x99: {  	v1 =	vld.idx.msk [tilespmem:v2+s25+$0x0], $0xffff;
	_ =	sdelay $0x7  }
0x9a: {  	v2 =	vld.idx.msk [tilespmem:v1+s19+$0x0], $0xffff;
	_ =	sdelay $0x3  }
0x9b: {  	s6 =	sadd.s32 $0x10, s6  }
0x9c: {  	[tilespmem:s6+$0x0] =	vst v2  }
0x9d: {  	v1 =	vld.idx.msk [tilespmem:v1+s21+$0x0], $0xffff;
	_ =	sdelay $0x3  }
0x9e: {  	s26 =	sadd.s32 $0x10, s20  }
0x9f: {  	s31 =	rddreg [dreg:$0x7];
	s0 =	simm.s32 $0xC80;
	[tilespmem:s26+$0x0] =	vst v1  }
0xa0: {  	[hbm4b:s31+s25] =	stream.linear.scatter [tilespmem:s0], [sflag:$0x6], $0x4000, $0x38;
	[tilespmem:$0x17780] =	vst v63  }
0xa1: {  	s0 =	sld [smem:$0x7CA];
	_ =	sdelay $0x1  }
0xa2: {  	s1 =	sld [smem:$0x7CB]  }
0xa3: {  	[hbm4b:s0+s25] =	stream.linear.scatter [tilespmem:s29], [sflag:$0xB], $0x80, $0x38;
	[tilespmem:$0x17780] =	vst v63  }
0xa4: {  	_ = 	snop  }
0xa5: {  	[hbm4b:s1+s25] =	stream.linear.scatter [tilespmem:s30], [sflag:$0xE], $0x80, $0x38;
	[tilespmem:$0x17780] =	vst v63  }
0xa6: {  	s4 =	simm.s32 $0x180;
	s5 =	simm.s32 $0xCC80  }
0xa7: {  	[tilespmem:s5], [sflag:$0x4] =	stream.indirect.gather [spmem:s12], $0x80, s4, s22, $0xb8;
	[tilespmem:$0x17780] =	vst v63  }
0xa8: {  	s4 =	simm.s32 $0x2  }
0xa9: {  	_ =	swait.ge [sflag:s4], $0x4000  }
0xaa: {  	v1 =	vld [tilespmem:$0x1FFE0];
	_ =	sdelay $0x5  }
0xab: {  	[sflag:s4] =	ssyncset.done $0x0  }
0xac: {  	[sflag:s4] =	ssyncadd.s32 $0xFFFFC000  }
0xad: {  	v1 =	vld.idx.msk [tilespmem:v1+s25+$0x0], $0xffff;
	_ =	sdelay $0x7  }
0xae: {  	v2 =	vld.idx.msk [tilespmem:v1+s19+$0x0], $0xffff;
	_ =	sdelay $0x4  }
0xaf: {  	[tilespmem:$0x14D00] =	vst v2  }
0xb0: {  	v1 =	vld.idx.msk [tilespmem:v1+s21+$0x0], $0xffff;
	_ =	sdelay $0x4  }
0xb1: {  	[tilespmem:$0x14E80] =	vst v1;
	v1 =	vld [tilespmem:$0x1FFF0];
	_ =	sdelay $0x7  }
0xb2: {  	v1 =	vld.idx.msk [tilespmem:v1+s25+$0x0], $0xffff;
	_ =	sdelay $0x7  }
0xb3: {  	v2 =	vld.idx.msk [tilespmem:v1+s19+$0x0], $0xffff;
	_ =	sdelay $0x4  }
0xb4: {  	[tilespmem:$0x14D10] =	vst v2  }
0xb5: {  	v1 =	vld.idx.msk [tilespmem:v1+s21+$0x0], $0xffff;
	_ =	sdelay $0x4  }
0xb6: {  	[tilespmem:$0x14E90] =	vst v1  }
0xb7: {  	v1 =	vld.idx.msk [tilespmem:v3+s25+$0x0], $0xffff;
	_ =	sdelay $0x7  }
0xb8: {  	v2 =	vld.idx.msk [tilespmem:v1+s19+$0x0], $0xffff;
	_ =	sdelay $0x4  }
0xb9: {  	[tilespmem:$0x14D20] =	vst v2  }
0xba: {  	v1 =	vld.idx.msk [tilespmem:v1+s21+$0x0], $0xffff;
	_ =	sdelay $0x4  }
0xbb: {  	[tilespmem:$0x14EA0] =	vst v1  }
0xbc: {  	v1 =	vld.idx.msk [tilespmem:v4+s25+$0x0], $0xffff;
	_ =	sdelay $0x7  }
0xbd: {  	v2 =	vld.idx.msk [tilespmem:v1+s19+$0x0], $0xffff;
	_ =	sdelay $0x4  }
0xbe: {  	[tilespmem:$0x14D30] =	vst v2  }
0xbf: {  	v1 =	vld.idx.msk [tilespmem:v1+s21+$0x0], $0xffff;
	_ =	sdelay $0x4  }
0xc0: {  	[tilespmem:$0x14EB0] =	vst v1  }
0xc1: {  	v1 =	vld.idx.msk [tilespmem:v5+s25+$0x0], $0xffff;
	_ =	sdelay $0x7  }
0xc2: {  	v2 =	vld.idx.msk [tilespmem:v1+s19+$0x0], $0xffff;
	_ =	sdelay $0x4  }
0xc3: {  	[tilespmem:$0x14D40] =	vst v2  }
0xc4: {  	v1 =	vld.idx.msk [tilespmem:v1+s21+$0x0], $0xffff;
	_ =	sdelay $0x4  }
0xc5: {  	[tilespmem:$0x14EC0] =	vst v1  }
0xc6: {  	v1 =	vld.idx.msk [tilespmem:v6+s25+$0x0], $0xffff;
	_ =	sdelay $0x7  }
0xc7: {  	v2 =	vld.idx.msk [tilespmem:v1+s19+$0x0], $0xffff;
	_ =	sdelay $0x4  }
0xc8: {  	[tilespmem:$0x14D50] =	vst v2  }
0xc9: {  	v1 =	vld.idx.msk [tilespmem:v1+s21+$0x0], $0xffff;
	_ =	sdelay $0x4  }
0xca: {  	[tilespmem:$0x14ED0] =	vst v1  }
0xcb: {  	v1 =	vld.idx.msk [tilespmem:v7+s25+$0x0], $0xffff;
	_ =	sdelay $0x7  }
0xcc: {  	v2 =	vld.idx.msk [tilespmem:v1+s19+$0x0], $0xffff;
	_ =	sdelay $0x4  }
0xcd: {  	[tilespmem:$0x14D60] =	vst v2  }
0xce: {  	v1 =	vld.idx.msk [tilespmem:v1+s21+$0x0], $0xffff;
	_ =	sdelay $0x4  }
0xcf: {  	[tilespmem:$0x14EE0] =	vst v1  }
0xd0: {  	v1 =	vld.idx.msk [tilespmem:v8+s25+$0x0], $0xffff;
	_ =	sdelay $0x7  }
0xd1: {  	v2 =	vld.idx.msk [tilespmem:v1+s19+$0x0], $0xffff;
	_ =	sdelay $0x4  }
0xd2: {  	[tilespmem:$0x14D70] =	vst v2  }
0xd3: {  	v1 =	vld.idx.msk [tilespmem:v1+s21+$0x0], $0xffff;
	_ =	sdelay $0x3  }
0xd4: {  	s8 =	rddreg [dreg:$0x8]  }
0xd5: {  	s20 =	sld [smem:$0x7CC];
	[tilespmem:$0x14EF0] =	vst v1  }
0xd6: {  	[hbm4b:s8+s25] =	stream.linear.scatter [tilespmem:s3], [sflag:$0x7], $0x4000, $0x38;
	[tilespmem:$0x17780] =	vst v63  }
0xd7: {  	s23 =	simm.s32 $0x14D00;
	s24 =	sld [smem:$0x7CD]  }
0xd8: {  	[hbm4b:s20+s25] =	stream.linear.scatter [tilespmem:s23], [sflag:$0xC], $0x80, $0x38;
	[tilespmem:$0x17780] =	vst v63  }
0xd9: {  	s26 =	simm.s32 $0x14E80  }
0xda: {  	[hbm4b:s24+s25] =	stream.linear.scatter [tilespmem:s26], [sflag:$0xF], $0x80, $0x38;
	[tilespmem:$0x17780] =	vst v63  }
0xdb: {  	s31 =	simm.s32 $0x200;
	s24 =	simm.s32 $0x10C80  }
0xdc: {  	[tilespmem:s24], [sflag:$0x5] =	stream.indirect.gather [spmem:s12], $0x80, s31, s22, $0xb8;
	[tilespmem:$0x17780] =	vst v63  }
0xdd: {  	_ =	swait.ge [sflag:s7], $0x4000  }
0xde: {  	[sflag:s7] =	ssyncset.done $0x0  }
0xdf: {  	[sflag:s7] =	ssyncadd.s32 $0xFFFFC000  }
0xe0: {  	v1 =	vld.idx.msk [tilespmem:v9+s25+$0x0], $0xffff;
	_ =	sdelay $0x7  }
0xe1: {  	v2 =	vld.idx.msk [tilespmem:v1+s19+$0x0], $0xffff;
	_ =	sdelay $0x4  }
0xe2: {  	[tilespmem:$0x14D80] =	vst v2  }
0xe3: {  	v1 =	vld.idx.msk [tilespmem:v1+s21+$0x0], $0xffff;
	_ =	sdelay $0x4  }
0xe4: {  	[tilespmem:$0x14F00] =	vst v1  }
0xe5: {  	v1 =	vld.idx.msk [tilespmem:v10+s25+$0x0], $0xffff;
	_ =	sdelay $0x7  }
0xe6: {  	v2 =	vld.idx.msk [tilespmem:v1+s19+$0x0], $0xffff;
	_ =	sdelay $0x4  }
0xe7: {  	[tilespmem:$0x14D90] =	vst v2  }
0xe8: {  	v1 =	vld.idx.msk [tilespmem:v1+s21+$0x0], $0xffff;
	_ =	sdelay $0x4  }
0xe9: {  	[tilespmem:$0x14F10] =	vst v1  }
0xea: {  	v1 =	vld.idx.msk [tilespmem:v11+s25+$0x0], $0xffff;
	_ =	sdelay $0x7  }
0xeb: {  	v2 =	vld.idx.msk [tilespmem:v1+s19+$0x0], $0xffff;
	_ =	sdelay $0x4  }
0xec: {  	[tilespmem:$0x14DA0] =	vst v2  }
0xed: {  	v1 =	vld.idx.msk [tilespmem:v1+s21+$0x0], $0xffff;
	_ =	sdelay $0x4  }
0xee: {  	[tilespmem:$0x14F20] =	vst v1  }
0xef: {  	v1 =	vld.idx.msk [tilespmem:v12+s25+$0x0], $0xffff;
	_ =	sdelay $0x7  }
0xf0: {  	v2 =	vld.idx.msk [tilespmem:v1+s19+$0x0], $0xffff;
	_ =	sdelay $0x4  }
0xf1: {  	[tilespmem:$0x14DB0] =	vst v2  }
0xf2: {  	v1 =	vld.idx.msk [tilespmem:v1+s21+$0x0], $0xffff;
	_ =	sdelay $0x4  }
0xf3: {  	[tilespmem:$0x14F30] =	vst v1  }
0xf4: {  	v1 =	vld.idx.msk [tilespmem:v13+s25+$0x0], $0xffff;
	_ =	sdelay $0x7  }
0xf5: {  	v2 =	vld.idx.msk [tilespmem:v1+s19+$0x0], $0xffff;
	_ =	sdelay $0x4  }
0xf6: {  	[tilespmem:$0x14DC0] =	vst v2  }
0xf7: {  	v1 =	vld.idx.msk [tilespmem:v1+s21+$0x0], $0xffff;
	_ =	sdelay $0x4  }
0xf8: {  	[tilespmem:$0x14F40] =	vst v1  }
0xf9: {  	v1 =	vld.idx.msk [tilespmem:v14+s25+$0x0], $0xffff;
	_ =	sdelay $0x7  }
0xfa: {  	v2 =	vld.idx.msk [tilespmem:v1+s19+$0x0], $0xffff;
	_ =	sdelay $0x4  }
0xfb: {  	[tilespmem:$0x14DD0] =	vst v2  }
0xfc: {  	v1 =	vld.idx.msk [tilespmem:v1+s21+$0x0], $0xffff;
	_ =	sdelay $0x4  }
0xfd: {  	[tilespmem:$0x14F50] =	vst v1  }
0xfe: {  	v1 =	vld.idx.msk [tilespmem:v15+s25+$0x0], $0xffff;
	_ =	sdelay $0x7  }
0xff: {  	v2 =	vld.idx.msk [tilespmem:v1+s19+$0x0], $0xffff;
	_ =	sdelay $0x4  }
0x100: {  	[tilespmem:$0x14DE0] =	vst v2  }
0x101: {  	v1 =	vld.idx.msk [tilespmem:v1+s21+$0x0], $0xffff;
	_ =	sdelay $0x4  }
0x102: {  	[tilespmem:$0x14F60] =	vst v1  }
0x103: {  	v1 =	vld.idx.msk [tilespmem:v16+s25+$0x0], $0xffff;
	_ =	sdelay $0x7  }
0x104: {  	v2 =	vld.idx.msk [tilespmem:v1+s19+$0x0], $0xffff;
	_ =	sdelay $0x4  }
0x105: {  	[tilespmem:$0x14DF0] =	vst v2  }
0x106: {  	v1 =	vld.idx.msk [tilespmem:v1+s21+$0x0], $0xffff;
	_ =	sdelay $0x3  }
0x107: {  	s0 =	rddreg [dreg:$0x9]  }
0x108: {  	s5 =	simm.s32 $0x8C80;
	s8 =	sld [smem:$0x7CE];
	[tilespmem:$0x14F70] =	vst v1  }
0x109: {  	[hbm4b:s0+s25] =	stream.linear.scatter [tilespmem:s5], [sflag:$0x8], $0x4000, $0x38;
	[tilespmem:$0x17780] =	vst v63  }
0x10a: {  	s30 =	simm.s32 $0x14D80;
	s20 =	sld [smem:$0x7CF]  }
0x10b: {  	[hbm4b:s8+s25] =	stream.linear.scatter [tilespmem:s30], [sflag:$0xD], $0x80, $0x38;
	[tilespmem:$0x17780] =	vst v63  }
0x10c: {  	s26 =	simm.s32 $0x6;
	s30 =	simm.s32 $0x14F00  }
0x10d: {  	[hbm4b:s20+s25] =	stream.linear.scatter [tilespmem:s30], [sflag:$0x10], $0x80, $0x38;
	[tilespmem:$0x17780] =	vst v63  }
0x10e: {  	_ =	swait.ge [sflag:s26], $0x4000  }
0x10f: {  	[sflag:s26] =	ssyncset.done $0x0  }
0x110: {  	s2 =	simm.s32 $0xC80;
	s0 =	simm.s32 $0x280;
	[sflag:s26] =	ssyncadd.s32 $0xFFFFC000  }
0x111: {  	[tilespmem:s2], [sflag:$0x1] =	stream.indirect.gather [spmem:s12], $0x80, s0, s22, $0xb8;
	[tilespmem:$0x17780] =	vst v63  }
0x112: {  	_ =	swait.ge [sflag:s11], $0x4000  }
0x113: {  	[sflag:s11] =	ssyncset.done $0x0  }
0x114: {  	[sflag:s11] =	ssyncadd.s32 $0xFFFFC000  }
0x115: {  	_ =	swait.ge [sflag:s9], $0x80  }
0x116: {  	[sflag:s9] =	ssyncset.done $0x0  }
0x117: {  	[sflag:s9] =	ssyncadd.s32 $0xFFFFFF80  }
0x118: {  	_ =	swait.ge [sflag:s10], $0x80  }
0x119: {  	[sflag:s10] =	ssyncset.done $0x0  }
0x11a: {  	[sflag:s10] =	ssyncadd.s32 $0xFFFFFF80  }
0x11b: {  	v1 =	vld.idx.msk [tilespmem:v17+s25+$0x0], $0xffff;
	_ =	sdelay $0x7  }
0x11c: {  	v2 =	vld.idx.msk [tilespmem:v1+s19+$0x0], $0xffff;
	_ =	sdelay $0x4  }
0x11d: {  	[tilespmem:$0x14C80] =	vst v2  }
0x11e: {  	v1 =	vld.idx.msk [tilespmem:v1+s21+$0x0], $0xffff;
	_ =	sdelay $0x4  }
0x11f: {  	[tilespmem:$0x14E00] =	vst v1  }
0x120: {  	v1 =	vld.idx.msk [tilespmem:v18+s25+$0x0], $0xffff;
	_ =	sdelay $0x7  }
0x121: {  	v2 =	vld.idx.msk [tilespmem:v1+s19+$0x0], $0xffff;
	_ =	sdelay $0x4  }
0x122: {  	[tilespmem:$0x14C90] =	vst v2  }
0x123: {  	v1 =	vld.idx.msk [tilespmem:v1+s21+$0x0], $0xffff;
	_ =	sdelay $0x4  }
0x124: {  	[tilespmem:$0x14E10] =	vst v1  }
0x125: {  	v1 =	vld.idx.msk [tilespmem:v19+s25+$0x0], $0xffff;
	_ =	sdelay $0x7  }
0x126: {  	v2 =	vld.idx.msk [tilespmem:v1+s19+$0x0], $0xffff;
	_ =	sdelay $0x4  }
0x127: {  	[tilespmem:$0x14CA0] =	vst v2  }
0x128: {  	v1 =	vld.idx.msk [tilespmem:v1+s21+$0x0], $0xffff;
	_ =	sdelay $0x4  }
0x129: {  	[tilespmem:$0x14E20] =	vst v1  }
0x12a: {  	v1 =	vld.idx.msk [tilespmem:v20+s25+$0x0], $0xffff;
	_ =	sdelay $0x7  }
0x12b: {  	v2 =	vld.idx.msk [tilespmem:v1+s19+$0x0], $0xffff;
	_ =	sdelay $0x4  }
0x12c: {  	[tilespmem:$0x14CB0] =	vst v2  }
0x12d: {  	v1 =	vld.idx.msk [tilespmem:v1+s21+$0x0], $0xffff;
	_ =	sdelay $0x4  }
0x12e: {  	[tilespmem:$0x14E30] =	vst v1  }
0x12f: {  	v1 =	vld.idx.msk [tilespmem:v21+s25+$0x0], $0xffff;
	_ =	sdelay $0x7  }
0x130: {  	v2 =	vld.idx.msk [tilespmem:v1+s19+$0x0], $0xffff;
	_ =	sdelay $0x4  }
0x131: {  	[tilespmem:$0x14CC0] =	vst v2  }
0x132: {  	v1 =	vld.idx.msk [tilespmem:v1+s21+$0x0], $0xffff;
	_ =	sdelay $0x4  }
0x133: {  	[tilespmem:$0x14E40] =	vst v1  }
0x134: {  	v1 =	vld.idx.msk [tilespmem:v22+s25+$0x0], $0xffff;
	_ =	sdelay $0x7  }
0x135: {  	v2 =	vld.idx.msk [tilespmem:v1+s19+$0x0], $0xffff;
	_ =	sdelay $0x4  }
0x136: {  	[tilespmem:$0x14CD0] =	vst v2  }
0x137: {  	v1 =	vld.idx.msk [tilespmem:v1+s21+$0x0], $0xffff;
	_ =	sdelay $0x4  }
0x138: {  	[tilespmem:$0x14E50] =	vst v1  }
0x139: {  	v1 =	vld.idx.msk [tilespmem:v23+s25+$0x0], $0xffff;
	_ =	sdelay $0x7  }
0x13a: {  	v2 =	vld.idx.msk [tilespmem:v1+s19+$0x0], $0xffff;
	_ =	sdelay $0x4  }
0x13b: {  	[tilespmem:$0x14CE0] =	vst v2  }
0x13c: {  	v1 =	vld.idx.msk [tilespmem:v1+s21+$0x0], $0xffff;
	_ =	sdelay $0x4  }
0x13d: {  	[tilespmem:$0x14E60] =	vst v1  }
0x13e: {  	v1 =	vld.idx.msk [tilespmem:v24+s25+$0x0], $0xffff;
	_ =	sdelay $0x7  }
0x13f: {  	v2 =	vld.idx.msk [tilespmem:v1+s19+$0x0], $0xffff;
	_ =	sdelay $0x4  }
0x140: {  	[tilespmem:$0x14CF0] =	vst v2  }
0x141: {  	v1 =	vld.idx.msk [tilespmem:v1+s21+$0x0], $0xffff;
	_ =	sdelay $0x3  }
0x142: {  	s5 =	rddreg [dreg:$0xa]  }
0x143: {  	s0 =	simm.s32 $0xCC80;
	s8 =	sld [smem:$0x7D0];
	[tilespmem:$0x14E70] =	vst v1  }
0x144: {  	[hbm4b:s5+s25] =	stream.linear.scatter [tilespmem:s0], [sflag:$0x9], $0x4000, $0x38;
	[tilespmem:$0x17780] =	vst v63  }
0x145: {  	s30 =	simm.s32 $0x14C80;
	s26 =	sld [smem:$0x7D1]  }
0x146: {  	[hbm4b:s8+s25] =	stream.linear.scatter [tilespmem:s30], [sflag:$0xB], $0x80, $0x38;
	[tilespmem:$0x17780] =	vst v63  }
0x147: {  	s5 =	simm.s32 $0x7;
	s30 =	simm.s32 $0x14E00  }
0x148: {  	[hbm4b:s26+s25] =	stream.linear.scatter [tilespmem:s30], [sflag:$0xE], $0x80, $0x38;
	[tilespmem:$0x17780] =	vst v63  }
0x149: {  	_ =	swait.ge [sflag:s5], $0x4000  }
0x14a: {  	[sflag:s5] =	ssyncset.done $0x0  }
0x14b: {  	s1 =	simm.s32 $0x4C80;
	[sflag:s5] =	ssyncadd.s32 $0xFFFFC000;
	s5 =	simm.s32 $0x300  }
0x14c: {  	[tilespmem:s1], [sflag:$0x2] =	stream.indirect.gather [spmem:s12], $0x80, s5, s22, $0xb8;
	[tilespmem:$0x17780] =	vst v63  }
0x14d: {  	_ =	swait.ge [sflag:s16], $0x4000  }
0x14e: {  	[sflag:s16] =	ssyncset.done $0x0  }
0x14f: {  	[sflag:s16] =	ssyncadd.s32 $0xFFFFC000  }
0x150: {  	_ =	swait.ge [sflag:s14], $0x80  }
0x151: {  	[sflag:s14] =	ssyncset.done $0x0  }
0x152: {  	[sflag:s14] =	ssyncadd.s32 $0xFFFFFF80  }
0x153: {  	_ =	swait.ge [sflag:s15], $0x80  }
0x154: {  	[sflag:s15] =	ssyncset.done $0x0  }
0x155: {  	[sflag:s15] =	ssyncadd.s32 $0xFFFFFF80  }
0x156: {  	v1 =	vld.idx.msk [tilespmem:v25+s25+$0x0], $0xffff;
	_ =	sdelay $0x7  }
0x157: {  	v2 =	vld.idx.msk [tilespmem:v1+s19+$0x0], $0xffff;
	_ =	sdelay $0x4  }
0x158: {  	[tilespmem:$0x14D00] =	vst v2  }
0x159: {  	v1 =	vld.idx.msk [tilespmem:v1+s21+$0x0], $0xffff;
	_ =	sdelay $0x4  }
0x15a: {  	[tilespmem:$0x14E80] =	vst v1  }
0x15b: {  	v1 =	vld.idx.msk [tilespmem:v26+s25+$0x0], $0xffff;
	_ =	sdelay $0x7  }
0x15c: {  	v2 =	vld.idx.msk [tilespmem:v1+s19+$0x0], $0xffff;
	_ =	sdelay $0x4  }
0x15d: {  	[tilespmem:$0x14D10] =	vst v2  }
0x15e: {  	v1 =	vld.idx.msk [tilespmem:v1+s21+$0x0], $0xffff;
	_ =	sdelay $0x4  }
0x15f: {  	[tilespmem:$0x14E90] =	vst v1  }
0x160: {  	v1 =	vld.idx.msk [tilespmem:v27+s25+$0x0], $0xffff;
	_ =	sdelay $0x7  }
0x161: {  	v2 =	vld.idx.msk [tilespmem:v1+s19+$0x0], $0xffff;
	_ =	sdelay $0x4  }
0x162: {  	[tilespmem:$0x14D20] =	vst v2  }
0x163: {  	v1 =	vld.idx.msk [tilespmem:v1+s21+$0x0], $0xffff;
	_ =	sdelay $0x4  }
0x164: {  	[tilespmem:$0x14EA0] =	vst v1  }
0x165: {  	v1 =	vld.idx.msk [tilespmem:v28+s25+$0x0], $0xffff;
	_ =	sdelay $0x7  }
0x166: {  	v2 =	vld.idx.msk [tilespmem:v1+s19+$0x0], $0xffff;
	_ =	sdelay $0x4  }
0x167: {  	[tilespmem:$0x14D30] =	vst v2  }
0x168: {  	v1 =	vld.idx.msk [tilespmem:v1+s21+$0x0], $0xffff;
	_ =	sdelay $0x4  }
0x169: {  	[tilespmem:$0x14EB0] =	vst v1  }
0x16a: {  	v1 =	vld.idx.msk [tilespmem:v29+s25+$0x0], $0xffff;
	_ =	sdelay $0x7  }
0x16b: {  	v2 =	vld.idx.msk [tilespmem:v1+s19+$0x0], $0xffff;
	_ =	sdelay $0x4  }
0x16c: {  	[tilespmem:$0x14D40] =	vst v2  }
0x16d: {  	v1 =	vld.idx.msk [tilespmem:v1+s21+$0x0], $0xffff;
	_ =	sdelay $0x4  }
0x16e: {  	[tilespmem:$0x14EC0] =	vst v1  }
0x16f: {  	v1 =	vld.idx.msk [tilespmem:v30+s25+$0x0], $0xffff;
	_ =	sdelay $0x7  }
0x170: {  	v2 =	vld.idx.msk [tilespmem:v1+s19+$0x0], $0xffff;
	_ =	sdelay $0x4  }
0x171: {  	[tilespmem:$0x14D50] =	vst v2  }
0x172: {  	v1 =	vld.idx.msk [tilespmem:v1+s21+$0x0], $0xffff;
	_ =	sdelay $0x4  }
0x173: {  	[tilespmem:$0x14ED0] =	vst v1  }
0x174: {  	v1 =	vld.idx.msk [tilespmem:v31+s25+$0x0], $0xffff;
	_ =	sdelay $0x7  }
0x175: {  	v2 =	vld.idx.msk [tilespmem:v1+s19+$0x0], $0xffff;
	_ =	sdelay $0x4  }
0x176: {  	[tilespmem:$0x14D60] =	vst v2  }
0x177: {  	v1 =	vld.idx.msk [tilespmem:v1+s21+$0x0], $0xffff;
	_ =	sdelay $0x4  }
0x178: {  	[tilespmem:$0x14EE0] =	vst v1  }
0x179: {  	v1 =	vld.idx.msk [tilespmem:v32+s25+$0x0], $0xffff;
	_ =	sdelay $0x7  }
0x17a: {  	v2 =	vld.idx.msk [tilespmem:v1+s19+$0x0], $0xffff;
	_ =	sdelay $0x4  }
0x17b: {  	[tilespmem:$0x14D70] =	vst v2  }
0x17c: {  	v1 =	vld.idx.msk [tilespmem:v1+s21+$0x0], $0xffff;
	_ =	sdelay $0x4  }
0x17d: {  	s3 =	simm.s32 $0x10C80;
	s26 =	rddreg [dreg:$0xb];
	[tilespmem:$0x14EF0] =	vst v1  }
0x17e: {  	[hbm4b:s26+s25] =	stream.linear.scatter [tilespmem:s3], [sflag:$0xA], $0x4000, $0x38;
	[tilespmem:$0x17780] =	vst v63  }
0x17f: {  	s3 =	sld [smem:$0x7D2];
	_ =	sdelay $0x1  }
0x180: {  	s5 =	simm.s32 $0x14D00;
	s26 =	sld [smem:$0x7D3]  }
0x181: {  	[hbm4b:s3+s25] =	stream.linear.scatter [tilespmem:s5], [sflag:$0xC], $0x80, $0x38;
	[tilespmem:$0x17780] =	vst v63  }
0x182: {  	s28 =	simm.s32 $0x14E80  }
0x183: {  	[hbm4b:s26+s25] =	stream.linear.scatter [tilespmem:s28], [sflag:$0xF], $0x80, $0x38;
	[tilespmem:$0x17780] =	vst v63  }
0x184: {  	_ =	swait.ge [sflag:s13], $0x4000  }
0x185: {  	[sflag:s13] =	ssyncset.done $0x0  }
0x186: {  	s23 =	simm.s32 $0x8C80;
	s3 =	simm.s32 $0x380;
	[sflag:s13] =	ssyncadd.s32 $0xFFFFC000  }
0x187: {  	[tilespmem:s23], [sflag:$0x3] =	stream.indirect.gather [spmem:s12], $0x80, s3, s22, $0xb8;
	[tilespmem:$0x17780] =	vst v63  }
0x188: {  	s23 =	simm.s32 $0x1  }
0x189: {  	_ =	swait.ge [sflag:s23], $0x4000  }
0x18a: {  	[sflag:s23] =	ssyncset.done $0x0  }
0x18b: {  	[sflag:s23] =	ssyncadd.s32 $0xFFFFC000  }
0x18c: {  	_ =	swait.ge [sflag:s17], $0x80  }
0x18d: {  	[sflag:s17] =	ssyncset.done $0x0  }
0x18e: {  	[sflag:s17] =	ssyncadd.s32 $0xFFFFFF80  }
0x18f: {  	_ =	swait.ge [sflag:s18], $0x80  }
0x190: {  	[sflag:s18] =	ssyncset.done $0x0  }
0x191: {  	[sflag:s18] =	ssyncadd.s32 $0xFFFFFF80  }
0x192: {  	v1 =	vld.idx.msk [tilespmem:v33+s25+$0x0], $0xffff;
	_ =	sdelay $0x7  }
0x193: {  	v2 =	vld.idx.msk [tilespmem:v1+s19+$0x0], $0xffff;
	_ =	sdelay $0x4  }
0x194: {  	[tilespmem:$0x14D80] =	vst v2  }
0x195: {  	v1 =	vld.idx.msk [tilespmem:v1+s21+$0x0], $0xffff;
	_ =	sdelay $0x4  }
0x196: {  	[tilespmem:$0x14F00] =	vst v1  }
0x197: {  	v1 =	vld.idx.msk [tilespmem:v34+s25+$0x0], $0xffff;
	_ =	sdelay $0x7  }
0x198: {  	v2 =	vld.idx.msk [tilespmem:v1+s19+$0x0], $0xffff;
	_ =	sdelay $0x4  }
0x199: {  	[tilespmem:$0x14D90] =	vst v2  }
0x19a: {  	v1 =	vld.idx.msk [tilespmem:v1+s21+$0x0], $0xffff;
	_ =	sdelay $0x4  }
0x19b: {  	[tilespmem:$0x14F10] =	vst v1  }
0x19c: {  	v1 =	vld.idx.msk [tilespmem:v35+s25+$0x0], $0xffff;
	_ =	sdelay $0x7  }
0x19d: {  	v2 =	vld.idx.msk [tilespmem:v1+s19+$0x0], $0xffff;
	_ =	sdelay $0x4  }
0x19e: {  	[tilespmem:$0x14DA0] =	vst v2  }
0x19f: {  	v1 =	vld.idx.msk [tilespmem:v1+s21+$0x0], $0xffff;
	_ =	sdelay $0x4  }
0x1a0: {  	[tilespmem:$0x14F20] =	vst v1  }
0x1a1: {  	v1 =	vld.idx.msk [tilespmem:v36+s25+$0x0], $0xffff;
	_ =	sdelay $0x7  }
0x1a2: {  	v2 =	vld.idx.msk [tilespmem:v1+s19+$0x0], $0xffff;
	_ =	sdelay $0x4  }
0x1a3: {  	[tilespmem:$0x14DB0] =	vst v2  }
0x1a4: {  	v1 =	vld.idx.msk [tilespmem:v1+s21+$0x0], $0xffff;
	_ =	sdelay $0x4  }
0x1a5: {  	[tilespmem:$0x14F30] =	vst v1  }
0x1a6: {  	v1 =	vld.idx.msk [tilespmem:v37+s25+$0x0], $0xffff;
	_ =	sdelay $0x7  }
0x1a7: {  	v2 =	vld.idx.msk [tilespmem:v1+s19+$0x0], $0xffff;
	_ =	sdelay $0x4  }
0x1a8: {  	[tilespmem:$0x14DC0] =	vst v2  }
0x1a9: {  	v1 =	vld.idx.msk [tilespmem:v1+s21+$0x0], $0xffff;
	_ =	sdelay $0x4  }
0x1aa: {  	[tilespmem:$0x14F40] =	vst v1  }
0x1ab: {  	v1 =	vld.idx.msk [tilespmem:v38+s25+$0x0], $0xffff;
	_ =	sdelay $0x7  }
0x1ac: {  	v2 =	vld.idx.msk [tilespmem:v1+s19+$0x0], $0xffff;
	_ =	sdelay $0x4  }
0x1ad: {  	[tilespmem:$0x14DD0] =	vst v2  }
0x1ae: {  	v1 =	vld.idx.msk [tilespmem:v1+s21+$0x0], $0xffff;
	_ =	sdelay $0x4  }
0x1af: {  	[tilespmem:$0x14F50] =	vst v1  }
0x1b0: {  	v1 =	vld.idx.msk [tilespmem:v39+s25+$0x0], $0xffff;
	_ =	sdelay $0x7  }
0x1b1: {  	v2 =	vld.idx.msk [tilespmem:v1+s19+$0x0], $0xffff;
	_ =	sdelay $0x4  }
0x1b2: {  	[tilespmem:$0x14DE0] =	vst v2  }
0x1b3: {  	v1 =	vld.idx.msk [tilespmem:v1+s21+$0x0], $0xffff;
	_ =	sdelay $0x4  }
0x1b4: {  	[tilespmem:$0x14F60] =	vst v1  }
0x1b5: {  	v1 =	vld.idx.msk [tilespmem:v40+s25+$0x0], $0xffff;
	_ =	sdelay $0x7  }
0x1b6: {  	v2 =	vld.idx.msk [tilespmem:v1+s19+$0x0], $0xffff;
	_ =	sdelay $0x4  }
0x1b7: {  	[tilespmem:$0x14DF0] =	vst v2  }
0x1b8: {  	v1 =	vld.idx.msk [tilespmem:v1+s21+$0x0], $0xffff;
	_ =	sdelay $0x3  }
0x1b9: {  	s3 =	rddreg [dreg:$0xc]  }
0x1ba: {  	s2 =	simm.s32 $0xC80;
	s23 =	sld [smem:$0x7D4];
	[tilespmem:$0x14F70] =	vst v1  }
0x1bb: {  	[hbm4b:s3+s25] =	stream.linear.scatter [tilespmem:s2], [sflag:$0x6], $0x4000, $0x38;
	[tilespmem:$0x17780] =	vst v63  }
0x1bc: {  	s24 =	simm.s32 $0x14D80  }
0x1bd: {  	[hbm4b:s23+s25] =	stream.linear.scatter [tilespmem:s24], [sflag:$0xD], $0x80, $0x38;
	[tilespmem:$0x17780] =	vst v63  }
0x1be: {  	s24 =	sld [smem:$0x7D5];
	_ =	sdelay $0x1  }
0x1bf: {  	s31 =	simm.s32 $0x14F00;
	s2 =	simm.s32 $0x9  }
0x1c0: {  	[hbm4b:s24+s25] =	stream.linear.scatter [tilespmem:s31], [sflag:$0x10], $0x80, $0x38;
	[tilespmem:$0x17780] =	vst v63  }
0x1c1: {  	_ =	swait.ge [sflag:s2], $0x4000  }
0x1c2: {  	[sflag:s2] =	ssyncset.done $0x0  }
0x1c3: {  	s31 =	simm.s32 $0x400;
	[sflag:s2] =	ssyncadd.s32 $0xFFFFC000  }
0x1c4: {  	[tilespmem:s0], [sflag:$0x4] =	stream.indirect.gather [spmem:s12], $0x80, s31, s22, $0xb8;
	[tilespmem:$0x17780] =	vst v63  }
0x1c5: {  	_ =	swait.ge [sflag:s4], $0x4000  }
0x1c6: {  	[sflag:s4] =	ssyncset.done $0x0  }
0x1c7: {  	[sflag:s4] =	ssyncadd.s32 $0xFFFFC000  }
0x1c8: {  	_ =	swait.ge [sflag:s9], $0x80  }
0x1c9: {  	[sflag:s9] =	ssyncset.done $0x0  }
0x1ca: {  	[sflag:s9] =	ssyncadd.s32 $0xFFFFFF80  }
0x1cb: {  	_ =	swait.ge [sflag:s10], $0x80  }
0x1cc: {  	[sflag:s10] =	ssyncset.done $0x0  }
0x1cd: {  	[sflag:s10] =	ssyncadd.s32 $0xFFFFFF80  }
0x1ce: {  	v1 =	vld.idx.msk [tilespmem:v41+s25+$0x0], $0xffff;
	_ =	sdelay $0x7  }
0x1cf: {  	v2 =	vld.idx.msk [tilespmem:v1+s19+$0x0], $0xffff;
	_ =	sdelay $0x4  }
0x1d0: {  	[tilespmem:$0x14C80] =	vst v2  }
0x1d1: {  	v1 =	vld.idx.msk [tilespmem:v1+s21+$0x0], $0xffff;
	_ =	sdelay $0x4  }
0x1d2: {  	[tilespmem:$0x14E00] =	vst v1  }
0x1d3: {  	v1 =	vld.idx.msk [tilespmem:v42+s25+$0x0], $0xffff;
	_ =	sdelay $0x7  }
0x1d4: {  	v2 =	vld.idx.msk [tilespmem:v1+s19+$0x0], $0xffff;
	_ =	sdelay $0x4  }
0x1d5: {  	[tilespmem:$0x14C90] =	vst v2  }
0x1d6: {  	v1 =	vld.idx.msk [tilespmem:v1+s21+$0x0], $0xffff;
	_ =	sdelay $0x4  }
0x1d7: {  	[tilespmem:$0x14E10] =	vst v1  }
0x1d8: {  	v1 =	vld.idx.msk [tilespmem:v43+s25+$0x0], $0xffff;
	_ =	sdelay $0x7  }
0x1d9: {  	v2 =	vld.idx.msk [tilespmem:v1+s19+$0x0], $0xffff;
	_ =	sdelay $0x4  }
0x1da: {  	[tilespmem:$0x14CA0] =	vst v2  }
0x1db: {  	v1 =	vld.idx.msk [tilespmem:v1+s21+$0x0], $0xffff;
	_ =	sdelay $0x4  }
0x1dc: {  	[tilespmem:$0x14E20] =	vst v1  }
0x1dd: {  	v1 =	vld.idx.msk [tilespmem:v44+s25+$0x0], $0xffff;
	_ =	sdelay $0x7  }
0x1de: {  	v2 =	vld.idx.msk [tilespmem:v1+s19+$0x0], $0xffff;
	_ =	sdelay $0x4  }
0x1df: {  	[tilespmem:$0x14CB0] =	vst v2  }
0x1e0: {  	v1 =	vld.idx.msk [tilespmem:v1+s21+$0x0], $0xffff;
	_ =	sdelay $0x4  }
0x1e1: {  	[tilespmem:$0x14E30] =	vst v1  }
0x1e2: {  	v1 =	vld.idx.msk [tilespmem:v45+s25+$0x0], $0xffff;
	_ =	sdelay $0x7  }
0x1e3: {  	v2 =	vld.idx.msk [tilespmem:v1+s19+$0x0], $0xffff;
	_ =	sdelay $0x4  }
0x1e4: {  	[tilespmem:$0x14CC0] =	vst v2  }
0x1e5: {  	v1 =	vld.idx.msk [tilespmem:v1+s21+$0x0], $0xffff;
	_ =	sdelay $0x4  }
0x1e6: {  	[tilespmem:$0x14E40] =	vst v1  }
0x1e7: {  	v1 =	vld.idx.msk [tilespmem:v46+s25+$0x0], $0xffff;
	_ =	sdelay $0x7  }
0x1e8: {  	v2 =	vld.idx.msk [tilespmem:v1+s19+$0x0], $0xffff;
	_ =	sdelay $0x4  }
0x1e9: {  	[tilespmem:$0x14CD0] =	vst v2  }
0x1ea: {  	v1 =	vld.idx.msk [tilespmem:v1+s21+$0x0], $0xffff;
	_ =	sdelay $0x4  }
0x1eb: {  	[tilespmem:$0x14E50] =	vst v1  }
0x1ec: {  	v1 =	vld.idx.msk [tilespmem:v47+s25+$0x0], $0xffff;
	_ =	sdelay $0x7  }
0x1ed: {  	v2 =	vld.idx.msk [tilespmem:v1+s19+$0x0], $0xffff;
	_ =	sdelay $0x4  }
0x1ee: {  	[tilespmem:$0x14CE0] =	vst v2  }
0x1ef: {  	v1 =	vld.idx.msk [tilespmem:v1+s21+$0x0], $0xffff;
	_ =	sdelay $0x4  }
0x1f0: {  	[tilespmem:$0x14E60] =	vst v1  }
0x1f1: {  	v1 =	vld.idx.msk [tilespmem:v48+s25+$0x0], $0xffff;
	_ =	sdelay $0x7  }
0x1f2: {  	v2 =	vld.idx.msk [tilespmem:v1+s19+$0x0], $0xffff;
	_ =	sdelay $0x4  }
0x1f3: {  	[tilespmem:$0x14CF0] =	vst v2  }
0x1f4: {  	v1 =	vld.idx.msk [tilespmem:v1+s21+$0x0], $0xffff;
	_ =	sdelay $0x4  }
0x1f5: {  	s1 =	simm.s32 $0x4C80;
	s0 =	rddreg [dreg:$0xd];
	[tilespmem:$0x14E70] =	vst v1  }
0x1f6: {  	[hbm4b:s0+s25] =	stream.linear.scatter [tilespmem:s1], [sflag:$0x7], $0x4000, $0x38;
	[tilespmem:$0x17780] =	vst v63  }
0x1f7: {  	s1 =	sld [smem:$0x7D6];
	_ =	sdelay $0x1  }
0x1f8: {  	s30 =	simm.s32 $0x14C80;
	s3 =	sld [smem:$0x7D7]  }
0x1f9: {  	[hbm4b:s1+s25] =	stream.linear.scatter [tilespmem:s30], [sflag:$0xB], $0x80, $0x38;
	[tilespmem:$0x17780] =	vst v63  }
0x1fa: {  	s0 =	simm.s32 $0x14E00  }
0x1fb: {  	[hbm4b:s3+s25] =	stream.linear.scatter [tilespmem:s0], [sflag:$0xE], $0x80, $0x38;
	[tilespmem:$0x17780] =	vst v63  }
0x1fc: {  	s0 =	simm.s32 $0xA  }
0x1fd: {  	_ =	swait.ge [sflag:s0], $0x4000  }
0x1fe: {  	[sflag:s0] =	ssyncset.done $0x0  }
0x1ff: {  	s1 =	simm.s32 $0x480;
	s30 =	simm.s32 $0x10C80;
	[sflag:s0] =	ssyncadd.s32 $0xFFFFC000  }
0x200: {  	[tilespmem:s30], [sflag:$0x5] =	stream.indirect.gather [spmem:s12], $0x80, s1, s22, $0xb8;
	[tilespmem:$0x17780] =	vst v63  }
0x201: {  	_ =	swait.ge [sflag:s7], $0x4000  }
0x202: {  	[sflag:s7] =	ssyncset.done $0x0  }
0x203: {  	[sflag:s7] =	ssyncadd.s32 $0xFFFFC000  }
0x204: {  	_ =	swait.ge [sflag:s14], $0x80  }
0x205: {  	[sflag:s14] =	ssyncset.done $0x0  }
0x206: {  	[sflag:s14] =	ssyncadd.s32 $0xFFFFFF80  }
0x207: {  	_ =	swait.ge [sflag:s15], $0x80  }
0x208: {  	[sflag:s15] =	ssyncset.done $0x0  }
0x209: {  	[sflag:s15] =	ssyncadd.s32 $0xFFFFFF80  }
0x20a: {  	v1 =	vld.idx.msk [tilespmem:v49+s25+$0x0], $0xffff;
	_ =	sdelay $0x7  }
0x20b: {  	v2 =	vld.idx.msk [tilespmem:v1+s19+$0x0], $0xffff;
	_ =	sdelay $0x4  }
0x20c: {  	[tilespmem:$0x14D00] =	vst v2  }
0x20d: {  	v1 =	vld.idx.msk [tilespmem:v1+s21+$0x0], $0xffff;
	_ =	sdelay $0x4  }
0x20e: {  	[tilespmem:$0x14E80] =	vst v1  }
0x20f: {  	v1 =	vld.idx.msk [tilespmem:v50+s25+$0x0], $0xffff;
	_ =	sdelay $0x7  }
0x210: {  	v2 =	vld.idx.msk [tilespmem:v1+s19+$0x0], $0xffff;
	_ =	sdelay $0x4  }
0x211: {  	[tilespmem:$0x14D10] =	vst v2  }
0x212: {  	v1 =	vld.idx.msk [tilespmem:v1+s21+$0x0], $0xffff;
	_ =	sdelay $0x4  }
0x213: {  	[tilespmem:$0x14E90] =	vst v1  }
0x214: {  	v1 =	vld.idx.msk [tilespmem:v51+s25+$0x0], $0xffff;
	_ =	sdelay $0x7  }
0x215: {  	v2 =	vld.idx.msk [tilespmem:v1+s19+$0x0], $0xffff;
	_ =	sdelay $0x4  }
0x216: {  	[tilespmem:$0x14D20] =	vst v2  }
0x217: {  	v1 =	vld.idx.msk [tilespmem:v1+s21+$0x0], $0xffff;
	_ =	sdelay $0x4  }
0x218: {  	[tilespmem:$0x14EA0] =	vst v1  }
0x219: {  	v1 =	vld.idx.msk [tilespmem:v52+s25+$0x0], $0xffff;
	_ =	sdelay $0x7  }
0x21a: {  	v2 =	vld.idx.msk [tilespmem:v1+s19+$0x0], $0xffff;
	_ =	sdelay $0x4  }
0x21b: {  	[tilespmem:$0x14D30] =	vst v2  }
0x21c: {  	v1 =	vld.idx.msk [tilespmem:v1+s21+$0x0], $0xffff;
	_ =	sdelay $0x4  }
0x21d: {  	[tilespmem:$0x14EB0] =	vst v1  }
0x21e: {  	v1 =	vld.idx.msk [tilespmem:v53+s25+$0x0], $0xffff;
	_ =	sdelay $0x7  }
0x21f: {  	v2 =	vld.idx.msk [tilespmem:v1+s19+$0x0], $0xffff;
	_ =	sdelay $0x4  }
0x220: {  	[tilespmem:$0x14D40] =	vst v2  }
0x221: {  	v1 =	vld.idx.msk [tilespmem:v1+s21+$0x0], $0xffff;
	_ =	sdelay $0x4  }
0x222: {  	[tilespmem:$0x14EC0] =	vst v1  }
0x223: {  	v1 =	vld.idx.msk [tilespmem:v54+s25+$0x0], $0xffff;
	_ =	sdelay $0x7  }
0x224: {  	v2 =	vld.idx.msk [tilespmem:v1+s19+$0x0], $0xffff;
	_ =	sdelay $0x4  }
0x225: {  	[tilespmem:$0x14D50] =	vst v2  }
0x226: {  	v1 =	vld.idx.msk [tilespmem:v1+s21+$0x0], $0xffff;
	_ =	sdelay $0x4  }
0x227: {  	[tilespmem:$0x14ED0] =	vst v1  }
0x228: {  	v1 =	vld.idx.msk [tilespmem:v55+s25+$0x0], $0xffff;
	_ =	sdelay $0x7  }
0x229: {  	v2 =	vld.idx.msk [tilespmem:v1+s19+$0x0], $0xffff;
	_ =	sdelay $0x4  }
0x22a: {  	[tilespmem:$0x14D60] =	vst v2  }
0x22b: {  	v1 =	vld.idx.msk [tilespmem:v1+s21+$0x0], $0xffff;
	_ =	sdelay $0x4  }
0x22c: {  	[tilespmem:$0x14EE0] =	vst v1  }
0x22d: {  	v1 =	vld.idx.msk [tilespmem:v56+s25+$0x0], $0xffff;
	_ =	sdelay $0x7  }
0x22e: {  	v2 =	vld.idx.msk [tilespmem:v1+s19+$0x0], $0xffff;
	_ =	sdelay $0x4  }
0x22f: {  	[tilespmem:$0x14D70] =	vst v2  }
0x230: {  	v1 =	vld.idx.msk [tilespmem:v1+s21+$0x0], $0xffff;
	_ =	sdelay $0x4  }
0x231: {  	s26 =	simm.s32 $0x8C80;
	s3 =	rddreg [dreg:$0xe];
	[tilespmem:$0x14EF0] =	vst v1  }
0x232: {  	[hbm4b:s3+s25] =	stream.linear.scatter [tilespmem:s26], [sflag:$0x8], $0x4000, $0x38;
	[tilespmem:$0x17780] =	vst v63  }
0x233: {  	s26 =	sld [smem:$0x7D8];
	_ =	sdelay $0x1  }
0x234: {  	s1 =	sld [smem:$0x7D9]  }
0x235: {  	[hbm4b:s26+s25] =	stream.linear.scatter [tilespmem:s5], [sflag:$0xC], $0x80, $0x38;
	[tilespmem:$0x17780] =	vst v63  }
0x236: {  	s20 =	simm.s32 $0x6  }
0x237: {  	[hbm4b:s1+s25] =	stream.linear.scatter [tilespmem:s28], [sflag:$0xF], $0x80, $0x38;
	[tilespmem:$0x17780] =	vst v63  }
0x238: {  	_ =	swait.ge [sflag:s20], $0x4000  }
0x239: {  	[sflag:s20] =	ssyncset.done $0x0  }
0x23a: {  	s29 =	simm.s32 $0xC80;
	s3 =	simm.s32 $0x500;
	[sflag:s20] =	ssyncadd.s32 $0xFFFFC000  }
0x23b: {  	[tilespmem:s29], [sflag:$0x1] =	stream.indirect.gather [spmem:s12], $0x80, s3, s22, $0xb8;
	[tilespmem:$0x17780] =	vst v63  }
0x23c: {  	_ =	swait.ge [sflag:s11], $0x4000  }
0x23d: {  	[sflag:s11] =	ssyncset.done $0x0  }
0x23e: {  	[sflag:s11] =	ssyncadd.s32 $0xFFFFC000  }
0x23f: {  	_ =	swait.ge [sflag:s17], $0x80  }
0x240: {  	[sflag:s17] =	ssyncset.done $0x0  }
0x241: {  	[sflag:s17] =	ssyncadd.s32 $0xFFFFFF80  }
0x242: {  	_ =	swait.ge [sflag:s18], $0x80  }
0x243: {  	[sflag:s18] =	ssyncset.done $0x0  }
0x244: {  	[sflag:s18] =	ssyncadd.s32 $0xFFFFFF80  }
0x245: {  	v1 =	vld.idx.msk [tilespmem:v57+s25+$0x0], $0xffff;
	_ =	sdelay $0x7  }
0x246: {  	v2 =	vld.idx.msk [tilespmem:v1+s19+$0x0], $0xffff;
	_ =	sdelay $0x4  }
0x247: {  	[tilespmem:$0x14D80] =	vst v2  }
0x248: {  	v1 =	vld.idx.msk [tilespmem:v1+s21+$0x0], $0xffff;
	_ =	sdelay $0x4  }
0x249: {  	[tilespmem:$0x14F00] =	vst v1  }
0x24a: {  	v1 =	vld.idx.msk [tilespmem:v58+s25+$0x0], $0xffff;
	_ =	sdelay $0x7  }
0x24b: {  	v2 =	vld.idx.msk [tilespmem:v1+s19+$0x0], $0xffff;
	_ =	sdelay $0x4  }
0x24c: {  	[tilespmem:$0x14D90] =	vst v2  }
0x24d: {  	v1 =	vld.idx.msk [tilespmem:v1+s21+$0x0], $0xffff;
	_ =	sdelay $0x4  }
0x24e: {  	[tilespmem:$0x14F10] =	vst v1  }
0x24f: {  	v1 =	vld.idx.msk [tilespmem:v59+s25+$0x0], $0xffff;
	_ =	sdelay $0x7  }
0x250: {  	v2 =	vld.idx.msk [tilespmem:v1+s19+$0x0], $0xffff;
	_ =	sdelay $0x4  }
0x251: {  	[tilespmem:$0x14DA0] =	vst v2  }
0x252: {  	v1 =	vld.idx.msk [tilespmem:v1+s21+$0x0], $0xffff;
	_ =	sdelay $0x4  }
0x253: {  	[tilespmem:$0x14F20] =	vst v1  }
0x254: {  	v1 =	vld.idx.msk [tilespmem:v60+s25+$0x0], $0xffff;
	_ =	sdelay $0x7  }
0x255: {  	v2 =	vld.idx.msk [tilespmem:v1+s19+$0x0], $0xffff;
	_ =	sdelay $0x4  }
0x256: {  	[tilespmem:$0x14DB0] =	vst v2  }
0x257: {  	v1 =	vld.idx.msk [tilespmem:v1+s21+$0x0], $0xffff;
	_ =	sdelay $0x4  }
0x258: {  	[tilespmem:$0x14F30] =	vst v1  }
0x259: {  	v1 =	vld.idx.msk [tilespmem:v61+s25+$0x0], $0xffff;
	_ =	sdelay $0x7  }
0x25a: {  	v2 =	vld.idx.msk [tilespmem:v1+s19+$0x0], $0xffff;
	_ =	sdelay $0x4  }
0x25b: {  	[tilespmem:$0x14DC0] =	vst v2  }
0x25c: {  	v1 =	vld.idx.msk [tilespmem:v1+s21+$0x0], $0xffff;
	_ =	sdelay $0x4  }
0x25d: {  	[tilespmem:$0x14F40] =	vst v1  }
0x25e: {  	v1 =	vld.idx.msk [tilespmem:v62+s25+$0x0], $0xffff;
	_ =	sdelay $0x7  }
0x25f: {  	v2 =	vld.idx.msk [tilespmem:v1+s19+$0x0], $0xffff;
	_ =	sdelay $0x4  }
0x260: {  	[tilespmem:$0x14DD0] =	vst v2  }
0x261: {  	v1 =	vld.idx.msk [tilespmem:v1+s21+$0x0], $0xffff;
	_ =	sdelay $0x4  }
0x262: {  	[tilespmem:$0x14F50] =	vst v1  }
0x263: {  	v1 =	vld.idx.msk [tilespmem:v63+s25+$0x0], $0xffff;
	_ =	sdelay $0x7  }
0x264: {  	v2 =	vld.idx.msk [tilespmem:v1+s19+$0x0], $0xffff;
	_ =	sdelay $0x4  }
0x265: {  	[tilespmem:$0x14DE0] =	vst v2  }
0x266: {  	v1 =	vld.idx.msk [tilespmem:v1+s21+$0x0], $0xffff  }
0x267: {  	v2 =	vor.u32 $0x470, v0;
	_ =	sdelay $0x3  }
0x268: {  	[tilespmem:$0x14F60] =	vst v1  }
0x269: {  	v1 =	vld.idx.msk [tilespmem:v2+s25+$0x0], $0xffff;
	_ =	sdelay $0x7  }
0x26a: {  	v2 =	vld.idx.msk [tilespmem:v1+s19+$0x0], $0xffff;
	_ =	sdelay $0x4  }
0x26b: {  	[tilespmem:$0x14DF0] =	vst v2  }
0x26c: {  	v1 =	vld.idx.msk [tilespmem:v1+s21+$0x0], $0xffff;
	_ =	sdelay $0x3  }
0x26d: {  	s1 =	rddreg [dreg:$0xf]  }
0x26e: {  	s23 =	simm.s32 $0xCC80;
	s3 =	sld [smem:$0x7DA];
	[tilespmem:$0x14F70] =	vst v1  }
0x26f: {  	[hbm4b:s1+s25] =	stream.linear.scatter [tilespmem:s23], [sflag:$0x9], $0x4000, $0x38;
	[tilespmem:$0x17780] =	vst v63  }
0x270: {  	s23 =	simm.s32 $0x14D80  }
0x271: {  	[hbm4b:s3+s25] =	stream.linear.scatter [tilespmem:s23], [sflag:$0xD], $0x80, $0x38;
	[tilespmem:$0x17780] =	vst v63  }
0x272: {  	s23 =	sld [smem:$0x7DB];
	_ =	sdelay $0x1  }
0x273: {  	s8 =	simm.s32 $0x7;
	s24 =	simm.s32 $0x14F00  }
0x274: {  	[hbm4b:s23+s25] =	stream.linear.scatter [tilespmem:s24], [sflag:$0x10], $0x80, $0x38;
	[tilespmem:$0x17780] =	vst v63  }
0x275: {  	_ =	swait.ge [sflag:s8], $0x4000  }
0x276: {  	[sflag:s8] =	ssyncset.done $0x0  }
0x277: {  	s31 =	simm.s32 $0x4C80;
	s3 =	simm.s32 $0x580;
	[sflag:s8] =	ssyncadd.s32 $0xFFFFC000  }
0x278: {  	[tilespmem:s31], [sflag:$0x2] =	stream.indirect.gather [spmem:s12], $0x80, s3, s22, $0xb8;
	[tilespmem:$0x17780] =	vst v63  }
0x279: {  	_ =	swait.ge [sflag:s16], $0x4000  }
0x27a: {  	[sflag:s16] =	ssyncset.done $0x0  }
0x27b: {  	[sflag:s16] =	ssyncadd.s32 $0xFFFFC000  }
0x27c: {  	_ =	swait.ge [sflag:s9], $0x80  }
0x27d: {  	v1 =	vor.u32 $0x480, v0;
	[sflag:s9] =	ssyncset.done $0x0  }
0x27e: {  	[sflag:s9] =	ssyncadd.s32 $0xFFFFFF80  }
0x27f: {  	_ =	swait.ge [sflag:s10], $0x80  }
0x280: {  	[sflag:s10] =	ssyncset.done $0x0  }
0x281: {  	[sflag:s10] =	ssyncadd.s32 $0xFFFFFF80  }
0x282: {  	v1 =	vld.idx.msk [tilespmem:v1+s25+$0x0], $0xffff;
	_ =	sdelay $0x7  }
0x283: {  	v2 =	vld.idx.msk [tilespmem:v1+s19+$0x0], $0xffff;
	_ =	sdelay $0x4  }
0x284: {  	[tilespmem:$0x14C80] =	vst v2  }
0x285: {  	v1 =	vld.idx.msk [tilespmem:v1+s21+$0x0], $0xffff  }
0x286: {  	v2 =	vor.u32 $0x490, v0;
	_ =	sdelay $0x3  }
0x287: {  	[tilespmem:$0x14E00] =	vst v1  }
0x288: {  	v1 =	vld.idx.msk [tilespmem:v2+s25+$0x0], $0xffff;
	_ =	sdelay $0x7  }
0x289: {  	v2 =	vld.idx.msk [tilespmem:v1+s19+$0x0], $0xffff;
	_ =	sdelay $0x4  }
0x28a: {  	[tilespmem:$0x14C90] =	vst v2  }
0x28b: {  	v1 =	vld.idx.msk [tilespmem:v1+s21+$0x0], $0xffff  }
0x28c: {  	v2 =	vor.u32 $0x4A0, v0;
	_ =	sdelay $0x3  }
0x28d: {  	[tilespmem:$0x14E10] =	vst v1  }
0x28e: {  	v1 =	vld.idx.msk [tilespmem:v2+s25+$0x0], $0xffff;
	_ =	sdelay $0x7  }
0x28f: {  	v2 =	vld.idx.msk [tilespmem:v1+s19+$0x0], $0xffff;
	_ =	sdelay $0x4  }
0x290: {  	[tilespmem:$0x14CA0] =	vst v2  }
0x291: {  	v1 =	vld.idx.msk [tilespmem:v1+s21+$0x0], $0xffff  }
0x292: {  	v2 =	vor.u32 $0x4B0, v0;
	_ =	sdelay $0x3  }
0x293: {  	[tilespmem:$0x14E20] =	vst v1  }
0x294: {  	v1 =	vld.idx.msk [tilespmem:v2+s25+$0x0], $0xffff;
	_ =	sdelay $0x7  }
0x295: {  	v2 =	vld.idx.msk [tilespmem:v1+s19+$0x0], $0xffff;
	_ =	sdelay $0x4  }
0x296: {  	[tilespmem:$0x14CB0] =	vst v2  }
0x297: {  	v1 =	vld.idx.msk [tilespmem:v1+s21+$0x0], $0xffff  }
0x298: {  	v2 =	vor.u32 $0x4C0, v0;
	_ =	sdelay $0x3  }
0x299: {  	[tilespmem:$0x14E30] =	vst v1  }
0x29a: {  	v1 =	vld.idx.msk [tilespmem:v2+s25+$0x0], $0xffff;
	_ =	sdelay $0x7  }
0x29b: {  	v2 =	vld.idx.msk [tilespmem:v1+s19+$0x0], $0xffff;
	_ =	sdelay $0x4  }
0x29c: {  	[tilespmem:$0x14CC0] =	vst v2  }
0x29d: {  	v1 =	vld.idx.msk [tilespmem:v1+s21+$0x0], $0xffff  }
0x29e: {  	v2 =	vor.u32 $0x4D0, v0;
	_ =	sdelay $0x3  }
0x29f: {  	[tilespmem:$0x14E40] =	vst v1  }
0x2a0: {  	v1 =	vld.idx.msk [tilespmem:v2+s25+$0x0], $0xffff;
	_ =	sdelay $0x7  }
0x2a1: {  	v2 =	vld.idx.msk [tilespmem:v1+s19+$0x0], $0xffff;
	_ =	sdelay $0x4  }
0x2a2: {  	[tilespmem:$0x14CD0] =	vst v2  }
0x2a3: {  	v1 =	vld.idx.msk [tilespmem:v1+s21+$0x0], $0xffff  }
0x2a4: {  	v2 =	vor.u32 $0x4E0, v0;
	_ =	sdelay $0x3  }
0x2a5: {  	[tilespmem:$0x14E50] =	vst v1  }
0x2a6: {  	v1 =	vld.idx.msk [tilespmem:v2+s25+$0x0], $0xffff;
	_ =	sdelay $0x7  }
0x2a7: {  	v2 =	vld.idx.msk [tilespmem:v1+s19+$0x0], $0xffff;
	_ =	sdelay $0x4  }
0x2a8: {  	[tilespmem:$0x14CE0] =	vst v2  }
0x2a9: {  	v1 =	vld.idx.msk [tilespmem:v1+s21+$0x0], $0xffff  }
0x2aa: {  	v2 =	vor.u32 $0x4F0, v0;
	_ =	sdelay $0x3  }
0x2ab: {  	[tilespmem:$0x14E60] =	vst v1  }
0x2ac: {  	v1 =	vld.idx.msk [tilespmem:v2+s25+$0x0], $0xffff;
	_ =	sdelay $0x7  }
0x2ad: {  	v2 =	vld.idx.msk [tilespmem:v1+s19+$0x0], $0xffff;
	_ =	sdelay $0x4  }
0x2ae: {  	[tilespmem:$0x14CF0] =	vst v2  }
0x2af: {  	v1 =	vld.idx.msk [tilespmem:v1+s21+$0x0], $0xffff;
	_ =	sdelay $0x3  }
0x2b0: {  	s24 =	rddreg [dreg:$0x10]  }
0x2b1: {  	s3 =	sld [smem:$0x7DC];
	[tilespmem:$0x14E70] =	vst v1  }
0x2b2: {  	[hbm4b:s24+s25] =	stream.linear.scatter [tilespmem:s30], [sflag:$0xA], $0x4000, $0x38;
	[tilespmem:$0x17780] =	vst v63  }
0x2b3: {  	s6 =	sld [smem:$0x7DD];
	s30 =	simm.s32 $0x14C80  }
0x2b4: {  	[hbm4b:s3+s25] =	stream.linear.scatter [tilespmem:s30], [sflag:$0xB], $0x80, $0x38;
	[tilespmem:$0x17780] =	vst v63  }
0x2b5: {  	s3 =	simm.s32 $0x14E00  }
0x2b6: {  	[hbm4b:s6+s25] =	stream.linear.scatter [tilespmem:s3], [sflag:$0xE], $0x80, $0x38;
	[tilespmem:$0x17780] =	vst v63  }
0x2b7: {  	_ =	swait.ge [sflag:s13], $0x4000  }
0x2b8: {  	s28 =	simm.s32 $0x1;
	[sflag:s13] =	ssyncset.done $0x0  }
0x2b9: {  	s6 =	simm.s32 $0x600;
	s3 =	simm.s32 $0x8C80;
	[sflag:s13] =	ssyncadd.s32 $0xFFFFC000  }
0x2ba: {  	[tilespmem:s3], [sflag:$0x3] =	stream.indirect.gather [spmem:s12], $0x80, s6, s22, $0xb8;
	[tilespmem:$0x17780] =	vst v63  }
0x2bb: {  	_ =	swait.ge [sflag:s28], $0x4000  }
0x2bc: {  	[sflag:s28] =	ssyncset.done $0x0  }
0x2bd: {  	[sflag:s28] =	ssyncadd.s32 $0xFFFFC000  }
0x2be: {  	_ =	swait.ge [sflag:s14], $0x80  }
0x2bf: {  	v1 =	vor.u32 $0x500, v0;
	[sflag:s14] =	ssyncset.done $0x0  }
0x2c0: {  	[sflag:s14] =	ssyncadd.s32 $0xFFFFFF80  }
0x2c1: {  	_ =	swait.ge [sflag:s15], $0x80  }
0x2c2: {  	[sflag:s15] =	ssyncset.done $0x0  }
0x2c3: {  	[sflag:s15] =	ssyncadd.s32 $0xFFFFFF80  }
0x2c4: {  	v1 =	vld.idx.msk [tilespmem:v1+s25+$0x0], $0xffff;
	_ =	sdelay $0x7  }
0x2c5: {  	v2 =	vld.idx.msk [tilespmem:v1+s19+$0x0], $0xffff;
	_ =	sdelay $0x4  }
0x2c6: {  	[tilespmem:$0x14D00] =	vst v2  }
0x2c7: {  	v1 =	vld.idx.msk [tilespmem:v1+s21+$0x0], $0xffff  }
0x2c8: {  	v2 =	vor.u32 $0x510, v0;
	_ =	sdelay $0x3  }
0x2c9: {  	[tilespmem:$0x14E80] =	vst v1  }
0x2ca: {  	v1 =	vld.idx.msk [tilespmem:v2+s25+$0x0], $0xffff;
	_ =	sdelay $0x7  }
0x2cb: {  	v2 =	vld.idx.msk [tilespmem:v1+s19+$0x0], $0xffff;
	_ =	sdelay $0x4  }
0x2cc: {  	[tilespmem:$0x14D10] =	vst v2  }
0x2cd: {  	v1 =	vld.idx.msk [tilespmem:v1+s21+$0x0], $0xffff  }
0x2ce: {  	v2 =	vor.u32 $0x520, v0;
	_ =	sdelay $0x3  }
0x2cf: {  	[tilespmem:$0x14E90] =	vst v1  }
0x2d0: {  	v1 =	vld.idx.msk [tilespmem:v2+s25+$0x0], $0xffff;
	_ =	sdelay $0x7  }
0x2d1: {  	v2 =	vld.idx.msk [tilespmem:v1+s19+$0x0], $0xffff;
	_ =	sdelay $0x4  }
0x2d2: {  	[tilespmem:$0x14D20] =	vst v2  }
0x2d3: {  	v1 =	vld.idx.msk [tilespmem:v1+s21+$0x0], $0xffff  }
0x2d4: {  	v2 =	vor.u32 $0x530, v0;
	_ =	sdelay $0x3  }
0x2d5: {  	[tilespmem:$0x14EA0] =	vst v1  }
0x2d6: {  	v1 =	vld.idx.msk [tilespmem:v2+s25+$0x0], $0xffff;
	_ =	sdelay $0x7  }
0x2d7: {  	v2 =	vld.idx.msk [tilespmem:v1+s19+$0x0], $0xffff;
	_ =	sdelay $0x4  }
0x2d8: {  	[tilespmem:$0x14D30] =	vst v2  }
0x2d9: {  	v1 =	vld.idx.msk [tilespmem:v1+s21+$0x0], $0xffff  }
0x2da: {  	v2 =	vor.u32 $0x540, v0;
	_ =	sdelay $0x3  }
0x2db: {  	[tilespmem:$0x14EB0] =	vst v1  }
0x2dc: {  	v1 =	vld.idx.msk [tilespmem:v2+s25+$0x0], $0xffff;
	_ =	sdelay $0x7  }
0x2dd: {  	v2 =	vld.idx.msk [tilespmem:v1+s19+$0x0], $0xffff;
	_ =	sdelay $0x4  }
0x2de: {  	[tilespmem:$0x14D40] =	vst v2  }
0x2df: {  	v1 =	vld.idx.msk [tilespmem:v1+s21+$0x0], $0xffff  }
0x2e0: {  	v2 =	vor.u32 $0x550, v0;
	_ =	sdelay $0x3  }
0x2e1: {  	[tilespmem:$0x14EC0] =	vst v1  }
0x2e2: {  	v1 =	vld.idx.msk [tilespmem:v2+s25+$0x0], $0xffff;
	_ =	sdelay $0x7  }
0x2e3: {  	v2 =	vld.idx.msk [tilespmem:v1+s19+$0x0], $0xffff;
	_ =	sdelay $0x4  }
0x2e4: {  	[tilespmem:$0x14D50] =	vst v2  }
0x2e5: {  	v1 =	vld.idx.msk [tilespmem:v1+s21+$0x0], $0xffff  }
0x2e6: {  	v2 =	vor.u32 $0x560, v0;
	_ =	sdelay $0x3  }
0x2e7: {  	[tilespmem:$0x14ED0] =	vst v1  }
0x2e8: {  	v1 =	vld.idx.msk [tilespmem:v2+s25+$0x0], $0xffff;
	_ =	sdelay $0x7  }
0x2e9: {  	v2 =	vld.idx.msk [tilespmem:v1+s19+$0x0], $0xffff;
	_ =	sdelay $0x4  }
0x2ea: {  	[tilespmem:$0x14D60] =	vst v2  }
0x2eb: {  	v1 =	vld.idx.msk [tilespmem:v1+s21+$0x0], $0xffff  }
0x2ec: {  	v2 =	vor.u32 $0x570, v0;
	_ =	sdelay $0x3  }
0x2ed: {  	[tilespmem:$0x14EE0] =	vst v1  }
0x2ee: {  	v1 =	vld.idx.msk [tilespmem:v2+s25+$0x0], $0xffff;
	_ =	sdelay $0x7  }
0x2ef: {  	v2 =	vld.idx.msk [tilespmem:v1+s19+$0x0], $0xffff;
	_ =	sdelay $0x4  }
0x2f0: {  	[tilespmem:$0x14D70] =	vst v2  }
0x2f1: {  	v1 =	vld.idx.msk [tilespmem:v1+s21+$0x0], $0xffff;
	_ =	sdelay $0x4  }
0x2f2: {  	s6 =	rddreg [dreg:$0x11];
	[tilespmem:$0x14EF0] =	vst v1  }
0x2f3: {  	[hbm4b:s6+s25] =	stream.linear.scatter [tilespmem:s29], [sflag:$0x6], $0x4000, $0x38;
	[tilespmem:$0x17780] =	vst v63  }
0x2f4: {  	s6 =	sld [smem:$0x7DE];
	_ =	sdelay $0x1  }
0x2f5: {  	s26 =	simm.s32 $0x14D00  }
0x2f6: {  	[hbm4b:s6+s25] =	stream.linear.scatter [tilespmem:s26], [sflag:$0xC], $0x80, $0x38;
	[tilespmem:$0x17780] =	vst v63  }
0x2f7: {  	s26 =	sld [smem:$0x7DF];
	_ =	sdelay $0x1  }
0x2f8: {  	s5 =	simm.s32 $0x14E80  }
0x2f9: {  	[hbm4b:s26+s25] =	stream.linear.scatter [tilespmem:s5], [sflag:$0xF], $0x80, $0x38;
	[tilespmem:$0x17780] =	vst v63  }
0x2fa: {  	_ =	swait.ge [sflag:s2], $0x4000  }
0x2fb: {  	[sflag:s2] =	ssyncset.done $0x0  }
0x2fc: {  	s1 =	simm.s32 $0xCC80;
	s5 =	simm.s32 $0x680;
	[sflag:s2] =	ssyncadd.s32 $0xFFFFC000  }
0x2fd: {  	[tilespmem:s1], [sflag:$0x4] =	stream.indirect.gather [spmem:s12], $0x80, s5, s22, $0xb8;
	[tilespmem:$0x17780] =	vst v63  }
0x2fe: {  	_ =	swait.ge [sflag:s4], $0x4000  }
0x2ff: {  	[sflag:s4] =	ssyncset.done $0x0  }
0x300: {  	[sflag:s4] =	ssyncadd.s32 $0xFFFFC000  }
0x301: {  	_ =	swait.ge [sflag:s17], $0x80  }
0x302: {  	v1 =	vor.u32 $0x580, v0;
	[sflag:s17] =	ssyncset.done $0x0  }
0x303: {  	[sflag:s17] =	ssyncadd.s32 $0xFFFFFF80  }
0x304: {  	_ =	swait.ge [sflag:s18], $0x80  }
0x305: {  	[sflag:s18] =	ssyncset.done $0x0  }
0x306: {  	[sflag:s18] =	ssyncadd.s32 $0xFFFFFF80  }
0x307: {  	v1 =	vld.idx.msk [tilespmem:v1+s25+$0x0], $0xffff;
	_ =	sdelay $0x7  }
0x308: {  	v2 =	vld.idx.msk [tilespmem:v1+s19+$0x0], $0xffff;
	_ =	sdelay $0x4  }
0x309: {  	[tilespmem:$0x14D80] =	vst v2  }
0x30a: {  	v1 =	vld.idx.msk [tilespmem:v1+s21+$0x0], $0xffff  }
0x30b: {  	v2 =	vor.u32 $0x590, v0;
	_ =	sdelay $0x3  }
0x30c: {  	[tilespmem:$0x14F00] =	vst v1  }
0x30d: {  	v1 =	vld.idx.msk [tilespmem:v2+s25+$0x0], $0xffff;
	_ =	sdelay $0x7  }
0x30e: {  	v2 =	vld.idx.msk [tilespmem:v1+s19+$0x0], $0xffff;
	_ =	sdelay $0x4  }
0x30f: {  	[tilespmem:$0x14D90] =	vst v2  }
0x310: {  	v1 =	vld.idx.msk [tilespmem:v1+s21+$0x0], $0xffff  }
0x311: {  	v2 =	vor.u32 $0x5A0, v0;
	_ =	sdelay $0x3  }
0x312: {  	[tilespmem:$0x14F10] =	vst v1  }
0x313: {  	v1 =	vld.idx.msk [tilespmem:v2+s25+$0x0], $0xffff;
	_ =	sdelay $0x7  }
0x314: {  	v2 =	vld.idx.msk [tilespmem:v1+s19+$0x0], $0xffff;
	_ =	sdelay $0x4  }
0x315: {  	[tilespmem:$0x14DA0] =	vst v2  }
0x316: {  	v1 =	vld.idx.msk [tilespmem:v1+s21+$0x0], $0xffff  }
0x317: {  	v2 =	vor.u32 $0x5B0, v0;
	_ =	sdelay $0x3  }
0x318: {  	[tilespmem:$0x14F20] =	vst v1  }
0x319: {  	v1 =	vld.idx.msk [tilespmem:v2+s25+$0x0], $0xffff;
	_ =	sdelay $0x7  }
0x31a: {  	v2 =	vld.idx.msk [tilespmem:v1+s19+$0x0], $0xffff;
	_ =	sdelay $0x4  }
0x31b: {  	[tilespmem:$0x14DB0] =	vst v2  }
0x31c: {  	v1 =	vld.idx.msk [tilespmem:v1+s21+$0x0], $0xffff  }
0x31d: {  	v2 =	vor.u32 $0x5C0, v0;
	_ =	sdelay $0x3  }
0x31e: {  	[tilespmem:$0x14F30] =	vst v1  }
0x31f: {  	v1 =	vld.idx.msk [tilespmem:v2+s25+$0x0], $0xffff;
	_ =	sdelay $0x7  }
0x320: {  	v2 =	vld.idx.msk [tilespmem:v1+s19+$0x0], $0xffff;
	_ =	sdelay $0x4  }
0x321: {  	[tilespmem:$0x14DC0] =	vst v2  }
0x322: {  	v1 =	vld.idx.msk [tilespmem:v1+s21+$0x0], $0xffff  }
0x323: {  	v2 =	vor.u32 $0x5D0, v0;
	_ =	sdelay $0x3  }
0x324: {  	[tilespmem:$0x14F40] =	vst v1  }
0x325: {  	v1 =	vld.idx.msk [tilespmem:v2+s25+$0x0], $0xffff;
	_ =	sdelay $0x7  }
0x326: {  	v2 =	vld.idx.msk [tilespmem:v1+s19+$0x0], $0xffff;
	_ =	sdelay $0x4  }
0x327: {  	[tilespmem:$0x14DD0] =	vst v2  }
0x328: {  	v1 =	vld.idx.msk [tilespmem:v1+s21+$0x0], $0xffff  }
0x329: {  	v2 =	vor.u32 $0x5E0, v0;
	_ =	sdelay $0x3  }
0x32a: {  	[tilespmem:$0x14F50] =	vst v1  }
0x32b: {  	v1 =	vld.idx.msk [tilespmem:v2+s25+$0x0], $0xffff;
	_ =	sdelay $0x7  }
0x32c: {  	v2 =	vld.idx.msk [tilespmem:v1+s19+$0x0], $0xffff;
	_ =	sdelay $0x4  }
0x32d: {  	[tilespmem:$0x14DE0] =	vst v2  }
0x32e: {  	v1 =	vld.idx.msk [tilespmem:v1+s21+$0x0], $0xffff  }
0x32f: {  	v2 =	vor.u32 $0x5F0, v0;
	_ =	sdelay $0x3  }
0x330: {  	[tilespmem:$0x14F60] =	vst v1  }
0x331: {  	v1 =	vld.idx.msk [tilespmem:v2+s25+$0x0], $0xffff;
	_ =	sdelay $0x7  }
0x332: {  	v2 =	vld.idx.msk [tilespmem:v1+s19+$0x0], $0xffff;
	_ =	sdelay $0x4  }
0x333: {  	[tilespmem:$0x14DF0] =	vst v2  }
0x334: {  	v1 =	vld.idx.msk [tilespmem:v1+s21+$0x0], $0xffff;
	_ =	sdelay $0x3  }
0x335: {  	s5 =	rddreg [dreg:$0x12]  }
0x336: {  	s31 =	simm.s32 $0x4C80;
	s6 =	sld [smem:$0x7E0];
	[tilespmem:$0x14F70] =	vst v1  }
0x337: {  	[hbm4b:s5+s25] =	stream.linear.scatter [tilespmem:s31], [sflag:$0x7], $0x4000, $0x38;
	[tilespmem:$0x17780] =	vst v63  }
0x338: {  	s5 =	simm.s32 $0x14D80  }
0x339: {  	[hbm4b:s6+s25] =	stream.linear.scatter [tilespmem:s5], [sflag:$0xD], $0x80, $0x38;
	[tilespmem:$0x17780] =	vst v63  }
0x33a: {  	s5 =	sld [smem:$0x7E1];
	_ =	sdelay $0x1  }
0x33b: {  	s23 =	simm.s32 $0x14F00  }
0x33c: {  	[hbm4b:s5+s25] =	stream.linear.scatter [tilespmem:s23], [sflag:$0x10], $0x80, $0x38;
	[tilespmem:$0x17780] =	vst v63  }
0x33d: {  	_ =	swait.ge [sflag:s0], $0x4000  }
0x33e: {  	[sflag:s0] =	ssyncset.done $0x0  }
0x33f: {  	s24 =	simm.s32 $0x10C80;
	s5 =	simm.s32 $0x700;
	[sflag:s0] =	ssyncadd.s32 $0xFFFFC000  }
0x340: {  	[tilespmem:s24], [sflag:$0x5] =	stream.indirect.gather [spmem:s12], $0x80, s5, s22, $0xb8;
	[tilespmem:$0x17780] =	vst v63  }
0x341: {  	_ =	swait.ge [sflag:s7], $0x4000  }
0x342: {  	[sflag:s7] =	ssyncset.done $0x0  }
0x343: {  	[sflag:s7] =	ssyncadd.s32 $0xFFFFC000  }
0x344: {  	_ =	swait.ge [sflag:s9], $0x80  }
0x345: {  	v1 =	vor.u32 $0x600, v0;
	[sflag:s9] =	ssyncset.done $0x0  }
0x346: {  	[sflag:s9] =	ssyncadd.s32 $0xFFFFFF80  }
0x347: {  	_ =	swait.ge [sflag:s10], $0x80  }
0x348: {  	[sflag:s10] =	ssyncset.done $0x0  }
0x349: {  	[sflag:s10] =	ssyncadd.s32 $0xFFFFFF80  }
0x34a: {  	v1 =	vld.idx.msk [tilespmem:v1+s25+$0x0], $0xffff;
	_ =	sdelay $0x7  }
0x34b: {  	v2 =	vld.idx.msk [tilespmem:v1+s19+$0x0], $0xffff;
	_ =	sdelay $0x4  }
0x34c: {  	[tilespmem:$0x14C80] =	vst v2  }
0x34d: {  	v1 =	vld.idx.msk [tilespmem:v1+s21+$0x0], $0xffff  }
0x34e: {  	v2 =	vor.u32 $0x610, v0;
	_ =	sdelay $0x3  }
0x34f: {  	[tilespmem:$0x14E00] =	vst v1  }
0x350: {  	v1 =	vld.idx.msk [tilespmem:v2+s25+$0x0], $0xffff;
	_ =	sdelay $0x7  }
0x351: {  	v2 =	vld.idx.msk [tilespmem:v1+s19+$0x0], $0xffff;
	_ =	sdelay $0x4  }
0x352: {  	[tilespmem:$0x14C90] =	vst v2  }
0x353: {  	v1 =	vld.idx.msk [tilespmem:v1+s21+$0x0], $0xffff  }
0x354: {  	v2 =	vor.u32 $0x620, v0;
	_ =	sdelay $0x3  }
0x355: {  	[tilespmem:$0x14E10] =	vst v1  }
0x356: {  	v1 =	vld.idx.msk [tilespmem:v2+s25+$0x0], $0xffff;
	_ =	sdelay $0x7  }
0x357: {  	v2 =	vld.idx.msk [tilespmem:v1+s19+$0x0], $0xffff;
	_ =	sdelay $0x4  }
0x358: {  	[tilespmem:$0x14CA0] =	vst v2  }
0x359: {  	v1 =	vld.idx.msk [tilespmem:v1+s21+$0x0], $0xffff  }
0x35a: {  	v2 =	vor.u32 $0x630, v0;
	_ =	sdelay $0x3  }
0x35b: {  	[tilespmem:$0x14E20] =	vst v1  }
0x35c: {  	v1 =	vld.idx.msk [tilespmem:v2+s25+$0x0], $0xffff;
	_ =	sdelay $0x7  }
0x35d: {  	v2 =	vld.idx.msk [tilespmem:v1+s19+$0x0], $0xffff;
	_ =	sdelay $0x4  }
0x35e: {  	[tilespmem:$0x14CB0] =	vst v2  }
0x35f: {  	v1 =	vld.idx.msk [tilespmem:v1+s21+$0x0], $0xffff  }
0x360: {  	v2 =	vor.u32 $0x640, v0;
	_ =	sdelay $0x3  }
0x361: {  	[tilespmem:$0x14E30] =	vst v1  }
0x362: {  	v1 =	vld.idx.msk [tilespmem:v2+s25+$0x0], $0xffff;
	_ =	sdelay $0x7  }
0x363: {  	v2 =	vld.idx.msk [tilespmem:v1+s19+$0x0], $0xffff;
	_ =	sdelay $0x4  }
0x364: {  	[tilespmem:$0x14CC0] =	vst v2  }
0x365: {  	v1 =	vld.idx.msk [tilespmem:v1+s21+$0x0], $0xffff  }
0x366: {  	v2 =	vor.u32 $0x650, v0;
	_ =	sdelay $0x3  }
0x367: {  	[tilespmem:$0x14E40] =	vst v1  }
0x368: {  	v1 =	vld.idx.msk [tilespmem:v2+s25+$0x0], $0xffff;
	_ =	sdelay $0x7  }
0x369: {  	v2 =	vld.idx.msk [tilespmem:v1+s19+$0x0], $0xffff;
	_ =	sdelay $0x4  }
0x36a: {  	[tilespmem:$0x14CD0] =	vst v2  }
0x36b: {  	v1 =	vld.idx.msk [tilespmem:v1+s21+$0x0], $0xffff  }
0x36c: {  	v2 =	vor.u32 $0x660, v0;
	_ =	sdelay $0x3  }
0x36d: {  	[tilespmem:$0x14E50] =	vst v1  }
0x36e: {  	v1 =	vld.idx.msk [tilespmem:v2+s25+$0x0], $0xffff;
	_ =	sdelay $0x7  }
0x36f: {  	v2 =	vld.idx.msk [tilespmem:v1+s19+$0x0], $0xffff;
	_ =	sdelay $0x4  }
0x370: {  	[tilespmem:$0x14CE0] =	vst v2  }
0x371: {  	v1 =	vld.idx.msk [tilespmem:v1+s21+$0x0], $0xffff  }
0x372: {  	v2 =	vor.u32 $0x670, v0;
	_ =	sdelay $0x3  }
0x373: {  	[tilespmem:$0x14E60] =	vst v1  }
0x374: {  	v1 =	vld.idx.msk [tilespmem:v2+s25+$0x0], $0xffff;
	_ =	sdelay $0x7  }
0x375: {  	v2 =	vld.idx.msk [tilespmem:v1+s19+$0x0], $0xffff;
	_ =	sdelay $0x4  }
0x376: {  	[tilespmem:$0x14CF0] =	vst v2  }
0x377: {  	v1 =	vld.idx.msk [tilespmem:v1+s21+$0x0], $0xffff;
	_ =	sdelay $0x4  }
0x378: {  	s24 =	rddreg [dreg:$0x13];
	[tilespmem:$0x14E70] =	vst v1  }
0x379: {  	[hbm4b:s24+s25] =	stream.linear.scatter [tilespmem:s3], [sflag:$0x8], $0x4000, $0x38;
	[tilespmem:$0x17780] =	vst v63  }
0x37a: {  	s3 =	sld [smem:$0x7E2];
	_ =	sdelay $0x1  }
0x37b: {  	s30 =	simm.s32 $0x14C80;
	s6 =	sld [smem:$0x7E3]  }
0x37c: {  	[hbm4b:s3+s25] =	stream.linear.scatter [tilespmem:s30], [sflag:$0xB], $0x80, $0x38;
	[tilespmem:$0x17780] =	vst v63  }
0x37d: {  	s3 =	simm.s32 $0x14E00  }
0x37e: {  	[hbm4b:s6+s25] =	stream.linear.scatter [tilespmem:s3], [sflag:$0xE], $0x80, $0x38;
	[tilespmem:$0x17780] =	vst v63  }
0x37f: {  	_ =	swait.ge [sflag:s20], $0x4000  }
0x380: {  	[sflag:s20] =	ssyncset.done $0x0  }
0x381: {  	s3 =	simm.s32 $0xC80;
	[sflag:s20] =	ssyncadd.s32 $0xFFFFC000;
	s20 =	simm.s32 $0x780  }
0x382: {  	[tilespmem:s3], [sflag:$0x1] =	stream.indirect.gather [spmem:s12], $0x80, s20, s22, $0xb8;
	[tilespmem:$0x17780] =	vst v63  }
0x383: {  	_ =	swait.ge [sflag:s11], $0x4000  }
0x384: {  	[sflag:s11] =	ssyncset.done $0x0  }
0x385: {  	[sflag:s11] =	ssyncadd.s32 $0xFFFFC000  }
0x386: {  	_ =	swait.ge [sflag:s14], $0x80  }
0x387: {  	v1 =	vor.u32 $0x680, v0;
	[sflag:s14] =	ssyncset.done $0x0  }
0x388: {  	[sflag:s14] =	ssyncadd.s32 $0xFFFFFF80  }
0x389: {  	_ =	swait.ge [sflag:s15], $0x80  }
0x38a: {  	[sflag:s15] =	ssyncset.done $0x0  }
0x38b: {  	[sflag:s15] =	ssyncadd.s32 $0xFFFFFF80  }
0x38c: {  	v1 =	vld.idx.msk [tilespmem:v1+s25+$0x0], $0xffff;
	_ =	sdelay $0x7  }
0x38d: {  	v2 =	vld.idx.msk [tilespmem:v1+s19+$0x0], $0xffff;
	_ =	sdelay $0x4  }
0x38e: {  	[tilespmem:$0x14D00] =	vst v2  }
0x38f: {  	v1 =	vld.idx.msk [tilespmem:v1+s21+$0x0], $0xffff  }
0x390: {  	v2 =	vor.u32 $0x690, v0;
	_ =	sdelay $0x3  }
0x391: {  	[tilespmem:$0x14E80] =	vst v1  }
0x392: {  	v1 =	vld.idx.msk [tilespmem:v2+s25+$0x0], $0xffff;
	_ =	sdelay $0x7  }
0x393: {  	v2 =	vld.idx.msk [tilespmem:v1+s19+$0x0], $0xffff;
	_ =	sdelay $0x4  }
0x394: {  	[tilespmem:$0x14D10] =	vst v2  }
0x395: {  	v1 =	vld.idx.msk [tilespmem:v1+s21+$0x0], $0xffff  }
0x396: {  	v2 =	vor.u32 $0x6A0, v0;
	_ =	sdelay $0x3  }
0x397: {  	[tilespmem:$0x14E90] =	vst v1  }
0x398: {  	v1 =	vld.idx.msk [tilespmem:v2+s25+$0x0], $0xffff;
	_ =	sdelay $0x7  }
0x399: {  	v2 =	vld.idx.msk [tilespmem:v1+s19+$0x0], $0xffff;
	_ =	sdelay $0x4  }
0x39a: {  	[tilespmem:$0x14D20] =	vst v2  }
0x39b: {  	v1 =	vld.idx.msk [tilespmem:v1+s21+$0x0], $0xffff  }
0x39c: {  	v2 =	vor.u32 $0x6B0, v0;
	_ =	sdelay $0x3  }
0x39d: {  	[tilespmem:$0x14EA0] =	vst v1  }
0x39e: {  	v1 =	vld.idx.msk [tilespmem:v2+s25+$0x0], $0xffff;
	_ =	sdelay $0x7  }
0x39f: {  	v2 =	vld.idx.msk [tilespmem:v1+s19+$0x0], $0xffff;
	_ =	sdelay $0x4  }
0x3a0: {  	[tilespmem:$0x14D30] =	vst v2  }
0x3a1: {  	v1 =	vld.idx.msk [tilespmem:v1+s21+$0x0], $0xffff  }
0x3a2: {  	v2 =	vor.u32 $0x6C0, v0;
	_ =	sdelay $0x3  }
0x3a3: {  	[tilespmem:$0x14EB0] =	vst v1  }
0x3a4: {  	v1 =	vld.idx.msk [tilespmem:v2+s25+$0x0], $0xffff;
	_ =	sdelay $0x7  }
0x3a5: {  	v2 =	vld.idx.msk [tilespmem:v1+s19+$0x0], $0xffff;
	_ =	sdelay $0x4  }
0x3a6: {  	[tilespmem:$0x14D40] =	vst v2  }
0x3a7: {  	v1 =	vld.idx.msk [tilespmem:v1+s21+$0x0], $0xffff  }
0x3a8: {  	v2 =	vor.u32 $0x6D0, v0;
	_ =	sdelay $0x3  }
0x3a9: {  	[tilespmem:$0x14EC0] =	vst v1  }
0x3aa: {  	v1 =	vld.idx.msk [tilespmem:v2+s25+$0x0], $0xffff;
	_ =	sdelay $0x7  }
0x3ab: {  	v2 =	vld.idx.msk [tilespmem:v1+s19+$0x0], $0xffff;
	_ =	sdelay $0x4  }
0x3ac: {  	[tilespmem:$0x14D50] =	vst v2  }
0x3ad: {  	v1 =	vld.idx.msk [tilespmem:v1+s21+$0x0], $0xffff  }
0x3ae: {  	v2 =	vor.u32 $0x6E0, v0;
	_ =	sdelay $0x3  }
0x3af: {  	[tilespmem:$0x14ED0] =	vst v1  }
0x3b0: {  	v1 =	vld.idx.msk [tilespmem:v2+s25+$0x0], $0xffff;
	_ =	sdelay $0x7  }
0x3b1: {  	v2 =	vld.idx.msk [tilespmem:v1+s19+$0x0], $0xffff;
	_ =	sdelay $0x4  }
0x3b2: {  	[tilespmem:$0x14D60] =	vst v2  }
0x3b3: {  	v1 =	vld.idx.msk [tilespmem:v1+s21+$0x0], $0xffff  }
0x3b4: {  	v2 =	vor.u32 $0x6F0, v0;
	_ =	sdelay $0x3  }
0x3b5: {  	[tilespmem:$0x14EE0] =	vst v1  }
0x3b6: {  	v1 =	vld.idx.msk [tilespmem:v2+s25+$0x0], $0xffff;
	_ =	sdelay $0x7  }
0x3b7: {  	v2 =	vld.idx.msk [tilespmem:v1+s19+$0x0], $0xffff;
	_ =	sdelay $0x4  }
0x3b8: {  	[tilespmem:$0x14D70] =	vst v2  }
0x3b9: {  	v1 =	vld.idx.msk [tilespmem:v1+s21+$0x0], $0xffff;
	_ =	sdelay $0x4  }
0x3ba: {  	s1 =	simm.s32 $0xCC80;
	s20 =	rddreg [dreg:$0x14];
	[tilespmem:$0x14EF0] =	vst v1  }
0x3bb: {  	[hbm4b:s20+s25] =	stream.linear.scatter [tilespmem:s1], [sflag:$0x9], $0x4000, $0x38;
	[tilespmem:$0x17780] =	vst v63  }
0x3bc: {  	s20 =	sld [smem:$0x7E4];
	_ =	sdelay $0x1  }
0x3bd: {  	s29 =	simm.s32 $0x14D00;
	s1 =	sld [smem:$0x7E5]  }
0x3be: {  	[hbm4b:s20+s25] =	stream.linear.scatter [tilespmem:s29], [sflag:$0xC], $0x80, $0x38;
	[tilespmem:$0x17780] =	vst v63  }
0x3bf: {  	s26 =	simm.s32 $0x14E80  }
0x3c0: {  	[hbm4b:s1+s25] =	stream.linear.scatter [tilespmem:s26], [sflag:$0xF], $0x80, $0x38;
	[tilespmem:$0x17780] =	vst v63  }
0x3c1: {  	_ =	swait.ge [sflag:s8], $0x4000  }
0x3c2: {  	[sflag:s8] =	ssyncset.done $0x0  }
0x3c3: {  	s31 =	simm.s32 $0x4C80;
	[sflag:s8] =	ssyncadd.s32 $0xFFFFC000;
	s8 =	simm.s32 $0x800  }
0x3c4: {  	[tilespmem:s31], [sflag:$0x2] =	stream.indirect.gather [spmem:s12], $0x80, s8, s22, $0xb8;
	[tilespmem:$0x17780] =	vst v63  }
0x3c5: {  	_ =	swait.ge [sflag:s16], $0x4000  }
0x3c6: {  	[sflag:s16] =	ssyncset.done $0x0  }
0x3c7: {  	[sflag:s16] =	ssyncadd.s32 $0xFFFFC000  }
0x3c8: {  	_ =	swait.ge [sflag:s17], $0x80  }
0x3c9: {  	v1 =	vor.u32 $0x700, v0;
	[sflag:s17] =	ssyncset.done $0x0  }
0x3ca: {  	[sflag:s17] =	ssyncadd.s32 $0xFFFFFF80  }
0x3cb: {  	_ =	swait.ge [sflag:s18], $0x80  }
0x3cc: {  	[sflag:s18] =	ssyncset.done $0x0  }
0x3cd: {  	[sflag:s18] =	ssyncadd.s32 $0xFFFFFF80  }
0x3ce: {  	v1 =	vld.idx.msk [tilespmem:v1+s25+$0x0], $0xffff;
	_ =	sdelay $0x7  }
0x3cf: {  	v2 =	vld.idx.msk [tilespmem:v1+s19+$0x0], $0xffff;
	_ =	sdelay $0x4  }
0x3d0: {  	[tilespmem:$0x14D80] =	vst v2  }
0x3d1: {  	v1 =	vld.idx.msk [tilespmem:v1+s21+$0x0], $0xffff  }
0x3d2: {  	v2 =	vor.u32 $0x710, v0;
	_ =	sdelay $0x3  }
0x3d3: {  	[tilespmem:$0x14F00] =	vst v1  }
0x3d4: {  	v1 =	vld.idx.msk [tilespmem:v2+s25+$0x0], $0xffff;
	_ =	sdelay $0x7  }
0x3d5: {  	v2 =	vld.idx.msk [tilespmem:v1+s19+$0x0], $0xffff;
	_ =	sdelay $0x4  }
0x3d6: {  	[tilespmem:$0x14D90] =	vst v2  }
0x3d7: {  	v1 =	vld.idx.msk [tilespmem:v1+s21+$0x0], $0xffff  }
0x3d8: {  	v2 =	vor.u32 $0x720, v0;
	_ =	sdelay $0x3  }
0x3d9: {  	[tilespmem:$0x14F10] =	vst v1  }
0x3da: {  	v1 =	vld.idx.msk [tilespmem:v2+s25+$0x0], $0xffff;
	_ =	sdelay $0x7  }
0x3db: {  	v2 =	vld.idx.msk [tilespmem:v1+s19+$0x0], $0xffff;
	_ =	sdelay $0x4  }
0x3dc: {  	[tilespmem:$0x14DA0] =	vst v2  }
0x3dd: {  	v1 =	vld.idx.msk [tilespmem:v1+s21+$0x0], $0xffff  }
0x3de: {  	v2 =	vor.u32 $0x730, v0;
	_ =	sdelay $0x3  }
0x3df: {  	[tilespmem:$0x14F20] =	vst v1  }
0x3e0: {  	v1 =	vld.idx.msk [tilespmem:v2+s25+$0x0], $0xffff;
	_ =	sdelay $0x7  }
0x3e1: {  	v2 =	vld.idx.msk [tilespmem:v1+s19+$0x0], $0xffff;
	_ =	sdelay $0x4  }
0x3e2: {  	[tilespmem:$0x14DB0] =	vst v2  }
0x3e3: {  	v1 =	vld.idx.msk [tilespmem:v1+s21+$0x0], $0xffff  }
0x3e4: {  	v2 =	vor.u32 $0x740, v0;
	_ =	sdelay $0x3  }
0x3e5: {  	[tilespmem:$0x14F30] =	vst v1  }
0x3e6: {  	v1 =	vld.idx.msk [tilespmem:v2+s25+$0x0], $0xffff;
	_ =	sdelay $0x7  }
0x3e7: {  	v2 =	vld.idx.msk [tilespmem:v1+s19+$0x0], $0xffff;
	_ =	sdelay $0x4  }
0x3e8: {  	[tilespmem:$0x14DC0] =	vst v2  }
0x3e9: {  	v1 =	vld.idx.msk [tilespmem:v1+s21+$0x0], $0xffff  }
0x3ea: {  	v2 =	vor.u32 $0x750, v0;
	_ =	sdelay $0x3  }
0x3eb: {  	[tilespmem:$0x14F40] =	vst v1  }
0x3ec: {  	v1 =	vld.idx.msk [tilespmem:v2+s25+$0x0], $0xffff;
	_ =	sdelay $0x7  }
0x3ed: {  	v2 =	vld.idx.msk [tilespmem:v1+s19+$0x0], $0xffff;
	_ =	sdelay $0x4  }
0x3ee: {  	[tilespmem:$0x14DD0] =	vst v2  }
0x3ef: {  	v1 =	vld.idx.msk [tilespmem:v1+s21+$0x0], $0xffff  }
0x3f0: {  	v2 =	vor.u32 $0x760, v0;
	_ =	sdelay $0x3  }
0x3f1: {  	[tilespmem:$0x14F50] =	vst v1  }
0x3f2: {  	v1 =	vld.idx.msk [tilespmem:v2+s25+$0x0], $0xffff;
	_ =	sdelay $0x7  }
0x3f3: {  	v2 =	vld.idx.msk [tilespmem:v1+s19+$0x0], $0xffff;
	_ =	sdelay $0x4  }
0x3f4: {  	[tilespmem:$0x14DE0] =	vst v2  }
0x3f5: {  	v1 =	vld.idx.msk [tilespmem:v1+s21+$0x0], $0xffff  }
0x3f6: {  	v2 =	vor.u32 $0x770, v0;
	_ =	sdelay $0x3  }
0x3f7: {  	[tilespmem:$0x14F60] =	vst v1  }
0x3f8: {  	v1 =	vld.idx.msk [tilespmem:v2+s25+$0x0], $0xffff;
	_ =	sdelay $0x7  }
0x3f9: {  	v2 =	vld.idx.msk [tilespmem:v1+s19+$0x0], $0xffff;
	_ =	sdelay $0x4  }
0x3fa: {  	[tilespmem:$0x14DF0] =	vst v2  }
0x3fb: {  	v1 =	vld.idx.msk [tilespmem:v1+s21+$0x0], $0xffff;
	_ =	sdelay $0x3  }
0x3fc: {  	s31 =	rddreg [dreg:$0x15]  }
0x3fd: {  	s5 =	simm.s32 $0x10C80;
	s1 =	sld [smem:$0x7E6];
	[tilespmem:$0x14F70] =	vst v1  }
0x3fe: {  	[hbm4b:s31+s25] =	stream.linear.scatter [tilespmem:s5], [sflag:$0xA], $0x4000, $0x38;
	[tilespmem:$0x17780] =	vst v63  }
0x3ff: {  	s31 =	simm.s32 $0x14D80  }
0x400: {  	[hbm4b:s1+s25] =	stream.linear.scatter [tilespmem:s31], [sflag:$0xD], $0x80, $0x38;
	[tilespmem:$0x17780] =	vst v63  }
0x401: {  	s1 =	sld [smem:$0x7E7];
	_ =	sdelay $0x1  }
0x402: {  	s23 =	simm.s32 $0x14F00  }
0x403: {  	[hbm4b:s1+s25] =	stream.linear.scatter [tilespmem:s23], [sflag:$0x10], $0x80, $0x38;
	[tilespmem:$0x17780] =	vst v63  }
0x404: {  	_ =	swait.ge [sflag:s13], $0x4000  }
0x405: {  	[sflag:s13] =	ssyncset.done $0x0  }
0x406: {  	s24 =	simm.s32 $0x8C80;
	s1 =	simm.s32 $0x880;
	[sflag:s13] =	ssyncadd.s32 $0xFFFFC000  }
0x407: {  	[tilespmem:s24], [sflag:$0x3] =	stream.indirect.gather [spmem:s12], $0x80, s1, s22, $0xb8;
	[tilespmem:$0x17780] =	vst v63  }
0x408: {  	_ =	swait.ge [sflag:s28], $0x4000  }
0x409: {  	[sflag:s28] =	ssyncset.done $0x0  }
0x40a: {  	[sflag:s28] =	ssyncadd.s32 $0xFFFFC000  }
0x40b: {  	_ =	swait.ge [sflag:s9], $0x80  }
0x40c: {  	v1 =	vor.u32 $0x780, v0;
	[sflag:s9] =	ssyncset.done $0x0  }
0x40d: {  	[sflag:s9] =	ssyncadd.s32 $0xFFFFFF80  }
0x40e: {  	_ =	swait.ge [sflag:s10], $0x80  }
0x40f: {  	[sflag:s10] =	ssyncset.done $0x0  }
0x410: {  	[sflag:s10] =	ssyncadd.s32 $0xFFFFFF80  }
0x411: {  	v1 =	vld.idx.msk [tilespmem:v1+s25+$0x0], $0xffff;
	_ =	sdelay $0x7  }
0x412: {  	v2 =	vld.idx.msk [tilespmem:v1+s19+$0x0], $0xffff;
	_ =	sdelay $0x4  }
0x413: {  	[tilespmem:$0x14C80] =	vst v2  }
0x414: {  	v1 =	vld.idx.msk [tilespmem:v1+s21+$0x0], $0xffff  }
0x415: {  	v2 =	vor.u32 $0x790, v0;
	_ =	sdelay $0x3  }
0x416: {  	[tilespmem:$0x14E00] =	vst v1  }
0x417: {  	v1 =	vld.idx.msk [tilespmem:v2+s25+$0x0], $0xffff;
	_ =	sdelay $0x7  }
0x418: {  	v2 =	vld.idx.msk [tilespmem:v1+s19+$0x0], $0xffff;
	_ =	sdelay $0x4  }
0x419: {  	[tilespmem:$0x14C90] =	vst v2  }
0x41a: {  	v1 =	vld.idx.msk [tilespmem:v1+s21+$0x0], $0xffff  }
0x41b: {  	v2 =	vor.u32 $0x7A0, v0;
	_ =	sdelay $0x3  }
0x41c: {  	[tilespmem:$0x14E10] =	vst v1  }
0x41d: {  	v1 =	vld.idx.msk [tilespmem:v2+s25+$0x0], $0xffff;
	_ =	sdelay $0x7  }
0x41e: {  	v2 =	vld.idx.msk [tilespmem:v1+s19+$0x0], $0xffff;
	_ =	sdelay $0x4  }
0x41f: {  	[tilespmem:$0x14CA0] =	vst v2  }
0x420: {  	v1 =	vld.idx.msk [tilespmem:v1+s21+$0x0], $0xffff  }
0x421: {  	v2 =	vor.u32 $0x7B0, v0;
	_ =	sdelay $0x3  }
0x422: {  	[tilespmem:$0x14E20] =	vst v1  }
0x423: {  	v1 =	vld.idx.msk [tilespmem:v2+s25+$0x0], $0xffff;
	_ =	sdelay $0x7  }
0x424: {  	v2 =	vld.idx.msk [tilespmem:v1+s19+$0x0], $0xffff;
	_ =	sdelay $0x4  }
0x425: {  	[tilespmem:$0x14CB0] =	vst v2  }
0x426: {  	v1 =	vld.idx.msk [tilespmem:v1+s21+$0x0], $0xffff  }
0x427: {  	v2 =	vor.u32 $0x7C0, v0;
	_ =	sdelay $0x3  }
0x428: {  	[tilespmem:$0x14E30] =	vst v1  }
0x429: {  	v1 =	vld.idx.msk [tilespmem:v2+s25+$0x0], $0xffff;
	_ =	sdelay $0x7  }
0x42a: {  	v2 =	vld.idx.msk [tilespmem:v1+s19+$0x0], $0xffff;
	_ =	sdelay $0x4  }
0x42b: {  	[tilespmem:$0x14CC0] =	vst v2  }
0x42c: {  	v1 =	vld.idx.msk [tilespmem:v1+s21+$0x0], $0xffff  }
0x42d: {  	v2 =	vor.u32 $0x7D0, v0;
	_ =	sdelay $0x3  }
0x42e: {  	[tilespmem:$0x14E40] =	vst v1  }
0x42f: {  	v1 =	vld.idx.msk [tilespmem:v2+s25+$0x0], $0xffff;
	_ =	sdelay $0x7  }
0x430: {  	v2 =	vld.idx.msk [tilespmem:v1+s19+$0x0], $0xffff;
	_ =	sdelay $0x4  }
0x431: {  	[tilespmem:$0x14CD0] =	vst v2  }
0x432: {  	v1 =	vld.idx.msk [tilespmem:v1+s21+$0x0], $0xffff  }
0x433: {  	v2 =	vor.u32 $0x7E0, v0;
	_ =	sdelay $0x3  }
0x434: {  	[tilespmem:$0x14E50] =	vst v1  }
0x435: {  	v1 =	vld.idx.msk [tilespmem:v2+s25+$0x0], $0xffff;
	_ =	sdelay $0x7  }
0x436: {  	v2 =	vld.idx.msk [tilespmem:v1+s19+$0x0], $0xffff;
	_ =	sdelay $0x4  }
0x437: {  	[tilespmem:$0x14CE0] =	vst v2  }
0x438: {  	v1 =	vld.idx.msk [tilespmem:v1+s21+$0x0], $0xffff  }
0x439: {  	v2 =	vor.u32 $0x7F0, v0;
	_ =	sdelay $0x3  }
0x43a: {  	[tilespmem:$0x14E60] =	vst v1  }
0x43b: {  	v1 =	vld.idx.msk [tilespmem:v2+s25+$0x0], $0xffff;
	_ =	sdelay $0x7  }
0x43c: {  	v2 =	vld.idx.msk [tilespmem:v1+s19+$0x0], $0xffff;
	_ =	sdelay $0x4  }
0x43d: {  	[tilespmem:$0x14CF0] =	vst v2  }
0x43e: {  	v1 =	vld.idx.msk [tilespmem:v1+s21+$0x0], $0xffff;
	_ =	sdelay $0x4  }
0x43f: {  	s1 =	rddreg [dreg:$0x16];
	[tilespmem:$0x14E70] =	vst v1  }
0x440: {  	[hbm4b:s1+s25] =	stream.linear.scatter [tilespmem:s3], [sflag:$0x6], $0x4000, $0x38;
	[tilespmem:$0x17780] =	vst v63  }
0x441: {  	s3 =	sld [smem:$0x7E8];
	_ =	sdelay $0x1  }
0x442: {  	s30 =	simm.s32 $0x14C80;
	s6 =	sld [smem:$0x7E9]  }
0x443: {  	[hbm4b:s3+s25] =	stream.linear.scatter [tilespmem:s30], [sflag:$0xB], $0x80, $0x38;
	[tilespmem:$0x17780] =	vst v63  }
0x444: {  	s3 =	simm.s32 $0x14E00  }
0x445: {  	[hbm4b:s6+s25] =	stream.linear.scatter [tilespmem:s3], [sflag:$0xE], $0x80, $0x38;
	[tilespmem:$0x17780] =	vst v63  }
0x446: {  	_ =	swait.ge [sflag:s2], $0x4000  }
0x447: {  	[sflag:s2] =	ssyncset.done $0x0  }
0x448: {  	s6 =	simm.s32 $0x900;
	s3 =	simm.s32 $0xCC80;
	[sflag:s2] =	ssyncadd.s32 $0xFFFFC000  }
0x449: {  	[tilespmem:s3], [sflag:$0x4] =	stream.indirect.gather [spmem:s12], $0x80, s6, s22, $0xb8;
	[tilespmem:$0x17780] =	vst v63  }
0x44a: {  	_ =	swait.ge [sflag:s4], $0x4000  }
0x44b: {  	[sflag:s4] =	ssyncset.done $0x0  }
0x44c: {  	[sflag:s4] =	ssyncadd.s32 $0xFFFFC000  }
0x44d: {  	_ =	swait.ge [sflag:s14], $0x80  }
0x44e: {  	v1 =	vor.u32 $0x800, v0;
	[sflag:s14] =	ssyncset.done $0x0  }
0x44f: {  	[sflag:s14] =	ssyncadd.s32 $0xFFFFFF80  }
0x450: {  	_ =	swait.ge [sflag:s15], $0x80  }
0x451: {  	[sflag:s15] =	ssyncset.done $0x0  }
0x452: {  	[sflag:s15] =	ssyncadd.s32 $0xFFFFFF80  }
0x453: {  	v1 =	vld.idx.msk [tilespmem:v1+s25+$0x0], $0xffff;
	_ =	sdelay $0x7  }
0x454: {  	v2 =	vld.idx.msk [tilespmem:v1+s19+$0x0], $0xffff;
	_ =	sdelay $0x4  }
0x455: {  	[tilespmem:$0x14D00] =	vst v2  }
0x456: {  	v1 =	vld.idx.msk [tilespmem:v1+s21+$0x0], $0xffff  }
0x457: {  	v2 =	vor.u32 $0x810, v0;
	_ =	sdelay $0x3  }
0x458: {  	[tilespmem:$0x14E80] =	vst v1  }
0x459: {  	v1 =	vld.idx.msk [tilespmem:v2+s25+$0x0], $0xffff;
	_ =	sdelay $0x7  }
0x45a: {  	v2 =	vld.idx.msk [tilespmem:v1+s19+$0x0], $0xffff;
	_ =	sdelay $0x4  }
0x45b: {  	[tilespmem:$0x14D10] =	vst v2  }
0x45c: {  	v1 =	vld.idx.msk [tilespmem:v1+s21+$0x0], $0xffff  }
0x45d: {  	v2 =	vor.u32 $0x820, v0;
	_ =	sdelay $0x3  }
0x45e: {  	[tilespmem:$0x14E90] =	vst v1  }
0x45f: {  	v1 =	vld.idx.msk [tilespmem:v2+s25+$0x0], $0xffff;
	_ =	sdelay $0x7  }
0x460: {  	v2 =	vld.idx.msk [tilespmem:v1+s19+$0x0], $0xffff;
	_ =	sdelay $0x4  }
0x461: {  	[tilespmem:$0x14D20] =	vst v2  }
0x462: {  	v1 =	vld.idx.msk [tilespmem:v1+s21+$0x0], $0xffff  }
0x463: {  	v2 =	vor.u32 $0x830, v0;
	_ =	sdelay $0x3  }
0x464: {  	[tilespmem:$0x14EA0] =	vst v1  }
0x465: {  	v1 =	vld.idx.msk [tilespmem:v2+s25+$0x0], $0xffff;
	_ =	sdelay $0x7  }
0x466: {  	v2 =	vld.idx.msk [tilespmem:v1+s19+$0x0], $0xffff;
	_ =	sdelay $0x4  }
0x467: {  	[tilespmem:$0x14D30] =	vst v2  }
0x468: {  	v1 =	vld.idx.msk [tilespmem:v1+s21+$0x0], $0xffff  }
0x469: {  	v2 =	vor.u32 $0x840, v0;
	_ =	sdelay $0x3  }
0x46a: {  	[tilespmem:$0x14EB0] =	vst v1  }
0x46b: {  	v1 =	vld.idx.msk [tilespmem:v2+s25+$0x0], $0xffff;
	_ =	sdelay $0x7  }
0x46c: {  	v2 =	vld.idx.msk [tilespmem:v1+s19+$0x0], $0xffff;
	_ =	sdelay $0x4  }
0x46d: {  	[tilespmem:$0x14D40] =	vst v2  }
0x46e: {  	v1 =	vld.idx.msk [tilespmem:v1+s21+$0x0], $0xffff  }
0x46f: {  	v2 =	vor.u32 $0x850, v0;
	_ =	sdelay $0x3  }
0x470: {  	[tilespmem:$0x14EC0] =	vst v1  }
0x471: {  	v1 =	vld.idx.msk [tilespmem:v2+s25+$0x0], $0xffff;
	_ =	sdelay $0x7  }
0x472: {  	v2 =	vld.idx.msk [tilespmem:v1+s19+$0x0], $0xffff;
	_ =	sdelay $0x4  }
0x473: {  	[tilespmem:$0x14D50] =	vst v2  }
0x474: {  	v1 =	vld.idx.msk [tilespmem:v1+s21+$0x0], $0xffff  }
0x475: {  	v2 =	vor.u32 $0x860, v0;
	_ =	sdelay $0x3  }
0x476: {  	[tilespmem:$0x14ED0] =	vst v1  }
0x477: {  	v1 =	vld.idx.msk [tilespmem:v2+s25+$0x0], $0xffff;
	_ =	sdelay $0x7  }
0x478: {  	v2 =	vld.idx.msk [tilespmem:v1+s19+$0x0], $0xffff;
	_ =	sdelay $0x4  }
0x479: {  	[tilespmem:$0x14D60] =	vst v2  }
0x47a: {  	v1 =	vld.idx.msk [tilespmem:v1+s21+$0x0], $0xffff  }
0x47b: {  	v2 =	vor.u32 $0x870, v0;
	_ =	sdelay $0x3  }
0x47c: {  	[tilespmem:$0x14EE0] =	vst v1  }
0x47d: {  	v1 =	vld.idx.msk [tilespmem:v2+s25+$0x0], $0xffff;
	_ =	sdelay $0x7  }
0x47e: {  	v2 =	vld.idx.msk [tilespmem:v1+s19+$0x0], $0xffff;
	_ =	sdelay $0x4  }
0x47f: {  	[tilespmem:$0x14D70] =	vst v2  }
0x480: {  	v1 =	vld.idx.msk [tilespmem:v1+s21+$0x0], $0xffff;
	_ =	sdelay $0x4  }
0x481: {  	s8 =	simm.s32 $0x4C80;
	s6 =	rddreg [dreg:$0x17];
	[tilespmem:$0x14EF0] =	vst v1  }
0x482: {  	[hbm4b:s6+s25] =	stream.linear.scatter [tilespmem:s8], [sflag:$0x7], $0x4000, $0x38;
	[tilespmem:$0x17780] =	vst v63  }
0x483: {  	s8 =	sld [smem:$0x7EA];
	_ =	sdelay $0x1  }
0x484: {  	s20 =	simm.s32 $0x14D00  }
0x485: {  	[hbm4b:s8+s25] =	stream.linear.scatter [tilespmem:s20], [sflag:$0xC], $0x80, $0x38;
	[tilespmem:$0x17780] =	vst v63  }
0x486: {  	s20 =	sld [smem:$0x7EB];
	_ =	sdelay $0x1  }
0x487: {  	s26 =	simm.s32 $0x14E80  }
0x488: {  	[hbm4b:s20+s25] =	stream.linear.scatter [tilespmem:s26], [sflag:$0xF], $0x80, $0x38;
	[tilespmem:$0x17780] =	vst v63  }
0x489: {  	_ =	swait.ge [sflag:s0], $0x4000  }
0x48a: {  	[sflag:s0] =	ssyncset.done $0x0  }
0x48b: {  	s5 =	simm.s32 $0x10C80;
	s8 =	simm.s32 $0x980;
	[sflag:s0] =	ssyncadd.s32 $0xFFFFC000  }
0x48c: {  	[tilespmem:s5], [sflag:$0x5] =	stream.indirect.gather [spmem:s12], $0x80, s8, s22, $0xb8;
	[tilespmem:$0x17780] =	vst v63  }
0x48d: {  	_ =	swait.ge [sflag:s7], $0x4000  }
0x48e: {  	[sflag:s7] =	ssyncset.done $0x0  }
0x48f: {  	[sflag:s7] =	ssyncadd.s32 $0xFFFFC000  }
0x490: {  	_ =	swait.ge [sflag:s17], $0x80  }
0x491: {  	v1 =	vor.u32 $0x880, v0;
	[sflag:s17] =	ssyncset.done $0x0  }
0x492: {  	[sflag:s17] =	ssyncadd.s32 $0xFFFFFF80  }
0x493: {  	_ =	swait.ge [sflag:s18], $0x80  }
0x494: {  	[sflag:s18] =	ssyncset.done $0x0  }
0x495: {  	[sflag:s18] =	ssyncadd.s32 $0xFFFFFF80  }
0x496: {  	v1 =	vld.idx.msk [tilespmem:v1+s25+$0x0], $0xffff;
	_ =	sdelay $0x7  }
0x497: {  	v2 =	vld.idx.msk [tilespmem:v1+s19+$0x0], $0xffff;
	_ =	sdelay $0x4  }
0x498: {  	[tilespmem:$0x14D80] =	vst v2  }
0x499: {  	v1 =	vld.idx.msk [tilespmem:v1+s21+$0x0], $0xffff  }
0x49a: {  	v2 =	vor.u32 $0x890, v0;
	_ =	sdelay $0x3  }
0x49b: {  	[tilespmem:$0x14F00] =	vst v1  }
0x49c: {  	v1 =	vld.idx.msk [tilespmem:v2+s25+$0x0], $0xffff;
	_ =	sdelay $0x7  }
0x49d: {  	v2 =	vld.idx.msk [tilespmem:v1+s19+$0x0], $0xffff;
	_ =	sdelay $0x4  }
0x49e: {  	[tilespmem:$0x14D90] =	vst v2  }
0x49f: {  	v1 =	vld.idx.msk [tilespmem:v1+s21+$0x0], $0xffff  }
0x4a0: {  	v2 =	vor.u32 $0x8A0, v0;
	_ =	sdelay $0x3  }
0x4a1: {  	[tilespmem:$0x14F10] =	vst v1  }
0x4a2: {  	v1 =	vld.idx.msk [tilespmem:v2+s25+$0x0], $0xffff;
	_ =	sdelay $0x7  }
0x4a3: {  	v2 =	vld.idx.msk [tilespmem:v1+s19+$0x0], $0xffff;
	_ =	sdelay $0x4  }
0x4a4: {  	[tilespmem:$0x14DA0] =	vst v2  }
0x4a5: {  	v1 =	vld.idx.msk [tilespmem:v1+s21+$0x0], $0xffff  }
0x4a6: {  	v2 =	vor.u32 $0x8B0, v0;
	_ =	sdelay $0x3  }
0x4a7: {  	[tilespmem:$0x14F20] =	vst v1  }
0x4a8: {  	v1 =	vld.idx.msk [tilespmem:v2+s25+$0x0], $0xffff;
	_ =	sdelay $0x7  }
0x4a9: {  	v2 =	vld.idx.msk [tilespmem:v1+s19+$0x0], $0xffff;
	_ =	sdelay $0x4  }
0x4aa: {  	[tilespmem:$0x14DB0] =	vst v2  }
0x4ab: {  	v1 =	vld.idx.msk [tilespmem:v1+s21+$0x0], $0xffff  }
0x4ac: {  	v2 =	vor.u32 $0x8C0, v0;
	_ =	sdelay $0x3  }
0x4ad: {  	[tilespmem:$0x14F30] =	vst v1  }
0x4ae: {  	v1 =	vld.idx.msk [tilespmem:v2+s25+$0x0], $0xffff;
	_ =	sdelay $0x7  }
0x4af: {  	v2 =	vld.idx.msk [tilespmem:v1+s19+$0x0], $0xffff;
	_ =	sdelay $0x4  }
0x4b0: {  	[tilespmem:$0x14DC0] =	vst v2  }
0x4b1: {  	v1 =	vld.idx.msk [tilespmem:v1+s21+$0x0], $0xffff  }
0x4b2: {  	v2 =	vor.u32 $0x8D0, v0;
	_ =	sdelay $0x3  }
0x4b3: {  	[tilespmem:$0x14F40] =	vst v1  }
0x4b4: {  	v1 =	vld.idx.msk [tilespmem:v2+s25+$0x0], $0xffff;
	_ =	sdelay $0x7  }
0x4b5: {  	v2 =	vld.idx.msk [tilespmem:v1+s19+$0x0], $0xffff;
	_ =	sdelay $0x4  }
0x4b6: {  	[tilespmem:$0x14DD0] =	vst v2  }
0x4b7: {  	v1 =	vld.idx.msk [tilespmem:v1+s21+$0x0], $0xffff  }
0x4b8: {  	v2 =	vor.u32 $0x8E0, v0;
	_ =	sdelay $0x3  }
0x4b9: {  	[tilespmem:$0x14F50] =	vst v1  }
0x4ba: {  	v1 =	vld.idx.msk [tilespmem:v2+s25+$0x0], $0xffff;
	_ =	sdelay $0x7  }
0x4bb: {  	v2 =	vld.idx.msk [tilespmem:v1+s19+$0x0], $0xffff;
	_ =	sdelay $0x4  }
0x4bc: {  	[tilespmem:$0x14DE0] =	vst v2  }
0x4bd: {  	v1 =	vld.idx.msk [tilespmem:v1+s21+$0x0], $0xffff  }
0x4be: {  	v2 =	vor.u32 $0x8F0, v0;
	_ =	sdelay $0x3  }
0x4bf: {  	[tilespmem:$0x14F60] =	vst v1  }
0x4c0: {  	v1 =	vld.idx.msk [tilespmem:v2+s25+$0x0], $0xffff;
	_ =	sdelay $0x7  }
0x4c1: {  	v2 =	vld.idx.msk [tilespmem:v1+s19+$0x0], $0xffff;
	_ =	sdelay $0x4  }
0x4c2: {  	[tilespmem:$0x14DF0] =	vst v2  }
0x4c3: {  	v1 =	vld.idx.msk [tilespmem:v1+s21+$0x0], $0xffff;
	_ =	sdelay $0x3  }
0x4c4: {  	s20 =	rddreg [dreg:$0x18]  }
0x4c5: {  	s24 =	simm.s32 $0x8C80;
	s5 =	sld [smem:$0x7EC];
	[tilespmem:$0x14F70] =	vst v1  }
0x4c6: {  	[hbm4b:s20+s25] =	stream.linear.scatter [tilespmem:s24], [sflag:$0x8], $0x4000, $0x38;
	[tilespmem:$0x17780] =	vst v63  }
0x4c7: {  	s31 =	simm.s32 $0x14D80;
	s20 =	sld [smem:$0x7ED]  }
0x4c8: {  	[hbm4b:s5+s25] =	stream.linear.scatter [tilespmem:s31], [sflag:$0xD], $0x80, $0x38;
	[tilespmem:$0x17780] =	vst v63  }
0x4c9: {  	s23 =	simm.s32 $0x14F00;
	s24 =	simm.s32 $0x6  }
0x4ca: {  	[hbm4b:s20+s25] =	stream.linear.scatter [tilespmem:s23], [sflag:$0x10], $0x80, $0x38;
	[tilespmem:$0x17780] =	vst v63  }
0x4cb: {  	_ =	swait.ge [sflag:s24], $0x4000  }
0x4cc: {  	[sflag:s24] =	ssyncset.done $0x0  }
0x4cd: {  	s1 =	simm.s32 $0xC80;
	s31 =	simm.s32 $0xA00;
	[sflag:s24] =	ssyncadd.s32 $0xFFFFC000  }
0x4ce: {  	[tilespmem:s1], [sflag:$0x1] =	stream.indirect.gather [spmem:s12], $0x80, s31, s22, $0xb8;
	[tilespmem:$0x17780] =	vst v63  }
0x4cf: {  	_ =	swait.ge [sflag:s11], $0x4000  }
0x4d0: {  	[sflag:s11] =	ssyncset.done $0x0  }
0x4d1: {  	[sflag:s11] =	ssyncadd.s32 $0xFFFFC000  }
0x4d2: {  	_ =	swait.ge [sflag:s9], $0x80  }
0x4d3: {  	v1 =	vor.u32 $0x900, v0;
	[sflag:s9] =	ssyncset.done $0x0  }
0x4d4: {  	[sflag:s9] =	ssyncadd.s32 $0xFFFFFF80  }
0x4d5: {  	_ =	swait.ge [sflag:s10], $0x80  }
0x4d6: {  	[sflag:s10] =	ssyncset.done $0x0  }
0x4d7: {  	[sflag:s10] =	ssyncadd.s32 $0xFFFFFF80  }
0x4d8: {  	v1 =	vld.idx.msk [tilespmem:v1+s25+$0x0], $0xffff;
	_ =	sdelay $0x7  }
0x4d9: {  	v2 =	vld.idx.msk [tilespmem:v1+s19+$0x0], $0xffff;
	_ =	sdelay $0x4  }
0x4da: {  	[tilespmem:$0x14C80] =	vst v2  }
0x4db: {  	v1 =	vld.idx.msk [tilespmem:v1+s21+$0x0], $0xffff  }
0x4dc: {  	v2 =	vor.u32 $0x910, v0;
	_ =	sdelay $0x3  }
0x4dd: {  	[tilespmem:$0x14E00] =	vst v1  }
0x4de: {  	v1 =	vld.idx.msk [tilespmem:v2+s25+$0x0], $0xffff;
	_ =	sdelay $0x7  }
0x4df: {  	v2 =	vld.idx.msk [tilespmem:v1+s19+$0x0], $0xffff;
	_ =	sdelay $0x4  }
0x4e0: {  	[tilespmem:$0x14C90] =	vst v2  }
0x4e1: {  	v1 =	vld.idx.msk [tilespmem:v1+s21+$0x0], $0xffff  }
0x4e2: {  	v2 =	vor.u32 $0x920, v0;
	_ =	sdelay $0x3  }
0x4e3: {  	[tilespmem:$0x14E10] =	vst v1  }
0x4e4: {  	v1 =	vld.idx.msk [tilespmem:v2+s25+$0x0], $0xffff;
	_ =	sdelay $0x7  }
0x4e5: {  	v2 =	vld.idx.msk [tilespmem:v1+s19+$0x0], $0xffff;
	_ =	sdelay $0x4  }
0x4e6: {  	[tilespmem:$0x14CA0] =	vst v2  }
0x4e7: {  	v1 =	vld.idx.msk [tilespmem:v1+s21+$0x0], $0xffff  }
0x4e8: {  	v2 =	vor.u32 $0x930, v0;
	_ =	sdelay $0x3  }
0x4e9: {  	[tilespmem:$0x14E20] =	vst v1  }
0x4ea: {  	v1 =	vld.idx.msk [tilespmem:v2+s25+$0x0], $0xffff;
	_ =	sdelay $0x7  }
0x4eb: {  	v2 =	vld.idx.msk [tilespmem:v1+s19+$0x0], $0xffff;
	_ =	sdelay $0x4  }
0x4ec: {  	[tilespmem:$0x14CB0] =	vst v2  }
0x4ed: {  	v1 =	vld.idx.msk [tilespmem:v1+s21+$0x0], $0xffff  }
0x4ee: {  	v2 =	vor.u32 $0x940, v0;
	_ =	sdelay $0x3  }
0x4ef: {  	[tilespmem:$0x14E30] =	vst v1  }
0x4f0: {  	v1 =	vld.idx.msk [tilespmem:v2+s25+$0x0], $0xffff;
	_ =	sdelay $0x7  }
0x4f1: {  	v2 =	vld.idx.msk [tilespmem:v1+s19+$0x0], $0xffff;
	_ =	sdelay $0x4  }
0x4f2: {  	[tilespmem:$0x14CC0] =	vst v2  }
0x4f3: {  	v1 =	vld.idx.msk [tilespmem:v1+s21+$0x0], $0xffff  }
0x4f4: {  	v2 =	vor.u32 $0x950, v0;
	_ =	sdelay $0x3  }
0x4f5: {  	[tilespmem:$0x14E40] =	vst v1  }
0x4f6: {  	v1 =	vld.idx.msk [tilespmem:v2+s25+$0x0], $0xffff;
	_ =	sdelay $0x7  }
0x4f7: {  	v2 =	vld.idx.msk [tilespmem:v1+s19+$0x0], $0xffff;
	_ =	sdelay $0x4  }
0x4f8: {  	[tilespmem:$0x14CD0] =	vst v2  }
0x4f9: {  	v1 =	vld.idx.msk [tilespmem:v1+s21+$0x0], $0xffff  }
0x4fa: {  	v2 =	vor.u32 $0x960, v0;
	_ =	sdelay $0x3  }
0x4fb: {  	[tilespmem:$0x14E50] =	vst v1  }
0x4fc: {  	v1 =	vld.idx.msk [tilespmem:v2+s25+$0x0], $0xffff;
	_ =	sdelay $0x7  }
0x4fd: {  	v2 =	vld.idx.msk [tilespmem:v1+s19+$0x0], $0xffff;
	_ =	sdelay $0x4  }
0x4fe: {  	[tilespmem:$0x14CE0] =	vst v2  }
0x4ff: {  	v1 =	vld.idx.msk [tilespmem:v1+s21+$0x0], $0xffff  }
0x500: {  	v2 =	vor.u32 $0x970, v0;
	_ =	sdelay $0x3  }
0x501: {  	[tilespmem:$0x14E60] =	vst v1  }
0x502: {  	v1 =	vld.idx.msk [tilespmem:v2+s25+$0x0], $0xffff;
	_ =	sdelay $0x7  }
0x503: {  	v2 =	vld.idx.msk [tilespmem:v1+s19+$0x0], $0xffff;
	_ =	sdelay $0x4  }
0x504: {  	[tilespmem:$0x14CF0] =	vst v2  }
0x505: {  	v1 =	vld.idx.msk [tilespmem:v1+s21+$0x0], $0xffff;
	_ =	sdelay $0x4  }
0x506: {  	s1 =	rddreg [dreg:$0x19];
	[tilespmem:$0x14E70] =	vst v1  }
0x507: {  	[hbm4b:s1+s25] =	stream.linear.scatter [tilespmem:s3], [sflag:$0x9], $0x4000, $0x38;
	[tilespmem:$0x17780] =	vst v63  }
0x508: {  	s3 =	sld [smem:$0x7EE];
	_ =	sdelay $0x1  }
0x509: {  	s30 =	simm.s32 $0x14C80;
	s20 =	sld [smem:$0x7EF]  }
0x50a: {  	[hbm4b:s3+s25] =	stream.linear.scatter [tilespmem:s30], [sflag:$0xB], $0x80, $0x38;
	[tilespmem:$0x17780] =	vst v63  }
0x50b: {  	s23 =	simm.s32 $0x14E00;
	s24 =	simm.s32 $0x7  }
0x50c: {  	[hbm4b:s20+s25] =	stream.linear.scatter [tilespmem:s23], [sflag:$0xE], $0x80, $0x38;
	[tilespmem:$0x17780] =	vst v63  }
0x50d: {  	_ =	swait.ge [sflag:s24], $0x4000  }
0x50e: {  	[sflag:s24] =	ssyncset.done $0x0  }
0x50f: {  	s1 =	simm.s32 $0xA80;
	s20 =	simm.s32 $0x4C80;
	[sflag:s24] =	ssyncadd.s32 $0xFFFFC000  }
0x510: {  	[tilespmem:s20], [sflag:$0x2] =	stream.indirect.gather [spmem:s12], $0x80, s1, s22, $0xb8;
	[tilespmem:$0x17780] =	vst v63  }
0x511: {  	_ =	swait.ge [sflag:s16], $0x4000  }
0x512: {  	[sflag:s16] =	ssyncset.done $0x0  }
0x513: {  	[sflag:s16] =	ssyncadd.s32 $0xFFFFC000  }
0x514: {  	_ =	swait.ge [sflag:s14], $0x80  }
0x515: {  	v1 =	vor.u32 $0x980, v0;
	[sflag:s14] =	ssyncset.done $0x0  }
0x516: {  	[sflag:s14] =	ssyncadd.s32 $0xFFFFFF80  }
0x517: {  	_ =	swait.ge [sflag:s15], $0x80  }
0x518: {  	[sflag:s15] =	ssyncset.done $0x0  }
0x519: {  	[sflag:s15] =	ssyncadd.s32 $0xFFFFFF80  }
0x51a: {  	v1 =	vld.idx.msk [tilespmem:v1+s25+$0x0], $0xffff;
	_ =	sdelay $0x7  }
0x51b: {  	v2 =	vld.idx.msk [tilespmem:v1+s19+$0x0], $0xffff;
	_ =	sdelay $0x4  }
0x51c: {  	[tilespmem:$0x14D00] =	vst v2  }
0x51d: {  	v1 =	vld.idx.msk [tilespmem:v1+s21+$0x0], $0xffff  }
0x51e: {  	v2 =	vor.u32 $0x990, v0;
	_ =	sdelay $0x3  }
0x51f: {  	[tilespmem:$0x14E80] =	vst v1  }
0x520: {  	v1 =	vld.idx.msk [tilespmem:v2+s25+$0x0], $0xffff;
	_ =	sdelay $0x7  }
0x521: {  	v2 =	vld.idx.msk [tilespmem:v1+s19+$0x0], $0xffff;
	_ =	sdelay $0x4  }
0x522: {  	[tilespmem:$0x14D10] =	vst v2  }
0x523: {  	v1 =	vld.idx.msk [tilespmem:v1+s21+$0x0], $0xffff  }
0x524: {  	v2 =	vor.u32 $0x9A0, v0;
	_ =	sdelay $0x3  }
0x525: {  	[tilespmem:$0x14E90] =	vst v1  }
0x526: {  	v1 =	vld.idx.msk [tilespmem:v2+s25+$0x0], $0xffff;
	_ =	sdelay $0x7  }
0x527: {  	v2 =	vld.idx.msk [tilespmem:v1+s19+$0x0], $0xffff;
	_ =	sdelay $0x4  }
0x528: {  	[tilespmem:$0x14D20] =	vst v2  }
0x529: {  	v1 =	vld.idx.msk [tilespmem:v1+s21+$0x0], $0xffff  }
0x52a: {  	v2 =	vor.u32 $0x9B0, v0;
	_ =	sdelay $0x3  }
0x52b: {  	[tilespmem:$0x14EA0] =	vst v1  }
0x52c: {  	v1 =	vld.idx.msk [tilespmem:v2+s25+$0x0], $0xffff;
	_ =	sdelay $0x7  }
0x52d: {  	v2 =	vld.idx.msk [tilespmem:v1+s19+$0x0], $0xffff;
	_ =	sdelay $0x4  }
0x52e: {  	[tilespmem:$0x14D30] =	vst v2  }
0x52f: {  	v1 =	vld.idx.msk [tilespmem:v1+s21+$0x0], $0xffff  }
0x530: {  	v2 =	vor.u32 $0x9C0, v0;
	_ =	sdelay $0x3  }
0x531: {  	[tilespmem:$0x14EB0] =	vst v1  }
0x532: {  	v1 =	vld.idx.msk [tilespmem:v2+s25+$0x0], $0xffff;
	_ =	sdelay $0x7  }
0x533: {  	v2 =	vld.idx.msk [tilespmem:v1+s19+$0x0], $0xffff;
	_ =	sdelay $0x4  }
0x534: {  	[tilespmem:$0x14D40] =	vst v2  }
0x535: {  	v1 =	vld.idx.msk [tilespmem:v1+s21+$0x0], $0xffff  }
0x536: {  	v2 =	vor.u32 $0x9D0, v0;
	_ =	sdelay $0x3  }
0x537: {  	[tilespmem:$0x14EC0] =	vst v1  }
0x538: {  	v1 =	vld.idx.msk [tilespmem:v2+s25+$0x0], $0xffff;
	_ =	sdelay $0x7  }
0x539: {  	v2 =	vld.idx.msk [tilespmem:v1+s19+$0x0], $0xffff;
	_ =	sdelay $0x4  }
0x53a: {  	[tilespmem:$0x14D50] =	vst v2  }
0x53b: {  	v1 =	vld.idx.msk [tilespmem:v1+s21+$0x0], $0xffff  }
0x53c: {  	v2 =	vor.u32 $0x9E0, v0;
	_ =	sdelay $0x3  }
0x53d: {  	[tilespmem:$0x14ED0] =	vst v1  }
0x53e: {  	v1 =	vld.idx.msk [tilespmem:v2+s25+$0x0], $0xffff;
	_ =	sdelay $0x7  }
0x53f: {  	v2 =	vld.idx.msk [tilespmem:v1+s19+$0x0], $0xffff;
	_ =	sdelay $0x4  }
0x540: {  	[tilespmem:$0x14D60] =	vst v2  }
0x541: {  	v1 =	vld.idx.msk [tilespmem:v1+s21+$0x0], $0xffff  }
0x542: {  	v2 =	vor.u32 $0x9F0, v0;
	_ =	sdelay $0x3  }
0x543: {  	[tilespmem:$0x14EE0] =	vst v1  }
0x544: {  	v1 =	vld.idx.msk [tilespmem:v2+s25+$0x0], $0xffff;
	_ =	sdelay $0x7  }
0x545: {  	v2 =	vld.idx.msk [tilespmem:v1+s19+$0x0], $0xffff;
	_ =	sdelay $0x4  }
0x546: {  	[tilespmem:$0x14D70] =	vst v2  }
0x547: {  	v1 =	vld.idx.msk [tilespmem:v1+s21+$0x0], $0xffff;
	_ =	sdelay $0x3  }
0x548: {  	s3 =	rddreg [dreg:$0x1a]  }
0x549: {  	s24 =	simm.s32 $0x10C80;
	s1 =	sld [smem:$0x7F0];
	[tilespmem:$0x14EF0] =	vst v1  }
0x54a: {  	[hbm4b:s3+s25] =	stream.linear.scatter [tilespmem:s24], [sflag:$0xA], $0x4000, $0x38;
	[tilespmem:$0x17780] =	vst v63  }
0x54b: {  	s3 =	simm.s32 $0x14D00  }
0x54c: {  	[hbm4b:s1+s25] =	stream.linear.scatter [tilespmem:s3], [sflag:$0xC], $0x80, $0x38;
	[tilespmem:$0x17780] =	vst v63  }
0x54d: {  	s3 =	sld [smem:$0x7F1];
	_ =	sdelay $0x1  }
0x54e: {  	s26 =	simm.s32 $0x14E80  }
0x54f: {  	[hbm4b:s3+s25] =	stream.linear.scatter [tilespmem:s26], [sflag:$0xF], $0x80, $0x38;
	[tilespmem:$0x17780] =	vst v63  }
0x550: {  	_ =	swait.ge [sflag:s13], $0x4000  }
0x551: {  	[sflag:s13] =	ssyncset.done $0x0  }
0x552: {  	s8 =	simm.s32 $0x8C80;
	s1 =	simm.s32 $0xB00;
	[sflag:s13] =	ssyncadd.s32 $0xFFFFC000  }
0x553: {  	[tilespmem:s8], [sflag:$0x3] =	stream.indirect.gather [spmem:s12], $0x80, s1, s22, $0xb8;
	[tilespmem:$0x17780] =	vst v63  }
0x554: {  	_ =	swait.ge [sflag:s28], $0x4000  }
0x555: {  	[sflag:s28] =	ssyncset.done $0x0  }
0x556: {  	[sflag:s28] =	ssyncadd.s32 $0xFFFFC000  }
0x557: {  	_ =	swait.ge [sflag:s17], $0x80  }
0x558: {  	v1 =	vor.u32 $0xA00, v0;
	[sflag:s17] =	ssyncset.done $0x0  }
0x559: {  	[sflag:s17] =	ssyncadd.s32 $0xFFFFFF80  }
0x55a: {  	_ =	swait.ge [sflag:s18], $0x80  }
0x55b: {  	[sflag:s18] =	ssyncset.done $0x0  }
0x55c: {  	[sflag:s18] =	ssyncadd.s32 $0xFFFFFF80  }
0x55d: {  	v1 =	vld.idx.msk [tilespmem:v1+s25+$0x0], $0xffff;
	_ =	sdelay $0x7  }
0x55e: {  	v2 =	vld.idx.msk [tilespmem:v1+s19+$0x0], $0xffff;
	_ =	sdelay $0x4  }
0x55f: {  	[tilespmem:$0x14D80] =	vst v2  }
0x560: {  	v1 =	vld.idx.msk [tilespmem:v1+s21+$0x0], $0xffff  }
0x561: {  	v2 =	vor.u32 $0xA10, v0;
	_ =	sdelay $0x3  }
0x562: {  	[tilespmem:$0x14F00] =	vst v1  }
0x563: {  	v1 =	vld.idx.msk [tilespmem:v2+s25+$0x0], $0xffff;
	_ =	sdelay $0x7  }
0x564: {  	v2 =	vld.idx.msk [tilespmem:v1+s19+$0x0], $0xffff;
	_ =	sdelay $0x4  }
0x565: {  	[tilespmem:$0x14D90] =	vst v2  }
0x566: {  	v1 =	vld.idx.msk [tilespmem:v1+s21+$0x0], $0xffff  }
0x567: {  	v2 =	vor.u32 $0xA20, v0;
	_ =	sdelay $0x3  }
0x568: {  	[tilespmem:$0x14F10] =	vst v1  }
0x569: {  	v1 =	vld.idx.msk [tilespmem:v2+s25+$0x0], $0xffff;
	_ =	sdelay $0x7  }
0x56a: {  	v2 =	vld.idx.msk [tilespmem:v1+s19+$0x0], $0xffff;
	_ =	sdelay $0x4  }
0x56b: {  	[tilespmem:$0x14DA0] =	vst v2  }
0x56c: {  	v1 =	vld.idx.msk [tilespmem:v1+s21+$0x0], $0xffff  }
0x56d: {  	v2 =	vor.u32 $0xA30, v0;
	_ =	sdelay $0x3  }
0x56e: {  	[tilespmem:$0x14F20] =	vst v1  }
0x56f: {  	v1 =	vld.idx.msk [tilespmem:v2+s25+$0x0], $0xffff;
	_ =	sdelay $0x7  }
0x570: {  	v2 =	vld.idx.msk [tilespmem:v1+s19+$0x0], $0xffff;
	_ =	sdelay $0x4  }
0x571: {  	[tilespmem:$0x14DB0] =	vst v2  }
0x572: {  	v1 =	vld.idx.msk [tilespmem:v1+s21+$0x0], $0xffff  }
0x573: {  	v2 =	vor.u32 $0xA40, v0;
	_ =	sdelay $0x3  }
0x574: {  	[tilespmem:$0x14F30] =	vst v1  }
0x575: {  	v1 =	vld.idx.msk [tilespmem:v2+s25+$0x0], $0xffff;
	_ =	sdelay $0x7  }
0x576: {  	v2 =	vld.idx.msk [tilespmem:v1+s19+$0x0], $0xffff;
	_ =	sdelay $0x4  }
0x577: {  	[tilespmem:$0x14DC0] =	vst v2  }
0x578: {  	v1 =	vld.idx.msk [tilespmem:v1+s21+$0x0], $0xffff  }
0x579: {  	v2 =	vor.u32 $0xA50, v0;
	_ =	sdelay $0x3  }
0x57a: {  	[tilespmem:$0x14F40] =	vst v1  }
0x57b: {  	v1 =	vld.idx.msk [tilespmem:v2+s25+$0x0], $0xffff;
	_ =	sdelay $0x7  }
0x57c: {  	v2 =	vld.idx.msk [tilespmem:v1+s19+$0x0], $0xffff;
	_ =	sdelay $0x4  }
0x57d: {  	[tilespmem:$0x14DD0] =	vst v2  }
0x57e: {  	v1 =	vld.idx.msk [tilespmem:v1+s21+$0x0], $0xffff  }
0x57f: {  	v2 =	vor.u32 $0xA60, v0;
	_ =	sdelay $0x3  }
0x580: {  	[tilespmem:$0x14F50] =	vst v1  }
0x581: {  	v1 =	vld.idx.msk [tilespmem:v2+s25+$0x0], $0xffff;
	_ =	sdelay $0x7  }
0x582: {  	v2 =	vld.idx.msk [tilespmem:v1+s19+$0x0], $0xffff;
	_ =	sdelay $0x4  }
0x583: {  	[tilespmem:$0x14DE0] =	vst v2  }
0x584: {  	v1 =	vld.idx.msk [tilespmem:v1+s21+$0x0], $0xffff  }
0x585: {  	v2 =	vor.u32 $0xA70, v0;
	_ =	sdelay $0x3  }
0x586: {  	[tilespmem:$0x14F60] =	vst v1  }
0x587: {  	v1 =	vld.idx.msk [tilespmem:v2+s25+$0x0], $0xffff;
	_ =	sdelay $0x7  }
0x588: {  	v2 =	vld.idx.msk [tilespmem:v1+s19+$0x0], $0xffff;
	_ =	sdelay $0x4  }
0x589: {  	[tilespmem:$0x14DF0] =	vst v2  }
0x58a: {  	v1 =	vld.idx.msk [tilespmem:v1+s21+$0x0], $0xffff;
	_ =	sdelay $0x3  }
0x58b: {  	s3 =	rddreg [dreg:$0x1b]  }
0x58c: {  	s31 =	simm.s32 $0xC80;
	s8 =	sld [smem:$0x7F2];
	[tilespmem:$0x14F70] =	vst v1  }
0x58d: {  	[hbm4b:s3+s25] =	stream.linear.scatter [tilespmem:s31], [sflag:$0x6], $0x4000, $0x38;
	[tilespmem:$0x17780] =	vst v63  }
0x58e: {  	s3 =	simm.s32 $0x14D80;
	s31 =	sld [smem:$0x7F3]  }
0x58f: {  	[hbm4b:s8+s25] =	stream.linear.scatter [tilespmem:s3], [sflag:$0xD], $0x80, $0x38;
	[tilespmem:$0x17780] =	vst v63  }
0x590: {  	s29 =	simm.s32 $0x14F00  }
0x591: {  	[hbm4b:s31+s25] =	stream.linear.scatter [tilespmem:s29], [sflag:$0x10], $0x80, $0x38;
	[tilespmem:$0x17780] =	vst v63  }
0x592: {  	_ =	swait.ge [sflag:s2], $0x4000  }
0x593: {  	[sflag:s2] =	ssyncset.done $0x0  }
0x594: {  	s5 =	simm.s32 $0xCC80;
	s8 =	simm.s32 $0xB80;
	[sflag:s2] =	ssyncadd.s32 $0xFFFFC000  }
0x595: {  	[tilespmem:s5], [sflag:$0x4] =	stream.indirect.gather [spmem:s12], $0x80, s8, s22, $0xb8;
	[tilespmem:$0x17780] =	vst v63  }
0x596: {  	_ =	swait.ge [sflag:s4], $0x4000  }
0x597: {  	[sflag:s4] =	ssyncset.done $0x0  }
0x598: {  	[sflag:s4] =	ssyncadd.s32 $0xFFFFC000  }
0x599: {  	_ =	swait.ge [sflag:s9], $0x80  }
0x59a: {  	v1 =	vor.u32 $0xA80, v0;
	[sflag:s9] =	ssyncset.done $0x0  }
0x59b: {  	[sflag:s9] =	ssyncadd.s32 $0xFFFFFF80  }
0x59c: {  	_ =	swait.ge [sflag:s10], $0x80  }
0x59d: {  	[sflag:s10] =	ssyncset.done $0x0  }
0x59e: {  	[sflag:s10] =	ssyncadd.s32 $0xFFFFFF80  }
0x59f: {  	v1 =	vld.idx.msk [tilespmem:v1+s25+$0x0], $0xffff;
	_ =	sdelay $0x7  }
0x5a0: {  	v2 =	vld.idx.msk [tilespmem:v1+s19+$0x0], $0xffff;
	_ =	sdelay $0x4  }
0x5a1: {  	[tilespmem:$0x14C80] =	vst v2  }
0x5a2: {  	v1 =	vld.idx.msk [tilespmem:v1+s21+$0x0], $0xffff  }
0x5a3: {  	v2 =	vor.u32 $0xA90, v0;
	_ =	sdelay $0x3  }
0x5a4: {  	[tilespmem:$0x14E00] =	vst v1  }
0x5a5: {  	v1 =	vld.idx.msk [tilespmem:v2+s25+$0x0], $0xffff;
	_ =	sdelay $0x7  }
0x5a6: {  	v2 =	vld.idx.msk [tilespmem:v1+s19+$0x0], $0xffff;
	_ =	sdelay $0x4  }
0x5a7: {  	[tilespmem:$0x14C90] =	vst v2  }
0x5a8: {  	v1 =	vld.idx.msk [tilespmem:v1+s21+$0x0], $0xffff  }
0x5a9: {  	v2 =	vor.u32 $0xAA0, v0;
	_ =	sdelay $0x3  }
0x5aa: {  	[tilespmem:$0x14E10] =	vst v1  }
0x5ab: {  	v1 =	vld.idx.msk [tilespmem:v2+s25+$0x0], $0xffff;
	_ =	sdelay $0x7  }
0x5ac: {  	v2 =	vld.idx.msk [tilespmem:v1+s19+$0x0], $0xffff;
	_ =	sdelay $0x4  }
0x5ad: {  	[tilespmem:$0x14CA0] =	vst v2  }
0x5ae: {  	v1 =	vld.idx.msk [tilespmem:v1+s21+$0x0], $0xffff  }
0x5af: {  	v2 =	vor.u32 $0xAB0, v0;
	_ =	sdelay $0x3  }
0x5b0: {  	[tilespmem:$0x14E20] =	vst v1  }
0x5b1: {  	v1 =	vld.idx.msk [tilespmem:v2+s25+$0x0], $0xffff;
	_ =	sdelay $0x7  }
0x5b2: {  	v2 =	vld.idx.msk [tilespmem:v1+s19+$0x0], $0xffff;
	_ =	sdelay $0x4  }
0x5b3: {  	[tilespmem:$0x14CB0] =	vst v2  }
0x5b4: {  	v1 =	vld.idx.msk [tilespmem:v1+s21+$0x0], $0xffff  }
0x5b5: {  	v2 =	vor.u32 $0xAC0, v0;
	_ =	sdelay $0x3  }
0x5b6: {  	[tilespmem:$0x14E30] =	vst v1  }
0x5b7: {  	v1 =	vld.idx.msk [tilespmem:v2+s25+$0x0], $0xffff;
	_ =	sdelay $0x7  }
0x5b8: {  	v2 =	vld.idx.msk [tilespmem:v1+s19+$0x0], $0xffff;
	_ =	sdelay $0x4  }
0x5b9: {  	[tilespmem:$0x14CC0] =	vst v2  }
0x5ba: {  	v1 =	vld.idx.msk [tilespmem:v1+s21+$0x0], $0xffff  }
0x5bb: {  	v2 =	vor.u32 $0xAD0, v0;
	_ =	sdelay $0x3  }
0x5bc: {  	[tilespmem:$0x14E40] =	vst v1  }
0x5bd: {  	v1 =	vld.idx.msk [tilespmem:v2+s25+$0x0], $0xffff;
	_ =	sdelay $0x7  }
0x5be: {  	v2 =	vld.idx.msk [tilespmem:v1+s19+$0x0], $0xffff;
	_ =	sdelay $0x4  }
0x5bf: {  	[tilespmem:$0x14CD0] =	vst v2  }
0x5c0: {  	v1 =	vld.idx.msk [tilespmem:v1+s21+$0x0], $0xffff  }
0x5c1: {  	v2 =	vor.u32 $0xAE0, v0;
	_ =	sdelay $0x3  }
0x5c2: {  	[tilespmem:$0x14E50] =	vst v1  }
0x5c3: {  	v1 =	vld.idx.msk [tilespmem:v2+s25+$0x0], $0xffff;
	_ =	sdelay $0x7  }
0x5c4: {  	v2 =	vld.idx.msk [tilespmem:v1+s19+$0x0], $0xffff;
	_ =	sdelay $0x4  }
0x5c5: {  	[tilespmem:$0x14CE0] =	vst v2  }
0x5c6: {  	v1 =	vld.idx.msk [tilespmem:v1+s21+$0x0], $0xffff  }
0x5c7: {  	v2 =	vor.u32 $0xAF0, v0;
	_ =	sdelay $0x3  }
0x5c8: {  	[tilespmem:$0x14E60] =	vst v1  }
0x5c9: {  	v1 =	vld.idx.msk [tilespmem:v2+s25+$0x0], $0xffff;
	_ =	sdelay $0x7  }
0x5ca: {  	v2 =	vld.idx.msk [tilespmem:v1+s19+$0x0], $0xffff;
	_ =	sdelay $0x4  }
0x5cb: {  	[tilespmem:$0x14CF0] =	vst v2  }
0x5cc: {  	v1 =	vld.idx.msk [tilespmem:v1+s21+$0x0], $0xffff;
	_ =	sdelay $0x3  }
0x5cd: {  	s5 =	rddreg [dreg:$0x1c]  }
0x5ce: {  	s4 =	sld [smem:$0x7F4];
	[tilespmem:$0x14E70] =	vst v1  }
0x5cf: {  	[hbm4b:s5+s25] =	stream.linear.scatter [tilespmem:s20], [sflag:$0x7], $0x4000, $0x38;
	[tilespmem:$0x17780] =	vst v63  }
0x5d0: {  	s5 =	simm.s32 $0x14C80;
	s20 =	sld [smem:$0x7F5]  }
0x5d1: {  	[hbm4b:s4+s25] =	stream.linear.scatter [tilespmem:s5], [sflag:$0xB], $0x80, $0x38;
	[tilespmem:$0x17780] =	vst v63  }
0x5d2: {  	s30 =	simm.s32 $0x14E00  }
0x5d3: {  	[hbm4b:s20+s25] =	stream.linear.scatter [tilespmem:s30], [sflag:$0xE], $0x80, $0x38;
	[tilespmem:$0x17780] =	vst v63  }
0x5d4: {  	_ =	swait.ge [sflag:s0], $0x4000  }
0x5d5: {  	[sflag:s0] =	ssyncset.done $0x0  }
0x5d6: {  	s4 =	simm.s32 $0xC00;
	[sflag:s0] =	ssyncadd.s32 $0xFFFFC000  }
0x5d7: {  	[tilespmem:s24], [sflag:$0x5] =	stream.indirect.gather [spmem:s12], $0x80, s4, s22, $0xb8;
	[tilespmem:$0x17780] =	vst v63  }
0x5d8: {  	_ =	swait.ge [sflag:s7], $0x4000  }
0x5d9: {  	[sflag:s7] =	ssyncset.done $0x0  }
0x5da: {  	[sflag:s7] =	ssyncadd.s32 $0xFFFFC000  }
0x5db: {  	_ =	swait.ge [sflag:s14], $0x80  }
0x5dc: {  	v1 =	vor.u32 $0xB00, v0;
	[sflag:s14] =	ssyncset.done $0x0  }
0x5dd: {  	[sflag:s14] =	ssyncadd.s32 $0xFFFFFF80  }
0x5de: {  	_ =	swait.ge [sflag:s15], $0x80  }
0x5df: {  	[sflag:s15] =	ssyncset.done $0x0  }
0x5e0: {  	[sflag:s15] =	ssyncadd.s32 $0xFFFFFF80  }
0x5e1: {  	v1 =	vld.idx.msk [tilespmem:v1+s25+$0x0], $0xffff;
	_ =	sdelay $0x7  }
0x5e2: {  	v2 =	vld.idx.msk [tilespmem:v1+s19+$0x0], $0xffff;
	_ =	sdelay $0x4  }
0x5e3: {  	[tilespmem:$0x14D00] =	vst v2  }
0x5e4: {  	v1 =	vld.idx.msk [tilespmem:v1+s21+$0x0], $0xffff  }
0x5e5: {  	v2 =	vor.u32 $0xB10, v0;
	_ =	sdelay $0x3  }
0x5e6: {  	[tilespmem:$0x14E80] =	vst v1  }
0x5e7: {  	v1 =	vld.idx.msk [tilespmem:v2+s25+$0x0], $0xffff;
	_ =	sdelay $0x7  }
0x5e8: {  	v2 =	vld.idx.msk [tilespmem:v1+s19+$0x0], $0xffff;
	_ =	sdelay $0x4  }
0x5e9: {  	[tilespmem:$0x14D10] =	vst v2  }
0x5ea: {  	v1 =	vld.idx.msk [tilespmem:v1+s21+$0x0], $0xffff  }
0x5eb: {  	v2 =	vor.u32 $0xB20, v0;
	_ =	sdelay $0x3  }
0x5ec: {  	[tilespmem:$0x14E90] =	vst v1  }
0x5ed: {  	v1 =	vld.idx.msk [tilespmem:v2+s25+$0x0], $0xffff;
	_ =	sdelay $0x7  }
0x5ee: {  	v2 =	vld.idx.msk [tilespmem:v1+s19+$0x0], $0xffff;
	_ =	sdelay $0x4  }
0x5ef: {  	[tilespmem:$0x14D20] =	vst v2  }
0x5f0: {  	v1 =	vld.idx.msk [tilespmem:v1+s21+$0x0], $0xffff  }
0x5f1: {  	v2 =	vor.u32 $0xB30, v0;
	_ =	sdelay $0x3  }
0x5f2: {  	[tilespmem:$0x14EA0] =	vst v1  }
0x5f3: {  	v1 =	vld.idx.msk [tilespmem:v2+s25+$0x0], $0xffff;
	_ =	sdelay $0x7  }
0x5f4: {  	v2 =	vld.idx.msk [tilespmem:v1+s19+$0x0], $0xffff;
	_ =	sdelay $0x4  }
0x5f5: {  	[tilespmem:$0x14D30] =	vst v2  }
0x5f6: {  	v1 =	vld.idx.msk [tilespmem:v1+s21+$0x0], $0xffff  }
0x5f7: {  	v2 =	vor.u32 $0xB40, v0;
	_ =	sdelay $0x3  }
0x5f8: {  	[tilespmem:$0x14EB0] =	vst v1  }
0x5f9: {  	v1 =	vld.idx.msk [tilespmem:v2+s25+$0x0], $0xffff;
	_ =	sdelay $0x7  }
0x5fa: {  	v2 =	vld.idx.msk [tilespmem:v1+s19+$0x0], $0xffff;
	_ =	sdelay $0x4  }
0x5fb: {  	[tilespmem:$0x14D40] =	vst v2  }
0x5fc: {  	v1 =	vld.idx.msk [tilespmem:v1+s21+$0x0], $0xffff  }
0x5fd: {  	v2 =	vor.u32 $0xB50, v0;
	_ =	sdelay $0x3  }
0x5fe: {  	[tilespmem:$0x14EC0] =	vst v1  }
0x5ff: {  	v1 =	vld.idx.msk [tilespmem:v2+s25+$0x0], $0xffff;
	_ =	sdelay $0x7  }
0x600: {  	v2 =	vld.idx.msk [tilespmem:v1+s19+$0x0], $0xffff;
	_ =	sdelay $0x4  }
0x601: {  	[tilespmem:$0x14D50] =	vst v2  }
0x602: {  	v1 =	vld.idx.msk [tilespmem:v1+s21+$0x0], $0xffff  }
0x603: {  	v2 =	vor.u32 $0xB60, v0;
	_ =	sdelay $0x3  }
0x604: {  	[tilespmem:$0x14ED0] =	vst v1  }
0x605: {  	v1 =	vld.idx.msk [tilespmem:v2+s25+$0x0], $0xffff;
	_ =	sdelay $0x7  }
0x606: {  	v2 =	vld.idx.msk [tilespmem:v1+s19+$0x0], $0xffff;
	_ =	sdelay $0x4  }
0x607: {  	[tilespmem:$0x14D60] =	vst v2  }
0x608: {  	v1 =	vld.idx.msk [tilespmem:v1+s21+$0x0], $0xffff  }
0x609: {  	v2 =	vor.u32 $0xB70, v0;
	_ =	sdelay $0x3  }
0x60a: {  	[tilespmem:$0x14EE0] =	vst v1  }
0x60b: {  	v1 =	vld.idx.msk [tilespmem:v2+s25+$0x0], $0xffff;
	_ =	sdelay $0x7  }
0x60c: {  	v2 =	vld.idx.msk [tilespmem:v1+s19+$0x0], $0xffff;
	_ =	sdelay $0x4  }
0x60d: {  	[tilespmem:$0x14D70] =	vst v2  }
0x60e: {  	v1 =	vld.idx.msk [tilespmem:v1+s21+$0x0], $0xffff;
	_ =	sdelay $0x3  }
0x60f: {  	s5 =	rddreg [dreg:$0x1d]  }
0x610: {  	s1 =	simm.s32 $0x8C80;
	s20 =	sld [smem:$0x7F6];
	[tilespmem:$0x14EF0] =	vst v1  }
0x611: {  	[hbm4b:s5+s25] =	stream.linear.scatter [tilespmem:s1], [sflag:$0x8], $0x4000, $0x38;
	[tilespmem:$0x17780] =	vst v63  }
0x612: {  	s24 =	simm.s32 $0x14D00;
	s5 =	sld [smem:$0x7F7]  }
0x613: {  	[hbm4b:s20+s25] =	stream.linear.scatter [tilespmem:s24], [sflag:$0xC], $0x80, $0x38;
	[tilespmem:$0x17780] =	vst v63  }
0x614: {  	s26 =	simm.s32 $0x14E80  }
0x615: {  	[hbm4b:s5+s25] =	stream.linear.scatter [tilespmem:s26], [sflag:$0xF], $0x80, $0x38;
	[tilespmem:$0x17780] =	vst v63  }
0x616: {  	_ =	swait.ge [sflag:s11], $0x4000  }
0x617: {  	[sflag:s11] =	ssyncset.done $0x0  }
0x618: {  	[sflag:s11] =	ssyncadd.s32 $0xFFFFC000  }
0x619: {  	_ =	swait.ge [sflag:s17], $0x80  }
0x61a: {  	v1 =	vor.u32 $0xB80, v0;
	[sflag:s17] =	ssyncset.done $0x0  }
0x61b: {  	[sflag:s17] =	ssyncadd.s32 $0xFFFFFF80  }
0x61c: {  	_ =	swait.ge [sflag:s18], $0x80  }
0x61d: {  	[sflag:s18] =	ssyncset.done $0x0  }
0x61e: {  	[sflag:s18] =	ssyncadd.s32 $0xFFFFFF80  }
0x61f: {  	v1 =	vld.idx.msk [tilespmem:v1+s25+$0x0], $0xffff;
	_ =	sdelay $0x7  }
0x620: {  	v2 =	vld.idx.msk [tilespmem:v1+s19+$0x0], $0xffff;
	_ =	sdelay $0x4  }
0x621: {  	[tilespmem:$0x14D80] =	vst v2  }
0x622: {  	v1 =	vld.idx.msk [tilespmem:v1+s21+$0x0], $0xffff  }
0x623: {  	v2 =	vor.u32 $0xB90, v0;
	_ =	sdelay $0x3  }
0x624: {  	[tilespmem:$0x14F00] =	vst v1  }
0x625: {  	v1 =	vld.idx.msk [tilespmem:v2+s25+$0x0], $0xffff;
	_ =	sdelay $0x7  }
0x626: {  	v2 =	vld.idx.msk [tilespmem:v1+s19+$0x0], $0xffff;
	_ =	sdelay $0x4  }
0x627: {  	[tilespmem:$0x14D90] =	vst v2  }
0x628: {  	v1 =	vld.idx.msk [tilespmem:v1+s21+$0x0], $0xffff  }
0x629: {  	v2 =	vor.u32 $0xBA0, v0;
	_ =	sdelay $0x3  }
0x62a: {  	[tilespmem:$0x14F10] =	vst v1  }
0x62b: {  	v1 =	vld.idx.msk [tilespmem:v2+s25+$0x0], $0xffff;
	_ =	sdelay $0x7  }
0x62c: {  	v2 =	vld.idx.msk [tilespmem:v1+s19+$0x0], $0xffff;
	_ =	sdelay $0x4  }
0x62d: {  	[tilespmem:$0x14DA0] =	vst v2  }
0x62e: {  	v1 =	vld.idx.msk [tilespmem:v1+s21+$0x0], $0xffff  }
0x62f: {  	v2 =	vor.u32 $0xBB0, v0;
	_ =	sdelay $0x3  }
0x630: {  	[tilespmem:$0x14F20] =	vst v1  }
0x631: {  	v1 =	vld.idx.msk [tilespmem:v2+s25+$0x0], $0xffff;
	_ =	sdelay $0x7  }
0x632: {  	v2 =	vld.idx.msk [tilespmem:v1+s19+$0x0], $0xffff;
	_ =	sdelay $0x4  }
0x633: {  	[tilespmem:$0x14DB0] =	vst v2  }
0x634: {  	v1 =	vld.idx.msk [tilespmem:v1+s21+$0x0], $0xffff  }
0x635: {  	v2 =	vor.u32 $0xBC0, v0;
	_ =	sdelay $0x3  }
0x636: {  	[tilespmem:$0x14F30] =	vst v1  }
0x637: {  	v1 =	vld.idx.msk [tilespmem:v2+s25+$0x0], $0xffff;
	_ =	sdelay $0x7  }
0x638: {  	v2 =	vld.idx.msk [tilespmem:v1+s19+$0x0], $0xffff;
	_ =	sdelay $0x4  }
0x639: {  	[tilespmem:$0x14DC0] =	vst v2  }
0x63a: {  	v1 =	vld.idx.msk [tilespmem:v1+s21+$0x0], $0xffff  }
0x63b: {  	v2 =	vor.u32 $0xBD0, v0;
	_ =	sdelay $0x3  }
0x63c: {  	[tilespmem:$0x14F40] =	vst v1  }
0x63d: {  	v1 =	vld.idx.msk [tilespmem:v2+s25+$0x0], $0xffff;
	_ =	sdelay $0x7  }
0x63e: {  	v2 =	vld.idx.msk [tilespmem:v1+s19+$0x0], $0xffff;
	_ =	sdelay $0x4  }
0x63f: {  	[tilespmem:$0x14DD0] =	vst v2  }
0x640: {  	v1 =	vld.idx.msk [tilespmem:v1+s21+$0x0], $0xffff  }
0x641: {  	v2 =	vor.u32 $0xBE0, v0;
	_ =	sdelay $0x3  }
0x642: {  	[tilespmem:$0x14F50] =	vst v1  }
0x643: {  	v1 =	vld.idx.msk [tilespmem:v2+s25+$0x0], $0xffff;
	_ =	sdelay $0x7  }
0x644: {  	v2 =	vld.idx.msk [tilespmem:v1+s19+$0x0], $0xffff;
	_ =	sdelay $0x4  }
0x645: {  	[tilespmem:$0x14DE0] =	vst v2  }
0x646: {  	v1 =	vld.idx.msk [tilespmem:v1+s21+$0x0], $0xffff  }
0x647: {  	v2 =	vor.u32 $0xBF0, v0;
	_ =	sdelay $0x3  }
0x648: {  	[tilespmem:$0x14F60] =	vst v1  }
0x649: {  	v1 =	vld.idx.msk [tilespmem:v2+s25+$0x0], $0xffff;
	_ =	sdelay $0x7  }
0x64a: {  	v2 =	vld.idx.msk [tilespmem:v1+s19+$0x0], $0xffff;
	_ =	sdelay $0x4  }
0x64b: {  	[tilespmem:$0x14DF0] =	vst v2  }
0x64c: {  	v1 =	vld.idx.msk [tilespmem:v1+s21+$0x0], $0xffff;
	_ =	sdelay $0x3  }
0x64d: {  	s20 =	rddreg [dreg:$0x1e]  }
0x64e: {  	s8 =	simm.s32 $0xCC80;
	s24 =	sld [smem:$0x7F8];
	[tilespmem:$0x14F70] =	vst v1  }
0x64f: {  	[hbm4b:s20+s25] =	stream.linear.scatter [tilespmem:s8], [sflag:$0x9], $0x4000, $0x38;
	[tilespmem:$0x17780] =	vst v63  }
0x650: {  	s1 =	sld [smem:$0x7F9]  }
0x651: {  	[hbm4b:s24+s25] =	stream.linear.scatter [tilespmem:s3], [sflag:$0xD], $0x80, $0x38;
	[tilespmem:$0x17780] =	vst v63  }
0x652: {  	s31 =	simm.s32 $0x14F00  }
0x653: {  	[hbm4b:s1+s25] =	stream.linear.scatter [tilespmem:s31], [sflag:$0x10], $0x80, $0x38;
	[tilespmem:$0x17780] =	vst v63  }
0x654: {  	_ =	swait.ge [sflag:s16], $0x4000  }
0x655: {  	[sflag:s16] =	ssyncset.done $0x0  }
0x656: {  	[sflag:s16] =	ssyncadd.s32 $0xFFFFC000  }
0x657: {  	_ =	swait.ge [sflag:s9], $0x80  }
0x658: {  	v1 =	vor.u32 $0xC00, v0;
	[sflag:s9] =	ssyncset.done $0x0  }
0x659: {  	[sflag:s9] =	ssyncadd.s32 $0xFFFFFF80  }
0x65a: {  	_ =	swait.ge [sflag:s10], $0x80  }
0x65b: {  	[sflag:s10] =	ssyncset.done $0x0  }
0x65c: {  	[sflag:s10] =	ssyncadd.s32 $0xFFFFFF80  }
0x65d: {  	v1 =	vld.idx.msk [tilespmem:v1+s25+$0x0], $0xffff;
	_ =	sdelay $0x7  }
0x65e: {  	v2 =	vld.idx.msk [tilespmem:v1+s19+$0x0], $0xffff;
	_ =	sdelay $0x4  }
0x65f: {  	[tilespmem:$0x14C80] =	vst v2  }
0x660: {  	v1 =	vld.idx.msk [tilespmem:v1+s21+$0x0], $0xffff  }
0x661: {  	v2 =	vor.u32 $0xC10, v0;
	_ =	sdelay $0x3  }
0x662: {  	[tilespmem:$0x14E00] =	vst v1  }
0x663: {  	v1 =	vld.idx.msk [tilespmem:v2+s25+$0x0], $0xffff;
	_ =	sdelay $0x7  }
0x664: {  	v2 =	vld.idx.msk [tilespmem:v1+s19+$0x0], $0xffff;
	_ =	sdelay $0x4  }
0x665: {  	[tilespmem:$0x14C90] =	vst v2  }
0x666: {  	v1 =	vld.idx.msk [tilespmem:v1+s21+$0x0], $0xffff  }
0x667: {  	v2 =	vor.u32 $0xC20, v0;
	_ =	sdelay $0x3  }
0x668: {  	[tilespmem:$0x14E10] =	vst v1  }
0x669: {  	v1 =	vld.idx.msk [tilespmem:v2+s25+$0x0], $0xffff;
	_ =	sdelay $0x7  }
0x66a: {  	v2 =	vld.idx.msk [tilespmem:v1+s19+$0x0], $0xffff;
	_ =	sdelay $0x4  }
0x66b: {  	[tilespmem:$0x14CA0] =	vst v2  }
0x66c: {  	v1 =	vld.idx.msk [tilespmem:v1+s21+$0x0], $0xffff  }
0x66d: {  	v2 =	vor.u32 $0xC30, v0;
	_ =	sdelay $0x3  }
0x66e: {  	[tilespmem:$0x14E20] =	vst v1  }
0x66f: {  	v1 =	vld.idx.msk [tilespmem:v2+s25+$0x0], $0xffff;
	_ =	sdelay $0x7  }
0x670: {  	v2 =	vld.idx.msk [tilespmem:v1+s19+$0x0], $0xffff;
	_ =	sdelay $0x4  }
0x671: {  	[tilespmem:$0x14CB0] =	vst v2  }
0x672: {  	v1 =	vld.idx.msk [tilespmem:v1+s21+$0x0], $0xffff  }
0x673: {  	v2 =	vor.u32 $0xC40, v0;
	_ =	sdelay $0x3  }
0x674: {  	[tilespmem:$0x14E30] =	vst v1  }
0x675: {  	v1 =	vld.idx.msk [tilespmem:v2+s25+$0x0], $0xffff;
	_ =	sdelay $0x7  }
0x676: {  	v2 =	vld.idx.msk [tilespmem:v1+s19+$0x0], $0xffff;
	_ =	sdelay $0x4  }
0x677: {  	[tilespmem:$0x14CC0] =	vst v2  }
0x678: {  	v1 =	vld.idx.msk [tilespmem:v1+s21+$0x0], $0xffff  }
0x679: {  	v2 =	vor.u32 $0xC50, v0;
	_ =	sdelay $0x3  }
0x67a: {  	[tilespmem:$0x14E40] =	vst v1  }
0x67b: {  	v1 =	vld.idx.msk [tilespmem:v2+s25+$0x0], $0xffff;
	_ =	sdelay $0x7  }
0x67c: {  	v2 =	vld.idx.msk [tilespmem:v1+s19+$0x0], $0xffff;
	_ =	sdelay $0x4  }
0x67d: {  	[tilespmem:$0x14CD0] =	vst v2  }
0x67e: {  	v1 =	vld.idx.msk [tilespmem:v1+s21+$0x0], $0xffff  }
0x67f: {  	v2 =	vor.u32 $0xC60, v0;
	_ =	sdelay $0x3  }
0x680: {  	[tilespmem:$0x14E50] =	vst v1  }
0x681: {  	v1 =	vld.idx.msk [tilespmem:v2+s25+$0x0], $0xffff;
	_ =	sdelay $0x7  }
0x682: {  	v2 =	vld.idx.msk [tilespmem:v1+s19+$0x0], $0xffff;
	_ =	sdelay $0x4  }
0x683: {  	[tilespmem:$0x14CE0] =	vst v2  }
0x684: {  	v1 =	vld.idx.msk [tilespmem:v1+s21+$0x0], $0xffff  }
0x685: {  	v2 =	vor.u32 $0xC70, v0;
	_ =	sdelay $0x3  }
0x686: {  	[tilespmem:$0x14E60] =	vst v1  }
0x687: {  	v1 =	vld.idx.msk [tilespmem:v2+s25+$0x0], $0xffff;
	_ =	sdelay $0x7  }
0x688: {  	v2 =	vld.idx.msk [tilespmem:v1+s19+$0x0], $0xffff;
	_ =	sdelay $0x4  }
0x689: {  	[tilespmem:$0x14CF0] =	vst v2  }
0x68a: {  	v1 =	vld.idx.msk [tilespmem:v1+s21+$0x0], $0xffff;
	_ =	sdelay $0x3  }
0x68b: {  	s3 =	rddreg [dreg:$0x1f]  }
0x68c: {  	s4 =	simm.s32 $0x10C80;
	s5 =	sld [smem:$0x7FA];
	[tilespmem:$0x14E70] =	vst v1  }
0x68d: {  	[hbm4b:s3+s25] =	stream.linear.scatter [tilespmem:s4], [sflag:$0xA], $0x4000, $0x38;
	[tilespmem:$0x17780] =	vst v63  }
0x68e: {  	s29 =	simm.s32 $0x14C80;
	s8 =	sld [smem:$0x7FB]  }
0x68f: {  	[hbm4b:s5+s25] =	stream.linear.scatter [tilespmem:s29], [sflag:$0xB], $0x80, $0x38;
	[tilespmem:$0x17780] =	vst v63  }
0x690: {  	s20 =	simm.s32 $0x6  }
0x691: {  	[hbm4b:s8+s25] =	stream.linear.scatter [tilespmem:s30], [sflag:$0xE], $0x80, $0x38;
	[tilespmem:$0x17780] =	vst v63  }
0x692: {  	_ =	swait.ge [sflag:s20], $0x4000  }
0x693: {  	[sflag:s20] =	ssyncset.done $0x0  }
0x694: {  	s23 =	simm.s32 $0x7;
	[sflag:s20] =	ssyncadd.s32 $0xFFFFC000  }
0x695: {  	_ =	swait.ge [sflag:s23], $0x4000  }
0x696: {  	[sflag:s23] =	ssyncset.done $0x0  }
0x697: {  	[sflag:s23] =	ssyncadd.s32 $0xFFFFC000  }
0x698: {  	_ =	swait.ge [sflag:s13], $0x4000  }
0x699: {  	[sflag:s13] =	ssyncset.done $0x0  }
0x69a: {  	[sflag:s13] =	ssyncadd.s32 $0xFFFFC000  }
0x69b: {  	_ =	swait.ge [sflag:s2], $0x4000  }
0x69c: {  	[sflag:s2] =	ssyncset.done $0x0  }
0x69d: {  	[sflag:s2] =	ssyncadd.s32 $0xFFFFC000  }
0x69e: {  	_ =	swait.ge [sflag:s0], $0x4000  }
0x69f: {  	[sflag:s0] =	ssyncset.done $0x0  }
0x6a0: {  	[sflag:s0] =	ssyncadd.s32 $0xFFFFC000  }
0x6a1: {  	_ =	swait.ge [sflag:s14], $0x80  }
0x6a2: {  	[sflag:s14] =	ssyncset.done $0x0  }
0x6a3: {  	[sflag:s14] =	ssyncadd.s32 $0xFFFFFF80  }
0x6a4: {  	_ =	swait.ge [sflag:s15], $0x80  }
0x6a5: {  	[sflag:s15] =	ssyncset.done $0x0  }
0x6a6: {  	[sflag:s15] =	ssyncadd.s32 $0xFFFFFF80  }
0x6a7: {  	_ =	swait.ge [sflag:s17], $0x80  }
0x6a8: {  	[sflag:s17] =	ssyncset.done $0x0  }
0x6a9: {  	[sflag:s17] =	ssyncadd.s32 $0xFFFFFF80  }
0x6aa: {  	_ =	swait.ge [sflag:s18], $0x80  }
0x6ab: {  	[sflag:s18] =	ssyncset.done $0x0  }
0x6ac: {  	[sflag:s18] =	ssyncadd.s32 $0xFFFFFF80  }
0x6ad: {  	_ =	swait.ge [sflag:s9], $0x80  }
0x6ae: {  	[sflag:s9] =	ssyncset.done $0x0  }
0x6af: {  	[sflag:s9] =	ssyncadd.s32 $0xFFFFFF80  }
0x6b0: {  	_ =	swait.ge [sflag:s10], $0x80  }
0x6b1: {  	s24 =	sld [smem:$0x7C8]  }
0x6b2: {  	s31 =	sld [smem:$0x7FD];
	_ =	sdelay $0x1  }
0x6b3: {  	s3 =	sadd.s32 $0x1, s24  }
0x6b4: {  	p1 =	sne.s32 s3, s31  }
.Ltmp1:
0x6b5: {  	_ = 	snop;
	(pc) =	sbr.rel @p1 .LBB2_1-.Ltmp1, $3  }
0x6b6: {  	_ =	sdelay $0x1  }
0x6b7: {  	[sflag:s10] =	ssyncset.done $0x0  }
0x6b8: {  	s26 =	simm.s32 $0x8C80;
	[sflag:s10] =	ssyncadd.s32 $0xFFFFFF80  }
0x6b9: {  	_ =	sfence.sel $0x180000  }
0x6ba: {  	[bflag:$0x0] =	sbarrier.arrive $0xFFFF  }
0x6bb: {  	_ =	strace $0x90000047  }
0x6bc: {  	[bflag:$0x2] =	sbarrier.arrive $0xFFFF  }
0x6bd: {  	s0 =	rddreg [dreg:$0x6]  }
0x6be: {  	s0 =	sadd.s32 @!p0 $0x100000, s0  }
0x6bf: {  	[sflag:s0] =	ssyncadd.tile.s32 @!p0 $0x1;
	_ =	shalt  }
.Lfunc_end2:
_tile_overlayer_lowered:
.L_overlay_start_2:
0x6c0: {  	(tag) =	ssettag $0x2  }
0x6c1: {  	s0 =	rddreg [dreg:$0x0];
	s2 =	stileid.u32  }
0x6c2: {  	s1 =	rddreg [dreg:$0x1];
	p0 =	sne.s32 s2, $0x0  }
0x6c3: {  	s3 =	rddreg [dreg:$0x2];
	[bflag:$0x3] =	sbarrier.arrive $0xFFFF;
	s2 =	simm.s32 @!p0 $0x1C11  }
0x6c4: {  	[timem:s3], [sflag:s2] =	dma.local @!p0 [hbm:s0], s1  }
0x6c5: {  	s0 =	simm.s32 @!p0 $0x11  }
0x6c6: {  	_ =	swait.ge @!p0 [sflag:s0], s1  }
0x6c7: {  	s1 =	ssub.s32 @!p0 $0x0, s1;
	[sflag:s0] =	ssyncset.done @!p0 $0x0  }
0x6c8: {  	[sflag:s0] =	ssyncadd.s32 @!p0 s1  }
0x6c9: {  	[bflag:$0x3] =	sbarrier.arrive $0xFFFF  }
0x6ca: {  	_ =	shalt  }

</sc_bundles>
